<compile_context>
chip_gen: v7x
topology: tpu7x:2x2x1
jax: 0.10.2.dev20260603
libtpu: 0.0.44.dev20260713+nightly
codegen_flags: <defaults>
</compile_context>

<pallas_src>
import functools

import jax
import jax.numpy as jnp
from jax import lax
from jax.experimental import pallas as pl
from jax.experimental.pallas import tpu as pltpu
from jax.experimental.pallas import tpu_sc as plsc

N_NODES = 10000
N_EDGES = 320000
D = 128

_NC = 2
_NS = 16
_NW = _NC * _NS
_CHUNK = 128
_K = 5
_EH = N_EDGES // 2
_CPW = 40
_EH_PAD = _NW * _CPW * _CHUNK
_N_PAD = 10240
_ROWS_PER_TILE = _N_PAD // _NS

_sc_mesh = plsc.VectorSubcoreMesh(core_axis_name="c", subcore_axis_name="s")


def _pq_body(x_ref, wa_ref, wb_ref, be1_ref, p_ref, q_ref):
    x = x_ref[...]
    half_b = 0.5 * be1_ref[...]
    p_ref[...] = jnp.dot(x, wa_ref[...], preferred_element_type=jnp.float32) + half_b
    q_ref[...] = jnp.dot(x, wb_ref[...], preferred_element_type=jnp.float32) + half_b


def _node_proj(x, wa, wb, be1):
    nb = 2000
    grid = N_NODES // nb
    return pl.pallas_call(
        _pq_body,
        grid=(grid,),
        in_specs=[
            pl.BlockSpec((nb, D), lambda i: (i, 0)),
            pl.BlockSpec((D, D), lambda i: (0, 0)),
            pl.BlockSpec((D, D), lambda i: (0, 0)),
            pl.BlockSpec((1, D), lambda i: (0, 0)),
        ],
        out_specs=[
            pl.BlockSpec((nb, D), lambda i: (i, 0)),
            pl.BlockSpec((nb, D), lambda i: (i, 0)),
        ],
        out_shape=[
            jax.ShapeDtypeStruct((N_NODES, D), jnp.float32),
            jax.ShapeDtypeStruct((N_NODES, D), jnp.float32),
        ],
    )(x, wa, wb, be1.reshape(1, D))


def _gather_body(p_hbm, q_hbm, src2_hbm, dst2_hbm, z_hbm, isrc, idst, rows, sem, semw):
    wid = lax.axis_index("s") * _NC + lax.axis_index("c")
    c0 = wid * _CPW
    pltpu.sync_copy(src2_hbm.at[pl.ds(c0, _CPW)], isrc)
    pltpu.sync_copy(dst2_hbm.at[pl.ds(c0, _CPW)], idst)

    def group(g, carry):
        def ok(b):
            return (c0 + g * _K + b) * _CHUNK < _EH

        for b in range(_K):
            @pl.when(ok(b))
            def _(b=b):
                pltpu.async_copy(p_hbm.at[isrc.at[g * _K + b]], rows.at[b], sem)
        for b in range(_K):
            @pl.when(ok(b))
            def _(b=b):
                pltpu.make_async_copy(
                    p_hbm.at[isrc.at[g * _K + b]], rows.at[b], sem
                ).wait()
        for b in range(_K):
            @pl.when(ok(b))
            def _(b=b):
                pltpu.async_copy(
                    q_hbm.at[idst.at[g * _K + b]], rows.at[b], sem, add=True
                )
        for b in range(_K):
            @pl.when(ok(b))
            def _(b=b):
                pltpu.make_async_copy(
                    q_hbm.at[idst.at[g * _K + b]], rows.at[b], sem
                ).wait()
        for b in range(_K):
            @pl.when(ok(b))
            def _(b=b):
                base = (c0 + g * _K + b) * _CHUNK
                pltpu.async_copy(rows.at[b], z_hbm.at[pl.ds(base, _CHUNK)], semw)
        for b in range(_K):
            @pl.when(ok(b))
            def _(b=b):
                base = (c0 + g * _K + b) * _CHUNK
                pltpu.make_async_copy(
                    rows.at[b], z_hbm.at[pl.ds(base, _CHUNK)], semw
                ).wait()
        return carry

    lax.fori_loop(0, _CPW // _K, group, 0)


_gather = functools.partial(
    pl.kernel,
    out_type=jax.ShapeDtypeStruct((_EH, D), jnp.float32),
    mesh=_sc_mesh,
    scratch_types=[
        pltpu.VMEM((_CPW, _CHUNK), jnp.int32),
        pltpu.VMEM((_CPW, _CHUNK), jnp.int32),
        pltpu.VMEM((_K, _CHUNK, D), jnp.float32),
        pltpu.SemaphoreType.DMA,
        pltpu.SemaphoreType.DMA,
    ],
)(_gather_body)


def _edge_mlp_body(z_ref, ea_ref, wc_ref, we2_ref, be2_ref, out_ref):
    z = z_ref[...] + jnp.dot(
        ea_ref[...], wc_ref[...], preferred_element_type=jnp.float32
    )
    h = z * jax.nn.sigmoid(z)
    out_ref[...] = (
        jnp.dot(h, we2_ref[...], preferred_element_type=jnp.float32) + be2_ref[...]
    )


def _edge_mlp(z, edge_attr, wc, we2, be2):
    eb = 2000
    grid = _EH // eb
    return pl.pallas_call(
        _edge_mlp_body,
        grid=(grid,),
        in_specs=[
            pl.BlockSpec((eb, D), lambda i: (i, 0)),
            pl.BlockSpec((eb, 4), lambda i: (i, 0)),
            pl.BlockSpec((4, D), lambda i: (0, 0)),
            pl.BlockSpec((D, D), lambda i: (0, 0)),
            pl.BlockSpec((1, D), lambda i: (0, 0)),
        ],
        out_specs=pl.BlockSpec((eb, D), lambda i: (i, 0)),
        out_shape=jax.ShapeDtypeStruct((_EH, D), jnp.float32),
    )(z, edge_attr, wc, we2, be2.reshape(1, D))


def _scatter_body(e2_hbm, dst2_hbm, zero_hbm, out_hbm, idst, r0, r1, acc, sem, semsc):
    cid = lax.axis_index("c")
    sid = lax.axis_index("s")
    wid = sid * _NC + cid
    c0 = wid * _CPW
    row0 = sid * _ROWS_PER_TILE

    pltpu.sync_copy(
        zero_hbm.at[pl.ds(row0, _ROWS_PER_TILE)],
        acc.at[pl.ds(row0, _ROWS_PER_TILE)],
    )
    pltpu.sync_copy(dst2_hbm.at[pl.ds(c0, _CPW)], idst)
    plsc.subcore_barrier()

    def load(i, buf):
        @pl.when((c0 + i) * _CHUNK < _EH)
        def _():
            pltpu.async_copy(e2_hbm.at[pl.ds((c0 + i) * _CHUNK, _CHUNK)], buf, sem)

    def drain(i, buf):
        @pl.when((c0 + i) * _CHUNK < _EH)
        def _():
            pltpu.make_async_copy(
                e2_hbm.at[pl.ds((c0 + i) * _CHUNK, _CHUNK)], buf, sem
            ).wait()

    def scatter(i, buf):
        @pl.when((c0 + i) * _CHUNK < _EH)
        def _():
            pltpu.sync_copy(buf, acc.at[idst.at[i]], add=True)

    load(0, r0)

    def pair(g, carry):
        i = g * 2
        drain(i, r0)
        load(i + 1, r1)
        scatter(i, r0)
        drain(i + 1, r1)
        load(i + 2, r0)
        scatter(i + 1, r1)
        return carry

    lax.fori_loop(0, _CPW // 2 - 1, pair, 0)
    i_last = _CPW - 2
    drain(i_last, r0)
    load(i_last + 1, r1)
    scatter(i_last, r0)
    drain(i_last + 1, r1)
    scatter(i_last + 1, r1)

    plsc.subcore_barrier()
    pltpu.sync_copy(
        acc.at[pl.ds(row0, _ROWS_PER_TILE)],
        out_hbm.at[cid, pl.ds(row0, _ROWS_PER_TILE)],
    )


_scatter = functools.partial(
    pl.kernel,
    out_type=jax.ShapeDtypeStruct((_NC, _N_PAD, D), jnp.float32),
    mesh=_sc_mesh,
    scratch_types=[
        pltpu.VMEM((_CPW, _CHUNK), jnp.int32),
        pltpu.VMEM((_CHUNK, D), jnp.float32),
        pltpu.VMEM((_CHUNK, D), jnp.float32),
        pltpu.VMEM_SHARED((_N_PAD, D), jnp.float32),
        pltpu.SemaphoreType.DMA,
        pltpu.SemaphoreType.DMA,
    ],
)(_scatter_body)


def _node_mlp_body(
    x_ref, pa0_ref, pa1_ref, pb0_ref, pb1_ref,
    wn1a_ref, wn1b_ref, bn1_ref, wn2_ref, bn2_ref, out_ref
):
    x = x_ref[...]
    msg = (pa0_ref[...] + pa1_ref[...]) + (pb0_ref[...] + pb1_ref[...])
    h = (
        jnp.dot(x, wn1a_ref[...], preferred_element_type=jnp.float32)
        + jnp.dot(msg, wn1b_ref[...], preferred_element_type=jnp.float32)
        + bn1_ref[...]
    )
    h = h * jax.nn.sigmoid(h)
    out_ref[...] = (
        x + jnp.dot(h, wn2_ref[...], preferred_element_type=jnp.float32) + bn2_ref[...]
    )


def _node_mlp(x, pa, pb, wn1a, wn1b, bn1, wn2, bn2):
    nb = 2000
    grid = N_NODES // nb
    blk = pl.BlockSpec((nb, D), lambda i: (i, 0))
    wblk = pl.BlockSpec((D, D), lambda i: (0, 0))
    bblk = pl.BlockSpec((1, D), lambda i: (0, 0))
    return pl.pallas_call(
        _node_mlp_body,
        grid=(grid,),
        in_specs=[blk, blk, blk, blk, blk, wblk, wblk, bblk, wblk, bblk],
        out_specs=blk,
        out_shape=jax.ShapeDtypeStruct((N_NODES, D), jnp.float32),
    )(
        x, pa[0], pa[1], pb[0], pb[1],
        wn1a, wn1b, bn1.reshape(1, D), wn2, bn2.reshape(1, D),
    )


def _pack_idx(v):
    return jnp.pad(v, (0, _EH_PAD - _EH)).reshape(_EH_PAD // _CHUNK, _CHUNK)


@jax.jit
def kernel(x, edge_index, edge_attr, We1, be1, We2, be2, Wn1, bn1, Wn2, bn2):
    src = edge_index[0].astype(jnp.int32)
    dst = edge_index[1].astype(jnp.int32)
    wa = We1[:D]
    wb = We1[D : 2 * D]
    wc = We1[2 * D :]
    wn1a = Wn1[:D]
    wn1b = Wn1[D:]
    zeros = jnp.zeros((_N_PAD, D), jnp.float32)

    p, q = _node_proj(x, wa, wb, be1)
    parts = []
    for h in range(2):
        sl = slice(h * _EH, (h + 1) * _EH)
        src2 = _pack_idx(src[sl])
        dst2 = _pack_idx(dst[sl])
        z = _gather(p, q, src2, dst2)
        e2 = _edge_mlp(z, edge_attr[sl], wc, We2, be2)
        parts.append(_scatter(e2, dst2, zeros)[:, :N_NODES])
    return _node_mlp(x, parts[0], parts[1], wn1a, wn1b, bn1, Wn2, bn2)

# --- scband reference (transcript-rebuilt; emitter-appended) ---
"""Pipeline reference for scband-graph-msg-52699248722389 (READ-ONLY COPY).

The authoritative reference and input builder live on the scoring server;
editing this copy changes nothing except your own understanding.
"""

import jax, jax.numpy as jnp
import numpy as np

N_NODES = 10000
N_EDGES = 320000
D_FEAT = 128
D_EDGE = 4
HIDDEN = 128


def setup_inputs(seed: int = 0) -> dict:
    key = jax.random.key(seed)
    ks = jax.random.split(key, 12)
    x = jax.random.normal(ks[0], (N_NODES, D_FEAT), dtype=jnp.float32)
    edge_index = jax.random.randint(ks[1], (2, N_EDGES), 0, N_NODES, dtype=jnp.int64)
    edge_attr = jax.random.normal(ks[2], (N_EDGES, D_EDGE), dtype=jnp.float32)
    # edge MLP: concat(x_src, x_dst, edge_attr) -> hidden -> hidden
    e_in = 2 * D_FEAT + D_EDGE
    We1 = jax.random.normal(ks[3], (e_in, HIDDEN), dtype=jnp.float32) * (1.0 / np.sqrt(e_in))
    be1 = jnp.zeros((HIDDEN,), dtype=jnp.float32)
    We2 = jax.random.normal(ks[4], (HIDDEN, HIDDEN), dtype=jnp.float32) * (1.0 / np.sqrt(HIDDEN))
    be2 = jnp.zeros((HIDDEN,), dtype=jnp.float32)
    # node MLP: concat(x_dst, aggregated_messages) -> hidden -> out
    n_in = D_FEAT + HIDDEN
    Wn1 = jax.random.normal(ks[5], (n_in, HIDDEN), dtype=jnp.float32) * (1.0 / np.sqrt(n_in))
    bn1 = jnp.zeros((HIDDEN,), dtype=jnp.float32)
    Wn2 = jax.random.normal(ks[6], (HIDDEN, D_FEAT), dtype=jnp.float32) * (1.0 / np.sqrt(HIDDEN))
    bn2 = jnp.zeros((D_FEAT,), dtype=jnp.float32)
    return {
        "x": x,
        "edge_index": edge_index,
        "edge_attr": edge_attr,
        "We1": We1, "be1": be1, "We2": We2, "be2": be2,
        "Wn1": Wn1, "bn1": bn1, "Wn2": Wn2, "bn2": bn2,
    }


def reference(x, edge_index, edge_attr, We1, be1, We2, be2, Wn1, bn1, Wn2, bn2):
    # GraphMSG-style message passing block (GNNMapper/GNNProcessor core):
    # gather endpoint node features per edge, run edge MLP over
    # [x_src, x_dst, edge_attr], scatter-add messages into destination
    # nodes, then run the node-update MLP with residual connection.
    src = edge_index[0]
    dst = edge_index[1]
    x_src = jnp.take(x, src, axis=0)
    x_dst = jnp.take(x, dst, axis=0)
    e = jnp.concatenate([x_src, x_dst, edge_attr], axis=-1)
    e = jax.nn.silu(e @ We1 + be1)
    e = e @ We2 + be2
    msg = jax.ops.segment_sum(e, dst, num_segments=x.shape[0])
    h = jnp.concatenate([x, msg], axis=-1)
    h = jax.nn.silu(h @ Wn1 + bn1)
    h = h @ Wn2 + bn2
    return x + h

if __name__ == "__main__":
    import jax
    _d = setup_inputs()
    print(jax.jit(kernel)(*tuple(_d.values())))

</pallas_src>

<mosaic_0001>
#map = affine_map<(d0, d1) -> (0, 0)>
module attributes {stable_mosaic.version = 14 : i64} {
  func.func @_gather_body(%arg0: i32, %arg1: i32, %arg2: memref<10000x128xf32, #tpu.memory_space<hbm>>, %arg3: memref<10000x128xf32, #tpu.memory_space<hbm>>, %arg4: memref<1280x128xi32, #tpu.memory_space<hbm>>, %arg5: memref<1280x128xi32, #tpu.memory_space<hbm>>, %arg6: memref<160000x128xf32, #tpu.memory_space<hbm>>, %arg7: memref<40x128xi32, #tpu.memory_space<vmem>>, %arg8: memref<40x128xi32, #tpu.memory_space<vmem>>, %arg9: memref<5x128x128xf32, #tpu.memory_space<vmem>>, %arg10: memref<!tpu.dma_semaphore, #tpu.memory_space<semaphore_mem>>, %arg11: memref<!tpu.dma_semaphore, #tpu.memory_space<semaphore_mem>>) attributes {dimension_semantics = [#tpu.dimension_semantics<core_parallel>, #tpu.dimension_semantics<subcore_parallel>], iteration_bounds = array<i64: 2, 16>, scalar_prefetch = 0 : i64, scratch_operands = 5 : i64, tpu.core_type = #tpu.core_type<sc_vector_subcore>, window_params = [{transform_indices = #map}, {transform_indices = #map}, {transform_indices = #map}, {transform_indices = #map}, {transform_indices = #map}]} {
    %mul3A = arith.constant 2 : i32
    %mul3A_0 = arith.muli %arg1, %mul3A : i32
    %add3A = arith.addi %mul3A_0, %arg0 : i32
    %mul3A_1 = arith.constant 40 : i32
    %mul3A_2 = arith.muli %add3A, %mul3A_1 : i32
    "tpu.region"() ({
      %run_scoped3A = tpu.sem_alloc : memref<!tpu.dma_semaphore, #tpu.memory_space<semaphore_mem>>
      %dma_start3A = arith.constant 0 : i32
      %dma_start3A_8 = tpu.memref_slice %arg4[%mul3A_2, %dma_start3A] : memref<1280x128xi32, #tpu.memory_space<hbm>> -> memref<40x128xi32, #tpu.memory_space<hbm>>
      %dma_start3A_9 = arith.constant 0 : i32
      %dma_start3A_10 = tpu.memref_slice %arg4[%mul3A_2, %dma_start3A_9] : memref<1280x128xi32, #tpu.memory_space<hbm>> -> memref<40x128xi32, #tpu.memory_space<hbm>>
      tpu.enqueue_dma source(%dma_start3A_10 : memref<40x128xi32, #tpu.memory_space<hbm>>) target(%arg7 : memref<40x128xi32, #tpu.memory_space<vmem>>) target_semaphore(%run_scoped3A : memref<!tpu.dma_semaphore, #tpu.memory_space<semaphore_mem>>)
      %dma_wait3A = arith.constant 0 : i32
      %dma_wait3A_11 = tpu.memref_slice %arg4[%mul3A_2, %dma_wait3A] : memref<1280x128xi32, #tpu.memory_space<hbm>> -> memref<40x128xi32, #tpu.memory_space<hbm>>
      %dma_wait3A_12 = arith.constant 0 : i32
      %dma_wait3A_13 = tpu.memref_slice %arg4[%mul3A_2, %dma_wait3A_12] : memref<1280x128xi32, #tpu.memory_space<hbm>> -> memref<40x128xi32, #tpu.memory_space<hbm>>
      tpu.wait_dma2 semaphore(%run_scoped3A : memref<!tpu.dma_semaphore, #tpu.memory_space<semaphore_mem>>) src(%dma_wait3A_13 : memref<40x128xi32, #tpu.memory_space<hbm>>) dst(%arg7 : memref<40x128xi32, #tpu.memory_space<vmem>>)
      tpu.yield
    }) : () -> ()
    "tpu.region"() ({
      %run_scoped3A = tpu.sem_alloc : memref<!tpu.dma_semaphore, #tpu.memory_space<semaphore_mem>>
      %dma_start3A = arith.constant 0 : i32
      %dma_start3A_8 = tpu.memref_slice %arg5[%mul3A_2, %dma_start3A] : memref<1280x128xi32, #tpu.memory_space<hbm>> -> memref<40x128xi32, #tpu.memory_space<hbm>>
      %dma_start3A_9 = arith.constant 0 : i32
      %dma_start3A_10 = tpu.memref_slice %arg5[%mul3A_2, %dma_start3A_9] : memref<1280x128xi32, #tpu.memory_space<hbm>> -> memref<40x128xi32, #tpu.memory_space<hbm>>
      tpu.enqueue_dma source(%dma_start3A_10 : memref<40x128xi32, #tpu.memory_space<hbm>>) target(%arg8 : memref<40x128xi32, #tpu.memory_space<vmem>>) target_semaphore(%run_scoped3A : memref<!tpu.dma_semaphore, #tpu.memory_space<semaphore_mem>>)
      %dma_wait3A = arith.constant 0 : i32
      %dma_wait3A_11 = tpu.memref_slice %arg5[%mul3A_2, %dma_wait3A] : memref<1280x128xi32, #tpu.memory_space<hbm>> -> memref<40x128xi32, #tpu.memory_space<hbm>>
      %dma_wait3A_12 = arith.constant 0 : i32
      %dma_wait3A_13 = tpu.memref_slice %arg5[%mul3A_2, %dma_wait3A_12] : memref<1280x128xi32, #tpu.memory_space<hbm>> -> memref<40x128xi32, #tpu.memory_space<hbm>>
      tpu.wait_dma2 semaphore(%run_scoped3A : memref<!tpu.dma_semaphore, #tpu.memory_space<semaphore_mem>>) src(%dma_wait3A_13 : memref<40x128xi32, #tpu.memory_space<hbm>>) dst(%arg8 : memref<40x128xi32, #tpu.memory_space<vmem>>)
      tpu.yield
    }) : () -> ()
    %scan3A = arith.constant 0 : i32
    %scan3A_3 = arith.constant 0 : i32
    %scan3A_4 = arith.constant 8 : i32
    %scan3A_5 = arith.addi %scan3A_3, %scan3A_4 : i32
    %scan3A_6 = arith.constant 1 : i32
    scf.for %scan3A_8 = %scan3A_3 to %scan3A_5 step %scan3A_6  : i32 {
      %mul3A_9 = arith.constant 5 : i32
      %mul3A_10 = arith.muli %scan3A_8, %mul3A_9 : i32
      %add3A_11 = arith.addi %mul3A_2, %mul3A_10 : i32
      %add3A_12 = arith.constant 0 : i32
      %add3A_13 = arith.addi %add3A_11, %add3A_12 : i32
      %mul3A_14 = arith.constant 128 : i32
      %mul3A_15 = arith.muli %add3A_13, %mul3A_14 : i32
      %lt3A = arith.constant 160000 : i32
      %lt3A_16 = arith.cmpi slt, %mul3A_15, %lt3A : i32
      %convert_element_type3A = arith.extui %lt3A_16 : i1 to i32
      %cond3A = arith.constant 0 : i32
      %cond3A_17 = arith.cmpi ne, %convert_element_type3A, %cond3A : i32
      scf.if %cond3A_17 {
        %mul3A_366 = arith.constant 5 : i32
        %mul3A_367 = arith.muli %scan3A_8, %mul3A_366 : i32
        %add3A_368 = arith.constant 0 : i32
        %add3A_369 = arith.addi %mul3A_367, %add3A_368 : i32
        %dma_start3A = arith.constant 0 : i32
        %dma_start3A_370 = arith.constant 0 : i32
        %dma_start3A_371 = arith.constant 0 : i32
        %dma_start3A_372 = tpu.memref_slice %arg9[%dma_start3A, %dma_start3A_370, %dma_start3A_371] : memref<5x128x128xf32, #tpu.memory_space<vmem>> -> memref<1x128x128xf32, #tpu.memory_space<vmem>>
        %dma_start3A_373 = tpu.memref_squeeze %dma_start3A_372 : memref<1x128x128xf32, #tpu.memory_space<vmem>> -> memref<128x128xf32, #tpu.memory_space<vmem>>
        %dma_start3A_374 = arith.constant 0 : i32
        %dma_start3A_375 = tpu.memref_slice %arg7[%add3A_369, %dma_start3A_374] : memref<40x128xi32, #tpu.memory_space<vmem>> -> memref<1x128xi32, #tpu.memory_space<vmem>>
        %dma_start3A_376 = tpu.memref_squeeze %dma_start3A_375 : memref<1x128xi32, #tpu.memory_space<vmem>> -> memref<128xi32, #tpu.memory_space<vmem>>
        %dma_start3A_377 = arith.constant 0 : i32
        %dma_start3A_378 = arith.constant 0 : i32
        %dma_start3A_379 = tpu.memref_slice %arg2[%dma_start3A_377, %dma_start3A_378] : memref<10000x128xf32, #tpu.memory_space<hbm>> -> memref<10000x128xf32, #tpu.memory_space<hbm>>
        tpu.enqueue_indirect_dma source(%dma_start3A_379 : memref<10000x128xf32, #tpu.memory_space<hbm>>) target(%dma_start3A_373 : memref<128x128xf32, #tpu.memory_space<vmem>>) offsets(%dma_start3A_376 : memref<128xi32, #tpu.memory_space<vmem>>) semaphore(%arg10 : memref<!tpu.dma_semaphore, #tpu.memory_space<semaphore_mem>>)
      } else {
      }
      %mul3A_18 = arith.constant 5 : i32
      %mul3A_19 = arith.muli %scan3A_8, %mul3A_18 : i32
      %add3A_20 = arith.addi %mul3A_2, %mul3A_19 : i32
      %add3A_21 = arith.constant 1 : i32
      %add3A_22 = arith.addi %add3A_20, %add3A_21 : i32
      %mul3A_23 = arith.constant 128 : i32
      %mul3A_24 = arith.muli %add3A_22, %mul3A_23 : i32
      %lt3A_25 = arith.constant 160000 : i32
      %lt3A_26 = arith.cmpi slt, %mul3A_24, %lt3A_25 : i32
      %convert_element_type3A_27 = arith.extui %lt3A_26 : i1 to i32
      %cond3A_28 = arith.constant 0 : i32
      %cond3A_29 = arith.cmpi ne, %convert_element_type3A_27, %cond3A_28 : i32
      scf.if %cond3A_29 {
        %mul3A_366 = arith.constant 5 : i32
        %mul3A_367 = arith.muli %scan3A_8, %mul3A_366 : i32
        %add3A_368 = arith.constant 1 : i32
        %add3A_369 = arith.addi %mul3A_367, %add3A_368 : i32
        %dma_start3A = arith.constant 1 : i32
        %dma_start3A_370 = arith.constant 0 : i32
        %dma_start3A_371 = arith.constant 0 : i32
        %dma_start3A_372 = tpu.memref_slice %arg9[%dma_start3A, %dma_start3A_370, %dma_start3A_371] : memref<5x128x128xf32, #tpu.memory_space<vmem>> -> memref<1x128x128xf32, #tpu.memory_space<vmem>>
        %dma_start3A_373 = tpu.memref_squeeze %dma_start3A_372 : memref<1x128x128xf32, #tpu.memory_space<vmem>> -> memref<128x128xf32, #tpu.memory_space<vmem>>
        %dma_start3A_374 = arith.constant 0 : i32
        %dma_start3A_375 = tpu.memref_slice %arg7[%add3A_369, %dma_start3A_374] : memref<40x128xi32, #tpu.memory_space<vmem>> -> memref<1x128xi32, #tpu.memory_space<vmem>>
        %dma_start3A_376 = tpu.memref_squeeze %dma_start3A_375 : memref<1x128xi32, #tpu.memory_space<vmem>> -> memref<128xi32, #tpu.memory_space<vmem>>
        %dma_start3A_377 = arith.constant 0 : i32
        %dma_start3A_378 = arith.constant 0 : i32
        %dma_start3A_379 = tpu.memref_slice %arg2[%dma_start3A_377, %dma_start3A_378] : memref<10000x128xf32, #tpu.memory_space<hbm>> -> memref<10000x128xf32, #tpu.memory_space<hbm>>
        tpu.enqueue_indirect_dma source(%dma_start3A_379 : memref<10000x128xf32, #tpu.memory_space<hbm>>) target(%dma_start3A_373 : memref<128x128xf32, #tpu.memory_space<vmem>>) offsets(%dma_start3A_376 : memref<128xi32, #tpu.memory_space<vmem>>) semaphore(%arg10 : memref<!tpu.dma_semaphore, #tpu.memory_space<semaphore_mem>>)
      } else {
      }
      %mul3A_30 = arith.constant 5 : i32
      %mul3A_31 = arith.muli %scan3A_8, %mul3A_30 : i32
      %add3A_32 = arith.addi %mul3A_2, %mul3A_31 : i32
      %add3A_33 = arith.constant 2 : i32
      %add3A_34 = arith.addi %add3A_32, %add3A_33 : i32
      %mul3A_35 = arith.constant 128 : i32
      %mul3A_36 = arith.muli %add3A_34, %mul3A_35 : i32
      %lt3A_37 = arith.constant 160000 : i32
      %lt3A_38 = arith.cmpi slt, %mul3A_36, %lt3A_37 : i32
      %convert_element_type3A_39 = arith.extui %lt3A_38 : i1 to i32
      %cond3A_40 = arith.constant 0 : i32
      %cond3A_41 = arith.cmpi ne, %convert_element_type3A_39, %cond3A_40 : i32
      scf.if %cond3A_41 {
        %mul3A_366 = arith.constant 5 : i32
        %mul3A_367 = arith.muli %scan3A_8, %mul3A_366 : i32
        %add3A_368 = arith.constant 2 : i32
        %add3A_369 = arith.addi %mul3A_367, %add3A_368 : i32
        %dma_start3A = arith.constant 2 : i32
        %dma_start3A_370 = arith.constant 0 : i32
        %dma_start3A_371 = arith.constant 0 : i32
        %dma_start3A_372 = tpu.memref_slice %arg9[%dma_start3A, %dma_start3A_370, %dma_start3A_371] : memref<5x128x128xf32, #tpu.memory_space<vmem>> -> memref<1x128x128xf32, #tpu.memory_space<vmem>>
        %dma_start3A_373 = tpu.memref_squeeze %dma_start3A_372 : memref<1x128x128xf32, #tpu.memory_space<vmem>> -> memref<128x128xf32, #tpu.memory_space<vmem>>
        %dma_start3A_374 = arith.constant 0 : i32
        %dma_start3A_375 = tpu.memref_slice %arg7[%add3A_369, %dma_start3A_374] : memref<40x128xi32, #tpu.memory_space<vmem>> -> memref<1x128xi32, #tpu.memory_space<vmem>>
        %dma_start3A_376 = tpu.memref_squeeze %dma_start3A_375 : memref<1x128xi32, #tpu.memory_space<vmem>> -> memref<128xi32, #tpu.memory_space<vmem>>
        %dma_start3A_377 = arith.constant 0 : i32
        %dma_start3A_378 = arith.constant 0 : i32
        %dma_start3A_379 = tpu.memref_slice %arg2[%dma_start3A_377, %dma_start3A_378] : memref<10000x128xf32, #tpu.memory_space<hbm>> -> memref<10000x128xf32, #tpu.memory_space<hbm>>
        tpu.enqueue_indirect_dma source(%dma_start3A_379 : memref<10000x128xf32, #tpu.memory_space<hbm>>) target(%dma_start3A_373 : memref<128x128xf32, #tpu.memory_space<vmem>>) offsets(%dma_start3A_376 : memref<128xi32, #tpu.memory_space<vmem>>) semaphore(%arg10 : memref<!tpu.dma_semaphore, #tpu.memory_space<semaphore_mem>>)
      } else {
      }
      %mul3A_42 = arith.constant 5 : i32
      %mul3A_43 = arith.muli %scan3A_8, %mul3A_42 : i32
      %add3A_44 = arith.addi %mul3A_2, %mul3A_43 : i32
      %add3A_45 = arith.constant 3 : i32
      %add3A_46 = arith.addi %add3A_44, %add3A_45 : i32
      %mul3A_47 = arith.constant 128 : i32
      %mul3A_48 = arith.muli %add3A_46, %mul3A_47 : i32
      %lt3A_49 = arith.constant 160000 : i32
      %lt3A_50 = arith.cmpi slt, %mul3A_48, %lt3A_49 : i32
      %convert_element_type3A_51 = arith.extui %lt3A_50 : i1 to i32
      %cond3A_52 = arith.constant 0 : i32
      %cond3A_53 = arith.cmpi ne, %convert_element_type3A_51, %cond3A_52 : i32
      scf.if %cond3A_53 {
        %mul3A_366 = arith.constant 5 : i32
        %mul3A_367 = arith.muli %scan3A_8, %mul3A_366 : i32
        %add3A_368 = arith.constant 3 : i32
        %add3A_369 = arith.addi %mul3A_367, %add3A_368 : i32
        %dma_start3A = arith.constant 3 : i32
        %dma_start3A_370 = arith.constant 0 : i32
        %dma_start3A_371 = arith.constant 0 : i32
        %dma_start3A_372 = tpu.memref_slice %arg9[%dma_start3A, %dma_start3A_370, %dma_start3A_371] : memref<5x128x128xf32, #tpu.memory_space<vmem>> -> memref<1x128x128xf32, #tpu.memory_space<vmem>>
        %dma_start3A_373 = tpu.memref_squeeze %dma_start3A_372 : memref<1x128x128xf32, #tpu.memory_space<vmem>> -> memref<128x128xf32, #tpu.memory_space<vmem>>
        %dma_start3A_374 = arith.constant 0 : i32
        %dma_start3A_375 = tpu.memref_slice %arg7[%add3A_369, %dma_start3A_374] : memref<40x128xi32, #tpu.memory_space<vmem>> -> memref<1x128xi32, #tpu.memory_space<vmem>>
        %dma_start3A_376 = tpu.memref_squeeze %dma_start3A_375 : memref<1x128xi32, #tpu.memory_space<vmem>> -> memref<128xi32, #tpu.memory_space<vmem>>
        %dma_start3A_377 = arith.constant 0 : i32
        %dma_start3A_378 = arith.constant 0 : i32
        %dma_start3A_379 = tpu.memref_slice %arg2[%dma_start3A_377, %dma_start3A_378] : memref<10000x128xf32, #tpu.memory_space<hbm>> -> memref<10000x128xf32, #tpu.memory_space<hbm>>
        tpu.enqueue_indirect_dma source(%dma_start3A_379 : memref<10000x128xf32, #tpu.memory_space<hbm>>) target(%dma_start3A_373 : memref<128x128xf32, #tpu.memory_space<vmem>>) offsets(%dma_start3A_376 : memref<128xi32, #tpu.memory_space<vmem>>) semaphore(%arg10 : memref<!tpu.dma_semaphore, #tpu.memory_space<semaphore_mem>>)
      } else {
      }
      %mul3A_54 = arith.constant 5 : i32
      %mul3A_55 = arith.muli %scan3A_8, %mul3A_54 : i32
      %add3A_56 = arith.addi %mul3A_2, %mul3A_55 : i32
      %add3A_57 = arith.constant 4 : i32
      %add3A_58 = arith.addi %add3A_56, %add3A_57 : i32
      %mul3A_59 = arith.constant 128 : i32
      %mul3A_60 = arith.muli %add3A_58, %mul3A_59 : i32
      %lt3A_61 = arith.constant 160000 : i32
      %lt3A_62 = arith.cmpi slt, %mul3A_60, %lt3A_61 : i32
      %convert_element_type3A_63 = arith.extui %lt3A_62 : i1 to i32
      %cond3A_64 = arith.constant 0 : i32
      %cond3A_65 = arith.cmpi ne, %convert_element_type3A_63, %cond3A_64 : i32
      scf.if %cond3A_65 {
        %mul3A_366 = arith.constant 5 : i32
        %mul3A_367 = arith.muli %scan3A_8, %mul3A_366 : i32
        %add3A_368 = arith.constant 4 : i32
        %add3A_369 = arith.addi %mul3A_367, %add3A_368 : i32
        %dma_start3A = arith.constant 4 : i32
        %dma_start3A_370 = arith.constant 0 : i32
        %dma_start3A_371 = arith.constant 0 : i32
        %dma_start3A_372 = tpu.memref_slice %arg9[%dma_start3A, %dma_start3A_370, %dma_start3A_371] : memref<5x128x128xf32, #tpu.memory_space<vmem>> -> memref<1x128x128xf32, #tpu.memory_space<vmem>>
        %dma_start3A_373 = tpu.memref_squeeze %dma_start3A_372 : memref<1x128x128xf32, #tpu.memory_space<vmem>> -> memref<128x128xf32, #tpu.memory_space<vmem>>
        %dma_start3A_374 = arith.constant 0 : i32
        %dma_start3A_375 = tpu.memref_slice %arg7[%add3A_369, %dma_start3A_374] : memref<40x128xi32, #tpu.memory_space<vmem>> -> memref<1x128xi32, #tpu.memory_space<vmem>>
        %dma_start3A_376 = tpu.memref_squeeze %dma_start3A_375 : memref<1x128xi32, #tpu.memory_space<vmem>> -> memref<128xi32, #tpu.memory_space<vmem>>
        %dma_start3A_377 = arith.constant 0 : i32
        %dma_start3A_378 = arith.constant 0 : i32
        %dma_start3A_379 = tpu.memref_slice %arg2[%dma_start3A_377, %dma_start3A_378] : memref<10000x128xf32, #tpu.memory_space<hbm>> -> memref<10000x128xf32, #tpu.memory_space<hbm>>
        tpu.enqueue_indirect_dma source(%dma_start3A_379 : memref<10000x128xf32, #tpu.memory_space<hbm>>) target(%dma_start3A_373 : memref<128x128xf32, #tpu.memory_space<vmem>>) offsets(%dma_start3A_376 : memref<128xi32, #tpu.memory_space<vmem>>) semaphore(%arg10 : memref<!tpu.dma_semaphore, #tpu.memory_space<semaphore_mem>>)
      } else {
      }
      %mul3A_66 = arith.constant 5 : i32
      %mul3A_67 = arith.muli %scan3A_8, %mul3A_66 : i32
      %add3A_68 = arith.addi %mul3A_2, %mul3A_67 : i32
      %add3A_69 = arith.constant 0 : i32
      %add3A_70 = arith.addi %add3A_68, %add3A_69 : i32
      %mul3A_71 = arith.constant 128 : i32
      %mul3A_72 = arith.muli %add3A_70, %mul3A_71 : i32
      %lt3A_73 = arith.constant 160000 : i32
      %lt3A_74 = arith.cmpi slt, %mul3A_72, %lt3A_73 : i32
      %convert_element_type3A_75 = arith.extui %lt3A_74 : i1 to i32
      %cond3A_76 = arith.constant 0 : i32
      %cond3A_77 = arith.cmpi ne, %convert_element_type3A_75, %cond3A_76 : i32
      scf.if %cond3A_77 {
        %mul3A_366 = arith.constant 5 : i32
        %mul3A_367 = arith.muli %scan3A_8, %mul3A_366 : i32
        %add3A_368 = arith.constant 0 : i32
        %add3A_369 = arith.addi %mul3A_367, %add3A_368 : i32
        %dma_wait3A = arith.constant 0 : i32
        %dma_wait3A_370 = arith.constant 0 : i32
        %dma_wait3A_371 = arith.constant 0 : i32
        %dma_wait3A_372 = tpu.memref_slice %arg9[%dma_wait3A, %dma_wait3A_370, %dma_wait3A_371] : memref<5x128x128xf32, #tpu.memory_space<vmem>> -> memref<1x128x128xf32, #tpu.memory_space<vmem>>
        %dma_wait3A_373 = tpu.memref_squeeze %dma_wait3A_372 : memref<1x128x128xf32, #tpu.memory_space<vmem>> -> memref<128x128xf32, #tpu.memory_space<vmem>>
        %dma_wait3A_374 = arith.constant 0 : i32
        %dma_wait3A_375 = tpu.memref_slice %arg7[%add3A_369, %dma_wait3A_374] : memref<40x128xi32, #tpu.memory_space<vmem>> -> memref<1x128xi32, #tpu.memory_space<vmem>>
        %dma_wait3A_376 = tpu.memref_squeeze %dma_wait3A_375 : memref<1x128xi32, #tpu.memory_space<vmem>> -> memref<128xi32, #tpu.memory_space<vmem>>
        %dma_wait3A_377 = arith.constant 0 : i32
        %dma_wait3A_378 = arith.constant 0 : i32
        %dma_wait3A_379 = tpu.memref_slice %arg2[%dma_wait3A_377, %dma_wait3A_378] : memref<10000x128xf32, #tpu.memory_space<hbm>> -> memref<10000x128xf32, #tpu.memory_space<hbm>>
        tpu.wait_indirect_dma semaphore(%arg10 : memref<!tpu.dma_semaphore, #tpu.memory_space<semaphore_mem>>) src(%dma_wait3A_379 : memref<10000x128xf32, #tpu.memory_space<hbm>>) dst(%dma_wait3A_373 : memref<128x128xf32, #tpu.memory_space<vmem>>)
      } else {
      }
      %mul3A_78 = arith.constant 5 : i32
      %mul3A_79 = arith.muli %scan3A_8, %mul3A_78 : i32
      %add3A_80 = arith.addi %mul3A_2, %mul3A_79 : i32
      %add3A_81 = arith.constant 1 : i32
      %add3A_82 = arith.addi %add3A_80, %add3A_81 : i32
      %mul3A_83 = arith.constant 128 : i32
      %mul3A_84 = arith.muli %add3A_82, %mul3A_83 : i32
      %lt3A_85 = arith.constant 160000 : i32
      %lt3A_86 = arith.cmpi slt, %mul3A_84, %lt3A_85 : i32
      %convert_element_type3A_87 = arith.extui %lt3A_86 : i1 to i32
      %cond3A_88 = arith.constant 0 : i32
      %cond3A_89 = arith.cmpi ne, %convert_element_type3A_87, %cond3A_88 : i32
      scf.if %cond3A_89 {
        %mul3A_366 = arith.constant 5 : i32
        %mul3A_367 = arith.muli %scan3A_8, %mul3A_366 : i32
        %add3A_368 = arith.constant 1 : i32
        %add3A_369 = arith.addi %mul3A_367, %add3A_368 : i32
        %dma_wait3A = arith.constant 1 : i32
        %dma_wait3A_370 = arith.constant 0 : i32
        %dma_wait3A_371 = arith.constant 0 : i32
        %dma_wait3A_372 = tpu.memref_slice %arg9[%dma_wait3A, %dma_wait3A_370, %dma_wait3A_371] : memref<5x128x128xf32, #tpu.memory_space<vmem>> -> memref<1x128x128xf32, #tpu.memory_space<vmem>>
        %dma_wait3A_373 = tpu.memref_squeeze %dma_wait3A_372 : memref<1x128x128xf32, #tpu.memory_space<vmem>> -> memref<128x128xf32, #tpu.memory_space<vmem>>
        %dma_wait3A_374 = arith.constant 0 : i32
        %dma_wait3A_375 = tpu.memref_slice %arg7[%add3A_369, %dma_wait3A_374] : memref<40x128xi32, #tpu.memory_space<vmem>> -> memref<1x128xi32, #tpu.memory_space<vmem>>
        %dma_wait3A_376 = tpu.memref_squeeze %dma_wait3A_375 : memref<1x128xi32, #tpu.memory_space<vmem>> -> memref<128xi32, #tpu.memory_space<vmem>>
        %dma_wait3A_377 = arith.constant 0 : i32
        %dma_wait3A_378 = arith.constant 0 : i32
        %dma_wait3A_379 = tpu.memref_slice %arg2[%dma_wait3A_377, %dma_wait3A_378] : memref<10000x128xf32, #tpu.memory_space<hbm>> -> memref<10000x128xf32, #tpu.memory_space<hbm>>
        tpu.wait_indirect_dma semaphore(%arg10 : memref<!tpu.dma_semaphore, #tpu.memory_space<semaphore_mem>>) src(%dma_wait3A_379 : memref<10000x128xf32, #tpu.memory_space<hbm>>) dst(%dma_wait3A_373 : memref<128x128xf32, #tpu.memory_space<vmem>>)
      } else {
      }
      %mul3A_90 = arith.constant 5 : i32
      %mul3A_91 = arith.muli %scan3A_8, %mul3A_90 : i32
      %add3A_92 = arith.addi %mul3A_2, %mul3A_91 : i32
      %add3A_93 = arith.constant 2 : i32
      %add3A_94 = arith.addi %add3A_92, %add3A_93 : i32
      %mul3A_95 = arith.constant 128 : i32
      %mul3A_96 = arith.muli %add3A_94, %mul3A_95 : i32
      %lt3A_97 = arith.constant 160000 : i32
      %lt3A_98 = arith.cmpi slt, %mul3A_96, %lt3A_97 : i32
      %convert_element_type3A_99 = arith.extui %lt3A_98 : i1 to i32
      %cond3A_100 = arith.constant 0 : i32
      %cond3A_101 = arith.cmpi ne, %convert_element_type3A_99, %cond3A_100 : i32
      scf.if %cond3A_101 {
        %mul3A_366 = arith.constant 5 : i32
        %mul3A_367 = arith.muli %scan3A_8, %mul3A_366 : i32
        %add3A_368 = arith.constant 2 : i32
        %add3A_369 = arith.addi %mul3A_367, %add3A_368 : i32
        %dma_wait3A = arith.constant 2 : i32
        %dma_wait3A_370 = arith.constant 0 : i32
        %dma_wait3A_371 = arith.constant 0 : i32
        %dma_wait3A_372 = tpu.memref_slice %arg9[%dma_wait3A, %dma_wait3A_370, %dma_wait3A_371] : memref<5x128x128xf32, #tpu.memory_space<vmem>> -> memref<1x128x128xf32, #tpu.memory_space<vmem>>
        %dma_wait3A_373 = tpu.memref_squeeze %dma_wait3A_372 : memref<1x128x128xf32, #tpu.memory_space<vmem>> -> memref<128x128xf32, #tpu.memory_space<vmem>>
        %dma_wait3A_374 = arith.constant 0 : i32
        %dma_wait3A_375 = tpu.memref_slice %arg7[%add3A_369, %dma_wait3A_374] : memref<40x128xi32, #tpu.memory_space<vmem>> -> memref<1x128xi32, #tpu.memory_space<vmem>>
        %dma_wait3A_376 = tpu.memref_squeeze %dma_wait3A_375 : memref<1x128xi32, #tpu.memory_space<vmem>> -> memref<128xi32, #tpu.memory_space<vmem>>
        %dma_wait3A_377 = arith.constant 0 : i32
        %dma_wait3A_378 = arith.constant 0 : i32
        %dma_wait3A_379 = tpu.memref_slice %arg2[%dma_wait3A_377, %dma_wait3A_378] : memref<10000x128xf32, #tpu.memory_space<hbm>> -> memref<10000x128xf32, #tpu.memory_space<hbm>>
        tpu.wait_indirect_dma semaphore(%arg10 : memref<!tpu.dma_semaphore, #tpu.memory_space<semaphore_mem>>) src(%dma_wait3A_379 : memref<10000x128xf32, #tpu.memory_space<hbm>>) dst(%dma_wait3A_373 : memref<128x128xf32, #tpu.memory_space<vmem>>)
      } else {
      }
      %mul3A_102 = arith.constant 5 : i32
      %mul3A_103 = arith.muli %scan3A_8, %mul3A_102 : i32
      %add3A_104 = arith.addi %mul3A_2, %mul3A_103 : i32
      %add3A_105 = arith.constant 3 : i32
      %add3A_106 = arith.addi %add3A_104, %add3A_105 : i32
      %mul3A_107 = arith.constant 128 : i32
      %mul3A_108 = arith.muli %add3A_106, %mul3A_107 : i32
      %lt3A_109 = arith.constant 160000 : i32
      %lt3A_110 = arith.cmpi slt, %mul3A_108, %lt3A_109 : i32
      %convert_element_type3A_111 = arith.extui %lt3A_110 : i1 to i32
      %cond3A_112 = arith.constant 0 : i32
      %cond3A_113 = arith.cmpi ne, %convert_element_type3A_111, %cond3A_112 : i32
      scf.if %cond3A_113 {
        %mul3A_366 = arith.constant 5 : i32
        %mul3A_367 = arith.muli %scan3A_8, %mul3A_366 : i32
        %add3A_368 = arith.constant 3 : i32
        %add3A_369 = arith.addi %mul3A_367, %add3A_368 : i32
        %dma_wait3A = arith.constant 3 : i32
        %dma_wait3A_370 = arith.constant 0 : i32
        %dma_wait3A_371 = arith.constant 0 : i32
        %dma_wait3A_372 = tpu.memref_slice %arg9[%dma_wait3A, %dma_wait3A_370, %dma_wait3A_371] : memref<5x128x128xf32, #tpu.memory_space<vmem>> -> memref<1x128x128xf32, #tpu.memory_space<vmem>>
        %dma_wait3A_373 = tpu.memref_squeeze %dma_wait3A_372 : memref<1x128x128xf32, #tpu.memory_space<vmem>> -> memref<128x128xf32, #tpu.memory_space<vmem>>
        %dma_wait3A_374 = arith.constant 0 : i32
        %dma_wait3A_375 = tpu.memref_slice %arg7[%add3A_369, %dma_wait3A_374] : memref<40x128xi32, #tpu.memory_space<vmem>> -> memref<1x128xi32, #tpu.memory_space<vmem>>
        %dma_wait3A_376 = tpu.memref_squeeze %dma_wait3A_375 : memref<1x128xi32, #tpu.memory_space<vmem>> -> memref<128xi32, #tpu.memory_space<vmem>>
        %dma_wait3A_377 = arith.constant 0 : i32
        %dma_wait3A_378 = arith.constant 0 : i32
        %dma_wait3A_379 = tpu.memref_slice %arg2[%dma_wait3A_377, %dma_wait3A_378] : memref<10000x128xf32, #tpu.memory_space<hbm>> -> memref<10000x128xf32, #tpu.memory_space<hbm>>
        tpu.wait_indirect_dma semaphore(%arg10 : memref<!tpu.dma_semaphore, #tpu.memory_space<semaphore_mem>>) src(%dma_wait3A_379 : memref<10000x128xf32, #tpu.memory_space<hbm>>) dst(%dma_wait3A_373 : memref<128x128xf32, #tpu.memory_space<vmem>>)
      } else {
      }
      %mul3A_114 = arith.constant 5 : i32
      %mul3A_115 = arith.muli %scan3A_8, %mul3A_114 : i32
      %add3A_116 = arith.addi %mul3A_2, %mul3A_115 : i32
      %add3A_117 = arith.constant 4 : i32
      %add3A_118 = arith.addi %add3A_116, %add3A_117 : i32
      %mul3A_119 = arith.constant 128 : i32
      %mul3A_120 = arith.muli %add3A_118, %mul3A_119 : i32
      %lt3A_121 = arith.constant 160000 : i32
      %lt3A_122 = arith.cmpi slt, %mul3A_120, %lt3A_121 : i32
      %convert_element_type3A_123 = arith.extui %lt3A_122 : i1 to i32
      %cond3A_124 = arith.constant 0 : i32
      %cond3A_125 = arith.cmpi ne, %convert_element_type3A_123, %cond3A_124 : i32
      scf.if %cond3A_125 {
        %mul3A_366 = arith.constant 5 : i32
        %mul3A_367 = arith.muli %scan3A_8, %mul3A_366 : i32
        %add3A_368 = arith.constant 4 : i32
        %add3A_369 = arith.addi %mul3A_367, %add3A_368 : i32
        %dma_wait3A = arith.constant 4 : i32
        %dma_wait3A_370 = arith.constant 0 : i32
        %dma_wait3A_371 = arith.constant 0 : i32
        %dma_wait3A_372 = tpu.memref_slice %arg9[%dma_wait3A, %dma_wait3A_370, %dma_wait3A_371] : memref<5x128x128xf32, #tpu.memory_space<vmem>> -> memref<1x128x128xf32, #tpu.memory_space<vmem>>
        %dma_wait3A_373 = tpu.memref_squeeze %dma_wait3A_372 : memref<1x128x128xf32, #tpu.memory_space<vmem>> -> memref<128x128xf32, #tpu.memory_space<vmem>>
        %dma_wait3A_374 = arith.constant 0 : i32
        %dma_wait3A_375 = tpu.memref_slice %arg7[%add3A_369, %dma_wait3A_374] : memref<40x128xi32, #tpu.memory_space<vmem>> -> memref<1x128xi32, #tpu.memory_space<vmem>>
        %dma_wait3A_376 = tpu.memref_squeeze %dma_wait3A_375 : memref<1x128xi32, #tpu.memory_space<vmem>> -> memref<128xi32, #tpu.memory_space<vmem>>
        %dma_wait3A_377 = arith.constant 0 : i32
        %dma_wait3A_378 = arith.constant 0 : i32
        %dma_wait3A_379 = tpu.memref_slice %arg2[%dma_wait3A_377, %dma_wait3A_378] : memref<10000x128xf32, #tpu.memory_space<hbm>> -> memref<10000x128xf32, #tpu.memory_space<hbm>>
        tpu.wait_indirect_dma semaphore(%arg10 : memref<!tpu.dma_semaphore, #tpu.memory_space<semaphore_mem>>) src(%dma_wait3A_379 : memref<10000x128xf32, #tpu.memory_space<hbm>>) dst(%dma_wait3A_373 : memref<128x128xf32, #tpu.memory_space<vmem>>)
      } else {
      }
      %mul3A_126 = arith.constant 5 : i32
      %mul3A_127 = arith.muli %scan3A_8, %mul3A_126 : i32
      %add3A_128 = arith.addi %mul3A_2, %mul3A_127 : i32
      %add3A_129 = arith.constant 0 : i32
      %add3A_130 = arith.addi %add3A_128, %add3A_129 : i32
      %mul3A_131 = arith.constant 128 : i32
      %mul3A_132 = arith.muli %add3A_130, %mul3A_131 : i32
      %lt3A_133 = arith.constant 160000 : i32
      %lt3A_134 = arith.cmpi slt, %mul3A_132, %lt3A_133 : i32
      %convert_element_type3A_135 = arith.extui %lt3A_134 : i1 to i32
      %cond3A_136 = arith.constant 0 : i32
      %cond3A_137 = arith.cmpi ne, %convert_element_type3A_135, %cond3A_136 : i32
      scf.if %cond3A_137 {
        %mul3A_366 = arith.constant 5 : i32
        %mul3A_367 = arith.muli %scan3A_8, %mul3A_366 : i32
        %add3A_368 = arith.constant 0 : i32
        %add3A_369 = arith.addi %mul3A_367, %add3A_368 : i32
        %dma_start3A = arith.constant 0 : i32
        %dma_start3A_370 = arith.constant 0 : i32
        %dma_start3A_371 = arith.constant 0 : i32
        %dma_start3A_372 = tpu.memref_slice %arg9[%dma_start3A, %dma_start3A_370, %dma_start3A_371] : memref<5x128x128xf32, #tpu.memory_space<vmem>> -> memref<1x128x128xf32, #tpu.memory_space<vmem>>
        %dma_start3A_373 = tpu.memref_squeeze %dma_start3A_372 : memref<1x128x128xf32, #tpu.memory_space<vmem>> -> memref<128x128xf32, #tpu.memory_space<vmem>>
        %dma_start3A_374 = arith.constant 0 : i32
        %dma_start3A_375 = tpu.memref_slice %arg8[%add3A_369, %dma_start3A_374] : memref<40x128xi32, #tpu.memory_space<vmem>> -> memref<1x128xi32, #tpu.memory_space<vmem>>
        %dma_start3A_376 = tpu.memref_squeeze %dma_start3A_375 : memref<1x128xi32, #tpu.memory_space<vmem>> -> memref<128xi32, #tpu.memory_space<vmem>>
        %dma_start3A_377 = arith.constant 0 : i32
        %dma_start3A_378 = arith.constant 0 : i32
        %dma_start3A_379 = tpu.memref_slice %arg3[%dma_start3A_377, %dma_start3A_378] : memref<10000x128xf32, #tpu.memory_space<hbm>> -> memref<10000x128xf32, #tpu.memory_space<hbm>>
        tpu.enqueue_indirect_dma source(%dma_start3A_379 : memref<10000x128xf32, #tpu.memory_space<hbm>>) target(%dma_start3A_373 : memref<128x128xf32, #tpu.memory_space<vmem>>) offsets(%dma_start3A_376 : memref<128xi32, #tpu.memory_space<vmem>>) semaphore(%arg10 : memref<!tpu.dma_semaphore, #tpu.memory_space<semaphore_mem>>) {add = true}
      } else {
      }
      %mul3A_138 = arith.constant 5 : i32
      %mul3A_139 = arith.muli %scan3A_8, %mul3A_138 : i32
      %add3A_140 = arith.addi %mul3A_2, %mul3A_139 : i32
      %add3A_141 = arith.constant 1 : i32
      %add3A_142 = arith.addi %add3A_140, %add3A_141 : i32
      %mul3A_143 = arith.constant 128 : i32
      %mul3A_144 = arith.muli %add3A_142, %mul3A_143 : i32
      %lt3A_145 = arith.constant 160000 : i32
      %lt3A_146 = arith.cmpi slt, %mul3A_144, %lt3A_145 : i32
      %convert_element_type3A_147 = arith.extui %lt3A_146 : i1 to i32
      %cond3A_148 = arith.constant 0 : i32
      %cond3A_149 = arith.cmpi ne, %convert_element_type3A_147, %cond3A_148 : i32
      scf.if %cond3A_149 {
        %mul3A_366 = arith.constant 5 : i32
        %mul3A_367 = arith.muli %scan3A_8, %mul3A_366 : i32
        %add3A_368 = arith.constant 1 : i32
        %add3A_369 = arith.addi %mul3A_367, %add3A_368 : i32
        %dma_start3A = arith.constant 1 : i32
        %dma_start3A_370 = arith.constant 0 : i32
        %dma_start3A_371 = arith.constant 0 : i32
        %dma_start3A_372 = tpu.memref_slice %arg9[%dma_start3A, %dma_start3A_370, %dma_start3A_371] : memref<5x128x128xf32, #tpu.memory_space<vmem>> -> memref<1x128x128xf32, #tpu.memory_space<vmem>>
        %dma_start3A_373 = tpu.memref_squeeze %dma_start3A_372 : memref<1x128x128xf32, #tpu.memory_space<vmem>> -> memref<128x128xf32, #tpu.memory_space<vmem>>
        %dma_start3A_374 = arith.constant 0 : i32
        %dma_start3A_375 = tpu.memref_slice %arg8[%add3A_369, %dma_start3A_374] : memref<40x128xi32, #tpu.memory_space<vmem>> -> memref<1x128xi32, #tpu.memory_space<vmem>>
        %dma_start3A_376 = tpu.memref_squeeze %dma_start3A_375 : memref<1x128xi32, #tpu.memory_space<vmem>> -> memref<128xi32, #tpu.memory_space<vmem>>
        %dma_start3A_377 = arith.constant 0 : i32
        %dma_start3A_378 = arith.constant 0 : i32
        %dma_start3A_379 = tpu.memref_slice %arg3[%dma_start3A_377, %dma_start3A_378] : memref<10000x128xf32, #tpu.memory_space<hbm>> -> memref<10000x128xf32, #tpu.memory_space<hbm>>
        tpu.enqueue_indirect_dma source(%dma_start3A_379 : memref<10000x128xf32, #tpu.memory_space<hbm>>) target(%dma_start3A_373 : memref<128x128xf32, #tpu.memory_space<vmem>>) offsets(%dma_start3A_376 : memref<128xi32, #tpu.memory_space<vmem>>) semaphore(%arg10 : memref<!tpu.dma_semaphore, #tpu.memory_space<semaphore_mem>>) {add = true}
      } else {
      }
      %mul3A_150 = arith.constant 5 : i32
      %mul3A_151 = arith.muli %scan3A_8, %mul3A_150 : i32
      %add3A_152 = arith.addi %mul3A_2, %mul3A_151 : i32
      %add3A_153 = arith.constant 2 : i32
      %add3A_154 = arith.addi %add3A_152, %add3A_153 : i32
      %mul3A_155 = arith.constant 128 : i32
      %mul3A_156 = arith.muli %add3A_154, %mul3A_155 : i32
      %lt3A_157 = arith.constant 160000 : i32
      %lt3A_158 = arith.cmpi slt, %mul3A_156, %lt3A_157 : i32
      %convert_element_type3A_159 = arith.extui %lt3A_158 : i1 to i32
      %cond3A_160 = arith.constant 0 : i32
      %cond3A_161 = arith.cmpi ne, %convert_element_type3A_159, %cond3A_160 : i32
      scf.if %cond3A_161 {
        %mul3A_366 = arith.constant 5 : i32
        %mul3A_367 = arith.muli %scan3A_8, %mul3A_366 : i32
        %add3A_368 = arith.constant 2 : i32
        %add3A_369 = arith.addi %mul3A_367, %add3A_368 : i32
        %dma_start3A = arith.constant 2 : i32
        %dma_start3A_370 = arith.constant 0 : i32
        %dma_start3A_371 = arith.constant 0 : i32
        %dma_start3A_372 = tpu.memref_slice %arg9[%dma_start3A, %dma_start3A_370, %dma_start3A_371] : memref<5x128x128xf32, #tpu.memory_space<vmem>> -> memref<1x128x128xf32, #tpu.memory_space<vmem>>
        %dma_start3A_373 = tpu.memref_squeeze %dma_start3A_372 : memref<1x128x128xf32, #tpu.memory_space<vmem>> -> memref<128x128xf32, #tpu.memory_space<vmem>>
        %dma_start3A_374 = arith.constant 0 : i32
        %dma_start3A_375 = tpu.memref_slice %arg8[%add3A_369, %dma_start3A_374] : memref<40x128xi32, #tpu.memory_space<vmem>> -> memref<1x128xi32, #tpu.memory_space<vmem>>
        %dma_start3A_376 = tpu.memref_squeeze %dma_start3A_375 : memref<1x128xi32, #tpu.memory_space<vmem>> -> memref<128xi32, #tpu.memory_space<vmem>>
        %dma_start3A_377 = arith.constant 0 : i32
        %dma_start3A_378 = arith.constant 0 : i32
        %dma_start3A_379 = tpu.memref_slice %arg3[%dma_start3A_377, %dma_start3A_378] : memref<10000x128xf32, #tpu.memory_space<hbm>> -> memref<10000x128xf32, #tpu.memory_space<hbm>>
        tpu.enqueue_indirect_dma source(%dma_start3A_379 : memref<10000x128xf32, #tpu.memory_space<hbm>>) target(%dma_start3A_373 : memref<128x128xf32, #tpu.memory_space<vmem>>) offsets(%dma_start3A_376 : memref<128xi32, #tpu.memory_space<vmem>>) semaphore(%arg10 : memref<!tpu.dma_semaphore, #tpu.memory_space<semaphore_mem>>) {add = true}
      } else {
      }
      %mul3A_162 = arith.constant 5 : i32
      %mul3A_163 = arith.muli %scan3A_8, %mul3A_162 : i32
      %add3A_164 = arith.addi %mul3A_2, %mul3A_163 : i32
      %add3A_165 = arith.constant 3 : i32
      %add3A_166 = arith.addi %add3A_164, %add3A_165 : i32
      %mul3A_167 = arith.constant 128 : i32
      %mul3A_168 = arith.muli %add3A_166, %mul3A_167 : i32
      %lt3A_169 = arith.constant 160000 : i32
      %lt3A_170 = arith.cmpi slt, %mul3A_168, %lt3A_169 : i32
      %convert_element_type3A_171 = arith.extui %lt3A_170 : i1 to i32
      %cond3A_172 = arith.constant 0 : i32
      %cond3A_173 = arith.cmpi ne, %convert_element_type3A_171, %cond3A_172 : i32
      scf.if %cond3A_173 {
        %mul3A_366 = arith.constant 5 : i32
        %mul3A_367 = arith.muli %scan3A_8, %mul3A_366 : i32
        %add3A_368 = arith.constant 3 : i32
        %add3A_369 = arith.addi %mul3A_367, %add3A_368 : i32
        %dma_start3A = arith.constant 3 : i32
        %dma_start3A_370 = arith.constant 0 : i32
        %dma_start3A_371 = arith.constant 0 : i32
        %dma_start3A_372 = tpu.memref_slice %arg9[%dma_start3A, %dma_start3A_370, %dma_start3A_371] : memref<5x128x128xf32, #tpu.memory_space<vmem>> -> memref<1x128x128xf32, #tpu.memory_space<vmem>>
        %dma_start3A_373 = tpu.memref_squeeze %dma_start3A_372 : memref<1x128x128xf32, #tpu.memory_space<vmem>> -> memref<128x128xf32, #tpu.memory_space<vmem>>
        %dma_start3A_374 = arith.constant 0 : i32
        %dma_start3A_375 = tpu.memref_slice %arg8[%add3A_369, %dma_start3A_374] : memref<40x128xi32, #tpu.memory_space<vmem>> -> memref<1x128xi32, #tpu.memory_space<vmem>>
        %dma_start3A_376 = tpu.memref_squeeze %dma_start3A_375 : memref<1x128xi32, #tpu.memory_space<vmem>> -> memref<128xi32, #tpu.memory_space<vmem>>
        %dma_start3A_377 = arith.constant 0 : i32
        %dma_start3A_378 = arith.constant 0 : i32
        %dma_start3A_379 = tpu.memref_slice %arg3[%dma_start3A_377, %dma_start3A_378] : memref<10000x128xf32, #tpu.memory_space<hbm>> -> memref<10000x128xf32, #tpu.memory_space<hbm>>
        tpu.enqueue_indirect_dma source(%dma_start3A_379 : memref<10000x128xf32, #tpu.memory_space<hbm>>) target(%dma_start3A_373 : memref<128x128xf32, #tpu.memory_space<vmem>>) offsets(%dma_start3A_376 : memref<128xi32, #tpu.memory_space<vmem>>) semaphore(%arg10 : memref<!tpu.dma_semaphore, #tpu.memory_space<semaphore_mem>>) {add = true}
      } else {
      }
      %mul3A_174 = arith.constant 5 : i32
      %mul3A_175 = arith.muli %scan3A_8, %mul3A_174 : i32
      %add3A_176 = arith.addi %mul3A_2, %mul3A_175 : i32
      %add3A_177 = arith.constant 4 : i32
      %add3A_178 = arith.addi %add3A_176, %add3A_177 : i32
      %mul3A_179 = arith.constant 128 : i32
      %mul3A_180 = arith.muli %add3A_178, %mul3A_179 : i32
      %lt3A_181 = arith.constant 160000 : i32
      %lt3A_182 = arith.cmpi slt, %mul3A_180, %lt3A_181 : i32
      %convert_element_type3A_183 = arith.extui %lt3A_182 : i1 to i32
      %cond3A_184 = arith.constant 0 : i32
      %cond3A_185 = arith.cmpi ne, %convert_element_type3A_183, %cond3A_184 : i32
      scf.if %cond3A_185 {
        %mul3A_366 = arith.constant 5 : i32
        %mul3A_367 = arith.muli %scan3A_8, %mul3A_366 : i32
        %add3A_368 = arith.constant 4 : i32
        %add3A_369 = arith.addi %mul3A_367, %add3A_368 : i32
        %dma_start3A = arith.constant 4 : i32
        %dma_start3A_370 = arith.constant 0 : i32
        %dma_start3A_371 = arith.constant 0 : i32
        %dma_start3A_372 = tpu.memref_slice %arg9[%dma_start3A, %dma_start3A_370, %dma_start3A_371] : memref<5x128x128xf32, #tpu.memory_space<vmem>> -> memref<1x128x128xf32, #tpu.memory_space<vmem>>
        %dma_start3A_373 = tpu.memref_squeeze %dma_start3A_372 : memref<1x128x128xf32, #tpu.memory_space<vmem>> -> memref<128x128xf32, #tpu.memory_space<vmem>>
        %dma_start3A_374 = arith.constant 0 : i32
        %dma_start3A_375 = tpu.memref_slice %arg8[%add3A_369, %dma_start3A_374] : memref<40x128xi32, #tpu.memory_space<vmem>> -> memref<1x128xi32, #tpu.memory_space<vmem>>
        %dma_start3A_376 = tpu.memref_squeeze %dma_start3A_375 : memref<1x128xi32, #tpu.memory_space<vmem>> -> memref<128xi32, #tpu.memory_space<vmem>>
        %dma_start3A_377 = arith.constant 0 : i32
        %dma_start3A_378 = arith.constant 0 : i32
        %dma_start3A_379 = tpu.memref_slice %arg3[%dma_start3A_377, %dma_start3A_378] : memref<10000x128xf32, #tpu.memory_space<hbm>> -> memref<10000x128xf32, #tpu.memory_space<hbm>>
        tpu.enqueue_indirect_dma source(%dma_start3A_379 : memref<10000x128xf32, #tpu.memory_space<hbm>>) target(%dma_start3A_373 : memref<128x128xf32, #tpu.memory_space<vmem>>) offsets(%dma_start3A_376 : memref<128xi32, #tpu.memory_space<vmem>>) semaphore(%arg10 : memref<!tpu.dma_semaphore, #tpu.memory_space<semaphore_mem>>) {add = true}
      } else {
      }
      %mul3A_186 = arith.constant 5 : i32
      %mul3A_187 = arith.muli %scan3A_8, %mul3A_186 : i32
      %add3A_188 = arith.addi %mul3A_2, %mul3A_187 : i32
      %add3A_189 = arith.constant 0 : i32
      %add3A_190 = arith.addi %add3A_188, %add3A_189 : i32
      %mul3A_191 = arith.constant 128 : i32
      %mul3A_192 = arith.muli %add3A_190, %mul3A_191 : i32
      %lt3A_193 = arith.constant 160000 : i32
      %lt3A_194 = arith.cmpi slt, %mul3A_192, %lt3A_193 : i32
      %convert_element_type3A_195 = arith.extui %lt3A_194 : i1 to i32
      %cond3A_196 = arith.constant 0 : i32
      %cond3A_197 = arith.cmpi ne, %convert_element_type3A_195, %cond3A_196 : i32
      scf.if %cond3A_197 {
        %mul3A_366 = arith.constant 5 : i32
        %mul3A_367 = arith.muli %scan3A_8, %mul3A_366 : i32
        %add3A_368 = arith.constant 0 : i32
        %add3A_369 = arith.addi %mul3A_367, %add3A_368 : i32
        %dma_wait3A = arith.constant 0 : i32
        %dma_wait3A_370 = arith.constant 0 : i32
        %dma_wait3A_371 = arith.constant 0 : i32
        %dma_wait3A_372 = tpu.memref_slice %arg9[%dma_wait3A, %dma_wait3A_370, %dma_wait3A_371] : memref<5x128x128xf32, #tpu.memory_space<vmem>> -> memref<1x128x128xf32, #tpu.memory_space<vmem>>
        %dma_wait3A_373 = tpu.memref_squeeze %dma_wait3A_372 : memref<1x128x128xf32, #tpu.memory_space<vmem>> -> memref<128x128xf32, #tpu.memory_space<vmem>>
        %dma_wait3A_374 = arith.constant 0 : i32
        %dma_wait3A_375 = tpu.memref_slice %arg8[%add3A_369, %dma_wait3A_374] : memref<40x128xi32, #tpu.memory_space<vmem>> -> memref<1x128xi32, #tpu.memory_space<vmem>>
        %dma_wait3A_376 = tpu.memref_squeeze %dma_wait3A_375 : memref<1x128xi32, #tpu.memory_space<vmem>> -> memref<128xi32, #tpu.memory_space<vmem>>
        %dma_wait3A_377 = arith.constant 0 : i32
        %dma_wait3A_378 = arith.constant 0 : i32
        %dma_wait3A_379 = tpu.memref_slice %arg3[%dma_wait3A_377, %dma_wait3A_378] : memref<10000x128xf32, #tpu.memory_space<hbm>> -> memref<10000x128xf32, #tpu.memory_space<hbm>>
        tpu.wait_indirect_dma semaphore(%arg10 : memref<!tpu.dma_semaphore, #tpu.memory_space<semaphore_mem>>) src(%dma_wait3A_379 : memref<10000x128xf32, #tpu.memory_space<hbm>>) dst(%dma_wait3A_373 : memref<128x128xf32, #tpu.memory_space<vmem>>)
      } else {
      }
      %mul3A_198 = arith.constant 5 : i32
      %mul3A_199 = arith.muli %scan3A_8, %mul3A_198 : i32
      %add3A_200 = arith.addi %mul3A_2, %mul3A_199 : i32
      %add3A_201 = arith.constant 1 : i32
      %add3A_202 = arith.addi %add3A_200, %add3A_201 : i32
      %mul3A_203 = arith.constant 128 : i32
      %mul3A_204 = arith.muli %add3A_202, %mul3A_203 : i32
      %lt3A_205 = arith.constant 160000 : i32
      %lt3A_206 = arith.cmpi slt, %mul3A_204, %lt3A_205 : i32
      %convert_element_type3A_207 = arith.extui %lt3A_206 : i1 to i32
      %cond3A_208 = arith.constant 0 : i32
      %cond3A_209 = arith.cmpi ne, %convert_element_type3A_207, %cond3A_208 : i32
      scf.if %cond3A_209 {
        %mul3A_366 = arith.constant 5 : i32
        %mul3A_367 = arith.muli %scan3A_8, %mul3A_366 : i32
        %add3A_368 = arith.constant 1 : i32
        %add3A_369 = arith.addi %mul3A_367, %add3A_368 : i32
        %dma_wait3A = arith.constant 1 : i32
        %dma_wait3A_370 = arith.constant 0 : i32
        %dma_wait3A_371 = arith.constant 0 : i32
        %dma_wait3A_372 = tpu.memref_slice %arg9[%dma_wait3A, %dma_wait3A_370, %dma_wait3A_371] : memref<5x128x128xf32, #tpu.memory_space<vmem>> -> memref<1x128x128xf32, #tpu.memory_space<vmem>>
        %dma_wait3A_373 = tpu.memref_squeeze %dma_wait3A_372 : memref<1x128x128xf32, #tpu.memory_space<vmem>> -> memref<128x128xf32, #tpu.memory_space<vmem>>
        %dma_wait3A_374 = arith.constant 0 : i32
        %dma_wait3A_375 = tpu.memref_slice %arg8[%add3A_369, %dma_wait3A_374] : memref<40x128xi32, #tpu.memory_space<vmem>> -> memref<1x128xi32, #tpu.memory_space<vmem>>
        %dma_wait3A_376 = tpu.memref_squeeze %dma_wait3A_375 : memref<1x128xi32, #tpu.memory_space<vmem>> -> memref<128xi32, #tpu.memory_space<vmem>>
        %dma_wait3A_377 = arith.constant 0 : i32
        %dma_wait3A_378 = arith.constant 0 : i32
        %dma_wait3A_379 = tpu.memref_slice %arg3[%dma_wait3A_377, %dma_wait3A_378] : memref<10000x128xf32, #tpu.memory_space<hbm>> -> memref<10000x128xf32, #tpu.memory_space<hbm>>
        tpu.wait_indirect_dma semaphore(%arg10 : memref<!tpu.dma_semaphore, #tpu.memory_space<semaphore_mem>>) src(%dma_wait3A_379 : memref<10000x128xf32, #tpu.memory_space<hbm>>) dst(%dma_wait3A_373 : memref<128x128xf32, #tpu.memory_space<vmem>>)
      } else {
      }
      %mul3A_210 = arith.constant 5 : i32
      %mul3A_211 = arith.muli %scan3A_8, %mul3A_210 : i32
      %add3A_212 = arith.addi %mul3A_2, %mul3A_211 : i32
      %add3A_213 = arith.constant 2 : i32
      %add3A_214 = arith.addi %add3A_212, %add3A_213 : i32
      %mul3A_215 = arith.constant 128 : i32
      %mul3A_216 = arith.muli %add3A_214, %mul3A_215 : i32
      %lt3A_217 = arith.constant 160000 : i32
      %lt3A_218 = arith.cmpi slt, %mul3A_216, %lt3A_217 : i32
      %convert_element_type3A_219 = arith.extui %lt3A_218 : i1 to i32
      %cond3A_220 = arith.constant 0 : i32
      %cond3A_221 = arith.cmpi ne, %convert_element_type3A_219, %cond3A_220 : i32
      scf.if %cond3A_221 {
        %mul3A_366 = arith.constant 5 : i32
        %mul3A_367 = arith.muli %scan3A_8, %mul3A_366 : i32
        %add3A_368 = arith.constant 2 : i32
        %add3A_369 = arith.addi %mul3A_367, %add3A_368 : i32
        %dma_wait3A = arith.constant 2 : i32
        %dma_wait3A_370 = arith.constant 0 : i32
        %dma_wait3A_371 = arith.constant 0 : i32
        %dma_wait3A_372 = tpu.memref_slice %arg9[%dma_wait3A, %dma_wait3A_370, %dma_wait3A_371] : memref<5x128x128xf32, #tpu.memory_space<vmem>> -> memref<1x128x128xf32, #tpu.memory_space<vmem>>
        %dma_wait3A_373 = tpu.memref_squeeze %dma_wait3A_372 : memref<1x128x128xf32, #tpu.memory_space<vmem>> -> memref<128x128xf32, #tpu.memory_space<vmem>>
        %dma_wait3A_374 = arith.constant 0 : i32
        %dma_wait3A_375 = tpu.memref_slice %arg8[%add3A_369, %dma_wait3A_374] : memref<40x128xi32, #tpu.memory_space<vmem>> -> memref<1x128xi32, #tpu.memory_space<vmem>>
        %dma_wait3A_376 = tpu.memref_squeeze %dma_wait3A_375 : memref<1x128xi32, #tpu.memory_space<vmem>> -> memref<128xi32, #tpu.memory_space<vmem>>
        %dma_wait3A_377 = arith.constant 0 : i32
        %dma_wait3A_378 = arith.constant 0 : i32
        %dma_wait3A_379 = tpu.memref_slice %arg3[%dma_wait3A_377, %dma_wait3A_378] : memref<10000x128xf32, #tpu.memory_space<hbm>> -> memref<10000x128xf32, #tpu.memory_space<hbm>>
        tpu.wait_indirect_dma semaphore(%arg10 : memref<!tpu.dma_semaphore, #tpu.memory_space<semaphore_mem>>) src(%dma_wait3A_379 : memref<10000x128xf32, #tpu.memory_space<hbm>>) dst(%dma_wait3A_373 : memref<128x128xf32, #tpu.memory_space<vmem>>)
      } else {
      }
      %mul3A_222 = arith.constant 5 : i32
      %mul3A_223 = arith.muli %scan3A_8, %mul3A_222 : i32
      %add3A_224 = arith.addi %mul3A_2, %mul3A_223 : i32
      %add3A_225 = arith.constant 3 : i32
      %add3A_226 = arith.addi %add3A_224, %add3A_225 : i32
      %mul3A_227 = arith.constant 128 : i32
      %mul3A_228 = arith.muli %add3A_226, %mul3A_227 : i32
      %lt3A_229 = arith.constant 160000 : i32
      %lt3A_230 = arith.cmpi slt, %mul3A_228, %lt3A_229 : i32
      %convert_element_type3A_231 = arith.extui %lt3A_230 : i1 to i32
      %cond3A_232 = arith.constant 0 : i32
      %cond3A_233 = arith.cmpi ne, %convert_element_type3A_231, %cond3A_232 : i32
      scf.if %cond3A_233 {
        %mul3A_366 = arith.constant 5 : i32
        %mul3A_367 = arith.muli %scan3A_8, %mul3A_366 : i32
        %add3A_368 = arith.constant 3 : i32
        %add3A_369 = arith.addi %mul3A_367, %add3A_368 : i32
        %dma_wait3A = arith.constant 3 : i32
        %dma_wait3A_370 = arith.constant 0 : i32
        %dma_wait3A_371 = arith.constant 0 : i32
        %dma_wait3A_372 = tpu.memref_slice %arg9[%dma_wait3A, %dma_wait3A_370, %dma_wait3A_371] : memref<5x128x128xf32, #tpu.memory_space<vmem>> -> memref<1x128x128xf32, #tpu.memory_space<vmem>>
        %dma_wait3A_373 = tpu.memref_squeeze %dma_wait3A_372 : memref<1x128x128xf32, #tpu.memory_space<vmem>> -> memref<128x128xf32, #tpu.memory_space<vmem>>
        %dma_wait3A_374 = arith.constant 0 : i32
        %dma_wait3A_375 = tpu.memref_slice %arg8[%add3A_369, %dma_wait3A_374] : memref<40x128xi32, #tpu.memory_space<vmem>> -> memref<1x128xi32, #tpu.memory_space<vmem>>
        %dma_wait3A_376 = tpu.memref_squeeze %dma_wait3A_375 : memref<1x128xi32, #tpu.memory_space<vmem>> -> memref<128xi32, #tpu.memory_space<vmem>>
        %dma_wait3A_377 = arith.constant 0 : i32
        %dma_wait3A_378 = arith.constant 0 : i32
        %dma_wait3A_379 = tpu.memref_slice %arg3[%dma_wait3A_377, %dma_wait3A_378] : memref<10000x128xf32, #tpu.memory_space<hbm>> -> memref<10000x128xf32, #tpu.memory_space<hbm>>
        tpu.wait_indirect_dma semaphore(%arg10 : memref<!tpu.dma_semaphore, #tpu.memory_space<semaphore_mem>>) src(%dma_wait3A_379 : memref<10000x128xf32, #tpu.memory_space<hbm>>) dst(%dma_wait3A_373 : memref<128x128xf32, #tpu.memory_space<vmem>>)
      } else {
      }
      %mul3A_234 = arith.constant 5 : i32
      %mul3A_235 = arith.muli %scan3A_8, %mul3A_234 : i32
      %add3A_236 = arith.addi %mul3A_2, %mul3A_235 : i32
      %add3A_237 = arith.constant 4 : i32
      %add3A_238 = arith.addi %add3A_236, %add3A_237 : i32
      %mul3A_239 = arith.constant 128 : i32
      %mul3A_240 = arith.muli %add3A_238, %mul3A_239 : i32
      %lt3A_241 = arith.constant 160000 : i32
      %lt3A_242 = arith.cmpi slt, %mul3A_240, %lt3A_241 : i32
      %convert_element_type3A_243 = arith.extui %lt3A_242 : i1 to i32
      %cond3A_244 = arith.constant 0 : i32
      %cond3A_245 = arith.cmpi ne, %convert_element_type3A_243, %cond3A_244 : i32
      scf.if %cond3A_245 {
        %mul3A_366 = arith.constant 5 : i32
        %mul3A_367 = arith.muli %scan3A_8, %mul3A_366 : i32
        %add3A_368 = arith.constant 4 : i32
        %add3A_369 = arith.addi %mul3A_367, %add3A_368 : i32
        %dma_wait3A = arith.constant 4 : i32
        %dma_wait3A_370 = arith.constant 0 : i32
        %dma_wait3A_371 = arith.constant 0 : i32
        %dma_wait3A_372 = tpu.memref_slice %arg9[%dma_wait3A, %dma_wait3A_370, %dma_wait3A_371] : memref<5x128x128xf32, #tpu.memory_space<vmem>> -> memref<1x128x128xf32, #tpu.memory_space<vmem>>
        %dma_wait3A_373 = tpu.memref_squeeze %dma_wait3A_372 : memref<1x128x128xf32, #tpu.memory_space<vmem>> -> memref<128x128xf32, #tpu.memory_space<vmem>>
        %dma_wait3A_374 = arith.constant 0 : i32
        %dma_wait3A_375 = tpu.memref_slice %arg8[%add3A_369, %dma_wait3A_374] : memref<40x128xi32, #tpu.memory_space<vmem>> -> memref<1x128xi32, #tpu.memory_space<vmem>>
        %dma_wait3A_376 = tpu.memref_squeeze %dma_wait3A_375 : memref<1x128xi32, #tpu.memory_space<vmem>> -> memref<128xi32, #tpu.memory_space<vmem>>
        %dma_wait3A_377 = arith.constant 0 : i32
        %dma_wait3A_378 = arith.constant 0 : i32
        %dma_wait3A_379 = tpu.memref_slice %arg3[%dma_wait3A_377, %dma_wait3A_378] : memref<10000x128xf32, #tpu.memory_space<hbm>> -> memref<10000x128xf32, #tpu.memory_space<hbm>>
        tpu.wait_indirect_dma semaphore(%arg10 : memref<!tpu.dma_semaphore, #tpu.memory_space<semaphore_mem>>) src(%dma_wait3A_379 : memref<10000x128xf32, #tpu.memory_space<hbm>>) dst(%dma_wait3A_373 : memref<128x128xf32, #tpu.memory_space<vmem>>)
      } else {
      }
      %mul3A_246 = arith.constant 5 : i32
      %mul3A_247 = arith.muli %scan3A_8, %mul3A_246 : i32
      %add3A_248 = arith.addi %mul3A_2, %mul3A_247 : i32
      %add3A_249 = arith.constant 0 : i32
      %add3A_250 = arith.addi %add3A_248, %add3A_249 : i32
      %mul3A_251 = arith.constant 128 : i32
      %mul3A_252 = arith.muli %add3A_250, %mul3A_251 : i32
      %lt3A_253 = arith.constant 160000 : i32
      %lt3A_254 = arith.cmpi slt, %mul3A_252, %lt3A_253 : i32
      %convert_element_type3A_255 = arith.extui %lt3A_254 : i1 to i32
      %cond3A_256 = arith.constant 0 : i32
      %cond3A_257 = arith.cmpi ne, %convert_element_type3A_255, %cond3A_256 : i32
      scf.if %cond3A_257 {
        %mul3A_366 = arith.constant 5 : i32
        %mul3A_367 = arith.muli %scan3A_8, %mul3A_366 : i32
        %add3A_368 = arith.addi %mul3A_2, %mul3A_367 : i32
        %add3A_369 = arith.constant 0 : i32
        %add3A_370 = arith.addi %add3A_368, %add3A_369 : i32
        %mul3A_371 = arith.constant 128 : i32
        %mul3A_372 = arith.muli %add3A_370, %mul3A_371 : i32
        %dma_start3A = arith.constant 0 : i32
        %dma_start3A_373 = arith.constant 0 : i32
        %dma_start3A_374 = arith.constant 0 : i32
        %dma_start3A_375 = tpu.memref_slice %arg9[%dma_start3A, %dma_start3A_373, %dma_start3A_374] : memref<5x128x128xf32, #tpu.memory_space<vmem>> -> memref<1x128x128xf32, #tpu.memory_space<vmem>>
        %dma_start3A_376 = tpu.memref_squeeze %dma_start3A_375 : memref<1x128x128xf32, #tpu.memory_space<vmem>> -> memref<128x128xf32, #tpu.memory_space<vmem>>
        %dma_start3A_377 = arith.constant 0 : i32
        %dma_start3A_378 = tpu.memref_slice %arg6[%mul3A_372, %dma_start3A_377] : memref<160000x128xf32, #tpu.memory_space<hbm>> -> memref<128x128xf32, #tpu.memory_space<hbm>>
        %dma_start3A_379 = arith.constant 0 : i32
        %dma_start3A_380 = tpu.memref_slice %arg6[%mul3A_372, %dma_start3A_379] : memref<160000x128xf32, #tpu.memory_space<hbm>> -> memref<128x128xf32, #tpu.memory_space<hbm>>
        %dma_start3A_381 = arith.constant 0 : i32
        %dma_start3A_382 = arith.constant 0 : i32
        %dma_start3A_383 = tpu.memref_slice %arg9[%dma_start3A, %dma_start3A_381, %dma_start3A_382] : memref<5x128x128xf32, #tpu.memory_space<vmem>> -> memref<1x128x128xf32, #tpu.memory_space<vmem>>
        %dma_start3A_384 = tpu.memref_squeeze %dma_start3A_383 : memref<1x128x128xf32, #tpu.memory_space<vmem>> -> memref<128x128xf32, #tpu.memory_space<vmem>>
        tpu.enqueue_dma source(%dma_start3A_384 : memref<128x128xf32, #tpu.memory_space<vmem>>) target(%dma_start3A_380 : memref<128x128xf32, #tpu.memory_space<hbm>>) target_semaphore(%arg11 : memref<!tpu.dma_semaphore, #tpu.memory_space<semaphore_mem>>)
      } else {
      }
      %mul3A_258 = arith.constant 5 : i32
      %mul3A_259 = arith.muli %scan3A_8, %mul3A_258 : i32
      %add3A_260 = arith.addi %mul3A_2, %mul3A_259 : i32
      %add3A_261 = arith.constant 1 : i32
      %add3A_262 = arith.addi %add3A_260, %add3A_261 : i32
      %mul3A_263 = arith.constant 128 : i32
      %mul3A_264 = arith.muli %add3A_262, %mul3A_263 : i32
      %lt3A_265 = arith.constant 160000 : i32
      %lt3A_266 = arith.cmpi slt, %mul3A_264, %lt3A_265 : i32
      %convert_element_type3A_267 = arith.extui %lt3A_266 : i1 to i32
      %cond3A_268 = arith.constant 0 : i32
      %cond3A_269 = arith.cmpi ne, %convert_element_type3A_267, %cond3A_268 : i32
      scf.if %cond3A_269 {
        %mul3A_366 = arith.constant 5 : i32
        %mul3A_367 = arith.muli %scan3A_8, %mul3A_366 : i32
        %add3A_368 = arith.addi %mul3A_2, %mul3A_367 : i32
        %add3A_369 = arith.constant 1 : i32
        %add3A_370 = arith.addi %add3A_368, %add3A_369 : i32
        %mul3A_371 = arith.constant 128 : i32
        %mul3A_372 = arith.muli %add3A_370, %mul3A_371 : i32
        %dma_start3A = arith.constant 1 : i32
        %dma_start3A_373 = arith.constant 0 : i32
        %dma_start3A_374 = arith.constant 0 : i32
        %dma_start3A_375 = tpu.memref_slice %arg9[%dma_start3A, %dma_start3A_373, %dma_start3A_374] : memref<5x128x128xf32, #tpu.memory_space<vmem>> -> memref<1x128x128xf32, #tpu.memory_space<vmem>>
        %dma_start3A_376 = tpu.memref_squeeze %dma_start3A_375 : memref<1x128x128xf32, #tpu.memory_space<vmem>> -> memref<128x128xf32, #tpu.memory_space<vmem>>
        %dma_start3A_377 = arith.constant 0 : i32
        %dma_start3A_378 = tpu.memref_slice %arg6[%mul3A_372, %dma_start3A_377] : memref<160000x128xf32, #tpu.memory_space<hbm>> -> memref<128x128xf32, #tpu.memory_space<hbm>>
        %dma_start3A_379 = arith.constant 0 : i32
        %dma_start3A_380 = tpu.memref_slice %arg6[%mul3A_372, %dma_start3A_379] : memref<160000x128xf32, #tpu.memory_space<hbm>> -> memref<128x128xf32, #tpu.memory_space<hbm>>
        %dma_start3A_381 = arith.constant 0 : i32
        %dma_start3A_382 = arith.constant 0 : i32
        %dma_start3A_383 = tpu.memref_slice %arg9[%dma_start3A, %dma_start3A_381, %dma_start3A_382] : memref<5x128x128xf32, #tpu.memory_space<vmem>> -> memref<1x128x128xf32, #tpu.memory_space<vmem>>
        %dma_start3A_384 = tpu.memref_squeeze %dma_start3A_383 : memref<1x128x128xf32, #tpu.memory_space<vmem>> -> memref<128x128xf32, #tpu.memory_space<vmem>>
        tpu.enqueue_dma source(%dma_start3A_384 : memref<128x128xf32, #tpu.memory_space<vmem>>) target(%dma_start3A_380 : memref<128x128xf32, #tpu.memory_space<hbm>>) target_semaphore(%arg11 : memref<!tpu.dma_semaphore, #tpu.memory_space<semaphore_mem>>)
      } else {
      }
      %mul3A_270 = arith.constant 5 : i32
      %mul3A_271 = arith.muli %scan3A_8, %mul3A_270 : i32
      %add3A_272 = arith.addi %mul3A_2, %mul3A_271 : i32
      %add3A_273 = arith.constant 2 : i32
      %add3A_274 = arith.addi %add3A_272, %add3A_273 : i32
      %mul3A_275 = arith.constant 128 : i32
      %mul3A_276 = arith.muli %add3A_274, %mul3A_275 : i32
      %lt3A_277 = arith.constant 160000 : i32
      %lt3A_278 = arith.cmpi slt, %mul3A_276, %lt3A_277 : i32
      %convert_element_type3A_279 = arith.extui %lt3A_278 : i1 to i32
      %cond3A_280 = arith.constant 0 : i32
      %cond3A_281 = arith.cmpi ne, %convert_element_type3A_279, %cond3A_280 : i32
      scf.if %cond3A_281 {
        %mul3A_366 = arith.constant 5 : i32
        %mul3A_367 = arith.muli %scan3A_8, %mul3A_366 : i32
        %add3A_368 = arith.addi %mul3A_2, %mul3A_367 : i32
        %add3A_369 = arith.constant 2 : i32
        %add3A_370 = arith.addi %add3A_368, %add3A_369 : i32
        %mul3A_371 = arith.constant 128 : i32
        %mul3A_372 = arith.muli %add3A_370, %mul3A_371 : i32
        %dma_start3A = arith.constant 2 : i32
        %dma_start3A_373 = arith.constant 0 : i32
        %dma_start3A_374 = arith.constant 0 : i32
        %dma_start3A_375 = tpu.memref_slice %arg9[%dma_start3A, %dma_start3A_373, %dma_start3A_374] : memref<5x128x128xf32, #tpu.memory_space<vmem>> -> memref<1x128x128xf32, #tpu.memory_space<vmem>>
        %dma_start3A_376 = tpu.memref_squeeze %dma_start3A_375 : memref<1x128x128xf32, #tpu.memory_space<vmem>> -> memref<128x128xf32, #tpu.memory_space<vmem>>
        %dma_start3A_377 = arith.constant 0 : i32
        %dma_start3A_378 = tpu.memref_slice %arg6[%mul3A_372, %dma_start3A_377] : memref<160000x128xf32, #tpu.memory_space<hbm>> -> memref<128x128xf32, #tpu.memory_space<hbm>>
        %dma_start3A_379 = arith.constant 0 : i32
        %dma_start3A_380 = tpu.memref_slice %arg6[%mul3A_372, %dma_start3A_379] : memref<160000x128xf32, #tpu.memory_space<hbm>> -> memref<128x128xf32, #tpu.memory_space<hbm>>
        %dma_start3A_381 = arith.constant 0 : i32
        %dma_start3A_382 = arith.constant 0 : i32
        %dma_start3A_383 = tpu.memref_slice %arg9[%dma_start3A, %dma_start3A_381, %dma_start3A_382] : memref<5x128x128xf32, #tpu.memory_space<vmem>> -> memref<1x128x128xf32, #tpu.memory_space<vmem>>
        %dma_start3A_384 = tpu.memref_squeeze %dma_start3A_383 : memref<1x128x128xf32, #tpu.memory_space<vmem>> -> memref<128x128xf32, #tpu.memory_space<vmem>>
        tpu.enqueue_dma source(%dma_start3A_384 : memref<128x128xf32, #tpu.memory_space<vmem>>) target(%dma_start3A_380 : memref<128x128xf32, #tpu.memory_space<hbm>>) target_semaphore(%arg11 : memref<!tpu.dma_semaphore, #tpu.memory_space<semaphore_mem>>)
      } else {
      }
      %mul3A_282 = arith.constant 5 : i32
      %mul3A_283 = arith.muli %scan3A_8, %mul3A_282 : i32
      %add3A_284 = arith.addi %mul3A_2, %mul3A_283 : i32
      %add3A_285 = arith.constant 3 : i32
      %add3A_286 = arith.addi %add3A_284, %add3A_285 : i32
      %mul3A_287 = arith.constant 128 : i32
      %mul3A_288 = arith.muli %add3A_286, %mul3A_287 : i32
      %lt3A_289 = arith.constant 160000 : i32
      %lt3A_290 = arith.cmpi slt, %mul3A_288, %lt3A_289 : i32
      %convert_element_type3A_291 = arith.extui %lt3A_290 : i1 to i32
      %cond3A_292 = arith.constant 0 : i32
      %cond3A_293 = arith.cmpi ne, %convert_element_type3A_291, %cond3A_292 : i32
      scf.if %cond3A_293 {
        %mul3A_366 = arith.constant 5 : i32
        %mul3A_367 = arith.muli %scan3A_8, %mul3A_366 : i32
        %add3A_368 = arith.addi %mul3A_2, %mul3A_367 : i32
        %add3A_369 = arith.constant 3 : i32
        %add3A_370 = arith.addi %add3A_368, %add3A_369 : i32
        %mul3A_371 = arith.constant 128 : i32
        %mul3A_372 = arith.muli %add3A_370, %mul3A_371 : i32
        %dma_start3A = arith.constant 3 : i32
        %dma_start3A_373 = arith.constant 0 : i32
        %dma_start3A_374 = arith.constant 0 : i32
        %dma_start3A_375 = tpu.memref_slice %arg9[%dma_start3A, %dma_start3A_373, %dma_start3A_374] : memref<5x128x128xf32, #tpu.memory_space<vmem>> -> memref<1x128x128xf32, #tpu.memory_space<vmem>>
        %dma_start3A_376 = tpu.memref_squeeze %dma_start3A_375 : memref<1x128x128xf32, #tpu.memory_space<vmem>> -> memref<128x128xf32, #tpu.memory_space<vmem>>
        %dma_start3A_377 = arith.constant 0 : i32
        %dma_start3A_378 = tpu.memref_slice %arg6[%mul3A_372, %dma_start3A_377] : memref<160000x128xf32, #tpu.memory_space<hbm>> -> memref<128x128xf32, #tpu.memory_space<hbm>>
        %dma_start3A_379 = arith.constant 0 : i32
        %dma_start3A_380 = tpu.memref_slice %arg6[%mul3A_372, %dma_start3A_379] : memref<160000x128xf32, #tpu.memory_space<hbm>> -> memref<128x128xf32, #tpu.memory_space<hbm>>
        %dma_start3A_381 = arith.constant 0 : i32
        %dma_start3A_382 = arith.constant 0 : i32
        %dma_start3A_383 = tpu.memref_slice %arg9[%dma_start3A, %dma_start3A_381, %dma_start3A_382] : memref<5x128x128xf32, #tpu.memory_space<vmem>> -> memref<1x128x128xf32, #tpu.memory_space<vmem>>
        %dma_start3A_384 = tpu.memref_squeeze %dma_start3A_383 : memref<1x128x128xf32, #tpu.memory_space<vmem>> -> memref<128x128xf32, #tpu.memory_space<vmem>>
        tpu.enqueue_dma source(%dma_start3A_384 : memref<128x128xf32, #tpu.memory_space<vmem>>) target(%dma_start3A_380 : memref<128x128xf32, #tpu.memory_space<hbm>>) target_semaphore(%arg11 : memref<!tpu.dma_semaphore, #tpu.memory_space<semaphore_mem>>)
      } else {
      }
      %mul3A_294 = arith.constant 5 : i32
      %mul3A_295 = arith.muli %scan3A_8, %mul3A_294 : i32
      %add3A_296 = arith.addi %mul3A_2, %mul3A_295 : i32
      %add3A_297 = arith.constant 4 : i32
      %add3A_298 = arith.addi %add3A_296, %add3A_297 : i32
      %mul3A_299 = arith.constant 128 : i32
      %mul3A_300 = arith.muli %add3A_298, %mul3A_299 : i32
      %lt3A_301 = arith.constant 160000 : i32
      %lt3A_302 = arith.cmpi slt, %mul3A_300, %lt3A_301 : i32
      %convert_element_type3A_303 = arith.extui %lt3A_302 : i1 to i32
      %cond3A_304 = arith.constant 0 : i32
      %cond3A_305 = arith.cmpi ne, %convert_element_type3A_303, %cond3A_304 : i32
      scf.if %cond3A_305 {
        %mul3A_366 = arith.constant 5 : i32
        %mul3A_367 = arith.muli %scan3A_8, %mul3A_366 : i32
        %add3A_368 = arith.addi %mul3A_2, %mul3A_367 : i32
        %add3A_369 = arith.constant 4 : i32
        %add3A_370 = arith.addi %add3A_368, %add3A_369 : i32
        %mul3A_371 = arith.constant 128 : i32
        %mul3A_372 = arith.muli %add3A_370, %mul3A_371 : i32
        %dma_start3A = arith.constant 4 : i32
        %dma_start3A_373 = arith.constant 0 : i32
        %dma_start3A_374 = arith.constant 0 : i32
        %dma_start3A_375 = tpu.memref_slice %arg9[%dma_start3A, %dma_start3A_373, %dma_start3A_374] : memref<5x128x128xf32, #tpu.memory_space<vmem>> -> memref<1x128x128xf32, #tpu.memory_space<vmem>>
        %dma_start3A_376 = tpu.memref_squeeze %dma_start3A_375 : memref<1x128x128xf32, #tpu.memory_space<vmem>> -> memref<128x128xf32, #tpu.memory_space<vmem>>
        %dma_start3A_377 = arith.constant 0 : i32
        %dma_start3A_378 = tpu.memref_slice %arg6[%mul3A_372, %dma_start3A_377] : memref<160000x128xf32, #tpu.memory_space<hbm>> -> memref<128x128xf32, #tpu.memory_space<hbm>>
        %dma_start3A_379 = arith.constant 0 : i32
        %dma_start3A_380 = tpu.memref_slice %arg6[%mul3A_372, %dma_start3A_379] : memref<160000x128xf32, #tpu.memory_space<hbm>> -> memref<128x128xf32, #tpu.memory_space<hbm>>
        %dma_start3A_381 = arith.constant 0 : i32
        %dma_start3A_382 = arith.constant 0 : i32
        %dma_start3A_383 = tpu.memref_slice %arg9[%dma_start3A, %dma_start3A_381, %dma_start3A_382] : memref<5x128x128xf32, #tpu.memory_space<vmem>> -> memref<1x128x128xf32, #tpu.memory_space<vmem>>
        %dma_start3A_384 = tpu.memref_squeeze %dma_start3A_383 : memref<1x128x128xf32, #tpu.memory_space<vmem>> -> memref<128x128xf32, #tpu.memory_space<vmem>>
        tpu.enqueue_dma source(%dma_start3A_384 : memref<128x128xf32, #tpu.memory_space<vmem>>) target(%dma_start3A_380 : memref<128x128xf32, #tpu.memory_space<hbm>>) target_semaphore(%arg11 : memref<!tpu.dma_semaphore, #tpu.memory_space<semaphore_mem>>)
      } else {
      }
      %mul3A_306 = arith.constant 5 : i32
      %mul3A_307 = arith.muli %scan3A_8, %mul3A_306 : i32
      %add3A_308 = arith.addi %mul3A_2, %mul3A_307 : i32
      %add3A_309 = arith.constant 0 : i32
      %add3A_310 = arith.addi %add3A_308, %add3A_309 : i32
      %mul3A_311 = arith.constant 128 : i32
      %mul3A_312 = arith.muli %add3A_310, %mul3A_311 : i32
      %lt3A_313 = arith.constant 160000 : i32
      %lt3A_314 = arith.cmpi slt, %mul3A_312, %lt3A_313 : i32
      %convert_element_type3A_315 = arith.extui %lt3A_314 : i1 to i32
      %cond3A_316 = arith.constant 0 : i32
      %cond3A_317 = arith.cmpi ne, %convert_element_type3A_315, %cond3A_316 : i32
      scf.if %cond3A_317 {
        %mul3A_366 = arith.constant 5 : i32
        %mul3A_367 = arith.muli %scan3A_8, %mul3A_366 : i32
        %add3A_368 = arith.addi %mul3A_2, %mul3A_367 : i32
        %add3A_369 = arith.constant 0 : i32
        %add3A_370 = arith.addi %add3A_368, %add3A_369 : i32
        %mul3A_371 = arith.constant 128 : i32
        %mul3A_372 = arith.muli %add3A_370, %mul3A_371 : i32
        %dma_wait3A = arith.constant 0 : i32
        %dma_wait3A_373 = arith.constant 0 : i32
        %dma_wait3A_374 = arith.constant 0 : i32
        %dma_wait3A_375 = tpu.memref_slice %arg9[%dma_wait3A, %dma_wait3A_373, %dma_wait3A_374] : memref<5x128x128xf32, #tpu.memory_space<vmem>> -> memref<1x128x128xf32, #tpu.memory_space<vmem>>
        %dma_wait3A_376 = tpu.memref_squeeze %dma_wait3A_375 : memref<1x128x128xf32, #tpu.memory_space<vmem>> -> memref<128x128xf32, #tpu.memory_space<vmem>>
        %dma_wait3A_377 = arith.constant 0 : i32
        %dma_wait3A_378 = tpu.memref_slice %arg6[%mul3A_372, %dma_wait3A_377] : memref<160000x128xf32, #tpu.memory_space<hbm>> -> memref<128x128xf32, #tpu.memory_space<hbm>>
        %dma_wait3A_379 = arith.constant 0 : i32
        %dma_wait3A_380 = tpu.memref_slice %arg6[%mul3A_372, %dma_wait3A_379] : memref<160000x128xf32, #tpu.memory_space<hbm>> -> memref<128x128xf32, #tpu.memory_space<hbm>>
        %dma_wait3A_381 = arith.constant 0 : i32
        %dma_wait3A_382 = arith.constant 0 : i32
        %dma_wait3A_383 = tpu.memref_slice %arg9[%dma_wait3A, %dma_wait3A_381, %dma_wait3A_382] : memref<5x128x128xf32, #tpu.memory_space<vmem>> -> memref<1x128x128xf32, #tpu.memory_space<vmem>>
        %dma_wait3A_384 = tpu.memref_squeeze %dma_wait3A_383 : memref<1x128x128xf32, #tpu.memory_space<vmem>> -> memref<128x128xf32, #tpu.memory_space<vmem>>
        tpu.wait_dma2 semaphore(%arg11 : memref<!tpu.dma_semaphore, #tpu.memory_space<semaphore_mem>>) src(%dma_wait3A_384 : memref<128x128xf32, #tpu.memory_space<vmem>>) dst(%dma_wait3A_380 : memref<128x128xf32, #tpu.memory_space<hbm>>)
      } else {
      }
      %mul3A_318 = arith.constant 5 : i32
      %mul3A_319 = arith.muli %scan3A_8, %mul3A_318 : i32
      %add3A_320 = arith.addi %mul3A_2, %mul3A_319 : i32
      %add3A_321 = arith.constant 1 : i32
      %add3A_322 = arith.addi %add3A_320, %add3A_321 : i32
      %mul3A_323 = arith.constant 128 : i32
      %mul3A_324 = arith.muli %add3A_322, %mul3A_323 : i32
      %lt3A_325 = arith.constant 160000 : i32
      %lt3A_326 = arith.cmpi slt, %mul3A_324, %lt3A_325 : i32
      %convert_element_type3A_327 = arith.extui %lt3A_326 : i1 to i32
      %cond3A_328 = arith.constant 0 : i32
      %cond3A_329 = arith.cmpi ne, %convert_element_type3A_327, %cond3A_328 : i32
      scf.if %cond3A_329 {
        %mul3A_366 = arith.constant 5 : i32
        %mul3A_367 = arith.muli %scan3A_8, %mul3A_366 : i32
        %add3A_368 = arith.addi %mul3A_2, %mul3A_367 : i32
        %add3A_369 = arith.constant 1 : i32
        %add3A_370 = arith.addi %add3A_368, %add3A_369 : i32
        %mul3A_371 = arith.constant 128 : i32
        %mul3A_372 = arith.muli %add3A_370, %mul3A_371 : i32
        %dma_wait3A = arith.constant 1 : i32
        %dma_wait3A_373 = arith.constant 0 : i32
        %dma_wait3A_374 = arith.constant 0 : i32
        %dma_wait3A_375 = tpu.memref_slice %arg9[%dma_wait3A, %dma_wait3A_373, %dma_wait3A_374] : memref<5x128x128xf32, #tpu.memory_space<vmem>> -> memref<1x128x128xf32, #tpu.memory_space<vmem>>
        %dma_wait3A_376 = tpu.memref_squeeze %dma_wait3A_375 : memref<1x128x128xf32, #tpu.memory_space<vmem>> -> memref<128x128xf32, #tpu.memory_space<vmem>>
        %dma_wait3A_377 = arith.constant 0 : i32
        %dma_wait3A_378 = tpu.memref_slice %arg6[%mul3A_372, %dma_wait3A_377] : memref<160000x128xf32, #tpu.memory_space<hbm>> -> memref<128x128xf32, #tpu.memory_space<hbm>>
        %dma_wait3A_379 = arith.constant 0 : i32
        %dma_wait3A_380 = tpu.memref_slice %arg6[%mul3A_372, %dma_wait3A_379] : memref<160000x128xf32, #tpu.memory_space<hbm>> -> memref<128x128xf32, #tpu.memory_space<hbm>>
        %dma_wait3A_381 = arith.constant 0 : i32
        %dma_wait3A_382 = arith.constant 0 : i32
        %dma_wait3A_383 = tpu.memref_slice %arg9[%dma_wait3A, %dma_wait3A_381, %dma_wait3A_382] : memref<5x128x128xf32, #tpu.memory_space<vmem>> -> memref<1x128x128xf32, #tpu.memory_space<vmem>>
        %dma_wait3A_384 = tpu.memref_squeeze %dma_wait3A_383 : memref<1x128x128xf32, #tpu.memory_space<vmem>> -> memref<128x128xf32, #tpu.memory_space<vmem>>
        tpu.wait_dma2 semaphore(%arg11 : memref<!tpu.dma_semaphore, #tpu.memory_space<semaphore_mem>>) src(%dma_wait3A_384 : memref<128x128xf32, #tpu.memory_space<vmem>>) dst(%dma_wait3A_380 : memref<128x128xf32, #tpu.memory_space<hbm>>)
      } else {
      }
      %mul3A_330 = arith.constant 5 : i32
      %mul3A_331 = arith.muli %scan3A_8, %mul3A_330 : i32
      %add3A_332 = arith.addi %mul3A_2, %mul3A_331 : i32
      %add3A_333 = arith.constant 2 : i32
      %add3A_334 = arith.addi %add3A_332, %add3A_333 : i32
      %mul3A_335 = arith.constant 128 : i32
      %mul3A_336 = arith.muli %add3A_334, %mul3A_335 : i32
      %lt3A_337 = arith.constant 160000 : i32
      %lt3A_338 = arith.cmpi slt, %mul3A_336, %lt3A_337 : i32
      %convert_element_type3A_339 = arith.extui %lt3A_338 : i1 to i32
      %cond3A_340 = arith.constant 0 : i32
      %cond3A_341 = arith.cmpi ne, %convert_element_type3A_339, %cond3A_340 : i32
      scf.if %cond3A_341 {
        %mul3A_366 = arith.constant 5 : i32
        %mul3A_367 = arith.muli %scan3A_8, %mul3A_366 : i32
        %add3A_368 = arith.addi %mul3A_2, %mul3A_367 : i32
        %add3A_369 = arith.constant 2 : i32
        %add3A_370 = arith.addi %add3A_368, %add3A_369 : i32
        %mul3A_371 = arith.constant 128 : i32
        %mul3A_372 = arith.muli %add3A_370, %mul3A_371 : i32
        %dma_wait3A = arith.constant 2 : i32
        %dma_wait3A_373 = arith.constant 0 : i32
        %dma_wait3A_374 = arith.constant 0 : i32
        %dma_wait3A_375 = tpu.memref_slice %arg9[%dma_wait3A, %dma_wait3A_373, %dma_wait3A_374] : memref<5x128x128xf32, #tpu.memory_space<vmem>> -> memref<1x128x128xf32, #tpu.memory_space<vmem>>
        %dma_wait3A_376 = tpu.memref_squeeze %dma_wait3A_375 : memref<1x128x128xf32, #tpu.memory_space<vmem>> -> memref<128x128xf32, #tpu.memory_space<vmem>>
        %dma_wait3A_377 = arith.constant 0 : i32
        %dma_wait3A_378 = tpu.memref_slice %arg6[%mul3A_372, %dma_wait3A_377] : memref<160000x128xf32, #tpu.memory_space<hbm>> -> memref<128x128xf32, #tpu.memory_space<hbm>>
        %dma_wait3A_379 = arith.constant 0 : i32
        %dma_wait3A_380 = tpu.memref_slice %arg6[%mul3A_372, %dma_wait3A_379] : memref<160000x128xf32, #tpu.memory_space<hbm>> -> memref<128x128xf32, #tpu.memory_space<hbm>>
        %dma_wait3A_381 = arith.constant 0 : i32
        %dma_wait3A_382 = arith.constant 0 : i32
        %dma_wait3A_383 = tpu.memref_slice %arg9[%dma_wait3A, %dma_wait3A_381, %dma_wait3A_382] : memref<5x128x128xf32, #tpu.memory_space<vmem>> -> memref<1x128x128xf32, #tpu.memory_space<vmem>>
        %dma_wait3A_384 = tpu.memref_squeeze %dma_wait3A_383 : memref<1x128x128xf32, #tpu.memory_space<vmem>> -> memref<128x128xf32, #tpu.memory_space<vmem>>
        tpu.wait_dma2 semaphore(%arg11 : memref<!tpu.dma_semaphore, #tpu.memory_space<semaphore_mem>>) src(%dma_wait3A_384 : memref<128x128xf32, #tpu.memory_space<vmem>>) dst(%dma_wait3A_380 : memref<128x128xf32, #tpu.memory_space<hbm>>)
      } else {
      }
      %mul3A_342 = arith.constant 5 : i32
      %mul3A_343 = arith.muli %scan3A_8, %mul3A_342 : i32
      %add3A_344 = arith.addi %mul3A_2, %mul3A_343 : i32
      %add3A_345 = arith.constant 3 : i32
      %add3A_346 = arith.addi %add3A_344, %add3A_345 : i32
      %mul3A_347 = arith.constant 128 : i32
      %mul3A_348 = arith.muli %add3A_346, %mul3A_347 : i32
      %lt3A_349 = arith.constant 160000 : i32
      %lt3A_350 = arith.cmpi slt, %mul3A_348, %lt3A_349 : i32
      %convert_element_type3A_351 = arith.extui %lt3A_350 : i1 to i32
      %cond3A_352 = arith.constant 0 : i32
      %cond3A_353 = arith.cmpi ne, %convert_element_type3A_351, %cond3A_352 : i32
      scf.if %cond3A_353 {
        %mul3A_366 = arith.constant 5 : i32
        %mul3A_367 = arith.muli %scan3A_8, %mul3A_366 : i32
        %add3A_368 = arith.addi %mul3A_2, %mul3A_367 : i32
        %add3A_369 = arith.constant 3 : i32
        %add3A_370 = arith.addi %add3A_368, %add3A_369 : i32
        %mul3A_371 = arith.constant 128 : i32
        %mul3A_372 = arith.muli %add3A_370, %mul3A_371 : i32
        %dma_wait3A = arith.constant 3 : i32
        %dma_wait3A_373 = arith.constant 0 : i32
        %dma_wait3A_374 = arith.constant 0 : i32
        %dma_wait3A_375 = tpu.memref_slice %arg9[%dma_wait3A, %dma_wait3A_373, %dma_wait3A_374] : memref<5x128x128xf32, #tpu.memory_space<vmem>> -> memref<1x128x128xf32, #tpu.memory_space<vmem>>
        %dma_wait3A_376 = tpu.memref_squeeze %dma_wait3A_375 : memref<1x128x128xf32, #tpu.memory_space<vmem>> -> memref<128x128xf32, #tpu.memory_space<vmem>>
        %dma_wait3A_377 = arith.constant 0 : i32
        %dma_wait3A_378 = tpu.memref_slice %arg6[%mul3A_372, %dma_wait3A_377] : memref<160000x128xf32, #tpu.memory_space<hbm>> -> memref<128x128xf32, #tpu.memory_space<hbm>>
        %dma_wait3A_379 = arith.constant 0 : i32
        %dma_wait3A_380 = tpu.memref_slice %arg6[%mul3A_372, %dma_wait3A_379] : memref<160000x128xf32, #tpu.memory_space<hbm>> -> memref<128x128xf32, #tpu.memory_space<hbm>>
        %dma_wait3A_381 = arith.constant 0 : i32
        %dma_wait3A_382 = arith.constant 0 : i32
        %dma_wait3A_383 = tpu.memref_slice %arg9[%dma_wait3A, %dma_wait3A_381, %dma_wait3A_382] : memref<5x128x128xf32, #tpu.memory_space<vmem>> -> memref<1x128x128xf32, #tpu.memory_space<vmem>>
        %dma_wait3A_384 = tpu.memref_squeeze %dma_wait3A_383 : memref<1x128x128xf32, #tpu.memory_space<vmem>> -> memref<128x128xf32, #tpu.memory_space<vmem>>
        tpu.wait_dma2 semaphore(%arg11 : memref<!tpu.dma_semaphore, #tpu.memory_space<semaphore_mem>>) src(%dma_wait3A_384 : memref<128x128xf32, #tpu.memory_space<vmem>>) dst(%dma_wait3A_380 : memref<128x128xf32, #tpu.memory_space<hbm>>)
      } else {
      }
      %mul3A_354 = arith.constant 5 : i32
      %mul3A_355 = arith.muli %scan3A_8, %mul3A_354 : i32
      %add3A_356 = arith.addi %mul3A_2, %mul3A_355 : i32
      %add3A_357 = arith.constant 4 : i32
      %add3A_358 = arith.addi %add3A_356, %add3A_357 : i32
      %mul3A_359 = arith.constant 128 : i32
      %mul3A_360 = arith.muli %add3A_358, %mul3A_359 : i32
      %lt3A_361 = arith.constant 160000 : i32
      %lt3A_362 = arith.cmpi slt, %mul3A_360, %lt3A_361 : i32
      %convert_element_type3A_363 = arith.extui %lt3A_362 : i1 to i32
      %cond3A_364 = arith.constant 0 : i32
      %cond3A_365 = arith.cmpi ne, %convert_element_type3A_363, %cond3A_364 : i32
      scf.if %cond3A_365 {
        %mul3A_366 = arith.constant 5 : i32
        %mul3A_367 = arith.muli %scan3A_8, %mul3A_366 : i32
        %add3A_368 = arith.addi %mul3A_2, %mul3A_367 : i32
        %add3A_369 = arith.constant 4 : i32
        %add3A_370 = arith.addi %add3A_368, %add3A_369 : i32
        %mul3A_371 = arith.constant 128 : i32
        %mul3A_372 = arith.muli %add3A_370, %mul3A_371 : i32
        %dma_wait3A = arith.constant 4 : i32
        %dma_wait3A_373 = arith.constant 0 : i32
        %dma_wait3A_374 = arith.constant 0 : i32
        %dma_wait3A_375 = tpu.memref_slice %arg9[%dma_wait3A, %dma_wait3A_373, %dma_wait3A_374] : memref<5x128x128xf32, #tpu.memory_space<vmem>> -> memref<1x128x128xf32, #tpu.memory_space<vmem>>
        %dma_wait3A_376 = tpu.memref_squeeze %dma_wait3A_375 : memref<1x128x128xf32, #tpu.memory_space<vmem>> -> memref<128x128xf32, #tpu.memory_space<vmem>>
        %dma_wait3A_377 = arith.constant 0 : i32
        %dma_wait3A_378 = tpu.memref_slice %arg6[%mul3A_372, %dma_wait3A_377] : memref<160000x128xf32, #tpu.memory_space<hbm>> -> memref<128x128xf32, #tpu.memory_space<hbm>>
        %dma_wait3A_379 = arith.constant 0 : i32
        %dma_wait3A_380 = tpu.memref_slice %arg6[%mul3A_372, %dma_wait3A_379] : memref<160000x128xf32, #tpu.memory_space<hbm>> -> memref<128x128xf32, #tpu.memory_space<hbm>>
        %dma_wait3A_381 = arith.constant 0 : i32
        %dma_wait3A_382 = arith.constant 0 : i32
        %dma_wait3A_383 = tpu.memref_slice %arg9[%dma_wait3A, %dma_wait3A_381, %dma_wait3A_382] : memref<5x128x128xf32, #tpu.memory_space<vmem>> -> memref<1x128x128xf32, #tpu.memory_space<vmem>>
        %dma_wait3A_384 = tpu.memref_squeeze %dma_wait3A_383 : memref<1x128x128xf32, #tpu.memory_space<vmem>> -> memref<128x128xf32, #tpu.memory_space<vmem>>
        tpu.wait_dma2 semaphore(%arg11 : memref<!tpu.dma_semaphore, #tpu.memory_space<semaphore_mem>>) src(%dma_wait3A_384 : memref<128x128xf32, #tpu.memory_space<vmem>>) dst(%dma_wait3A_380 : memref<128x128xf32, #tpu.memory_space<hbm>>)
      } else {
      }
    }
    %scan3A_7 = arith.constant 8 : i32
    return
  }
}

#map = affine_map<(d0, d1) -> (0, 0)>
#map1 = affine_map<(d0, d1) -> (0, 0, 0)>
module attributes {stable_mosaic.version = 14 : i64} {
  func.func @_scatter_body(%arg0: i32, %arg1: i32, %arg2: memref<160000x128xf32, #tpu.memory_space<hbm>>, %arg3: memref<1280x128xi32, #tpu.memory_space<hbm>>, %arg4: memref<10240x128xf32, #tpu.memory_space<hbm>>, %arg5: memref<2x10240x128xf32, #tpu.memory_space<hbm>>, %arg6: memref<40x128xi32, #tpu.memory_space<vmem>>, %arg7: memref<128x128xf32, #tpu.memory_space<vmem>>, %arg8: memref<128x128xf32, #tpu.memory_space<vmem>>, %arg9: memref<10240x128xf32, #tpu.memory_space<vmem_shared>>, %arg10: memref<!tpu.dma_semaphore, #tpu.memory_space<semaphore_mem>>, %arg11: memref<!tpu.dma_semaphore, #tpu.memory_space<semaphore_mem>>) attributes {dimension_semantics = [#tpu.dimension_semantics<core_parallel>, #tpu.dimension_semantics<subcore_parallel>], iteration_bounds = array<i64: 2, 16>, scalar_prefetch = 0 : i64, scratch_operands = 6 : i64, tpu.core_type = #tpu.core_type<sc_vector_subcore>, window_params = [{transform_indices = #map}, {transform_indices = #map}, {transform_indices = #map}, {transform_indices = #map1}]} {
    %mul3A = arith.constant 2 : i32
    %mul3A_0 = arith.muli %arg1, %mul3A : i32
    %add3A = arith.addi %mul3A_0, %arg0 : i32
    %mul3A_1 = arith.constant 40 : i32
    %mul3A_2 = arith.muli %add3A, %mul3A_1 : i32
    %mul3A_3 = arith.constant 640 : i32
    %mul3A_4 = arith.muli %arg1, %mul3A_3 : i32
    "tpu.region"() ({
      %run_scoped3A = tpu.sem_alloc : memref<!tpu.dma_semaphore, #tpu.memory_space<semaphore_mem>>
      %dma_start3A = arith.constant 0 : i32
      %dma_start3A_62 = tpu.memref_slice %arg9[%mul3A_4, %dma_start3A] : memref<10240x128xf32, #tpu.memory_space<vmem_shared>> -> memref<640x128xf32, #tpu.memory_space<vmem_shared>>
      %dma_start3A_63 = arith.constant 0 : i32
      %dma_start3A_64 = tpu.memref_slice %arg4[%mul3A_4, %dma_start3A_63] : memref<10240x128xf32, #tpu.memory_space<hbm>> -> memref<640x128xf32, #tpu.memory_space<hbm>>
      tpu.enqueue_dma source(%dma_start3A_64 : memref<640x128xf32, #tpu.memory_space<hbm>>) target(%dma_start3A_62 : memref<640x128xf32, #tpu.memory_space<vmem_shared>>) target_semaphore(%run_scoped3A : memref<!tpu.dma_semaphore, #tpu.memory_space<semaphore_mem>>)
      %dma_wait3A = arith.constant 0 : i32
      %dma_wait3A_65 = tpu.memref_slice %arg9[%mul3A_4, %dma_wait3A] : memref<10240x128xf32, #tpu.memory_space<vmem_shared>> -> memref<640x128xf32, #tpu.memory_space<vmem_shared>>
      %dma_wait3A_66 = arith.constant 0 : i32
      %dma_wait3A_67 = tpu.memref_slice %arg4[%mul3A_4, %dma_wait3A_66] : memref<10240x128xf32, #tpu.memory_space<hbm>> -> memref<640x128xf32, #tpu.memory_space<hbm>>
      tpu.wait_dma2 semaphore(%run_scoped3A : memref<!tpu.dma_semaphore, #tpu.memory_space<semaphore_mem>>) src(%dma_wait3A_67 : memref<640x128xf32, #tpu.memory_space<hbm>>) dst(%dma_wait3A_65 : memref<640x128xf32, #tpu.memory_space<vmem_shared>>)
      tpu.yield
    }) : () -> ()
    "tpu.region"() ({
      %run_scoped3A = tpu.sem_alloc : memref<!tpu.dma_semaphore, #tpu.memory_space<semaphore_mem>>
      %dma_start3A = arith.constant 0 : i32
      %dma_start3A_62 = tpu.memref_slice %arg3[%mul3A_2, %dma_start3A] : memref<1280x128xi32, #tpu.memory_space<hbm>> -> memref<40x128xi32, #tpu.memory_space<hbm>>
      %dma_start3A_63 = arith.constant 0 : i32
      %dma_start3A_64 = tpu.memref_slice %arg3[%mul3A_2, %dma_start3A_63] : memref<1280x128xi32, #tpu.memory_space<hbm>> -> memref<40x128xi32, #tpu.memory_space<hbm>>
      tpu.enqueue_dma source(%dma_start3A_64 : memref<40x128xi32, #tpu.memory_space<hbm>>) target(%arg6 : memref<40x128xi32, #tpu.memory_space<vmem>>) target_semaphore(%run_scoped3A : memref<!tpu.dma_semaphore, #tpu.memory_space<semaphore_mem>>)
      %dma_wait3A = arith.constant 0 : i32
      %dma_wait3A_65 = tpu.memref_slice %arg3[%mul3A_2, %dma_wait3A] : memref<1280x128xi32, #tpu.memory_space<hbm>> -> memref<40x128xi32, #tpu.memory_space<hbm>>
      %dma_wait3A_66 = arith.constant 0 : i32
      %dma_wait3A_67 = tpu.memref_slice %arg3[%mul3A_2, %dma_wait3A_66] : memref<1280x128xi32, #tpu.memory_space<hbm>> -> memref<40x128xi32, #tpu.memory_space<hbm>>
      tpu.wait_dma2 semaphore(%run_scoped3A : memref<!tpu.dma_semaphore, #tpu.memory_space<semaphore_mem>>) src(%dma_wait3A_67 : memref<40x128xi32, #tpu.memory_space<hbm>>) dst(%arg6 : memref<40x128xi32, #tpu.memory_space<vmem>>)
      tpu.yield
    }) : () -> ()
    %barrier3A = arith.constant 0 : index
    tpu.barrier barrier_id(%barrier3A)
    %add3A_5 = arith.constant 0 : i32
    %add3A_6 = arith.addi %mul3A_2, %add3A_5 : i32
    %mul3A_7 = arith.constant 128 : i32
    %mul3A_8 = arith.muli %add3A_6, %mul3A_7 : i32
    %lt3A = arith.constant 160000 : i32
    %lt3A_9 = arith.cmpi slt, %mul3A_8, %lt3A : i32
    %convert_element_type3A = arith.extui %lt3A_9 : i1 to i32
    %cond3A = arith.constant 0 : i32
    %cond3A_10 = arith.cmpi ne, %convert_element_type3A, %cond3A : i32
    scf.if %cond3A_10 {
      %add3A_62 = arith.constant 0 : i32
      %add3A_63 = arith.addi %mul3A_2, %add3A_62 : i32
      %mul3A_64 = arith.constant 128 : i32
      %mul3A_65 = arith.muli %add3A_63, %mul3A_64 : i32
      %dma_start3A = arith.constant 0 : i32
      %dma_start3A_66 = tpu.memref_slice %arg2[%mul3A_65, %dma_start3A] : memref<160000x128xf32, #tpu.memory_space<hbm>> -> memref<128x128xf32, #tpu.memory_space<hbm>>
      %dma_start3A_67 = arith.constant 0 : i32
      %dma_start3A_68 = tpu.memref_slice %arg2[%mul3A_65, %dma_start3A_67] : memref<160000x128xf32, #tpu.memory_space<hbm>> -> memref<128x128xf32, #tpu.memory_space<hbm>>
      tpu.enqueue_dma source(%dma_start3A_68 : memref<128x128xf32, #tpu.memory_space<hbm>>) target(%arg7 : memref<128x128xf32, #tpu.memory_space<vmem>>) target_semaphore(%arg10 : memref<!tpu.dma_semaphore, #tpu.memory_space<semaphore_mem>>)
    } else {
    }
    %scan3A = arith.constant 0 : i32
    %scan3A_11 = arith.constant 0 : i32
    %scan3A_12 = arith.constant 19 : i32
    %scan3A_13 = arith.addi %scan3A_11, %scan3A_12 : i32
    %scan3A_14 = arith.constant 1 : i32
    scf.for %scan3A_62 = %scan3A_11 to %scan3A_13 step %scan3A_14  : i32 {
      %mul3A_63 = arith.constant 2 : i32
      %mul3A_64 = arith.muli %scan3A_62, %mul3A_63 : i32
      %add3A_65 = arith.addi %mul3A_2, %mul3A_64 : i32
      %mul3A_66 = arith.constant 128 : i32
      %mul3A_67 = arith.muli %add3A_65, %mul3A_66 : i32
      %lt3A_68 = arith.constant 160000 : i32
      %lt3A_69 = arith.cmpi slt, %mul3A_67, %lt3A_68 : i32
      %convert_element_type3A_70 = arith.extui %lt3A_69 : i1 to i32
      %cond3A_71 = arith.constant 0 : i32
      %cond3A_72 = arith.cmpi ne, %convert_element_type3A_70, %cond3A_71 : i32
      scf.if %cond3A_72 {
        %add3A_121 = arith.addi %mul3A_2, %mul3A_64 : i32
        %mul3A_122 = arith.constant 128 : i32
        %mul3A_123 = arith.muli %add3A_121, %mul3A_122 : i32
        %dma_wait3A = arith.constant 0 : i32
        %dma_wait3A_124 = tpu.memref_slice %arg2[%mul3A_123, %dma_wait3A] : memref<160000x128xf32, #tpu.memory_space<hbm>> -> memref<128x128xf32, #tpu.memory_space<hbm>>
        %dma_wait3A_125 = arith.constant 0 : i32
        %dma_wait3A_126 = tpu.memref_slice %arg2[%mul3A_123, %dma_wait3A_125] : memref<160000x128xf32, #tpu.memory_space<hbm>> -> memref<128x128xf32, #tpu.memory_space<hbm>>
        tpu.wait_dma2 semaphore(%arg10 : memref<!tpu.dma_semaphore, #tpu.memory_space<semaphore_mem>>) src(%dma_wait3A_126 : memref<128x128xf32, #tpu.memory_space<hbm>>) dst(%arg7 : memref<128x128xf32, #tpu.memory_space<vmem>>)
      } else {
      }
      %add3A_73 = arith.constant 1 : i32
      %add3A_74 = arith.addi %mul3A_64, %add3A_73 : i32
      %add3A_75 = arith.addi %mul3A_2, %add3A_74 : i32
      %mul3A_76 = arith.constant 128 : i32
      %mul3A_77 = arith.muli %add3A_75, %mul3A_76 : i32
      %lt3A_78 = arith.constant 160000 : i32
      %lt3A_79 = arith.cmpi slt, %mul3A_77, %lt3A_78 : i32
      %convert_element_type3A_80 = arith.extui %lt3A_79 : i1 to i32
      %cond3A_81 = arith.constant 0 : i32
      %cond3A_82 = arith.cmpi ne, %convert_element_type3A_80, %cond3A_81 : i32
      scf.if %cond3A_82 {
        %add3A_121 = arith.addi %mul3A_2, %add3A_74 : i32
        %mul3A_122 = arith.constant 128 : i32
        %mul3A_123 = arith.muli %add3A_121, %mul3A_122 : i32
        %dma_start3A = arith.constant 0 : i32
        %dma_start3A_124 = tpu.memref_slice %arg2[%mul3A_123, %dma_start3A] : memref<160000x128xf32, #tpu.memory_space<hbm>> -> memref<128x128xf32, #tpu.memory_space<hbm>>
        %dma_start3A_125 = arith.constant 0 : i32
        %dma_start3A_126 = tpu.memref_slice %arg2[%mul3A_123, %dma_start3A_125] : memref<160000x128xf32, #tpu.memory_space<hbm>> -> memref<128x128xf32, #tpu.memory_space<hbm>>
        tpu.enqueue_dma source(%dma_start3A_126 : memref<128x128xf32, #tpu.memory_space<hbm>>) target(%arg8 : memref<128x128xf32, #tpu.memory_space<vmem>>) target_semaphore(%arg10 : memref<!tpu.dma_semaphore, #tpu.memory_space<semaphore_mem>>)
      } else {
      }
      %add3A_83 = arith.addi %mul3A_2, %mul3A_64 : i32
      %mul3A_84 = arith.constant 128 : i32
      %mul3A_85 = arith.muli %add3A_83, %mul3A_84 : i32
      %lt3A_86 = arith.constant 160000 : i32
      %lt3A_87 = arith.cmpi slt, %mul3A_85, %lt3A_86 : i32
      %convert_element_type3A_88 = arith.extui %lt3A_87 : i1 to i32
      %cond3A_89 = arith.constant 0 : i32
      %cond3A_90 = arith.cmpi ne, %convert_element_type3A_88, %cond3A_89 : i32
      scf.if %cond3A_90 {
        "tpu.region"() ({
          %run_scoped3A = tpu.sem_alloc : memref<!tpu.dma_semaphore, #tpu.memory_space<semaphore_mem>>
          %dma_start3A = arith.constant 0 : i32
          %dma_start3A_121 = tpu.memref_slice %arg6[%mul3A_64, %dma_start3A] : memref<40x128xi32, #tpu.memory_space<vmem>> -> memref<1x128xi32, #tpu.memory_space<vmem>>
          %dma_start3A_122 = tpu.memref_squeeze %dma_start3A_121 : memref<1x128xi32, #tpu.memory_space<vmem>> -> memref<128xi32, #tpu.memory_space<vmem>>
          %dma_start3A_123 = arith.constant 0 : i32
          %dma_start3A_124 = arith.constant 0 : i32
          %dma_start3A_125 = tpu.memref_slice %arg9[%dma_start3A_123, %dma_start3A_124] : memref<10240x128xf32, #tpu.memory_space<vmem_shared>> -> memref<10240x128xf32, #tpu.memory_space<vmem_shared>>
          tpu.enqueue_indirect_dma source(%arg7 : memref<128x128xf32, #tpu.memory_space<vmem>>) target(%dma_start3A_125 : memref<10240x128xf32, #tpu.memory_space<vmem_shared>>) offsets(%dma_start3A_122 : memref<128xi32, #tpu.memory_space<vmem>>) semaphore(%run_scoped3A : memref<!tpu.dma_semaphore, #tpu.memory_space<semaphore_mem>>) {add = true}
          %dma_wait3A = arith.constant 0 : i32
          %dma_wait3A_126 = tpu.memref_slice %arg6[%mul3A_64, %dma_wait3A] : memref<40x128xi32, #tpu.memory_space<vmem>> -> memref<1x128xi32, #tpu.memory_space<vmem>>
          %dma_wait3A_127 = tpu.memref_squeeze %dma_wait3A_126 : memref<1x128xi32, #tpu.memory_space<vmem>> -> memref<128xi32, #tpu.memory_space<vmem>>
          %dma_wait3A_128 = arith.constant 0 : i32
          %dma_wait3A_129 = arith.constant 0 : i32
          %dma_wait3A_130 = tpu.memref_slice %arg9[%dma_wait3A_128, %dma_wait3A_129] : memref<10240x128xf32, #tpu.memory_space<vmem_shared>> -> memref<10240x128xf32, #tpu.memory_space<vmem_shared>>
          tpu.wait_indirect_dma semaphore(%run_scoped3A : memref<!tpu.dma_semaphore, #tpu.memory_space<semaphore_mem>>) src(%arg7 : memref<128x128xf32, #tpu.memory_space<vmem>>) dst(%dma_wait3A_130 : memref<10240x128xf32, #tpu.memory_space<vmem_shared>>)
          tpu.yield
        }) : () -> ()
      } else {
      }
      %add3A_91 = arith.constant 1 : i32
      %add3A_92 = arith.addi %mul3A_64, %add3A_91 : i32
      %add3A_93 = arith.addi %mul3A_2, %add3A_92 : i32
      %mul3A_94 = arith.constant 128 : i32
      %mul3A_95 = arith.muli %add3A_93, %mul3A_94 : i32
      %lt3A_96 = arith.constant 160000 : i32
      %lt3A_97 = arith.cmpi slt, %mul3A_95, %lt3A_96 : i32
      %convert_element_type3A_98 = arith.extui %lt3A_97 : i1 to i32
      %cond3A_99 = arith.constant 0 : i32
      %cond3A_100 = arith.cmpi ne, %convert_element_type3A_98, %cond3A_99 : i32
      scf.if %cond3A_100 {
        %add3A_121 = arith.addi %mul3A_2, %add3A_92 : i32
        %mul3A_122 = arith.constant 128 : i32
        %mul3A_123 = arith.muli %add3A_121, %mul3A_122 : i32
        %dma_wait3A = arith.constant 0 : i32
        %dma_wait3A_124 = tpu.memref_slice %arg2[%mul3A_123, %dma_wait3A] : memref<160000x128xf32, #tpu.memory_space<hbm>> -> memref<128x128xf32, #tpu.memory_space<hbm>>
        %dma_wait3A_125 = arith.constant 0 : i32
        %dma_wait3A_126 = tpu.memref_slice %arg2[%mul3A_123, %dma_wait3A_125] : memref<160000x128xf32, #tpu.memory_space<hbm>> -> memref<128x128xf32, #tpu.memory_space<hbm>>
        tpu.wait_dma2 semaphore(%arg10 : memref<!tpu.dma_semaphore, #tpu.memory_space<semaphore_mem>>) src(%dma_wait3A_126 : memref<128x128xf32, #tpu.memory_space<hbm>>) dst(%arg8 : memref<128x128xf32, #tpu.memory_space<vmem>>)
      } else {
      }
      %add3A_101 = arith.constant 2 : i32
      %add3A_102 = arith.addi %mul3A_64, %add3A_101 : i32
      %add3A_103 = arith.addi %mul3A_2, %add3A_102 : i32
      %mul3A_104 = arith.constant 128 : i32
      %mul3A_105 = arith.muli %add3A_103, %mul3A_104 : i32
      %lt3A_106 = arith.constant 160000 : i32
      %lt3A_107 = arith.cmpi slt, %mul3A_105, %lt3A_106 : i32
      %convert_element_type3A_108 = arith.extui %lt3A_107 : i1 to i32
      %cond3A_109 = arith.constant 0 : i32
      %cond3A_110 = arith.cmpi ne, %convert_element_type3A_108, %cond3A_109 : i32
      scf.if %cond3A_110 {
        %add3A_121 = arith.addi %mul3A_2, %add3A_102 : i32
        %mul3A_122 = arith.constant 128 : i32
        %mul3A_123 = arith.muli %add3A_121, %mul3A_122 : i32
        %dma_start3A = arith.constant 0 : i32
        %dma_start3A_124 = tpu.memref_slice %arg2[%mul3A_123, %dma_start3A] : memref<160000x128xf32, #tpu.memory_space<hbm>> -> memref<128x128xf32, #tpu.memory_space<hbm>>
        %dma_start3A_125 = arith.constant 0 : i32
        %dma_start3A_126 = tpu.memref_slice %arg2[%mul3A_123, %dma_start3A_125] : memref<160000x128xf32, #tpu.memory_space<hbm>> -> memref<128x128xf32, #tpu.memory_space<hbm>>
        tpu.enqueue_dma source(%dma_start3A_126 : memref<128x128xf32, #tpu.memory_space<hbm>>) target(%arg7 : memref<128x128xf32, #tpu.memory_space<vmem>>) target_semaphore(%arg10 : memref<!tpu.dma_semaphore, #tpu.memory_space<semaphore_mem>>)
      } else {
      }
      %add3A_111 = arith.constant 1 : i32
      %add3A_112 = arith.addi %mul3A_64, %add3A_111 : i32
      %add3A_113 = arith.addi %mul3A_2, %add3A_112 : i32
      %mul3A_114 = arith.constant 128 : i32
      %mul3A_115 = arith.muli %add3A_113, %mul3A_114 : i32
      %lt3A_116 = arith.constant 160000 : i32
      %lt3A_117 = arith.cmpi slt, %mul3A_115, %lt3A_116 : i32
      %convert_element_type3A_118 = arith.extui %lt3A_117 : i1 to i32
      %cond3A_119 = arith.constant 0 : i32
      %cond3A_120 = arith.cmpi ne, %convert_element_type3A_118, %cond3A_119 : i32
      scf.if %cond3A_120 {
        "tpu.region"() ({
          %run_scoped3A = tpu.sem_alloc : memref<!tpu.dma_semaphore, #tpu.memory_space<semaphore_mem>>
          %dma_start3A = arith.constant 0 : i32
          %dma_start3A_121 = tpu.memref_slice %arg6[%add3A_112, %dma_start3A] : memref<40x128xi32, #tpu.memory_space<vmem>> -> memref<1x128xi32, #tpu.memory_space<vmem>>
          %dma_start3A_122 = tpu.memref_squeeze %dma_start3A_121 : memref<1x128xi32, #tpu.memory_space<vmem>> -> memref<128xi32, #tpu.memory_space<vmem>>
          %dma_start3A_123 = arith.constant 0 : i32
          %dma_start3A_124 = arith.constant 0 : i32
          %dma_start3A_125 = tpu.memref_slice %arg9[%dma_start3A_123, %dma_start3A_124] : memref<10240x128xf32, #tpu.memory_space<vmem_shared>> -> memref<10240x128xf32, #tpu.memory_space<vmem_shared>>
          tpu.enqueue_indirect_dma source(%arg8 : memref<128x128xf32, #tpu.memory_space<vmem>>) target(%dma_start3A_125 : memref<10240x128xf32, #tpu.memory_space<vmem_shared>>) offsets(%dma_start3A_122 : memref<128xi32, #tpu.memory_space<vmem>>) semaphore(%run_scoped3A : memref<!tpu.dma_semaphore, #tpu.memory_space<semaphore_mem>>) {add = true}
          %dma_wait3A = arith.constant 0 : i32
          %dma_wait3A_126 = tpu.memref_slice %arg6[%add3A_112, %dma_wait3A] : memref<40x128xi32, #tpu.memory_space<vmem>> -> memref<1x128xi32, #tpu.memory_space<vmem>>
          %dma_wait3A_127 = tpu.memref_squeeze %dma_wait3A_126 : memref<1x128xi32, #tpu.memory_space<vmem>> -> memref<128xi32, #tpu.memory_space<vmem>>
          %dma_wait3A_128 = arith.constant 0 : i32
          %dma_wait3A_129 = arith.constant 0 : i32
          %dma_wait3A_130 = tpu.memref_slice %arg9[%dma_wait3A_128, %dma_wait3A_129] : memref<10240x128xf32, #tpu.memory_space<vmem_shared>> -> memref<10240x128xf32, #tpu.memory_space<vmem_shared>>
          tpu.wait_indirect_dma semaphore(%run_scoped3A : memref<!tpu.dma_semaphore, #tpu.memory_space<semaphore_mem>>) src(%arg8 : memref<128x128xf32, #tpu.memory_space<vmem>>) dst(%dma_wait3A_130 : memref<10240x128xf32, #tpu.memory_space<vmem_shared>>)
          tpu.yield
        }) : () -> ()
      } else {
      }
    }
    %scan3A_15 = arith.constant 19 : i32
    %add3A_16 = arith.constant 38 : i32
    %add3A_17 = arith.addi %mul3A_2, %add3A_16 : i32
    %mul3A_18 = arith.constant 128 : i32
    %mul3A_19 = arith.muli %add3A_17, %mul3A_18 : i32
    %lt3A_20 = arith.constant 160000 : i32
    %lt3A_21 = arith.cmpi slt, %mul3A_19, %lt3A_20 : i32
    %convert_element_type3A_22 = arith.extui %lt3A_21 : i1 to i32
    %cond3A_23 = arith.constant 0 : i32
    %cond3A_24 = arith.cmpi ne, %convert_element_type3A_22, %cond3A_23 : i32
    scf.if %cond3A_24 {
      %add3A_62 = arith.constant 38 : i32
      %add3A_63 = arith.addi %mul3A_2, %add3A_62 : i32
      %mul3A_64 = arith.constant 128 : i32
      %mul3A_65 = arith.muli %add3A_63, %mul3A_64 : i32
      %dma_wait3A = arith.constant 0 : i32
      %dma_wait3A_66 = tpu.memref_slice %arg2[%mul3A_65, %dma_wait3A] : memref<160000x128xf32, #tpu.memory_space<hbm>> -> memref<128x128xf32, #tpu.memory_space<hbm>>
      %dma_wait3A_67 = arith.constant 0 : i32
      %dma_wait3A_68 = tpu.memref_slice %arg2[%mul3A_65, %dma_wait3A_67] : memref<160000x128xf32, #tpu.memory_space<hbm>> -> memref<128x128xf32, #tpu.memory_space<hbm>>
      tpu.wait_dma2 semaphore(%arg10 : memref<!tpu.dma_semaphore, #tpu.memory_space<semaphore_mem>>) src(%dma_wait3A_68 : memref<128x128xf32, #tpu.memory_space<hbm>>) dst(%arg7 : memref<128x128xf32, #tpu.memory_space<vmem>>)
    } else {
    }
    %add3A_25 = arith.constant 39 : i32
    %add3A_26 = arith.addi %mul3A_2, %add3A_25 : i32
    %mul3A_27 = arith.constant 128 : i32
    %mul3A_28 = arith.muli %add3A_26, %mul3A_27 : i32
    %lt3A_29 = arith.constant 160000 : i32
    %lt3A_30 = arith.cmpi slt, %mul3A_28, %lt3A_29 : i32
    %convert_element_type3A_31 = arith.extui %lt3A_30 : i1 to i32
    %cond3A_32 = arith.constant 0 : i32
    %cond3A_33 = arith.cmpi ne, %convert_element_type3A_31, %cond3A_32 : i32
    scf.if %cond3A_33 {
      %add3A_62 = arith.constant 39 : i32
      %add3A_63 = arith.addi %mul3A_2, %add3A_62 : i32
      %mul3A_64 = arith.constant 128 : i32
      %mul3A_65 = arith.muli %add3A_63, %mul3A_64 : i32
      %dma_start3A = arith.constant 0 : i32
      %dma_start3A_66 = tpu.memref_slice %arg2[%mul3A_65, %dma_start3A] : memref<160000x128xf32, #tpu.memory_space<hbm>> -> memref<128x128xf32, #tpu.memory_space<hbm>>
      %dma_start3A_67 = arith.constant 0 : i32
      %dma_start3A_68 = tpu.memref_slice %arg2[%mul3A_65, %dma_start3A_67] : memref<160000x128xf32, #tpu.memory_space<hbm>> -> memref<128x128xf32, #tpu.memory_space<hbm>>
      tpu.enqueue_dma source(%dma_start3A_68 : memref<128x128xf32, #tpu.memory_space<hbm>>) target(%arg8 : memref<128x128xf32, #tpu.memory_space<vmem>>) target_semaphore(%arg10 : memref<!tpu.dma_semaphore, #tpu.memory_space<semaphore_mem>>)
    } else {
    }
    %add3A_34 = arith.constant 38 : i32
    %add3A_35 = arith.addi %mul3A_2, %add3A_34 : i32
    %mul3A_36 = arith.constant 128 : i32
    %mul3A_37 = arith.muli %add3A_35, %mul3A_36 : i32
    %lt3A_38 = arith.constant 160000 : i32
    %lt3A_39 = arith.cmpi slt, %mul3A_37, %lt3A_38 : i32
    %convert_element_type3A_40 = arith.extui %lt3A_39 : i1 to i32
    %cond3A_41 = arith.constant 0 : i32
    %cond3A_42 = arith.cmpi ne, %convert_element_type3A_40, %cond3A_41 : i32
    scf.if %cond3A_42 {
      %run_scoped3A = arith.constant 38 : i32
      "tpu.region"() ({
        %run_scoped3A_62 = tpu.sem_alloc : memref<!tpu.dma_semaphore, #tpu.memory_space<semaphore_mem>>
        %dma_start3A = arith.constant 0 : i32
        %dma_start3A_63 = tpu.memref_slice %arg6[%run_scoped3A, %dma_start3A] : memref<40x128xi32, #tpu.memory_space<vmem>> -> memref<1x128xi32, #tpu.memory_space<vmem>>
        %dma_start3A_64 = tpu.memref_squeeze %dma_start3A_63 : memref<1x128xi32, #tpu.memory_space<vmem>> -> memref<128xi32, #tpu.memory_space<vmem>>
        %dma_start3A_65 = arith.constant 0 : i32
        %dma_start3A_66 = arith.constant 0 : i32
        %dma_start3A_67 = tpu.memref_slice %arg9[%dma_start3A_65, %dma_start3A_66] : memref<10240x128xf32, #tpu.memory_space<vmem_shared>> -> memref<10240x128xf32, #tpu.memory_space<vmem_shared>>
        tpu.enqueue_indirect_dma source(%arg7 : memref<128x128xf32, #tpu.memory_space<vmem>>) target(%dma_start3A_67 : memref<10240x128xf32, #tpu.memory_space<vmem_shared>>) offsets(%dma_start3A_64 : memref<128xi32, #tpu.memory_space<vmem>>) semaphore(%run_scoped3A_62 : memref<!tpu.dma_semaphore, #tpu.memory_space<semaphore_mem>>) {add = true}
        %dma_wait3A = arith.constant 0 : i32
        %dma_wait3A_68 = tpu.memref_slice %arg6[%run_scoped3A, %dma_wait3A] : memref<40x128xi32, #tpu.memory_space<vmem>> -> memref<1x128xi32, #tpu.memory_space<vmem>>
        %dma_wait3A_69 = tpu.memref_squeeze %dma_wait3A_68 : memref<1x128xi32, #tpu.memory_space<vmem>> -> memref<128xi32, #tpu.memory_space<vmem>>
        %dma_wait3A_70 = arith.constant 0 : i32
        %dma_wait3A_71 = arith.constant 0 : i32
        %dma_wait3A_72 = tpu.memref_slice %arg9[%dma_wait3A_70, %dma_wait3A_71] : memref<10240x128xf32, #tpu.memory_space<vmem_shared>> -> memref<10240x128xf32, #tpu.memory_space<vmem_shared>>
        tpu.wait_indirect_dma semaphore(%run_scoped3A_62 : memref<!tpu.dma_semaphore, #tpu.memory_space<semaphore_mem>>) src(%arg7 : memref<128x128xf32, #tpu.memory_space<vmem>>) dst(%dma_wait3A_72 : memref<10240x128xf32, #tpu.memory_space<vmem_shared>>)
        tpu.yield
      }) : () -> ()
    } else {
    }
    %add3A_43 = arith.constant 39 : i32
    %add3A_44 = arith.addi %mul3A_2, %add3A_43 : i32
    %mul3A_45 = arith.constant 128 : i32
    %mul3A_46 = arith.muli %add3A_44, %mul3A_45 : i32
    %lt3A_47 = arith.constant 160000 : i32
    %lt3A_48 = arith.cmpi slt, %mul3A_46, %lt3A_47 : i32
    %convert_element_type3A_49 = arith.extui %lt3A_48 : i1 to i32
    %cond3A_50 = arith.constant 0 : i32
    %cond3A_51 = arith.cmpi ne, %convert_element_type3A_49, %cond3A_50 : i32
    scf.if %cond3A_51 {
      %add3A_62 = arith.constant 39 : i32
      %add3A_63 = arith.addi %mul3A_2, %add3A_62 : i32
      %mul3A_64 = arith.constant 128 : i32
      %mul3A_65 = arith.muli %add3A_63, %mul3A_64 : i32
      %dma_wait3A = arith.constant 0 : i32
      %dma_wait3A_66 = tpu.memref_slice %arg2[%mul3A_65, %dma_wait3A] : memref<160000x128xf32, #tpu.memory_space<hbm>> -> memref<128x128xf32, #tpu.memory_space<hbm>>
      %dma_wait3A_67 = arith.constant 0 : i32
      %dma_wait3A_68 = tpu.memref_slice %arg2[%mul3A_65, %dma_wait3A_67] : memref<160000x128xf32, #tpu.memory_space<hbm>> -> memref<128x128xf32, #tpu.memory_space<hbm>>
      tpu.wait_dma2 semaphore(%arg10 : memref<!tpu.dma_semaphore, #tpu.memory_space<semaphore_mem>>) src(%dma_wait3A_68 : memref<128x128xf32, #tpu.memory_space<hbm>>) dst(%arg8 : memref<128x128xf32, #tpu.memory_space<vmem>>)
    } else {
    }
    %add3A_52 = arith.constant 39 : i32
    %add3A_53 = arith.addi %mul3A_2, %add3A_52 : i32
    %mul3A_54 = arith.constant 128 : i32
    %mul3A_55 = arith.muli %add3A_53, %mul3A_54 : i32
    %lt3A_56 = arith.constant 160000 : i32
    %lt3A_57 = arith.cmpi slt, %mul3A_55, %lt3A_56 : i32
    %convert_element_type3A_58 = arith.extui %lt3A_57 : i1 to i32
    %cond3A_59 = arith.constant 0 : i32
    %cond3A_60 = arith.cmpi ne, %convert_element_type3A_58, %cond3A_59 : i32
    scf.if %cond3A_60 {
      %run_scoped3A = arith.constant 39 : i32
      "tpu.region"() ({
        %run_scoped3A_62 = tpu.sem_alloc : memref<!tpu.dma_semaphore, #tpu.memory_space<semaphore_mem>>
        %dma_start3A = arith.constant 0 : i32
        %dma_start3A_63 = tpu.memref_slice %arg6[%run_scoped3A, %dma_start3A] : memref<40x128xi32, #tpu.memory_space<vmem>> -> memref<1x128xi32, #tpu.memory_space<vmem>>
        %dma_start3A_64 = tpu.memref_squeeze %dma_start3A_63 : memref<1x128xi32, #tpu.memory_space<vmem>> -> memref<128xi32, #tpu.memory_space<vmem>>
        %dma_start3A_65 = arith.constant 0 : i32
        %dma_start3A_66 = arith.constant 0 : i32
        %dma_start3A_67 = tpu.memref_slice %arg9[%dma_start3A_65, %dma_start3A_66] : memref<10240x128xf32, #tpu.memory_space<vmem_shared>> -> memref<10240x128xf32, #tpu.memory_space<vmem_shared>>
        tpu.enqueue_indirect_dma source(%arg8 : memref<128x128xf32, #tpu.memory_space<vmem>>) target(%dma_start3A_67 : memref<10240x128xf32, #tpu.memory_space<vmem_shared>>) offsets(%dma_start3A_64 : memref<128xi32, #tpu.memory_space<vmem>>) semaphore(%run_scoped3A_62 : memref<!tpu.dma_semaphore, #tpu.memory_space<semaphore_mem>>) {add = true}
        %dma_wait3A = arith.constant 0 : i32
        %dma_wait3A_68 = tpu.memref_slice %arg6[%run_scoped3A, %dma_wait3A] : memref<40x128xi32, #tpu.memory_space<vmem>> -> memref<1x128xi32, #tpu.memory_space<vmem>>
        %dma_wait3A_69 = tpu.memref_squeeze %dma_wait3A_68 : memref<1x128xi32, #tpu.memory_space<vmem>> -> memref<128xi32, #tpu.memory_space<vmem>>
        %dma_wait3A_70 = arith.constant 0 : i32
        %dma_wait3A_71 = arith.constant 0 : i32
        %dma_wait3A_72 = tpu.memref_slice %arg9[%dma_wait3A_70, %dma_wait3A_71] : memref<10240x128xf32, #tpu.memory_space<vmem_shared>> -> memref<10240x128xf32, #tpu.memory_space<vmem_shared>>
        tpu.wait_indirect_dma semaphore(%run_scoped3A_62 : memref<!tpu.dma_semaphore, #tpu.memory_space<semaphore_mem>>) src(%arg8 : memref<128x128xf32, #tpu.memory_space<vmem>>) dst(%dma_wait3A_72 : memref<10240x128xf32, #tpu.memory_space<vmem_shared>>)
        tpu.yield
      }) : () -> ()
    } else {
    }
    %barrier3A_61 = arith.constant 0 : index
    tpu.barrier barrier_id(%barrier3A_61)
    "tpu.region"() ({
      %run_scoped3A = tpu.sem_alloc : memref<!tpu.dma_semaphore, #tpu.memory_space<semaphore_mem>>
      %dma_start3A = arith.constant 0 : i32
      %dma_start3A_62 = tpu.memref_slice %arg5[%arg0, %mul3A_4, %dma_start3A] : memref<2x10240x128xf32, #tpu.memory_space<hbm>> -> memref<1x640x128xf32, #tpu.memory_space<hbm>>
      %dma_start3A_63 = tpu.memref_squeeze %dma_start3A_62 : memref<1x640x128xf32, #tpu.memory_space<hbm>> -> memref<640x128xf32, #tpu.memory_space<hbm>>
      %dma_start3A_64 = arith.constant 0 : i32
      %dma_start3A_65 = tpu.memref_slice %arg9[%mul3A_4, %dma_start3A_64] : memref<10240x128xf32, #tpu.memory_space<vmem_shared>> -> memref<640x128xf32, #tpu.memory_space<vmem_shared>>
      tpu.enqueue_dma source(%dma_start3A_65 : memref<640x128xf32, #tpu.memory_space<vmem_shared>>) target(%dma_start3A_63 : memref<640x128xf32, #tpu.memory_space<hbm>>) target_semaphore(%run_scoped3A : memref<!tpu.dma_semaphore, #tpu.memory_space<semaphore_mem>>)
      %dma_wait3A = arith.constant 0 : i32
      %dma_wait3A_66 = tpu.memref_slice %arg5[%arg0, %mul3A_4, %dma_wait3A] : memref<2x10240x128xf32, #tpu.memory_space<hbm>> -> memref<1x640x128xf32, #tpu.memory_space<hbm>>
      %dma_wait3A_67 = tpu.memref_squeeze %dma_wait3A_66 : memref<1x640x128xf32, #tpu.memory_space<hbm>> -> memref<640x128xf32, #tpu.memory_space<hbm>>
      %dma_wait3A_68 = arith.constant 0 : i32
      %dma_wait3A_69 = tpu.memref_slice %arg9[%mul3A_4, %dma_wait3A_68] : memref<10240x128xf32, #tpu.memory_space<vmem_shared>> -> memref<640x128xf32, #tpu.memory_space<vmem_shared>>
      tpu.wait_dma2 semaphore(%run_scoped3A : memref<!tpu.dma_semaphore, #tpu.memory_space<semaphore_mem>>) src(%dma_wait3A_69 : memref<640x128xf32, #tpu.memory_space<vmem_shared>>) dst(%dma_wait3A_67 : memref<640x128xf32, #tpu.memory_space<hbm>>)
      tpu.yield
    }) : () -> ()
    return
  }
}

#map = affine_map<(d0, d1) -> (0, 0)>
module attributes {stable_mosaic.version = 14 : i64} {
  func.func @_gather_body(%arg0: i32, %arg1: i32, %arg2: memref<10000x128xf32, #tpu.memory_space<hbm>>, %arg3: memref<10000x128xf32, #tpu.memory_space<hbm>>, %arg4: memref<1280x128xi32, #tpu.memory_space<hbm>>, %arg5: memref<1280x128xi32, #tpu.memory_space<hbm>>, %arg6: memref<160000x128xf32, #tpu.memory_space<hbm>>, %arg7: memref<40x128xi32, #tpu.memory_space<vmem>>, %arg8: memref<40x128xi32, #tpu.memory_space<vmem>>, %arg9: memref<5x128x128xf32, #tpu.memory_space<vmem>>, %arg10: memref<!tpu.dma_semaphore, #tpu.memory_space<semaphore_mem>>, %arg11: memref<!tpu.dma_semaphore, #tpu.memory_space<semaphore_mem>>) attributes {dimension_semantics = [#tpu.dimension_semantics<core_parallel>, #tpu.dimension_semantics<subcore_parallel>], iteration_bounds = array<i64: 2, 16>, scalar_prefetch = 0 : i64, scratch_operands = 5 : i64, tpu.core_type = #tpu.core_type<sc_vector_subcore>, window_params = [{transform_indices = #map}, {transform_indices = #map}, {transform_indices = #map}, {transform_indices = #map}, {transform_indices = #map}]} {
    %mul3A = arith.constant 2 : i32
    %mul3A_0 = arith.muli %arg1, %mul3A : i32
    %add3A = arith.addi %mul3A_0, %arg0 : i32
    %mul3A_1 = arith.constant 40 : i32
    %mul3A_2 = arith.muli %add3A, %mul3A_1 : i32
    "tpu.region"() ({
      %run_scoped3A = tpu.sem_alloc : memref<!tpu.dma_semaphore, #tpu.memory_space<semaphore_mem>>
      %dma_start3A = arith.constant 0 : i32
      %dma_start3A_8 = tpu.memref_slice %arg4[%mul3A_2, %dma_start3A] : memref<1280x128xi32, #tpu.memory_space<hbm>> -> memref<40x128xi32, #tpu.memory_space<hbm>>
      %dma_start3A_9 = arith.constant 0 : i32
      %dma_start3A_10 = tpu.memref_slice %arg4[%mul3A_2, %dma_start3A_9] : memref<1280x128xi32, #tpu.memory_space<hbm>> -> memref<40x128xi32, #tpu.memory_space<hbm>>
      tpu.enqueue_dma source(%dma_start3A_10 : memref<40x128xi32, #tpu.memory_space<hbm>>) target(%arg7 : memref<40x128xi32, #tpu.memory_space<vmem>>) target_semaphore(%run_scoped3A : memref<!tpu.dma_semaphore, #tpu.memory_space<semaphore_mem>>)
      %dma_wait3A = arith.constant 0 : i32
      %dma_wait3A_11 = tpu.memref_slice %arg4[%mul3A_2, %dma_wait3A] : memref<1280x128xi32, #tpu.memory_space<hbm>> -> memref<40x128xi32, #tpu.memory_space<hbm>>
      %dma_wait3A_12 = arith.constant 0 : i32
      %dma_wait3A_13 = tpu.memref_slice %arg4[%mul3A_2, %dma_wait3A_12] : memref<1280x128xi32, #tpu.memory_space<hbm>> -> memref<40x128xi32, #tpu.memory_space<hbm>>
      tpu.wait_dma2 semaphore(%run_scoped3A : memref<!tpu.dma_semaphore, #tpu.memory_space<semaphore_mem>>) src(%dma_wait3A_13 : memref<40x128xi32, #tpu.memory_space<hbm>>) dst(%arg7 : memref<40x128xi32, #tpu.memory_space<vmem>>)
      tpu.yield
    }) : () -> ()
    "tpu.region"() ({
      %run_scoped3A = tpu.sem_alloc : memref<!tpu.dma_semaphore, #tpu.memory_space<semaphore_mem>>
      %dma_start3A = arith.constant 0 : i32
      %dma_start3A_8 = tpu.memref_slice %arg5[%mul3A_2, %dma_start3A] : memref<1280x128xi32, #tpu.memory_space<hbm>> -> memref<40x128xi32, #tpu.memory_space<hbm>>
      %dma_start3A_9 = arith.constant 0 : i32
      %dma_start3A_10 = tpu.memref_slice %arg5[%mul3A_2, %dma_start3A_9] : memref<1280x128xi32, #tpu.memory_space<hbm>> -> memref<40x128xi32, #tpu.memory_space<hbm>>
      tpu.enqueue_dma source(%dma_start3A_10 : memref<40x128xi32, #tpu.memory_space<hbm>>) target(%arg8 : memref<40x128xi32, #tpu.memory_space<vmem>>) target_semaphore(%run_scoped3A : memref<!tpu.dma_semaphore, #tpu.memory_space<semaphore_mem>>)
      %dma_wait3A = arith.constant 0 : i32
      %dma_wait3A_11 = tpu.memref_slice %arg5[%mul3A_2, %dma_wait3A] : memref<1280x128xi32, #tpu.memory_space<hbm>> -> memref<40x128xi32, #tpu.memory_space<hbm>>
      %dma_wait3A_12 = arith.constant 0 : i32
      %dma_wait3A_13 = tpu.memref_slice %arg5[%mul3A_2, %dma_wait3A_12] : memref<1280x128xi32, #tpu.memory_space<hbm>> -> memref<40x128xi32, #tpu.memory_space<hbm>>
      tpu.wait_dma2 semaphore(%run_scoped3A : memref<!tpu.dma_semaphore, #tpu.memory_space<semaphore_mem>>) src(%dma_wait3A_13 : memref<40x128xi32, #tpu.memory_space<hbm>>) dst(%arg8 : memref<40x128xi32, #tpu.memory_space<vmem>>)
      tpu.yield
    }) : () -> ()
    %scan3A = arith.constant 0 : i32
    %scan3A_3 = arith.constant 0 : i32
    %scan3A_4 = arith.constant 8 : i32
    %scan3A_5 = arith.addi %scan3A_3, %scan3A_4 : i32
    %scan3A_6 = arith.constant 1 : i32
    scf.for %scan3A_8 = %scan3A_3 to %scan3A_5 step %scan3A_6  : i32 {
      %mul3A_9 = arith.constant 5 : i32
      %mul3A_10 = arith.muli %scan3A_8, %mul3A_9 : i32
      %add3A_11 = arith.addi %mul3A_2, %mul3A_10 : i32
      %add3A_12 = arith.constant 0 : i32
      %add3A_13 = arith.addi %add3A_11, %add3A_12 : i32
      %mul3A_14 = arith.constant 128 : i32
      %mul3A_15 = arith.muli %add3A_13, %mul3A_14 : i32
      %lt3A = arith.constant 160000 : i32
      %lt3A_16 = arith.cmpi slt, %mul3A_15, %lt3A : i32
      %convert_element_type3A = arith.extui %lt3A_16 : i1 to i32
      %cond3A = arith.constant 0 : i32
      %cond3A_17 = arith.cmpi ne, %convert_element_type3A, %cond3A : i32
      scf.if %cond3A_17 {
        %mul3A_366 = arith.constant 5 : i32
        %mul3A_367 = arith.muli %scan3A_8, %mul3A_366 : i32
        %add3A_368 = arith.constant 0 : i32
        %add3A_369 = arith.addi %mul3A_367, %add3A_368 : i32
        %dma_start3A = arith.constant 0 : i32
        %dma_start3A_370 = arith.constant 0 : i32
        %dma_start3A_371 = arith.constant 0 : i32
        %dma_start3A_372 = tpu.memref_slice %arg9[%dma_start3A, %dma_start3A_370, %dma_start3A_371] : memref<5x128x128xf32, #tpu.memory_space<vmem>> -> memref<1x128x128xf32, #tpu.memory_space<vmem>>
        %dma_start3A_373 = tpu.memref_squeeze %dma_start3A_372 : memref<1x128x128xf32, #tpu.memory_space<vmem>> -> memref<128x128xf32, #tpu.memory_space<vmem>>
        %dma_start3A_374 = arith.constant 0 : i32
        %dma_start3A_375 = tpu.memref_slice %arg7[%add3A_369, %dma_start3A_374] : memref<40x128xi32, #tpu.memory_space<vmem>> -> memref<1x128xi32, #tpu.memory_space<vmem>>
        %dma_start3A_376 = tpu.memref_squeeze %dma_start3A_375 : memref<1x128xi32, #tpu.memory_space<vmem>> -> memref<128xi32, #tpu.memory_space<vmem>>
        %dma_start3A_377 = arith.constant 0 : i32
        %dma_start3A_378 = arith.constant 0 : i32
        %dma_start3A_379 = tpu.memref_slice %arg2[%dma_start3A_377, %dma_start3A_378] : memref<10000x128xf32, #tpu.memory_space<hbm>> -> memref<10000x128xf32, #tpu.memory_space<hbm>>
        tpu.enqueue_indirect_dma source(%dma_start3A_379 : memref<10000x128xf32, #tpu.memory_space<hbm>>) target(%dma_start3A_373 : memref<128x128xf32, #tpu.memory_space<vmem>>) offsets(%dma_start3A_376 : memref<128xi32, #tpu.memory_space<vmem>>) semaphore(%arg10 : memref<!tpu.dma_semaphore, #tpu.memory_space<semaphore_mem>>)
      } else {
      }
      %mul3A_18 = arith.constant 5 : i32
      %mul3A_19 = arith.muli %scan3A_8, %mul3A_18 : i32
      %add3A_20 = arith.addi %mul3A_2, %mul3A_19 : i32
      %add3A_21 = arith.constant 1 : i32
      %add3A_22 = arith.addi %add3A_20, %add3A_21 : i32
      %mul3A_23 = arith.constant 128 : i32
      %mul3A_24 = arith.muli %add3A_22, %mul3A_23 : i32
      %lt3A_25 = arith.constant 160000 : i32
      %lt3A_26 = arith.cmpi slt, %mul3A_24, %lt3A_25 : i32
      %convert_element_type3A_27 = arith.extui %lt3A_26 : i1 to i32
      %cond3A_28 = arith.constant 0 : i32
      %cond3A_29 = arith.cmpi ne, %convert_element_type3A_27, %cond3A_28 : i32
      scf.if %cond3A_29 {
        %mul3A_366 = arith.constant 5 : i32
        %mul3A_367 = arith.muli %scan3A_8, %mul3A_366 : i32
        %add3A_368 = arith.constant 1 : i32
        %add3A_369 = arith.addi %mul3A_367, %add3A_368 : i32
        %dma_start3A = arith.constant 1 : i32
        %dma_start3A_370 = arith.constant 0 : i32
        %dma_start3A_371 = arith.constant 0 : i32
        %dma_start3A_372 = tpu.memref_slice %arg9[%dma_start3A, %dma_start3A_370, %dma_start3A_371] : memref<5x128x128xf32, #tpu.memory_space<vmem>> -> memref<1x128x128xf32, #tpu.memory_space<vmem>>
        %dma_start3A_373 = tpu.memref_squeeze %dma_start3A_372 : memref<1x128x128xf32, #tpu.memory_space<vmem>> -> memref<128x128xf32, #tpu.memory_space<vmem>>
        %dma_start3A_374 = arith.constant 0 : i32
        %dma_start3A_375 = tpu.memref_slice %arg7[%add3A_369, %dma_start3A_374] : memref<40x128xi32, #tpu.memory_space<vmem>> -> memref<1x128xi32, #tpu.memory_space<vmem>>
        %dma_start3A_376 = tpu.memref_squeeze %dma_start3A_375 : memref<1x128xi32, #tpu.memory_space<vmem>> -> memref<128xi32, #tpu.memory_space<vmem>>
        %dma_start3A_377 = arith.constant 0 : i32
        %dma_start3A_378 = arith.constant 0 : i32
        %dma_start3A_379 = tpu.memref_slice %arg2[%dma_start3A_377, %dma_start3A_378] : memref<10000x128xf32, #tpu.memory_space<hbm>> -> memref<10000x128xf32, #tpu.memory_space<hbm>>
        tpu.enqueue_indirect_dma source(%dma_start3A_379 : memref<10000x128xf32, #tpu.memory_space<hbm>>) target(%dma_start3A_373 : memref<128x128xf32, #tpu.memory_space<vmem>>) offsets(%dma_start3A_376 : memref<128xi32, #tpu.memory_space<vmem>>) semaphore(%arg10 : memref<!tpu.dma_semaphore, #tpu.memory_space<semaphore_mem>>)
      } else {
      }
      %mul3A_30 = arith.constant 5 : i32
      %mul3A_31 = arith.muli %scan3A_8, %mul3A_30 : i32
      %add3A_32 = arith.addi %mul3A_2, %mul3A_31 : i32
      %add3A_33 = arith.constant 2 : i32
      %add3A_34 = arith.addi %add3A_32, %add3A_33 : i32
      %mul3A_35 = arith.constant 128 : i32
      %mul3A_36 = arith.muli %add3A_34, %mul3A_35 : i32
      %lt3A_37 = arith.constant 160000 : i32
      %lt3A_38 = arith.cmpi slt, %mul3A_36, %lt3A_37 : i32
      %convert_element_type3A_39 = arith.extui %lt3A_38 : i1 to i32
      %cond3A_40 = arith.constant 0 : i32
      %cond3A_41 = arith.cmpi ne, %convert_element_type3A_39, %cond3A_40 : i32
      scf.if %cond3A_41 {
        %mul3A_366 = arith.constant 5 : i32
        %mul3A_367 = arith.muli %scan3A_8, %mul3A_366 : i32
        %add3A_368 = arith.constant 2 : i32
        %add3A_369 = arith.addi %mul3A_367, %add3A_368 : i32
        %dma_start3A = arith.constant 2 : i32
        %dma_start3A_370 = arith.constant 0 : i32
        %dma_start3A_371 = arith.constant 0 : i32
        %dma_start3A_372 = tpu.memref_slice %arg9[%dma_start3A, %dma_start3A_370, %dma_start3A_371] : memref<5x128x128xf32, #tpu.memory_space<vmem>> -> memref<1x128x128xf32, #tpu.memory_space<vmem>>
        %dma_start3A_373 = tpu.memref_squeeze %dma_start3A_372 : memref<1x128x128xf32, #tpu.memory_space<vmem>> -> memref<128x128xf32, #tpu.memory_space<vmem>>
        %dma_start3A_374 = arith.constant 0 : i32
        %dma_start3A_375 = tpu.memref_slice %arg7[%add3A_369, %dma_start3A_374] : memref<40x128xi32, #tpu.memory_space<vmem>> -> memref<1x128xi32, #tpu.memory_space<vmem>>
        %dma_start3A_376 = tpu.memref_squeeze %dma_start3A_375 : memref<1x128xi32, #tpu.memory_space<vmem>> -> memref<128xi32, #tpu.memory_space<vmem>>
        %dma_start3A_377 = arith.constant 0 : i32
        %dma_start3A_378 = arith.constant 0 : i32
        %dma_start3A_379 = tpu.memref_slice %arg2[%dma_start3A_377, %dma_start3A_378] : memref<10000x128xf32, #tpu.memory_space<hbm>> -> memref<10000x128xf32, #tpu.memory_space<hbm>>
        tpu.enqueue_indirect_dma source(%dma_start3A_379 : memref<10000x128xf32, #tpu.memory_space<hbm>>) target(%dma_start3A_373 : memref<128x128xf32, #tpu.memory_space<vmem>>) offsets(%dma_start3A_376 : memref<128xi32, #tpu.memory_space<vmem>>) semaphore(%arg10 : memref<!tpu.dma_semaphore, #tpu.memory_space<semaphore_mem>>)
      } else {
      }
      %mul3A_42 = arith.constant 5 : i32
      %mul3A_43 = arith.muli %scan3A_8, %mul3A_42 : i32
      %add3A_44 = arith.addi %mul3A_2, %mul3A_43 : i32
      %add3A_45 = arith.constant 3 : i32
      %add3A_46 = arith.addi %add3A_44, %add3A_45 : i32
      %mul3A_47 = arith.constant 128 : i32
      %mul3A_48 = arith.muli %add3A_46, %mul3A_47 : i32
      %lt3A_49 = arith.constant 160000 : i32
      %lt3A_50 = arith.cmpi slt, %mul3A_48, %lt3A_49 : i32
      %convert_element_type3A_51 = arith.extui %lt3A_50 : i1 to i32
      %cond3A_52 = arith.constant 0 : i32
      %cond3A_53 = arith.cmpi ne, %convert_element_type3A_51, %cond3A_52 : i32
      scf.if %cond3A_53 {
        %mul3A_366 = arith.constant 5 : i32
        %mul3A_367 = arith.muli %scan3A_8, %mul3A_366 : i32
        %add3A_368 = arith.constant 3 : i32
        %add3A_369 = arith.addi %mul3A_367, %add3A_368 : i32
        %dma_start3A = arith.constant 3 : i32
        %dma_start3A_370 = arith.constant 0 : i32
        %dma_start3A_371 = arith.constant 0 : i32
        %dma_start3A_372 = tpu.memref_slice %arg9[%dma_start3A, %dma_start3A_370, %dma_start3A_371] : memref<5x128x128xf32, #tpu.memory_space<vmem>> -> memref<1x128x128xf32, #tpu.memory_space<vmem>>
        %dma_start3A_373 = tpu.memref_squeeze %dma_start3A_372 : memref<1x128x128xf32, #tpu.memory_space<vmem>> -> memref<128x128xf32, #tpu.memory_space<vmem>>
        %dma_start3A_374 = arith.constant 0 : i32
        %dma_start3A_375 = tpu.memref_slice %arg7[%add3A_369, %dma_start3A_374] : memref<40x128xi32, #tpu.memory_space<vmem>> -> memref<1x128xi32, #tpu.memory_space<vmem>>
        %dma_start3A_376 = tpu.memref_squeeze %dma_start3A_375 : memref<1x128xi32, #tpu.memory_space<vmem>> -> memref<128xi32, #tpu.memory_space<vmem>>
        %dma_start3A_377 = arith.constant 0 : i32
        %dma_start3A_378 = arith.constant 0 : i32
        %dma_start3A_379 = tpu.memref_slice %arg2[%dma_start3A_377, %dma_start3A_378] : memref<10000x128xf32, #tpu.memory_space<hbm>> -> memref<10000x128xf32, #tpu.memory_space<hbm>>
        tpu.enqueue_indirect_dma source(%dma_start3A_379 : memref<10000x128xf32, #tpu.memory_space<hbm>>) target(%dma_start3A_373 : memref<128x128xf32, #tpu.memory_space<vmem>>) offsets(%dma_start3A_376 : memref<128xi32, #tpu.memory_space<vmem>>) semaphore(%arg10 : memref<!tpu.dma_semaphore, #tpu.memory_space<semaphore_mem>>)
      } else {
      }
      %mul3A_54 = arith.constant 5 : i32
      %mul3A_55 = arith.muli %scan3A_8, %mul3A_54 : i32
      %add3A_56 = arith.addi %mul3A_2, %mul3A_55 : i32
      %add3A_57 = arith.constant 4 : i32
      %add3A_58 = arith.addi %add3A_56, %add3A_57 : i32
      %mul3A_59 = arith.constant 128 : i32
      %mul3A_60 = arith.muli %add3A_58, %mul3A_59 : i32
      %lt3A_61 = arith.constant 160000 : i32
      %lt3A_62 = arith.cmpi slt, %mul3A_60, %lt3A_61 : i32
      %convert_element_type3A_63 = arith.extui %lt3A_62 : i1 to i32
      %cond3A_64 = arith.constant 0 : i32
      %cond3A_65 = arith.cmpi ne, %convert_element_type3A_63, %cond3A_64 : i32
      scf.if %cond3A_65 {
        %mul3A_366 = arith.constant 5 : i32
        %mul3A_367 = arith.muli %scan3A_8, %mul3A_366 : i32
        %add3A_368 = arith.constant 4 : i32
        %add3A_369 = arith.addi %mul3A_367, %add3A_368 : i32
        %dma_start3A = arith.constant 4 : i32
        %dma_start3A_370 = arith.constant 0 : i32
        %dma_start3A_371 = arith.constant 0 : i32
        %dma_start3A_372 = tpu.memref_slice %arg9[%dma_start3A, %dma_start3A_370, %dma_start3A_371] : memref<5x128x128xf32, #tpu.memory_space<vmem>> -> memref<1x128x128xf32, #tpu.memory_space<vmem>>
        %dma_start3A_373 = tpu.memref_squeeze %dma_start3A_372 : memref<1x128x128xf32, #tpu.memory_space<vmem>> -> memref<128x128xf32, #tpu.memory_space<vmem>>
        %dma_start3A_374 = arith.constant 0 : i32
        %dma_start3A_375 = tpu.memref_slice %arg7[%add3A_369, %dma_start3A_374] : memref<40x128xi32, #tpu.memory_space<vmem>> -> memref<1x128xi32, #tpu.memory_space<vmem>>
        %dma_start3A_376 = tpu.memref_squeeze %dma_start3A_375 : memref<1x128xi32, #tpu.memory_space<vmem>> -> memref<128xi32, #tpu.memory_space<vmem>>
        %dma_start3A_377 = arith.constant 0 : i32
        %dma_start3A_378 = arith.constant 0 : i32
        %dma_start3A_379 = tpu.memref_slice %arg2[%dma_start3A_377, %dma_start3A_378] : memref<10000x128xf32, #tpu.memory_space<hbm>> -> memref<10000x128xf32, #tpu.memory_space<hbm>>
        tpu.enqueue_indirect_dma source(%dma_start3A_379 : memref<10000x128xf32, #tpu.memory_space<hbm>>) target(%dma_start3A_373 : memref<128x128xf32, #tpu.memory_space<vmem>>) offsets(%dma_start3A_376 : memref<128xi32, #tpu.memory_space<vmem>>) semaphore(%arg10 : memref<!tpu.dma_semaphore, #tpu.memory_space<semaphore_mem>>)
      } else {
      }
      %mul3A_66 = arith.constant 5 : i32
      %mul3A_67 = arith.muli %scan3A_8, %mul3A_66 : i32
      %add3A_68 = arith.addi %mul3A_2, %mul3A_67 : i32
      %add3A_69 = arith.constant 0 : i32
      %add3A_70 = arith.addi %add3A_68, %add3A_69 : i32
      %mul3A_71 = arith.constant 128 : i32
      %mul3A_72 = arith.muli %add3A_70, %mul3A_71 : i32
      %lt3A_73 = arith.constant 160000 : i32
      %lt3A_74 = arith.cmpi slt, %mul3A_72, %lt3A_73 : i32
      %convert_element_type3A_75 = arith.extui %lt3A_74 : i1 to i32
      %cond3A_76 = arith.constant 0 : i32
      %cond3A_77 = arith.cmpi ne, %convert_element_type3A_75, %cond3A_76 : i32
      scf.if %cond3A_77 {
        %mul3A_366 = arith.constant 5 : i32
        %mul3A_367 = arith.muli %scan3A_8, %mul3A_366 : i32
        %add3A_368 = arith.constant 0 : i32
        %add3A_369 = arith.addi %mul3A_367, %add3A_368 : i32
        %dma_wait3A = arith.constant 0 : i32
        %dma_wait3A_370 = arith.constant 0 : i32
        %dma_wait3A_371 = arith.constant 0 : i32
        %dma_wait3A_372 = tpu.memref_slice %arg9[%dma_wait3A, %dma_wait3A_370, %dma_wait3A_371] : memref<5x128x128xf32, #tpu.memory_space<vmem>> -> memref<1x128x128xf32, #tpu.memory_space<vmem>>
        %dma_wait3A_373 = tpu.memref_squeeze %dma_wait3A_372 : memref<1x128x128xf32, #tpu.memory_space<vmem>> -> memref<128x128xf32, #tpu.memory_space<vmem>>
        %dma_wait3A_374 = arith.constant 0 : i32
        %dma_wait3A_375 = tpu.memref_slice %arg7[%add3A_369, %dma_wait3A_374] : memref<40x128xi32, #tpu.memory_space<vmem>> -> memref<1x128xi32, #tpu.memory_space<vmem>>
        %dma_wait3A_376 = tpu.memref_squeeze %dma_wait3A_375 : memref<1x128xi32, #tpu.memory_space<vmem>> -> memref<128xi32, #tpu.memory_space<vmem>>
        %dma_wait3A_377 = arith.constant 0 : i32
        %dma_wait3A_378 = arith.constant 0 : i32
        %dma_wait3A_379 = tpu.memref_slice %arg2[%dma_wait3A_377, %dma_wait3A_378] : memref<10000x128xf32, #tpu.memory_space<hbm>> -> memref<10000x128xf32, #tpu.memory_space<hbm>>
        tpu.wait_indirect_dma semaphore(%arg10 : memref<!tpu.dma_semaphore, #tpu.memory_space<semaphore_mem>>) src(%dma_wait3A_379 : memref<10000x128xf32, #tpu.memory_space<hbm>>) dst(%dma_wait3A_373 : memref<128x128xf32, #tpu.memory_space<vmem>>)
      } else {
      }
      %mul3A_78 = arith.constant 5 : i32
      %mul3A_79 = arith.muli %scan3A_8, %mul3A_78 : i32
      %add3A_80 = arith.addi %mul3A_2, %mul3A_79 : i32
      %add3A_81 = arith.constant 1 : i32
      %add3A_82 = arith.addi %add3A_80, %add3A_81 : i32
      %mul3A_83 = arith.constant 128 : i32
      %mul3A_84 = arith.muli %add3A_82, %mul3A_83 : i32
      %lt3A_85 = arith.constant 160000 : i32
      %lt3A_86 = arith.cmpi slt, %mul3A_84, %lt3A_85 : i32
      %convert_element_type3A_87 = arith.extui %lt3A_86 : i1 to i32
      %cond3A_88 = arith.constant 0 : i32
      %cond3A_89 = arith.cmpi ne, %convert_element_type3A_87, %cond3A_88 : i32
      scf.if %cond3A_89 {
        %mul3A_366 = arith.constant 5 : i32
        %mul3A_367 = arith.muli %scan3A_8, %mul3A_366 : i32
        %add3A_368 = arith.constant 1 : i32
        %add3A_369 = arith.addi %mul3A_367, %add3A_368 : i32
        %dma_wait3A = arith.constant 1 : i32
        %dma_wait3A_370 = arith.constant 0 : i32
        %dma_wait3A_371 = arith.constant 0 : i32
        %dma_wait3A_372 = tpu.memref_slice %arg9[%dma_wait3A, %dma_wait3A_370, %dma_wait3A_371] : memref<5x128x128xf32, #tpu.memory_space<vmem>> -> memref<1x128x128xf32, #tpu.memory_space<vmem>>
        %dma_wait3A_373 = tpu.memref_squeeze %dma_wait3A_372 : memref<1x128x128xf32, #tpu.memory_space<vmem>> -> memref<128x128xf32, #tpu.memory_space<vmem>>
        %dma_wait3A_374 = arith.constant 0 : i32
        %dma_wait3A_375 = tpu.memref_slice %arg7[%add3A_369, %dma_wait3A_374] : memref<40x128xi32, #tpu.memory_space<vmem>> -> memref<1x128xi32, #tpu.memory_space<vmem>>
        %dma_wait3A_376 = tpu.memref_squeeze %dma_wait3A_375 : memref<1x128xi32, #tpu.memory_space<vmem>> -> memref<128xi32, #tpu.memory_space<vmem>>
        %dma_wait3A_377 = arith.constant 0 : i32
        %dma_wait3A_378 = arith.constant 0 : i32
        %dma_wait3A_379 = tpu.memref_slice %arg2[%dma_wait3A_377, %dma_wait3A_378] : memref<10000x128xf32, #tpu.memory_space<hbm>> -> memref<10000x128xf32, #tpu.memory_space<hbm>>
        tpu.wait_indirect_dma semaphore(%arg10 : memref<!tpu.dma_semaphore, #tpu.memory_space<semaphore_mem>>) src(%dma_wait3A_379 : memref<10000x128xf32, #tpu.memory_space<hbm>>) dst(%dma_wait3A_373 : memref<128x128xf32, #tpu.memory_space<vmem>>)
      } else {
      }
      %mul3A_90 = arith.constant 5 : i32
      %mul3A_91 = arith.muli %scan3A_8, %mul3A_90 : i32
      %add3A_92 = arith.addi %mul3A_2, %mul3A_91 : i32
      %add3A_93 = arith.constant 2 : i32
      %add3A_94 = arith.addi %add3A_92, %add3A_93 : i32
      %mul3A_95 = arith.constant 128 : i32
      %mul3A_96 = arith.muli %add3A_94, %mul3A_95 : i32
      %lt3A_97 = arith.constant 160000 : i32
      %lt3A_98 = arith.cmpi slt, %mul3A_96, %lt3A_97 : i32
      %convert_element_type3A_99 = arith.extui %lt3A_98 : i1 to i32
      %cond3A_100 = arith.constant 0 : i32
      %cond3A_101 = arith.cmpi ne, %convert_element_type3A_99, %cond3A_100 : i32
      scf.if %cond3A_101 {
        %mul3A_366 = arith.constant 5 : i32
        %mul3A_367 = arith.muli %scan3A_8, %mul3A_366 : i32
        %add3A_368 = arith.constant 2 : i32
        %add3A_369 = arith.addi %mul3A_367, %add3A_368 : i32
        %dma_wait3A = arith.constant 2 : i32
        %dma_wait3A_370 = arith.constant 0 : i32
        %dma_wait3A_371 = arith.constant 0 : i32
        %dma_wait3A_372 = tpu.memref_slice %arg9[%dma_wait3A, %dma_wait3A_370, %dma_wait3A_371] : memref<5x128x128xf32, #tpu.memory_space<vmem>> -> memref<1x128x128xf32, #tpu.memory_space<vmem>>
        %dma_wait3A_373 = tpu.memref_squeeze %dma_wait3A_372 : memref<1x128x128xf32, #tpu.memory_space<vmem>> -> memref<128x128xf32, #tpu.memory_space<vmem>>
        %dma_wait3A_374 = arith.constant 0 : i32
        %dma_wait3A_375 = tpu.memref_slice %arg7[%add3A_369, %dma_wait3A_374] : memref<40x128xi32, #tpu.memory_space<vmem>> -> memref<1x128xi32, #tpu.memory_space<vmem>>
        %dma_wait3A_376 = tpu.memref_squeeze %dma_wait3A_375 : memref<1x128xi32, #tpu.memory_space<vmem>> -> memref<128xi32, #tpu.memory_space<vmem>>
        %dma_wait3A_377 = arith.constant 0 : i32
        %dma_wait3A_378 = arith.constant 0 : i32
        %dma_wait3A_379 = tpu.memref_slice %arg2[%dma_wait3A_377, %dma_wait3A_378] : memref<10000x128xf32, #tpu.memory_space<hbm>> -> memref<10000x128xf32, #tpu.memory_space<hbm>>
        tpu.wait_indirect_dma semaphore(%arg10 : memref<!tpu.dma_semaphore, #tpu.memory_space<semaphore_mem>>) src(%dma_wait3A_379 : memref<10000x128xf32, #tpu.memory_space<hbm>>) dst(%dma_wait3A_373 : memref<128x128xf32, #tpu.memory_space<vmem>>)
      } else {
      }
      %mul3A_102 = arith.constant 5 : i32
      %mul3A_103 = arith.muli %scan3A_8, %mul3A_102 : i32
      %add3A_104 = arith.addi %mul3A_2, %mul3A_103 : i32
      %add3A_105 = arith.constant 3 : i32
      %add3A_106 = arith.addi %add3A_104, %add3A_105 : i32
      %mul3A_107 = arith.constant 128 : i32
      %mul3A_108 = arith.muli %add3A_106, %mul3A_107 : i32
      %lt3A_109 = arith.constant 160000 : i32
      %lt3A_110 = arith.cmpi slt, %mul3A_108, %lt3A_109 : i32
      %convert_element_type3A_111 = arith.extui %lt3A_110 : i1 to i32
      %cond3A_112 = arith.constant 0 : i32
      %cond3A_113 = arith.cmpi ne, %convert_element_type3A_111, %cond3A_112 : i32
      scf.if %cond3A_113 {
        %mul3A_366 = arith.constant 5 : i32
        %mul3A_367 = arith.muli %scan3A_8, %mul3A_366 : i32
        %add3A_368 = arith.constant 3 : i32
        %add3A_369 = arith.addi %mul3A_367, %add3A_368 : i32
        %dma_wait3A = arith.constant 3 : i32
        %dma_wait3A_370 = arith.constant 0 : i32
        %dma_wait3A_371 = arith.constant 0 : i32
        %dma_wait3A_372 = tpu.memref_slice %arg9[%dma_wait3A, %dma_wait3A_370, %dma_wait3A_371] : memref<5x128x128xf32, #tpu.memory_space<vmem>> -> memref<1x128x128xf32, #tpu.memory_space<vmem>>
        %dma_wait3A_373 = tpu.memref_squeeze %dma_wait3A_372 : memref<1x128x128xf32, #tpu.memory_space<vmem>> -> memref<128x128xf32, #tpu.memory_space<vmem>>
        %dma_wait3A_374 = arith.constant 0 : i32
        %dma_wait3A_375 = tpu.memref_slice %arg7[%add3A_369, %dma_wait3A_374] : memref<40x128xi32, #tpu.memory_space<vmem>> -> memref<1x128xi32, #tpu.memory_space<vmem>>
        %dma_wait3A_376 = tpu.memref_squeeze %dma_wait3A_375 : memref<1x128xi32, #tpu.memory_space<vmem>> -> memref<128xi32, #tpu.memory_space<vmem>>
        %dma_wait3A_377 = arith.constant 0 : i32
        %dma_wait3A_378 = arith.constant 0 : i32
        %dma_wait3A_379 = tpu.memref_slice %arg2[%dma_wait3A_377, %dma_wait3A_378] : memref<10000x128xf32, #tpu.memory_space<hbm>> -> memref<10000x128xf32, #tpu.memory_space<hbm>>
        tpu.wait_indirect_dma semaphore(%arg10 : memref<!tpu.dma_semaphore, #tpu.memory_space<semaphore_mem>>) src(%dma_wait3A_379 : memref<10000x128xf32, #tpu.memory_space<hbm>>) dst(%dma_wait3A_373 : memref<128x128xf32, #tpu.memory_space<vmem>>)
      } else {
      }
      %mul3A_114 = arith.constant 5 : i32
      %mul3A_115 = arith.muli %scan3A_8, %mul3A_114 : i32
      %add3A_116 = arith.addi %mul3A_2, %mul3A_115 : i32
      %add3A_117 = arith.constant 4 : i32
      %add3A_118 = arith.addi %add3A_116, %add3A_117 : i32
      %mul3A_119 = arith.constant 128 : i32
      %mul3A_120 = arith.muli %add3A_118, %mul3A_119 : i32
      %lt3A_121 = arith.constant 160000 : i32
      %lt3A_122 = arith.cmpi slt, %mul3A_120, %lt3A_121 : i32
      %convert_element_type3A_123 = arith.extui %lt3A_122 : i1 to i32
      %cond3A_124 = arith.constant 0 : i32
      %cond3A_125 = arith.cmpi ne, %convert_element_type3A_123, %cond3A_124 : i32
      scf.if %cond3A_125 {
        %mul3A_366 = arith.constant 5 : i32
        %mul3A_367 = arith.muli %scan3A_8, %mul3A_366 : i32
        %add3A_368 = arith.constant 4 : i32
        %add3A_369 = arith.addi %mul3A_367, %add3A_368 : i32
        %dma_wait3A = arith.constant 4 : i32
        %dma_wait3A_370 = arith.constant 0 : i32
        %dma_wait3A_371 = arith.constant 0 : i32
        %dma_wait3A_372 = tpu.memref_slice %arg9[%dma_wait3A, %dma_wait3A_370, %dma_wait3A_371] : memref<5x128x128xf32, #tpu.memory_space<vmem>> -> memref<1x128x128xf32, #tpu.memory_space<vmem>>
        %dma_wait3A_373 = tpu.memref_squeeze %dma_wait3A_372 : memref<1x128x128xf32, #tpu.memory_space<vmem>> -> memref<128x128xf32, #tpu.memory_space<vmem>>
        %dma_wait3A_374 = arith.constant 0 : i32
        %dma_wait3A_375 = tpu.memref_slice %arg7[%add3A_369, %dma_wait3A_374] : memref<40x128xi32, #tpu.memory_space<vmem>> -> memref<1x128xi32, #tpu.memory_space<vmem>>
        %dma_wait3A_376 = tpu.memref_squeeze %dma_wait3A_375 : memref<1x128xi32, #tpu.memory_space<vmem>> -> memref<128xi32, #tpu.memory_space<vmem>>
        %dma_wait3A_377 = arith.constant 0 : i32
        %dma_wait3A_378 = arith.constant 0 : i32
        %dma_wait3A_379 = tpu.memref_slice %arg2[%dma_wait3A_377, %dma_wait3A_378] : memref<10000x128xf32, #tpu.memory_space<hbm>> -> memref<10000x128xf32, #tpu.memory_space<hbm>>
        tpu.wait_indirect_dma semaphore(%arg10 : memref<!tpu.dma_semaphore, #tpu.memory_space<semaphore_mem>>) src(%dma_wait3A_379 : memref<10000x128xf32, #tpu.memory_space<hbm>>) dst(%dma_wait3A_373 : memref<128x128xf32, #tpu.memory_space<vmem>>)
      } else {
      }
      %mul3A_126 = arith.constant 5 : i32
      %mul3A_127 = arith.muli %scan3A_8, %mul3A_126 : i32
      %add3A_128 = arith.addi %mul3A_2, %mul3A_127 : i32
      %add3A_129 = arith.constant 0 : i32
      %add3A_130 = arith.addi %add3A_128, %add3A_129 : i32
      %mul3A_131 = arith.constant 128 : i32
      %mul3A_132 = arith.muli %add3A_130, %mul3A_131 : i32
      %lt3A_133 = arith.constant 160000 : i32
      %lt3A_134 = arith.cmpi slt, %mul3A_132, %lt3A_133 : i32
      %convert_element_type3A_135 = arith.extui %lt3A_134 : i1 to i32
      %cond3A_136 = arith.constant 0 : i32
      %cond3A_137 = arith.cmpi ne, %convert_element_type3A_135, %cond3A_136 : i32
      scf.if %cond3A_137 {
        %mul3A_366 = arith.constant 5 : i32
        %mul3A_367 = arith.muli %scan3A_8, %mul3A_366 : i32
        %add3A_368 = arith.constant 0 : i32
        %add3A_369 = arith.addi %mul3A_367, %add3A_368 : i32
        %dma_start3A = arith.constant 0 : i32
        %dma_start3A_370 = arith.constant 0 : i32
        %dma_start3A_371 = arith.constant 0 : i32
        %dma_start3A_372 = tpu.memref_slice %arg9[%dma_start3A, %dma_start3A_370, %dma_start3A_371] : memref<5x128x128xf32, #tpu.memory_space<vmem>> -> memref<1x128x128xf32, #tpu.memory_space<vmem>>
        %dma_start3A_373 = tpu.memref_squeeze %dma_start3A_372 : memref<1x128x128xf32, #tpu.memory_space<vmem>> -> memref<128x128xf32, #tpu.memory_space<vmem>>
        %dma_start3A_374 = arith.constant 0 : i32
        %dma_start3A_375 = tpu.memref_slice %arg8[%add3A_369, %dma_start3A_374] : memref<40x128xi32, #tpu.memory_space<vmem>> -> memref<1x128xi32, #tpu.memory_space<vmem>>
        %dma_start3A_376 = tpu.memref_squeeze %dma_start3A_375 : memref<1x128xi32, #tpu.memory_space<vmem>> -> memref<128xi32, #tpu.memory_space<vmem>>
        %dma_start3A_377 = arith.constant 0 : i32
        %dma_start3A_378 = arith.constant 0 : i32
        %dma_start3A_379 = tpu.memref_slice %arg3[%dma_start3A_377, %dma_start3A_378] : memref<10000x128xf32, #tpu.memory_space<hbm>> -> memref<10000x128xf32, #tpu.memory_space<hbm>>
        tpu.enqueue_indirect_dma source(%dma_start3A_379 : memref<10000x128xf32, #tpu.memory_space<hbm>>) target(%dma_start3A_373 : memref<128x128xf32, #tpu.memory_space<vmem>>) offsets(%dma_start3A_376 : memref<128xi32, #tpu.memory_space<vmem>>) semaphore(%arg10 : memref<!tpu.dma_semaphore, #tpu.memory_space<semaphore_mem>>) {add = true}
      } else {
      }
      %mul3A_138 = arith.constant 5 : i32
      %mul3A_139 = arith.muli %scan3A_8, %mul3A_138 : i32
      %add3A_140 = arith.addi %mul3A_2, %mul3A_139 : i32
      %add3A_141 = arith.constant 1 : i32
      %add3A_142 = arith.addi %add3A_140, %add3A_141 : i32
      %mul3A_143 = arith.constant 128 : i32
      %mul3A_144 = arith.muli %add3A_142, %mul3A_143 : i32
      %lt3A_145 = arith.constant 160000 : i32
      %lt3A_146 = arith.cmpi slt, %mul3A_144, %lt3A_145 : i32
      %convert_element_type3A_147 = arith.extui %lt3A_146 : i1 to i32
      %cond3A_148 = arith.constant 0 : i32
      %cond3A_149 = arith.cmpi ne, %convert_element_type3A_147, %cond3A_148 : i32
      scf.if %cond3A_149 {
        %mul3A_366 = arith.constant 5 : i32
        %mul3A_367 = arith.muli %scan3A_8, %mul3A_366 : i32
        %add3A_368 = arith.constant 1 : i32
        %add3A_369 = arith.addi %mul3A_367, %add3A_368 : i32
        %dma_start3A = arith.constant 1 : i32
        %dma_start3A_370 = arith.constant 0 : i32
        %dma_start3A_371 = arith.constant 0 : i32
        %dma_start3A_372 = tpu.memref_slice %arg9[%dma_start3A, %dma_start3A_370, %dma_start3A_371] : memref<5x128x128xf32, #tpu.memory_space<vmem>> -> memref<1x128x128xf32, #tpu.memory_space<vmem>>
        %dma_start3A_373 = tpu.memref_squeeze %dma_start3A_372 : memref<1x128x128xf32, #tpu.memory_space<vmem>> -> memref<128x128xf32, #tpu.memory_space<vmem>>
        %dma_start3A_374 = arith.constant 0 : i32
        %dma_start3A_375 = tpu.memref_slice %arg8[%add3A_369, %dma_start3A_374] : memref<40x128xi32, #tpu.memory_space<vmem>> -> memref<1x128xi32, #tpu.memory_space<vmem>>
        %dma_start3A_376 = tpu.memref_squeeze %dma_start3A_375 : memref<1x128xi32, #tpu.memory_space<vmem>> -> memref<128xi32, #tpu.memory_space<vmem>>
        %dma_start3A_377 = arith.constant 0 : i32
        %dma_start3A_378 = arith.constant 0 : i32
        %dma_start3A_379 = tpu.memref_slice %arg3[%dma_start3A_377, %dma_start3A_378] : memref<10000x128xf32, #tpu.memory_space<hbm>> -> memref<10000x128xf32, #tpu.memory_space<hbm>>
        tpu.enqueue_indirect_dma source(%dma_start3A_379 : memref<10000x128xf32, #tpu.memory_space<hbm>>) target(%dma_start3A_373 : memref<128x128xf32, #tpu.memory_space<vmem>>) offsets(%dma_start3A_376 : memref<128xi32, #tpu.memory_space<vmem>>) semaphore(%arg10 : memref<!tpu.dma_semaphore, #tpu.memory_space<semaphore_mem>>) {add = true}
      } else {
      }
      %mul3A_150 = arith.constant 5 : i32
      %mul3A_151 = arith.muli %scan3A_8, %mul3A_150 : i32
      %add3A_152 = arith.addi %mul3A_2, %mul3A_151 : i32
      %add3A_153 = arith.constant 2 : i32
      %add3A_154 = arith.addi %add3A_152, %add3A_153 : i32
      %mul3A_155 = arith.constant 128 : i32
      %mul3A_156 = arith.muli %add3A_154, %mul3A_155 : i32
      %lt3A_157 = arith.constant 160000 : i32
      %lt3A_158 = arith.cmpi slt, %mul3A_156, %lt3A_157 : i32
      %convert_element_type3A_159 = arith.extui %lt3A_158 : i1 to i32
      %cond3A_160 = arith.constant 0 : i32
      %cond3A_161 = arith.cmpi ne, %convert_element_type3A_159, %cond3A_160 : i32
      scf.if %cond3A_161 {
        %mul3A_366 = arith.constant 5 : i32
        %mul3A_367 = arith.muli %scan3A_8, %mul3A_366 : i32
        %add3A_368 = arith.constant 2 : i32
        %add3A_369 = arith.addi %mul3A_367, %add3A_368 : i32
        %dma_start3A = arith.constant 2 : i32
        %dma_start3A_370 = arith.constant 0 : i32
        %dma_start3A_371 = arith.constant 0 : i32
        %dma_start3A_372 = tpu.memref_slice %arg9[%dma_start3A, %dma_start3A_370, %dma_start3A_371] : memref<5x128x128xf32, #tpu.memory_space<vmem>> -> memref<1x128x128xf32, #tpu.memory_space<vmem>>
        %dma_start3A_373 = tpu.memref_squeeze %dma_start3A_372 : memref<1x128x128xf32, #tpu.memory_space<vmem>> -> memref<128x128xf32, #tpu.memory_space<vmem>>
        %dma_start3A_374 = arith.constant 0 : i32
        %dma_start3A_375 = tpu.memref_slice %arg8[%add3A_369, %dma_start3A_374] : memref<40x128xi32, #tpu.memory_space<vmem>> -> memref<1x128xi32, #tpu.memory_space<vmem>>
        %dma_start3A_376 = tpu.memref_squeeze %dma_start3A_375 : memref<1x128xi32, #tpu.memory_space<vmem>> -> memref<128xi32, #tpu.memory_space<vmem>>
        %dma_start3A_377 = arith.constant 0 : i32
        %dma_start3A_378 = arith.constant 0 : i32
        %dma_start3A_379 = tpu.memref_slice %arg3[%dma_start3A_377, %dma_start3A_378] : memref<10000x128xf32, #tpu.memory_space<hbm>> -> memref<10000x128xf32, #tpu.memory_space<hbm>>
        tpu.enqueue_indirect_dma source(%dma_start3A_379 : memref<10000x128xf32, #tpu.memory_space<hbm>>) target(%dma_start3A_373 : memref<128x128xf32, #tpu.memory_space<vmem>>) offsets(%dma_start3A_376 : memref<128xi32, #tpu.memory_space<vmem>>) semaphore(%arg10 : memref<!tpu.dma_semaphore, #tpu.memory_space<semaphore_mem>>) {add = true}
      } else {
      }
      %mul3A_162 = arith.constant 5 : i32
      %mul3A_163 = arith.muli %scan3A_8, %mul3A_162 : i32
      %add3A_164 = arith.addi %mul3A_2, %mul3A_163 : i32
      %add3A_165 = arith.constant 3 : i32
      %add3A_166 = arith.addi %add3A_164, %add3A_165 : i32
      %mul3A_167 = arith.constant 128 : i32
      %mul3A_168 = arith.muli %add3A_166, %mul3A_167 : i32
      %lt3A_169 = arith.constant 160000 : i32
      %lt3A_170 = arith.cmpi slt, %mul3A_168, %lt3A_169 : i32
      %convert_element_type3A_171 = arith.extui %lt3A_170 : i1 to i32
      %cond3A_172 = arith.constant 0 : i32
      %cond3A_173 = arith.cmpi ne, %convert_element_type3A_171, %cond3A_172 : i32
      scf.if %cond3A_173 {
        %mul3A_366 = arith.constant 5 : i32
        %mul3A_367 = arith.muli %scan3A_8, %mul3A_366 : i32
        %add3A_368 = arith.constant 3 : i32
        %add3A_369 = arith.addi %mul3A_367, %add3A_368 : i32
        %dma_start3A = arith.constant 3 : i32
        %dma_start3A_370 = arith.constant 0 : i32
        %dma_start3A_371 = arith.constant 0 : i32
        %dma_start3A_372 = tpu.memref_slice %arg9[%dma_start3A, %dma_start3A_370, %dma_start3A_371] : memref<5x128x128xf32, #tpu.memory_space<vmem>> -> memref<1x128x128xf32, #tpu.memory_space<vmem>>
        %dma_start3A_373 = tpu.memref_squeeze %dma_start3A_372 : memref<1x128x128xf32, #tpu.memory_space<vmem>> -> memref<128x128xf32, #tpu.memory_space<vmem>>
        %dma_start3A_374 = arith.constant 0 : i32
        %dma_start3A_375 = tpu.memref_slice %arg8[%add3A_369, %dma_start3A_374] : memref<40x128xi32, #tpu.memory_space<vmem>> -> memref<1x128xi32, #tpu.memory_space<vmem>>
        %dma_start3A_376 = tpu.memref_squeeze %dma_start3A_375 : memref<1x128xi32, #tpu.memory_space<vmem>> -> memref<128xi32, #tpu.memory_space<vmem>>
        %dma_start3A_377 = arith.constant 0 : i32
        %dma_start3A_378 = arith.constant 0 : i32
        %dma_start3A_379 = tpu.memref_slice %arg3[%dma_start3A_377, %dma_start3A_378] : memref<10000x128xf32, #tpu.memory_space<hbm>> -> memref<10000x128xf32, #tpu.memory_space<hbm>>
        tpu.enqueue_indirect_dma source(%dma_start3A_379 : memref<10000x128xf32, #tpu.memory_space<hbm>>) target(%dma_start3A_373 : memref<128x128xf32, #tpu.memory_space<vmem>>) offsets(%dma_start3A_376 : memref<128xi32, #tpu.memory_space<vmem>>) semaphore(%arg10 : memref<!tpu.dma_semaphore, #tpu.memory_space<semaphore_mem>>) {add = true}
      } else {
      }
      %mul3A_174 = arith.constant 5 : i32
      %mul3A_175 = arith.muli %scan3A_8, %mul3A_174 : i32
      %add3A_176 = arith.addi %mul3A_2, %mul3A_175 : i32
      %add3A_177 = arith.constant 4 : i32
      %add3A_178 = arith.addi %add3A_176, %add3A_177 : i32
      %mul3A_179 = arith.constant 128 : i32
      %mul3A_180 = arith.muli %add3A_178, %mul3A_179 : i32
      %lt3A_181 = arith.constant 160000 : i32
      %lt3A_182 = arith.cmpi slt, %mul3A_180, %lt3A_181 : i32
      %convert_element_type3A_183 = arith.extui %lt3A_182 : i1 to i32
      %cond3A_184 = arith.constant 0 : i32
      %cond3A_185 = arith.cmpi ne, %convert_element_type3A_183, %cond3A_184 : i32
      scf.if %cond3A_185 {
        %mul3A_366 = arith.constant 5 : i32
        %mul3A_367 = arith.muli %scan3A_8, %mul3A_366 : i32
        %add3A_368 = arith.constant 4 : i32
        %add3A_369 = arith.addi %mul3A_367, %add3A_368 : i32
        %dma_start3A = arith.constant 4 : i32
        %dma_start3A_370 = arith.constant 0 : i32
        %dma_start3A_371 = arith.constant 0 : i32
        %dma_start3A_372 = tpu.memref_slice %arg9[%dma_start3A, %dma_start3A_370, %dma_start3A_371] : memref<5x128x128xf32, #tpu.memory_space<vmem>> -> memref<1x128x128xf32, #tpu.memory_space<vmem>>
        %dma_start3A_373 = tpu.memref_squeeze %dma_start3A_372 : memref<1x128x128xf32, #tpu.memory_space<vmem>> -> memref<128x128xf32, #tpu.memory_space<vmem>>
        %dma_start3A_374 = arith.constant 0 : i32
        %dma_start3A_375 = tpu.memref_slice %arg8[%add3A_369, %dma_start3A_374] : memref<40x128xi32, #tpu.memory_space<vmem>> -> memref<1x128xi32, #tpu.memory_space<vmem>>
        %dma_start3A_376 = tpu.memref_squeeze %dma_start3A_375 : memref<1x128xi32, #tpu.memory_space<vmem>> -> memref<128xi32, #tpu.memory_space<vmem>>
        %dma_start3A_377 = arith.constant 0 : i32
        %dma_start3A_378 = arith.constant 0 : i32
        %dma_start3A_379 = tpu.memref_slice %arg3[%dma_start3A_377, %dma_start3A_378] : memref<10000x128xf32, #tpu.memory_space<hbm>> -> memref<10000x128xf32, #tpu.memory_space<hbm>>
        tpu.enqueue_indirect_dma source(%dma_start3A_379 : memref<10000x128xf32, #tpu.memory_space<hbm>>) target(%dma_start3A_373 : memref<128x128xf32, #tpu.memory_space<vmem>>) offsets(%dma_start3A_376 : memref<128xi32, #tpu.memory_space<vmem>>) semaphore(%arg10 : memref<!tpu.dma_semaphore, #tpu.memory_space<semaphore_mem>>) {add = true}
      } else {
      }
      %mul3A_186 = arith.constant 5 : i32
      %mul3A_187 = arith.muli %scan3A_8, %mul3A_186 : i32
      %add3A_188 = arith.addi %mul3A_2, %mul3A_187 : i32
      %add3A_189 = arith.constant 0 : i32
      %add3A_190 = arith.addi %add3A_188, %add3A_189 : i32
      %mul3A_191 = arith.constant 128 : i32
      %mul3A_192 = arith.muli %add3A_190, %mul3A_191 : i32
      %lt3A_193 = arith.constant 160000 : i32
      %lt3A_194 = arith.cmpi slt, %mul3A_192, %lt3A_193 : i32
      %convert_element_type3A_195 = arith.extui %lt3A_194 : i1 to i32
      %cond3A_196 = arith.constant 0 : i32
      %cond3A_197 = arith.cmpi ne, %convert_element_type3A_195, %cond3A_196 : i32
      scf.if %cond3A_197 {
        %mul3A_366 = arith.constant 5 : i32
        %mul3A_367 = arith.muli %scan3A_8, %mul3A_366 : i32
        %add3A_368 = arith.constant 0 : i32
        %add3A_369 = arith.addi %mul3A_367, %add3A_368 : i32
        %dma_wait3A = arith.constant 0 : i32
        %dma_wait3A_370 = arith.constant 0 : i32
        %dma_wait3A_371 = arith.constant 0 : i32
        %dma_wait3A_372 = tpu.memref_slice %arg9[%dma_wait3A, %dma_wait3A_370, %dma_wait3A_371] : memref<5x128x128xf32, #tpu.memory_space<vmem>> -> memref<1x128x128xf32, #tpu.memory_space<vmem>>
        %dma_wait3A_373 = tpu.memref_squeeze %dma_wait3A_372 : memref<1x128x128xf32, #tpu.memory_space<vmem>> -> memref<128x128xf32, #tpu.memory_space<vmem>>
        %dma_wait3A_374 = arith.constant 0 : i32
        %dma_wait3A_375 = tpu.memref_slice %arg8[%add3A_369, %dma_wait3A_374] : memref<40x128xi32, #tpu.memory_space<vmem>> -> memref<1x128xi32, #tpu.memory_space<vmem>>
        %dma_wait3A_376 = tpu.memref_squeeze %dma_wait3A_375 : memref<1x128xi32, #tpu.memory_space<vmem>> -> memref<128xi32, #tpu.memory_space<vmem>>
        %dma_wait3A_377 = arith.constant 0 : i32
        %dma_wait3A_378 = arith.constant 0 : i32
        %dma_wait3A_379 = tpu.memref_slice %arg3[%dma_wait3A_377, %dma_wait3A_378] : memref<10000x128xf32, #tpu.memory_space<hbm>> -> memref<10000x128xf32, #tpu.memory_space<hbm>>
        tpu.wait_indirect_dma semaphore(%arg10 : memref<!tpu.dma_semaphore, #tpu.memory_space<semaphore_mem>>) src(%dma_wait3A_379 : memref<10000x128xf32, #tpu.memory_space<hbm>>) dst(%dma_wait3A_373 : memref<128x128xf32, #tpu.memory_space<vmem>>)
      } else {
      }
      %mul3A_198 = arith.constant 5 : i32
      %mul3A_199 = arith.muli %scan3A_8, %mul3A_198 : i32
      %add3A_200 = arith.addi %mul3A_2, %mul3A_199 : i32
      %add3A_201 = arith.constant 1 : i32
      %add3A_202 = arith.addi %add3A_200, %add3A_201 : i32
      %mul3A_203 = arith.constant 128 : i32
      %mul3A_204 = arith.muli %add3A_202, %mul3A_203 : i32
      %lt3A_205 = arith.constant 160000 : i32
      %lt3A_206 = arith.cmpi slt, %mul3A_204, %lt3A_205 : i32
      %convert_element_type3A_207 = arith.extui %lt3A_206 : i1 to i32
      %cond3A_208 = arith.constant 0 : i32
      %cond3A_209 = arith.cmpi ne, %convert_element_type3A_207, %cond3A_208 : i32
      scf.if %cond3A_209 {
        %mul3A_366 = arith.constant 5 : i32
        %mul3A_367 = arith.muli %scan3A_8, %mul3A_366 : i32
        %add3A_368 = arith.constant 1 : i32
        %add3A_369 = arith.addi %mul3A_367, %add3A_368 : i32
        %dma_wait3A = arith.constant 1 : i32
        %dma_wait3A_370 = arith.constant 0 : i32
        %dma_wait3A_371 = arith.constant 0 : i32
        %dma_wait3A_372 = tpu.memref_slice %arg9[%dma_wait3A, %dma_wait3A_370, %dma_wait3A_371] : memref<5x128x128xf32, #tpu.memory_space<vmem>> -> memref<1x128x128xf32, #tpu.memory_space<vmem>>
        %dma_wait3A_373 = tpu.memref_squeeze %dma_wait3A_372 : memref<1x128x128xf32, #tpu.memory_space<vmem>> -> memref<128x128xf32, #tpu.memory_space<vmem>>
        %dma_wait3A_374 = arith.constant 0 : i32
        %dma_wait3A_375 = tpu.memref_slice %arg8[%add3A_369, %dma_wait3A_374] : memref<40x128xi32, #tpu.memory_space<vmem>> -> memref<1x128xi32, #tpu.memory_space<vmem>>
        %dma_wait3A_376 = tpu.memref_squeeze %dma_wait3A_375 : memref<1x128xi32, #tpu.memory_space<vmem>> -> memref<128xi32, #tpu.memory_space<vmem>>
        %dma_wait3A_377 = arith.constant 0 : i32
        %dma_wait3A_378 = arith.constant 0 : i32
        %dma_wait3A_379 = tpu.memref_slice %arg3[%dma_wait3A_377, %dma_wait3A_378] : memref<10000x128xf32, #tpu.memory_space<hbm>> -> memref<10000x128xf32, #tpu.memory_space<hbm>>
        tpu.wait_indirect_dma semaphore(%arg10 : memref<!tpu.dma_semaphore, #tpu.memory_space<semaphore_mem>>) src(%dma_wait3A_379 : memref<10000x128xf32, #tpu.memory_space<hbm>>) dst(%dma_wait3A_373 : memref<128x128xf32, #tpu.memory_space<vmem>>)
      } else {
      }
      %mul3A_210 = arith.constant 5 : i32
      %mul3A_211 = arith.muli %scan3A_8, %mul3A_210 : i32
      %add3A_212 = arith.addi %mul3A_2, %mul3A_211 : i32
      %add3A_213 = arith.constant 2 : i32
      %add3A_214 = arith.addi %add3A_212, %add3A_213 : i32
      %mul3A_215 = arith.constant 128 : i32
      %mul3A_216 = arith.muli %add3A_214, %mul3A_215 : i32
      %lt3A_217 = arith.constant 160000 : i32
      %lt3A_218 = arith.cmpi slt, %mul3A_216, %lt3A_217 : i32
      %convert_element_type3A_219 = arith.extui %lt3A_218 : i1 to i32
      %cond3A_220 = arith.constant 0 : i32
      %cond3A_221 = arith.cmpi ne, %convert_element_type3A_219, %cond3A_220 : i32
      scf.if %cond3A_221 {
        %mul3A_366 = arith.constant 5 : i32
        %mul3A_367 = arith.muli %scan3A_8, %mul3A_366 : i32
        %add3A_368 = arith.constant 2 : i32
        %add3A_369 = arith.addi %mul3A_367, %add3A_368 : i32
        %dma_wait3A = arith.constant 2 : i32
        %dma_wait3A_370 = arith.constant 0 : i32
        %dma_wait3A_371 = arith.constant 0 : i32
        %dma_wait3A_372 = tpu.memref_slice %arg9[%dma_wait3A, %dma_wait3A_370, %dma_wait3A_371] : memref<5x128x128xf32, #tpu.memory_space<vmem>> -> memref<1x128x128xf32, #tpu.memory_space<vmem>>
        %dma_wait3A_373 = tpu.memref_squeeze %dma_wait3A_372 : memref<1x128x128xf32, #tpu.memory_space<vmem>> -> memref<128x128xf32, #tpu.memory_space<vmem>>
        %dma_wait3A_374 = arith.constant 0 : i32
        %dma_wait3A_375 = tpu.memref_slice %arg8[%add3A_369, %dma_wait3A_374] : memref<40x128xi32, #tpu.memory_space<vmem>> -> memref<1x128xi32, #tpu.memory_space<vmem>>
        %dma_wait3A_376 = tpu.memref_squeeze %dma_wait3A_375 : memref<1x128xi32, #tpu.memory_space<vmem>> -> memref<128xi32, #tpu.memory_space<vmem>>
        %dma_wait3A_377 = arith.constant 0 : i32
        %dma_wait3A_378 = arith.constant 0 : i32
        %dma_wait3A_379 = tpu.memref_slice %arg3[%dma_wait3A_377, %dma_wait3A_378] : memref<10000x128xf32, #tpu.memory_space<hbm>> -> memref<10000x128xf32, #tpu.memory_space<hbm>>
        tpu.wait_indirect_dma semaphore(%arg10 : memref<!tpu.dma_semaphore, #tpu.memory_space<semaphore_mem>>) src(%dma_wait3A_379 : memref<10000x128xf32, #tpu.memory_space<hbm>>) dst(%dma_wait3A_373 : memref<128x128xf32, #tpu.memory_space<vmem>>)
      } else {
      }
      %mul3A_222 = arith.constant 5 : i32
      %mul3A_223 = arith.muli %scan3A_8, %mul3A_222 : i32
      %add3A_224 = arith.addi %mul3A_2, %mul3A_223 : i32
      %add3A_225 = arith.constant 3 : i32
      %add3A_226 = arith.addi %add3A_224, %add3A_225 : i32
      %mul3A_227 = arith.constant 128 : i32
      %mul3A_228 = arith.muli %add3A_226, %mul3A_227 : i32
      %lt3A_229 = arith.constant 160000 : i32
      %lt3A_230 = arith.cmpi slt, %mul3A_228, %lt3A_229 : i32
      %convert_element_type3A_231 = arith.extui %lt3A_230 : i1 to i32
      %cond3A_232 = arith.constant 0 : i32
      %cond3A_233 = arith.cmpi ne, %convert_element_type3A_231, %cond3A_232 : i32
      scf.if %cond3A_233 {
        %mul3A_366 = arith.constant 5 : i32
        %mul3A_367 = arith.muli %scan3A_8, %mul3A_366 : i32
        %add3A_368 = arith.constant 3 : i32
        %add3A_369 = arith.addi %mul3A_367, %add3A_368 : i32
        %dma_wait3A = arith.constant 3 : i32
        %dma_wait3A_370 = arith.constant 0 : i32
        %dma_wait3A_371 = arith.constant 0 : i32
        %dma_wait3A_372 = tpu.memref_slice %arg9[%dma_wait3A, %dma_wait3A_370, %dma_wait3A_371] : memref<5x128x128xf32, #tpu.memory_space<vmem>> -> memref<1x128x128xf32, #tpu.memory_space<vmem>>
        %dma_wait3A_373 = tpu.memref_squeeze %dma_wait3A_372 : memref<1x128x128xf32, #tpu.memory_space<vmem>> -> memref<128x128xf32, #tpu.memory_space<vmem>>
        %dma_wait3A_374 = arith.constant 0 : i32
        %dma_wait3A_375 = tpu.memref_slice %arg8[%add3A_369, %dma_wait3A_374] : memref<40x128xi32, #tpu.memory_space<vmem>> -> memref<1x128xi32, #tpu.memory_space<vmem>>
        %dma_wait3A_376 = tpu.memref_squeeze %dma_wait3A_375 : memref<1x128xi32, #tpu.memory_space<vmem>> -> memref<128xi32, #tpu.memory_space<vmem>>
        %dma_wait3A_377 = arith.constant 0 : i32
        %dma_wait3A_378 = arith.constant 0 : i32
        %dma_wait3A_379 = tpu.memref_slice %arg3[%dma_wait3A_377, %dma_wait3A_378] : memref<10000x128xf32, #tpu.memory_space<hbm>> -> memref<10000x128xf32, #tpu.memory_space<hbm>>
        tpu.wait_indirect_dma semaphore(%arg10 : memref<!tpu.dma_semaphore, #tpu.memory_space<semaphore_mem>>) src(%dma_wait3A_379 : memref<10000x128xf32, #tpu.memory_space<hbm>>) dst(%dma_wait3A_373 : memref<128x128xf32, #tpu.memory_space<vmem>>)
      } else {
      }
      %mul3A_234 = arith.constant 5 : i32
      %mul3A_235 = arith.muli %scan3A_8, %mul3A_234 : i32
      %add3A_236 = arith.addi %mul3A_2, %mul3A_235 : i32
      %add3A_237 = arith.constant 4 : i32
      %add3A_238 = arith.addi %add3A_236, %add3A_237 : i32
      %mul3A_239 = arith.constant 128 : i32
      %mul3A_240 = arith.muli %add3A_238, %mul3A_239 : i32
      %lt3A_241 = arith.constant 160000 : i32
      %lt3A_242 = arith.cmpi slt, %mul3A_240, %lt3A_241 : i32
      %convert_element_type3A_243 = arith.extui %lt3A_242 : i1 to i32
      %cond3A_244 = arith.constant 0 : i32
      %cond3A_245 = arith.cmpi ne, %convert_element_type3A_243, %cond3A_244 : i32
      scf.if %cond3A_245 {
        %mul3A_366 = arith.constant 5 : i32
        %mul3A_367 = arith.muli %scan3A_8, %mul3A_366 : i32
        %add3A_368 = arith.constant 4 : i32
        %add3A_369 = arith.addi %mul3A_367, %add3A_368 : i32
        %dma_wait3A = arith.constant 4 : i32
        %dma_wait3A_370 = arith.constant 0 : i32
        %dma_wait3A_371 = arith.constant 0 : i32
        %dma_wait3A_372 = tpu.memref_slice %arg9[%dma_wait3A, %dma_wait3A_370, %dma_wait3A_371] : memref<5x128x128xf32, #tpu.memory_space<vmem>> -> memref<1x128x128xf32, #tpu.memory_space<vmem>>
        %dma_wait3A_373 = tpu.memref_squeeze %dma_wait3A_372 : memref<1x128x128xf32, #tpu.memory_space<vmem>> -> memref<128x128xf32, #tpu.memory_space<vmem>>
        %dma_wait3A_374 = arith.constant 0 : i32
        %dma_wait3A_375 = tpu.memref_slice %arg8[%add3A_369, %dma_wait3A_374] : memref<40x128xi32, #tpu.memory_space<vmem>> -> memref<1x128xi32, #tpu.memory_space<vmem>>
        %dma_wait3A_376 = tpu.memref_squeeze %dma_wait3A_375 : memref<1x128xi32, #tpu.memory_space<vmem>> -> memref<128xi32, #tpu.memory_space<vmem>>
        %dma_wait3A_377 = arith.constant 0 : i32
        %dma_wait3A_378 = arith.constant 0 : i32
        %dma_wait3A_379 = tpu.memref_slice %arg3[%dma_wait3A_377, %dma_wait3A_378] : memref<10000x128xf32, #tpu.memory_space<hbm>> -> memref<10000x128xf32, #tpu.memory_space<hbm>>
        tpu.wait_indirect_dma semaphore(%arg10 : memref<!tpu.dma_semaphore, #tpu.memory_space<semaphore_mem>>) src(%dma_wait3A_379 : memref<10000x128xf32, #tpu.memory_space<hbm>>) dst(%dma_wait3A_373 : memref<128x128xf32, #tpu.memory_space<vmem>>)
      } else {
      }
      %mul3A_246 = arith.constant 5 : i32
      %mul3A_247 = arith.muli %scan3A_8, %mul3A_246 : i32
      %add3A_248 = arith.addi %mul3A_2, %mul3A_247 : i32
      %add3A_249 = arith.constant 0 : i32
      %add3A_250 = arith.addi %add3A_248, %add3A_249 : i32
      %mul3A_251 = arith.constant 128 : i32
      %mul3A_252 = arith.muli %add3A_250, %mul3A_251 : i32
      %lt3A_253 = arith.constant 160000 : i32
      %lt3A_254 = arith.cmpi slt, %mul3A_252, %lt3A_253 : i32
      %convert_element_type3A_255 = arith.extui %lt3A_254 : i1 to i32
      %cond3A_256 = arith.constant 0 : i32
      %cond3A_257 = arith.cmpi ne, %convert_element_type3A_255, %cond3A_256 : i32
      scf.if %cond3A_257 {
        %mul3A_366 = arith.constant 5 : i32
        %mul3A_367 = arith.muli %scan3A_8, %mul3A_366 : i32
        %add3A_368 = arith.addi %mul3A_2, %mul3A_367 : i32
        %add3A_369 = arith.constant 0 : i32
        %add3A_370 = arith.addi %add3A_368, %add3A_369 : i32
        %mul3A_371 = arith.constant 128 : i32
        %mul3A_372 = arith.muli %add3A_370, %mul3A_371 : i32
        %dma_start3A = arith.constant 0 : i32
        %dma_start3A_373 = arith.constant 0 : i32
        %dma_start3A_374 = arith.constant 0 : i32
        %dma_start3A_375 = tpu.memref_slice %arg9[%dma_start3A, %dma_start3A_373, %dma_start3A_374] : memref<5x128x128xf32, #tpu.memory_space<vmem>> -> memref<1x128x128xf32, #tpu.memory_space<vmem>>
        %dma_start3A_376 = tpu.memref_squeeze %dma_start3A_375 : memref<1x128x128xf32, #tpu.memory_space<vmem>> -> memref<128x128xf32, #tpu.memory_space<vmem>>
        %dma_start3A_377 = arith.constant 0 : i32
        %dma_start3A_378 = tpu.memref_slice %arg6[%mul3A_372, %dma_start3A_377] : memref<160000x128xf32, #tpu.memory_space<hbm>> -> memref<128x128xf32, #tpu.memory_space<hbm>>
        %dma_start3A_379 = arith.constant 0 : i32
        %dma_start3A_380 = tpu.memref_slice %arg6[%mul3A_372, %dma_start3A_379] : memref<160000x128xf32, #tpu.memory_space<hbm>> -> memref<128x128xf32, #tpu.memory_space<hbm>>
        %dma_start3A_381 = arith.constant 0 : i32
        %dma_start3A_382 = arith.constant 0 : i32
        %dma_start3A_383 = tpu.memref_slice %arg9[%dma_start3A, %dma_start3A_381, %dma_start3A_382] : memref<5x128x128xf32, #tpu.memory_space<vmem>> -> memref<1x128x128xf32, #tpu.memory_space<vmem>>
        %dma_start3A_384 = tpu.memref_squeeze %dma_start3A_383 : memref<1x128x128xf32, #tpu.memory_space<vmem>> -> memref<128x128xf32, #tpu.memory_space<vmem>>
        tpu.enqueue_dma source(%dma_start3A_384 : memref<128x128xf32, #tpu.memory_space<vmem>>) target(%dma_start3A_380 : memref<128x128xf32, #tpu.memory_space<hbm>>) target_semaphore(%arg11 : memref<!tpu.dma_semaphore, #tpu.memory_space<semaphore_mem>>)
      } else {
      }
      %mul3A_258 = arith.constant 5 : i32
      %mul3A_259 = arith.muli %scan3A_8, %mul3A_258 : i32
      %add3A_260 = arith.addi %mul3A_2, %mul3A_259 : i32
      %add3A_261 = arith.constant 1 : i32
      %add3A_262 = arith.addi %add3A_260, %add3A_261 : i32
      %mul3A_263 = arith.constant 128 : i32
      %mul3A_264 = arith.muli %add3A_262, %mul3A_263 : i32
      %lt3A_265 = arith.constant 160000 : i32
      %lt3A_266 = arith.cmpi slt, %mul3A_264, %lt3A_265 : i32
      %convert_element_type3A_267 = arith.extui %lt3A_266 : i1 to i32
      %cond3A_268 = arith.constant 0 : i32
      %cond3A_269 = arith.cmpi ne, %convert_element_type3A_267, %cond3A_268 : i32
      scf.if %cond3A_269 {
        %mul3A_366 = arith.constant 5 : i32
        %mul3A_367 = arith.muli %scan3A_8, %mul3A_366 : i32
        %add3A_368 = arith.addi %mul3A_2, %mul3A_367 : i32
        %add3A_369 = arith.constant 1 : i32
        %add3A_370 = arith.addi %add3A_368, %add3A_369 : i32
        %mul3A_371 = arith.constant 128 : i32
        %mul3A_372 = arith.muli %add3A_370, %mul3A_371 : i32
        %dma_start3A = arith.constant 1 : i32
        %dma_start3A_373 = arith.constant 0 : i32
        %dma_start3A_374 = arith.constant 0 : i32
        %dma_start3A_375 = tpu.memref_slice %arg9[%dma_start3A, %dma_start3A_373, %dma_start3A_374] : memref<5x128x128xf32, #tpu.memory_space<vmem>> -> memref<1x128x128xf32, #tpu.memory_space<vmem>>
        %dma_start3A_376 = tpu.memref_squeeze %dma_start3A_375 : memref<1x128x128xf32, #tpu.memory_space<vmem>> -> memref<128x128xf32, #tpu.memory_space<vmem>>
        %dma_start3A_377 = arith.constant 0 : i32
        %dma_start3A_378 = tpu.memref_slice %arg6[%mul3A_372, %dma_start3A_377] : memref<160000x128xf32, #tpu.memory_space<hbm>> -> memref<128x128xf32, #tpu.memory_space<hbm>>
        %dma_start3A_379 = arith.constant 0 : i32
        %dma_start3A_380 = tpu.memref_slice %arg6[%mul3A_372, %dma_start3A_379] : memref<160000x128xf32, #tpu.memory_space<hbm>> -> memref<128x128xf32, #tpu.memory_space<hbm>>
        %dma_start3A_381 = arith.constant 0 : i32
        %dma_start3A_382 = arith.constant 0 : i32
        %dma_start3A_383 = tpu.memref_slice %arg9[%dma_start3A, %dma_start3A_381, %dma_start3A_382] : memref<5x128x128xf32, #tpu.memory_space<vmem>> -> memref<1x128x128xf32, #tpu.memory_space<vmem>>
        %dma_start3A_384 = tpu.memref_squeeze %dma_start3A_383 : memref<1x128x128xf32, #tpu.memory_space<vmem>> -> memref<128x128xf32, #tpu.memory_space<vmem>>
        tpu.enqueue_dma source(%dma_start3A_384 : memref<128x128xf32, #tpu.memory_space<vmem>>) target(%dma_start3A_380 : memref<128x128xf32, #tpu.memory_space<hbm>>) target_semaphore(%arg11 : memref<!tpu.dma_semaphore, #tpu.memory_space<semaphore_mem>>)
      } else {
      }
      %mul3A_270 = arith.constant 5 : i32
      %mul3A_271 = arith.muli %scan3A_8, %mul3A_270 : i32
      %add3A_272 = arith.addi %mul3A_2, %mul3A_271 : i32
      %add3A_273 = arith.constant 2 : i32
      %add3A_274 = arith.addi %add3A_272, %add3A_273 : i32
      %mul3A_275 = arith.constant 128 : i32
      %mul3A_276 = arith.muli %add3A_274, %mul3A_275 : i32
      %lt3A_277 = arith.constant 160000 : i32
      %lt3A_278 = arith.cmpi slt, %mul3A_276, %lt3A_277 : i32
      %convert_element_type3A_279 = arith.extui %lt3A_278 : i1 to i32
      %cond3A_280 = arith.constant 0 : i32
      %cond3A_281 = arith.cmpi ne, %convert_element_type3A_279, %cond3A_280 : i32
      scf.if %cond3A_281 {
        %mul3A_366 = arith.constant 5 : i32
        %mul3A_367 = arith.muli %scan3A_8, %mul3A_366 : i32
        %add3A_368 = arith.addi %mul3A_2, %mul3A_367 : i32
        %add3A_369 = arith.constant 2 : i32
        %add3A_370 = arith.addi %add3A_368, %add3A_369 : i32
        %mul3A_371 = arith.constant 128 : i32
        %mul3A_372 = arith.muli %add3A_370, %mul3A_371 : i32
        %dma_start3A = arith.constant 2 : i32
        %dma_start3A_373 = arith.constant 0 : i32
        %dma_start3A_374 = arith.constant 0 : i32
        %dma_start3A_375 = tpu.memref_slice %arg9[%dma_start3A, %dma_start3A_373, %dma_start3A_374] : memref<5x128x128xf32, #tpu.memory_space<vmem>> -> memref<1x128x128xf32, #tpu.memory_space<vmem>>
        %dma_start3A_376 = tpu.memref_squeeze %dma_start3A_375 : memref<1x128x128xf32, #tpu.memory_space<vmem>> -> memref<128x128xf32, #tpu.memory_space<vmem>>
        %dma_start3A_377 = arith.constant 0 : i32
        %dma_start3A_378 = tpu.memref_slice %arg6[%mul3A_372, %dma_start3A_377] : memref<160000x128xf32, #tpu.memory_space<hbm>> -> memref<128x128xf32, #tpu.memory_space<hbm>>
        %dma_start3A_379 = arith.constant 0 : i32
        %dma_start3A_380 = tpu.memref_slice %arg6[%mul3A_372, %dma_start3A_379] : memref<160000x128xf32, #tpu.memory_space<hbm>> -> memref<128x128xf32, #tpu.memory_space<hbm>>
        %dma_start3A_381 = arith.constant 0 : i32
        %dma_start3A_382 = arith.constant 0 : i32
        %dma_start3A_383 = tpu.memref_slice %arg9[%dma_start3A, %dma_start3A_381, %dma_start3A_382] : memref<5x128x128xf32, #tpu.memory_space<vmem>> -> memref<1x128x128xf32, #tpu.memory_space<vmem>>
        %dma_start3A_384 = tpu.memref_squeeze %dma_start3A_383 : memref<1x128x128xf32, #tpu.memory_space<vmem>> -> memref<128x128xf32, #tpu.memory_space<vmem>>
        tpu.enqueue_dma source(%dma_start3A_384 : memref<128x128xf32, #tpu.memory_space<vmem>>) target(%dma_start3A_380 : memref<128x128xf32, #tpu.memory_space<hbm>>) target_semaphore(%arg11 : memref<!tpu.dma_semaphore, #tpu.memory_space<semaphore_mem>>)
      } else {
      }
      %mul3A_282 = arith.constant 5 : i32
      %mul3A_283 = arith.muli %scan3A_8, %mul3A_282 : i32
      %add3A_284 = arith.addi %mul3A_2, %mul3A_283 : i32
      %add3A_285 = arith.constant 3 : i32
      %add3A_286 = arith.addi %add3A_284, %add3A_285 : i32
      %mul3A_287 = arith.constant 128 : i32
      %mul3A_288 = arith.muli %add3A_286, %mul3A_287 : i32
      %lt3A_289 = arith.constant 160000 : i32
      %lt3A_290 = arith.cmpi slt, %mul3A_288, %lt3A_289 : i32
      %convert_element_type3A_291 = arith.extui %lt3A_290 : i1 to i32
      %cond3A_292 = arith.constant 0 : i32
      %cond3A_293 = arith.cmpi ne, %convert_element_type3A_291, %cond3A_292 : i32
      scf.if %cond3A_293 {
        %mul3A_366 = arith.constant 5 : i32
        %mul3A_367 = arith.muli %scan3A_8, %mul3A_366 : i32
        %add3A_368 = arith.addi %mul3A_2, %mul3A_367 : i32
        %add3A_369 = arith.constant 3 : i32
        %add3A_370 = arith.addi %add3A_368, %add3A_369 : i32
        %mul3A_371 = arith.constant 128 : i32
        %mul3A_372 = arith.muli %add3A_370, %mul3A_371 : i32
        %dma_start3A = arith.constant 3 : i32
        %dma_start3A_373 = arith.constant 0 : i32
        %dma_start3A_374 = arith.constant 0 : i32
        %dma_start3A_375 = tpu.memref_slice %arg9[%dma_start3A, %dma_start3A_373, %dma_start3A_374] : memref<5x128x128xf32, #tpu.memory_space<vmem>> -> memref<1x128x128xf32, #tpu.memory_space<vmem>>
        %dma_start3A_376 = tpu.memref_squeeze %dma_start3A_375 : memref<1x128x128xf32, #tpu.memory_space<vmem>> -> memref<128x128xf32, #tpu.memory_space<vmem>>
        %dma_start3A_377 = arith.constant 0 : i32
        %dma_start3A_378 = tpu.memref_slice %arg6[%mul3A_372, %dma_start3A_377] : memref<160000x128xf32, #tpu.memory_space<hbm>> -> memref<128x128xf32, #tpu.memory_space<hbm>>
        %dma_start3A_379 = arith.constant 0 : i32
        %dma_start3A_380 = tpu.memref_slice %arg6[%mul3A_372, %dma_start3A_379] : memref<160000x128xf32, #tpu.memory_space<hbm>> -> memref<128x128xf32, #tpu.memory_space<hbm>>
        %dma_start3A_381 = arith.constant 0 : i32
        %dma_start3A_382 = arith.constant 0 : i32
        %dma_start3A_383 = tpu.memref_slice %arg9[%dma_start3A, %dma_start3A_381, %dma_start3A_382] : memref<5x128x128xf32, #tpu.memory_space<vmem>> -> memref<1x128x128xf32, #tpu.memory_space<vmem>>
        %dma_start3A_384 = tpu.memref_squeeze %dma_start3A_383 : memref<1x128x128xf32, #tpu.memory_space<vmem>> -> memref<128x128xf32, #tpu.memory_space<vmem>>
        tpu.enqueue_dma source(%dma_start3A_384 : memref<128x128xf32, #tpu.memory_space<vmem>>) target(%dma_start3A_380 : memref<128x128xf32, #tpu.memory_space<hbm>>) target_semaphore(%arg11 : memref<!tpu.dma_semaphore, #tpu.memory_space<semaphore_mem>>)
      } else {
      }
      %mul3A_294 = arith.constant 5 : i32
      %mul3A_295 = arith.muli %scan3A_8, %mul3A_294 : i32
      %add3A_296 = arith.addi %mul3A_2, %mul3A_295 : i32
      %add3A_297 = arith.constant 4 : i32
      %add3A_298 = arith.addi %add3A_296, %add3A_297 : i32
      %mul3A_299 = arith.constant 128 : i32
      %mul3A_300 = arith.muli %add3A_298, %mul3A_299 : i32
      %lt3A_301 = arith.constant 160000 : i32
      %lt3A_302 = arith.cmpi slt, %mul3A_300, %lt3A_301 : i32
      %convert_element_type3A_303 = arith.extui %lt3A_302 : i1 to i32
      %cond3A_304 = arith.constant 0 : i32
      %cond3A_305 = arith.cmpi ne, %convert_element_type3A_303, %cond3A_304 : i32
      scf.if %cond3A_305 {
        %mul3A_366 = arith.constant 5 : i32
        %mul3A_367 = arith.muli %scan3A_8, %mul3A_366 : i32
        %add3A_368 = arith.addi %mul3A_2, %mul3A_367 : i32
        %add3A_369 = arith.constant 4 : i32
        %add3A_370 = arith.addi %add3A_368, %add3A_369 : i32
        %mul3A_371 = arith.constant 128 : i32
        %mul3A_372 = arith.muli %add3A_370, %mul3A_371 : i32
        %dma_start3A = arith.constant 4 : i32
        %dma_start3A_373 = arith.constant 0 : i32
        %dma_start3A_374 = arith.constant 0 : i32
        %dma_start3A_375 = tpu.memref_slice %arg9[%dma_start3A, %dma_start3A_373, %dma_start3A_374] : memref<5x128x128xf32, #tpu.memory_space<vmem>> -> memref<1x128x128xf32, #tpu.memory_space<vmem>>
        %dma_start3A_376 = tpu.memref_squeeze %dma_start3A_375 : memref<1x128x128xf32, #tpu.memory_space<vmem>> -> memref<128x128xf32, #tpu.memory_space<vmem>>
        %dma_start3A_377 = arith.constant 0 : i32
        %dma_start3A_378 = tpu.memref_slice %arg6[%mul3A_372, %dma_start3A_377] : memref<160000x128xf32, #tpu.memory_space<hbm>> -> memref<128x128xf32, #tpu.memory_space<hbm>>
        %dma_start3A_379 = arith.constant 0 : i32
        %dma_start3A_380 = tpu.memref_slice %arg6[%mul3A_372, %dma_start3A_379] : memref<160000x128xf32, #tpu.memory_space<hbm>> -> memref<128x128xf32, #tpu.memory_space<hbm>>
        %dma_start3A_381 = arith.constant 0 : i32
        %dma_start3A_382 = arith.constant 0 : i32
        %dma_start3A_383 = tpu.memref_slice %arg9[%dma_start3A, %dma_start3A_381, %dma_start3A_382] : memref<5x128x128xf32, #tpu.memory_space<vmem>> -> memref<1x128x128xf32, #tpu.memory_space<vmem>>
        %dma_start3A_384 = tpu.memref_squeeze %dma_start3A_383 : memref<1x128x128xf32, #tpu.memory_space<vmem>> -> memref<128x128xf32, #tpu.memory_space<vmem>>
        tpu.enqueue_dma source(%dma_start3A_384 : memref<128x128xf32, #tpu.memory_space<vmem>>) target(%dma_start3A_380 : memref<128x128xf32, #tpu.memory_space<hbm>>) target_semaphore(%arg11 : memref<!tpu.dma_semaphore, #tpu.memory_space<semaphore_mem>>)
      } else {
      }
      %mul3A_306 = arith.constant 5 : i32
      %mul3A_307 = arith.muli %scan3A_8, %mul3A_306 : i32
      %add3A_308 = arith.addi %mul3A_2, %mul3A_307 : i32
      %add3A_309 = arith.constant 0 : i32
      %add3A_310 = arith.addi %add3A_308, %add3A_309 : i32
      %mul3A_311 = arith.constant 128 : i32
      %mul3A_312 = arith.muli %add3A_310, %mul3A_311 : i32
      %lt3A_313 = arith.constant 160000 : i32
      %lt3A_314 = arith.cmpi slt, %mul3A_312, %lt3A_313 : i32
      %convert_element_type3A_315 = arith.extui %lt3A_314 : i1 to i32
      %cond3A_316 = arith.constant 0 : i32
      %cond3A_317 = arith.cmpi ne, %convert_element_type3A_315, %cond3A_316 : i32
      scf.if %cond3A_317 {
        %mul3A_366 = arith.constant 5 : i32
        %mul3A_367 = arith.muli %scan3A_8, %mul3A_366 : i32
        %add3A_368 = arith.addi %mul3A_2, %mul3A_367 : i32
        %add3A_369 = arith.constant 0 : i32
        %add3A_370 = arith.addi %add3A_368, %add3A_369 : i32
        %mul3A_371 = arith.constant 128 : i32
        %mul3A_372 = arith.muli %add3A_370, %mul3A_371 : i32
        %dma_wait3A = arith.constant 0 : i32
        %dma_wait3A_373 = arith.constant 0 : i32
        %dma_wait3A_374 = arith.constant 0 : i32
        %dma_wait3A_375 = tpu.memref_slice %arg9[%dma_wait3A, %dma_wait3A_373, %dma_wait3A_374] : memref<5x128x128xf32, #tpu.memory_space<vmem>> -> memref<1x128x128xf32, #tpu.memory_space<vmem>>
        %dma_wait3A_376 = tpu.memref_squeeze %dma_wait3A_375 : memref<1x128x128xf32, #tpu.memory_space<vmem>> -> memref<128x128xf32, #tpu.memory_space<vmem>>
        %dma_wait3A_377 = arith.constant 0 : i32
        %dma_wait3A_378 = tpu.memref_slice %arg6[%mul3A_372, %dma_wait3A_377] : memref<160000x128xf32, #tpu.memory_space<hbm>> -> memref<128x128xf32, #tpu.memory_space<hbm>>
        %dma_wait3A_379 = arith.constant 0 : i32
        %dma_wait3A_380 = tpu.memref_slice %arg6[%mul3A_372, %dma_wait3A_379] : memref<160000x128xf32, #tpu.memory_space<hbm>> -> memref<128x128xf32, #tpu.memory_space<hbm>>
        %dma_wait3A_381 = arith.constant 0 : i32
        %dma_wait3A_382 = arith.constant 0 : i32
        %dma_wait3A_383 = tpu.memref_slice %arg9[%dma_wait3A, %dma_wait3A_381, %dma_wait3A_382] : memref<5x128x128xf32, #tpu.memory_space<vmem>> -> memref<1x128x128xf32, #tpu.memory_space<vmem>>
        %dma_wait3A_384 = tpu.memref_squeeze %dma_wait3A_383 : memref<1x128x128xf32, #tpu.memory_space<vmem>> -> memref<128x128xf32, #tpu.memory_space<vmem>>
        tpu.wait_dma2 semaphore(%arg11 : memref<!tpu.dma_semaphore, #tpu.memory_space<semaphore_mem>>) src(%dma_wait3A_384 : memref<128x128xf32, #tpu.memory_space<vmem>>) dst(%dma_wait3A_380 : memref<128x128xf32, #tpu.memory_space<hbm>>)
      } else {
      }
      %mul3A_318 = arith.constant 5 : i32
      %mul3A_319 = arith.muli %scan3A_8, %mul3A_318 : i32
      %add3A_320 = arith.addi %mul3A_2, %mul3A_319 : i32
      %add3A_321 = arith.constant 1 : i32
      %add3A_322 = arith.addi %add3A_320, %add3A_321 : i32
      %mul3A_323 = arith.constant 128 : i32
      %mul3A_324 = arith.muli %add3A_322, %mul3A_323 : i32
      %lt3A_325 = arith.constant 160000 : i32
      %lt3A_326 = arith.cmpi slt, %mul3A_324, %lt3A_325 : i32
      %convert_element_type3A_327 = arith.extui %lt3A_326 : i1 to i32
      %cond3A_328 = arith.constant 0 : i32
      %cond3A_329 = arith.cmpi ne, %convert_element_type3A_327, %cond3A_328 : i32
      scf.if %cond3A_329 {
        %mul3A_366 = arith.constant 5 : i32
        %mul3A_367 = arith.muli %scan3A_8, %mul3A_366 : i32
        %add3A_368 = arith.addi %mul3A_2, %mul3A_367 : i32
        %add3A_369 = arith.constant 1 : i32
        %add3A_370 = arith.addi %add3A_368, %add3A_369 : i32
        %mul3A_371 = arith.constant 128 : i32
        %mul3A_372 = arith.muli %add3A_370, %mul3A_371 : i32
        %dma_wait3A = arith.constant 1 : i32
        %dma_wait3A_373 = arith.constant 0 : i32
        %dma_wait3A_374 = arith.constant 0 : i32
        %dma_wait3A_375 = tpu.memref_slice %arg9[%dma_wait3A, %dma_wait3A_373, %dma_wait3A_374] : memref<5x128x128xf32, #tpu.memory_space<vmem>> -> memref<1x128x128xf32, #tpu.memory_space<vmem>>
        %dma_wait3A_376 = tpu.memref_squeeze %dma_wait3A_375 : memref<1x128x128xf32, #tpu.memory_space<vmem>> -> memref<128x128xf32, #tpu.memory_space<vmem>>
        %dma_wait3A_377 = arith.constant 0 : i32
        %dma_wait3A_378 = tpu.memref_slice %arg6[%mul3A_372, %dma_wait3A_377] : memref<160000x128xf32, #tpu.memory_space<hbm>> -> memref<128x128xf32, #tpu.memory_space<hbm>>
        %dma_wait3A_379 = arith.constant 0 : i32
        %dma_wait3A_380 = tpu.memref_slice %arg6[%mul3A_372, %dma_wait3A_379] : memref<160000x128xf32, #tpu.memory_space<hbm>> -> memref<128x128xf32, #tpu.memory_space<hbm>>
        %dma_wait3A_381 = arith.constant 0 : i32
        %dma_wait3A_382 = arith.constant 0 : i32
        %dma_wait3A_383 = tpu.memref_slice %arg9[%dma_wait3A, %dma_wait3A_381, %dma_wait3A_382] : memref<5x128x128xf32, #tpu.memory_space<vmem>> -> memref<1x128x128xf32, #tpu.memory_space<vmem>>
        %dma_wait3A_384 = tpu.memref_squeeze %dma_wait3A_383 : memref<1x128x128xf32, #tpu.memory_space<vmem>> -> memref<128x128xf32, #tpu.memory_space<vmem>>
        tpu.wait_dma2 semaphore(%arg11 : memref<!tpu.dma_semaphore, #tpu.memory_space<semaphore_mem>>) src(%dma_wait3A_384 : memref<128x128xf32, #tpu.memory_space<vmem>>) dst(%dma_wait3A_380 : memref<128x128xf32, #tpu.memory_space<hbm>>)
      } else {
      }
      %mul3A_330 = arith.constant 5 : i32
      %mul3A_331 = arith.muli %scan3A_8, %mul3A_330 : i32
      %add3A_332 = arith.addi %mul3A_2, %mul3A_331 : i32
      %add3A_333 = arith.constant 2 : i32
      %add3A_334 = arith.addi %add3A_332, %add3A_333 : i32
      %mul3A_335 = arith.constant 128 : i32
      %mul3A_336 = arith.muli %add3A_334, %mul3A_335 : i32
      %lt3A_337 = arith.constant 160000 : i32
      %lt3A_338 = arith.cmpi slt, %mul3A_336, %lt3A_337 : i32
      %convert_element_type3A_339 = arith.extui %lt3A_338 : i1 to i32
      %cond3A_340 = arith.constant 0 : i32
      %cond3A_341 = arith.cmpi ne, %convert_element_type3A_339, %cond3A_340 : i32
      scf.if %cond3A_341 {
        %mul3A_366 = arith.constant 5 : i32
        %mul3A_367 = arith.muli %scan3A_8, %mul3A_366 : i32
        %add3A_368 = arith.addi %mul3A_2, %mul3A_367 : i32
        %add3A_369 = arith.constant 2 : i32
        %add3A_370 = arith.addi %add3A_368, %add3A_369 : i32
        %mul3A_371 = arith.constant 128 : i32
        %mul3A_372 = arith.muli %add3A_370, %mul3A_371 : i32
        %dma_wait3A = arith.constant 2 : i32
        %dma_wait3A_373 = arith.constant 0 : i32
        %dma_wait3A_374 = arith.constant 0 : i32
        %dma_wait3A_375 = tpu.memref_slice %arg9[%dma_wait3A, %dma_wait3A_373, %dma_wait3A_374] : memref<5x128x128xf32, #tpu.memory_space<vmem>> -> memref<1x128x128xf32, #tpu.memory_space<vmem>>
        %dma_wait3A_376 = tpu.memref_squeeze %dma_wait3A_375 : memref<1x128x128xf32, #tpu.memory_space<vmem>> -> memref<128x128xf32, #tpu.memory_space<vmem>>
        %dma_wait3A_377 = arith.constant 0 : i32
        %dma_wait3A_378 = tpu.memref_slice %arg6[%mul3A_372, %dma_wait3A_377] : memref<160000x128xf32, #tpu.memory_space<hbm>> -> memref<128x128xf32, #tpu.memory_space<hbm>>
        %dma_wait3A_379 = arith.constant 0 : i32
        %dma_wait3A_380 = tpu.memref_slice %arg6[%mul3A_372, %dma_wait3A_379] : memref<160000x128xf32, #tpu.memory_space<hbm>> -> memref<128x128xf32, #tpu.memory_space<hbm>>
        %dma_wait3A_381 = arith.constant 0 : i32
        %dma_wait3A_382 = arith.constant 0 : i32
        %dma_wait3A_383 = tpu.memref_slice %arg9[%dma_wait3A, %dma_wait3A_381, %dma_wait3A_382] : memref<5x128x128xf32, #tpu.memory_space<vmem>> -> memref<1x128x128xf32, #tpu.memory_space<vmem>>
        %dma_wait3A_384 = tpu.memref_squeeze %dma_wait3A_383 : memref<1x128x128xf32, #tpu.memory_space<vmem>> -> memref<128x128xf32, #tpu.memory_space<vmem>>
        tpu.wait_dma2 semaphore(%arg11 : memref<!tpu.dma_semaphore, #tpu.memory_space<semaphore_mem>>) src(%dma_wait3A_384 : memref<128x128xf32, #tpu.memory_space<vmem>>) dst(%dma_wait3A_380 : memref<128x128xf32, #tpu.memory_space<hbm>>)
      } else {
      }
      %mul3A_342 = arith.constant 5 : i32
      %mul3A_343 = arith.muli %scan3A_8, %mul3A_342 : i32
      %add3A_344 = arith.addi %mul3A_2, %mul3A_343 : i32
      %add3A_345 = arith.constant 3 : i32
      %add3A_346 = arith.addi %add3A_344, %add3A_345 : i32
      %mul3A_347 = arith.constant 128 : i32
      %mul3A_348 = arith.muli %add3A_346, %mul3A_347 : i32
      %lt3A_349 = arith.constant 160000 : i32
      %lt3A_350 = arith.cmpi slt, %mul3A_348, %lt3A_349 : i32
      %convert_element_type3A_351 = arith.extui %lt3A_350 : i1 to i32
      %cond3A_352 = arith.constant 0 : i32
      %cond3A_353 = arith.cmpi ne, %convert_element_type3A_351, %cond3A_352 : i32
      scf.if %cond3A_353 {
        %mul3A_366 = arith.constant 5 : i32
        %mul3A_367 = arith.muli %scan3A_8, %mul3A_366 : i32
        %add3A_368 = arith.addi %mul3A_2, %mul3A_367 : i32
        %add3A_369 = arith.constant 3 : i32
        %add3A_370 = arith.addi %add3A_368, %add3A_369 : i32
        %mul3A_371 = arith.constant 128 : i32
        %mul3A_372 = arith.muli %add3A_370, %mul3A_371 : i32
        %dma_wait3A = arith.constant 3 : i32
        %dma_wait3A_373 = arith.constant 0 : i32
        %dma_wait3A_374 = arith.constant 0 : i32
        %dma_wait3A_375 = tpu.memref_slice %arg9[%dma_wait3A, %dma_wait3A_373, %dma_wait3A_374] : memref<5x128x128xf32, #tpu.memory_space<vmem>> -> memref<1x128x128xf32, #tpu.memory_space<vmem>>
        %dma_wait3A_376 = tpu.memref_squeeze %dma_wait3A_375 : memref<1x128x128xf32, #tpu.memory_space<vmem>> -> memref<128x128xf32, #tpu.memory_space<vmem>>
        %dma_wait3A_377 = arith.constant 0 : i32
        %dma_wait3A_378 = tpu.memref_slice %arg6[%mul3A_372, %dma_wait3A_377] : memref<160000x128xf32, #tpu.memory_space<hbm>> -> memref<128x128xf32, #tpu.memory_space<hbm>>
        %dma_wait3A_379 = arith.constant 0 : i32
        %dma_wait3A_380 = tpu.memref_slice %arg6[%mul3A_372, %dma_wait3A_379] : memref<160000x128xf32, #tpu.memory_space<hbm>> -> memref<128x128xf32, #tpu.memory_space<hbm>>
        %dma_wait3A_381 = arith.constant 0 : i32
        %dma_wait3A_382 = arith.constant 0 : i32
        %dma_wait3A_383 = tpu.memref_slice %arg9[%dma_wait3A, %dma_wait3A_381, %dma_wait3A_382] : memref<5x128x128xf32, #tpu.memory_space<vmem>> -> memref<1x128x128xf32, #tpu.memory_space<vmem>>
        %dma_wait3A_384 = tpu.memref_squeeze %dma_wait3A_383 : memref<1x128x128xf32, #tpu.memory_space<vmem>> -> memref<128x128xf32, #tpu.memory_space<vmem>>
        tpu.wait_dma2 semaphore(%arg11 : memref<!tpu.dma_semaphore, #tpu.memory_space<semaphore_mem>>) src(%dma_wait3A_384 : memref<128x128xf32, #tpu.memory_space<vmem>>) dst(%dma_wait3A_380 : memref<128x128xf32, #tpu.memory_space<hbm>>)
      } else {
      }
      %mul3A_354 = arith.constant 5 : i32
      %mul3A_355 = arith.muli %scan3A_8, %mul3A_354 : i32
      %add3A_356 = arith.addi %mul3A_2, %mul3A_355 : i32
      %add3A_357 = arith.constant 4 : i32
      %add3A_358 = arith.addi %add3A_356, %add3A_357 : i32
      %mul3A_359 = arith.constant 128 : i32
      %mul3A_360 = arith.muli %add3A_358, %mul3A_359 : i32
      %lt3A_361 = arith.constant 160000 : i32
      %lt3A_362 = arith.cmpi slt, %mul3A_360, %lt3A_361 : i32
      %convert_element_type3A_363 = arith.extui %lt3A_362 : i1 to i32
      %cond3A_364 = arith.constant 0 : i32
      %cond3A_365 = arith.cmpi ne, %convert_element_type3A_363, %cond3A_364 : i32
      scf.if %cond3A_365 {
        %mul3A_366 = arith.constant 5 : i32
        %mul3A_367 = arith.muli %scan3A_8, %mul3A_366 : i32
        %add3A_368 = arith.addi %mul3A_2, %mul3A_367 : i32
        %add3A_369 = arith.constant 4 : i32
        %add3A_370 = arith.addi %add3A_368, %add3A_369 : i32
        %mul3A_371 = arith.constant 128 : i32
        %mul3A_372 = arith.muli %add3A_370, %mul3A_371 : i32
        %dma_wait3A = arith.constant 4 : i32
        %dma_wait3A_373 = arith.constant 0 : i32
        %dma_wait3A_374 = arith.constant 0 : i32
        %dma_wait3A_375 = tpu.memref_slice %arg9[%dma_wait3A, %dma_wait3A_373, %dma_wait3A_374] : memref<5x128x128xf32, #tpu.memory_space<vmem>> -> memref<1x128x128xf32, #tpu.memory_space<vmem>>
        %dma_wait3A_376 = tpu.memref_squeeze %dma_wait3A_375 : memref<1x128x128xf32, #tpu.memory_space<vmem>> -> memref<128x128xf32, #tpu.memory_space<vmem>>
        %dma_wait3A_377 = arith.constant 0 : i32
        %dma_wait3A_378 = tpu.memref_slice %arg6[%mul3A_372, %dma_wait3A_377] : memref<160000x128xf32, #tpu.memory_space<hbm>> -> memref<128x128xf32, #tpu.memory_space<hbm>>
        %dma_wait3A_379 = arith.constant 0 : i32
        %dma_wait3A_380 = tpu.memref_slice %arg6[%mul3A_372, %dma_wait3A_379] : memref<160000x128xf32, #tpu.memory_space<hbm>> -> memref<128x128xf32, #tpu.memory_space<hbm>>
        %dma_wait3A_381 = arith.constant 0 : i32
        %dma_wait3A_382 = arith.constant 0 : i32
        %dma_wait3A_383 = tpu.memref_slice %arg9[%dma_wait3A, %dma_wait3A_381, %dma_wait3A_382] : memref<5x128x128xf32, #tpu.memory_space<vmem>> -> memref<1x128x128xf32, #tpu.memory_space<vmem>>
        %dma_wait3A_384 = tpu.memref_squeeze %dma_wait3A_383 : memref<1x128x128xf32, #tpu.memory_space<vmem>> -> memref<128x128xf32, #tpu.memory_space<vmem>>
        tpu.wait_dma2 semaphore(%arg11 : memref<!tpu.dma_semaphore, #tpu.memory_space<semaphore_mem>>) src(%dma_wait3A_384 : memref<128x128xf32, #tpu.memory_space<vmem>>) dst(%dma_wait3A_380 : memref<128x128xf32, #tpu.memory_space<hbm>>)
      } else {
      }
    }
    %scan3A_7 = arith.constant 8 : i32
    return
  }
}

#map = affine_map<(d0, d1) -> (0, 0)>
#map1 = affine_map<(d0, d1) -> (0, 0, 0)>
module attributes {stable_mosaic.version = 14 : i64} {
  func.func @_scatter_body(%arg0: i32, %arg1: i32, %arg2: memref<160000x128xf32, #tpu.memory_space<hbm>>, %arg3: memref<1280x128xi32, #tpu.memory_space<hbm>>, %arg4: memref<10240x128xf32, #tpu.memory_space<hbm>>, %arg5: memref<2x10240x128xf32, #tpu.memory_space<hbm>>, %arg6: memref<40x128xi32, #tpu.memory_space<vmem>>, %arg7: memref<128x128xf32, #tpu.memory_space<vmem>>, %arg8: memref<128x128xf32, #tpu.memory_space<vmem>>, %arg9: memref<10240x128xf32, #tpu.memory_space<vmem_shared>>, %arg10: memref<!tpu.dma_semaphore, #tpu.memory_space<semaphore_mem>>, %arg11: memref<!tpu.dma_semaphore, #tpu.memory_space<semaphore_mem>>) attributes {dimension_semantics = [#tpu.dimension_semantics<core_parallel>, #tpu.dimension_semantics<subcore_parallel>], iteration_bounds = array<i64: 2, 16>, scalar_prefetch = 0 : i64, scratch_operands = 6 : i64, tpu.core_type = #tpu.core_type<sc_vector_subcore>, window_params = [{transform_indices = #map}, {transform_indices = #map}, {transform_indices = #map}, {transform_indices = #map1}]} {
    %mul3A = arith.constant 2 : i32
    %mul3A_0 = arith.muli %arg1, %mul3A : i32
    %add3A = arith.addi %mul3A_0, %arg0 : i32
    %mul3A_1 = arith.constant 40 : i32
    %mul3A_2 = arith.muli %add3A, %mul3A_1 : i32
    %mul3A_3 = arith.constant 640 : i32
    %mul3A_4 = arith.muli %arg1, %mul3A_3 : i32
    "tpu.region"() ({
      %run_scoped3A = tpu.sem_alloc : memref<!tpu.dma_semaphore, #tpu.memory_space<semaphore_mem>>
      %dma_start3A = arith.constant 0 : i32
      %dma_start3A_62 = tpu.memref_slice %arg9[%mul3A_4, %dma_start3A] : memref<10240x128xf32, #tpu.memory_space<vmem_shared>> -> memref<640x128xf32, #tpu.memory_space<vmem_shared>>
      %dma_start3A_63 = arith.constant 0 : i32
      %dma_start3A_64 = tpu.memref_slice %arg4[%mul3A_4, %dma_start3A_63] : memref<10240x128xf32, #tpu.memory_space<hbm>> -> memref<640x128xf32, #tpu.memory_space<hbm>>
      tpu.enqueue_dma source(%dma_start3A_64 : memref<640x128xf32, #tpu.memory_space<hbm>>) target(%dma_start3A_62 : memref<640x128xf32, #tpu.memory_space<vmem_shared>>) target_semaphore(%run_scoped3A : memref<!tpu.dma_semaphore, #tpu.memory_space<semaphore_mem>>)
      %dma_wait3A = arith.constant 0 : i32
      %dma_wait3A_65 = tpu.memref_slice %arg9[%mul3A_4, %dma_wait3A] : memref<10240x128xf32, #tpu.memory_space<vmem_shared>> -> memref<640x128xf32, #tpu.memory_space<vmem_shared>>
      %dma_wait3A_66 = arith.constant 0 : i32
      %dma_wait3A_67 = tpu.memref_slice %arg4[%mul3A_4, %dma_wait3A_66] : memref<10240x128xf32, #tpu.memory_space<hbm>> -> memref<640x128xf32, #tpu.memory_space<hbm>>
      tpu.wait_dma2 semaphore(%run_scoped3A : memref<!tpu.dma_semaphore, #tpu.memory_space<semaphore_mem>>) src(%dma_wait3A_67 : memref<640x128xf32, #tpu.memory_space<hbm>>) dst(%dma_wait3A_65 : memref<640x128xf32, #tpu.memory_space<vmem_shared>>)
      tpu.yield
    }) : () -> ()
    "tpu.region"() ({
      %run_scoped3A = tpu.sem_alloc : memref<!tpu.dma_semaphore, #tpu.memory_space<semaphore_mem>>
      %dma_start3A = arith.constant 0 : i32
      %dma_start3A_62 = tpu.memref_slice %arg3[%mul3A_2, %dma_start3A] : memref<1280x128xi32, #tpu.memory_space<hbm>> -> memref<40x128xi32, #tpu.memory_space<hbm>>
      %dma_start3A_63 = arith.constant 0 : i32
      %dma_start3A_64 = tpu.memref_slice %arg3[%mul3A_2, %dma_start3A_63] : memref<1280x128xi32, #tpu.memory_space<hbm>> -> memref<40x128xi32, #tpu.memory_space<hbm>>
      tpu.enqueue_dma source(%dma_start3A_64 : memref<40x128xi32, #tpu.memory_space<hbm>>) target(%arg6 : memref<40x128xi32, #tpu.memory_space<vmem>>) target_semaphore(%run_scoped3A : memref<!tpu.dma_semaphore, #tpu.memory_space<semaphore_mem>>)
      %dma_wait3A = arith.constant 0 : i32
      %dma_wait3A_65 = tpu.memref_slice %arg3[%mul3A_2, %dma_wait3A] : memref<1280x128xi32, #tpu.memory_space<hbm>> -> memref<40x128xi32, #tpu.memory_space<hbm>>
      %dma_wait3A_66 = arith.constant 0 : i32
      %dma_wait3A_67 = tpu.memref_slice %arg3[%mul3A_2, %dma_wait3A_66] : memref<1280x128xi32, #tpu.memory_space<hbm>> -> memref<40x128xi32, #tpu.memory_space<hbm>>
      tpu.wait_dma2 semaphore(%run_scoped3A : memref<!tpu.dma_semaphore, #tpu.memory_space<semaphore_mem>>) src(%dma_wait3A_67 : memref<40x128xi32, #tpu.memory_space<hbm>>) dst(%arg6 : memref<40x128xi32, #tpu.memory_space<vmem>>)
      tpu.yield
    }) : () -> ()
    %barrier3A = arith.constant 0 : index
    tpu.barrier barrier_id(%barrier3A)
    %add3A_5 = arith.constant 0 : i32
    %add3A_6 = arith.addi %mul3A_2, %add3A_5 : i32
    %mul3A_7 = arith.constant 128 : i32
    %mul3A_8 = arith.muli %add3A_6, %mul3A_7 : i32
    %lt3A = arith.constant 160000 : i32
    %lt3A_9 = arith.cmpi slt, %mul3A_8, %lt3A : i32
    %convert_element_type3A = arith.extui %lt3A_9 : i1 to i32
    %cond3A = arith.constant 0 : i32
    %cond3A_10 = arith.cmpi ne, %convert_element_type3A, %cond3A : i32
    scf.if %cond3A_10 {
      %add3A_62 = arith.constant 0 : i32
      %add3A_63 = arith.addi %mul3A_2, %add3A_62 : i32
      %mul3A_64 = arith.constant 128 : i32
      %mul3A_65 = arith.muli %add3A_63, %mul3A_64 : i32
      %dma_start3A = arith.constant 0 : i32
      %dma_start3A_66 = tpu.memref_slice %arg2[%mul3A_65, %dma_start3A] : memref<160000x128xf32, #tpu.memory_space<hbm>> -> memref<128x128xf32, #tpu.memory_space<hbm>>
      %dma_start3A_67 = arith.constant 0 : i32
      %dma_start3A_68 = tpu.memref_slice %arg2[%mul3A_65, %dma_start3A_67] : memref<160000x128xf32, #tpu.memory_space<hbm>> -> memref<128x128xf32, #tpu.memory_space<hbm>>
      tpu.enqueue_dma source(%dma_start3A_68 : memref<128x128xf32, #tpu.memory_space<hbm>>) target(%arg7 : memref<128x128xf32, #tpu.memory_space<vmem>>) target_semaphore(%arg10 : memref<!tpu.dma_semaphore, #tpu.memory_space<semaphore_mem>>)
    } else {
    }
    %scan3A = arith.constant 0 : i32
    %scan3A_11 = arith.constant 0 : i32
    %scan3A_12 = arith.constant 19 : i32
    %scan3A_13 = arith.addi %scan3A_11, %scan3A_12 : i32
    %scan3A_14 = arith.constant 1 : i32
    scf.for %scan3A_62 = %scan3A_11 to %scan3A_13 step %scan3A_14  : i32 {
      %mul3A_63 = arith.constant 2 : i32
      %mul3A_64 = arith.muli %scan3A_62, %mul3A_63 : i32
      %add3A_65 = arith.addi %mul3A_2, %mul3A_64 : i32
      %mul3A_66 = arith.constant 128 : i32
      %mul3A_67 = arith.muli %add3A_65, %mul3A_66 : i32
      %lt3A_68 = arith.constant 160000 : i32
      %lt3A_69 = arith.cmpi slt, %mul3A_67, %lt3A_68 : i32
      %convert_element_type3A_70 = arith.extui %lt3A_69 : i1 to i32
      %cond3A_71 = arith.constant 0 : i32
      %cond3A_72 = arith.cmpi ne, %convert_element_type3A_70, %cond3A_71 : i32
      scf.if %cond3A_72 {
        %add3A_121 = arith.addi %mul3A_2, %mul3A_64 : i32
        %mul3A_122 = arith.constant 128 : i32
        %mul3A_123 = arith.muli %add3A_121, %mul3A_122 : i32
        %dma_wait3A = arith.constant 0 : i32
        %dma_wait3A_124 = tpu.memref_slice %arg2[%mul3A_123, %dma_wait3A] : memref<160000x128xf32, #tpu.memory_space<hbm>> -> memref<128x128xf32, #tpu.memory_space<hbm>>
        %dma_wait3A_125 = arith.constant 0 : i32
        %dma_wait3A_126 = tpu.memref_slice %arg2[%mul3A_123, %dma_wait3A_125] : memref<160000x128xf32, #tpu.memory_space<hbm>> -> memref<128x128xf32, #tpu.memory_space<hbm>>
        tpu.wait_dma2 semaphore(%arg10 : memref<!tpu.dma_semaphore, #tpu.memory_space<semaphore_mem>>) src(%dma_wait3A_126 : memref<128x128xf32, #tpu.memory_space<hbm>>) dst(%arg7 : memref<128x128xf32, #tpu.memory_space<vmem>>)
      } else {
      }
      %add3A_73 = arith.constant 1 : i32
      %add3A_74 = arith.addi %mul3A_64, %add3A_73 : i32
      %add3A_75 = arith.addi %mul3A_2, %add3A_74 : i32
      %mul3A_76 = arith.constant 128 : i32
      %mul3A_77 = arith.muli %add3A_75, %mul3A_76 : i32
      %lt3A_78 = arith.constant 160000 : i32
      %lt3A_79 = arith.cmpi slt, %mul3A_77, %lt3A_78 : i32
      %convert_element_type3A_80 = arith.extui %lt3A_79 : i1 to i32
      %cond3A_81 = arith.constant 0 : i32
      %cond3A_82 = arith.cmpi ne, %convert_element_type3A_80, %cond3A_81 : i32
      scf.if %cond3A_82 {
        %add3A_121 = arith.addi %mul3A_2, %add3A_74 : i32
        %mul3A_122 = arith.constant 128 : i32
        %mul3A_123 = arith.muli %add3A_121, %mul3A_122 : i32
        %dma_start3A = arith.constant 0 : i32
        %dma_start3A_124 = tpu.memref_slice %arg2[%mul3A_123, %dma_start3A] : memref<160000x128xf32, #tpu.memory_space<hbm>> -> memref<128x128xf32, #tpu.memory_space<hbm>>
        %dma_start3A_125 = arith.constant 0 : i32
        %dma_start3A_126 = tpu.memref_slice %arg2[%mul3A_123, %dma_start3A_125] : memref<160000x128xf32, #tpu.memory_space<hbm>> -> memref<128x128xf32, #tpu.memory_space<hbm>>
        tpu.enqueue_dma source(%dma_start3A_126 : memref<128x128xf32, #tpu.memory_space<hbm>>) target(%arg8 : memref<128x128xf32, #tpu.memory_space<vmem>>) target_semaphore(%arg10 : memref<!tpu.dma_semaphore, #tpu.memory_space<semaphore_mem>>)
      } else {
      }
      %add3A_83 = arith.addi %mul3A_2, %mul3A_64 : i32
      %mul3A_84 = arith.constant 128 : i32
      %mul3A_85 = arith.muli %add3A_83, %mul3A_84 : i32
      %lt3A_86 = arith.constant 160000 : i32
      %lt3A_87 = arith.cmpi slt, %mul3A_85, %lt3A_86 : i32
      %convert_element_type3A_88 = arith.extui %lt3A_87 : i1 to i32
      %cond3A_89 = arith.constant 0 : i32
      %cond3A_90 = arith.cmpi ne, %convert_element_type3A_88, %cond3A_89 : i32
      scf.if %cond3A_90 {
        "tpu.region"() ({
          %run_scoped3A = tpu.sem_alloc : memref<!tpu.dma_semaphore, #tpu.memory_space<semaphore_mem>>
          %dma_start3A = arith.constant 0 : i32
          %dma_start3A_121 = tpu.memref_slice %arg6[%mul3A_64, %dma_start3A] : memref<40x128xi32, #tpu.memory_space<vmem>> -> memref<1x128xi32, #tpu.memory_space<vmem>>
          %dma_start3A_122 = tpu.memref_squeeze %dma_start3A_121 : memref<1x128xi32, #tpu.memory_space<vmem>> -> memref<128xi32, #tpu.memory_space<vmem>>
          %dma_start3A_123 = arith.constant 0 : i32
          %dma_start3A_124 = arith.constant 0 : i32
          %dma_start3A_125 = tpu.memref_slice %arg9[%dma_start3A_123, %dma_start3A_124] : memref<10240x128xf32, #tpu.memory_space<vmem_shared>> -> memref<10240x128xf32, #tpu.memory_space<vmem_shared>>
          tpu.enqueue_indirect_dma source(%arg7 : memref<128x128xf32, #tpu.memory_space<vmem>>) target(%dma_start3A_125 : memref<10240x128xf32, #tpu.memory_space<vmem_shared>>) offsets(%dma_start3A_122 : memref<128xi32, #tpu.memory_space<vmem>>) semaphore(%run_scoped3A : memref<!tpu.dma_semaphore, #tpu.memory_space<semaphore_mem>>) {add = true}
          %dma_wait3A = arith.constant 0 : i32
          %dma_wait3A_126 = tpu.memref_slice %arg6[%mul3A_64, %dma_wait3A] : memref<40x128xi32, #tpu.memory_space<vmem>> -> memref<1x128xi32, #tpu.memory_space<vmem>>
          %dma_wait3A_127 = tpu.memref_squeeze %dma_wait3A_126 : memref<1x128xi32, #tpu.memory_space<vmem>> -> memref<128xi32, #tpu.memory_space<vmem>>
          %dma_wait3A_128 = arith.constant 0 : i32
          %dma_wait3A_129 = arith.constant 0 : i32
          %dma_wait3A_130 = tpu.memref_slice %arg9[%dma_wait3A_128, %dma_wait3A_129] : memref<10240x128xf32, #tpu.memory_space<vmem_shared>> -> memref<10240x128xf32, #tpu.memory_space<vmem_shared>>
          tpu.wait_indirect_dma semaphore(%run_scoped3A : memref<!tpu.dma_semaphore, #tpu.memory_space<semaphore_mem>>) src(%arg7 : memref<128x128xf32, #tpu.memory_space<vmem>>) dst(%dma_wait3A_130 : memref<10240x128xf32, #tpu.memory_space<vmem_shared>>)
          tpu.yield
        }) : () -> ()
      } else {
      }
      %add3A_91 = arith.constant 1 : i32
      %add3A_92 = arith.addi %mul3A_64, %add3A_91 : i32
      %add3A_93 = arith.addi %mul3A_2, %add3A_92 : i32
      %mul3A_94 = arith.constant 128 : i32
      %mul3A_95 = arith.muli %add3A_93, %mul3A_94 : i32
      %lt3A_96 = arith.constant 160000 : i32
      %lt3A_97 = arith.cmpi slt, %mul3A_95, %lt3A_96 : i32
      %convert_element_type3A_98 = arith.extui %lt3A_97 : i1 to i32
      %cond3A_99 = arith.constant 0 : i32
      %cond3A_100 = arith.cmpi ne, %convert_element_type3A_98, %cond3A_99 : i32
      scf.if %cond3A_100 {
        %add3A_121 = arith.addi %mul3A_2, %add3A_92 : i32
        %mul3A_122 = arith.constant 128 : i32
        %mul3A_123 = arith.muli %add3A_121, %mul3A_122 : i32
        %dma_wait3A = arith.constant 0 : i32
        %dma_wait3A_124 = tpu.memref_slice %arg2[%mul3A_123, %dma_wait3A] : memref<160000x128xf32, #tpu.memory_space<hbm>> -> memref<128x128xf32, #tpu.memory_space<hbm>>
        %dma_wait3A_125 = arith.constant 0 : i32
        %dma_wait3A_126 = tpu.memref_slice %arg2[%mul3A_123, %dma_wait3A_125] : memref<160000x128xf32, #tpu.memory_space<hbm>> -> memref<128x128xf32, #tpu.memory_space<hbm>>
        tpu.wait_dma2 semaphore(%arg10 : memref<!tpu.dma_semaphore, #tpu.memory_space<semaphore_mem>>) src(%dma_wait3A_126 : memref<128x128xf32, #tpu.memory_space<hbm>>) dst(%arg8 : memref<128x128xf32, #tpu.memory_space<vmem>>)
      } else {
      }
      %add3A_101 = arith.constant 2 : i32
      %add3A_102 = arith.addi %mul3A_64, %add3A_101 : i32
      %add3A_103 = arith.addi %mul3A_2, %add3A_102 : i32
      %mul3A_104 = arith.constant 128 : i32
      %mul3A_105 = arith.muli %add3A_103, %mul3A_104 : i32
      %lt3A_106 = arith.constant 160000 : i32
      %lt3A_107 = arith.cmpi slt, %mul3A_105, %lt3A_106 : i32
      %convert_element_type3A_108 = arith.extui %lt3A_107 : i1 to i32
      %cond3A_109 = arith.constant 0 : i32
      %cond3A_110 = arith.cmpi ne, %convert_element_type3A_108, %cond3A_109 : i32
      scf.if %cond3A_110 {
        %add3A_121 = arith.addi %mul3A_2, %add3A_102 : i32
        %mul3A_122 = arith.constant 128 : i32
        %mul3A_123 = arith.muli %add3A_121, %mul3A_122 : i32
        %dma_start3A = arith.constant 0 : i32
        %dma_start3A_124 = tpu.memref_slice %arg2[%mul3A_123, %dma_start3A] : memref<160000x128xf32, #tpu.memory_space<hbm>> -> memref<128x128xf32, #tpu.memory_space<hbm>>
        %dma_start3A_125 = arith.constant 0 : i32
        %dma_start3A_126 = tpu.memref_slice %arg2[%mul3A_123, %dma_start3A_125] : memref<160000x128xf32, #tpu.memory_space<hbm>> -> memref<128x128xf32, #tpu.memory_space<hbm>>
        tpu.enqueue_dma source(%dma_start3A_126 : memref<128x128xf32, #tpu.memory_space<hbm>>) target(%arg7 : memref<128x128xf32, #tpu.memory_space<vmem>>) target_semaphore(%arg10 : memref<!tpu.dma_semaphore, #tpu.memory_space<semaphore_mem>>)
      } else {
      }
      %add3A_111 = arith.constant 1 : i32
      %add3A_112 = arith.addi %mul3A_64, %add3A_111 : i32
      %add3A_113 = arith.addi %mul3A_2, %add3A_112 : i32
      %mul3A_114 = arith.constant 128 : i32
      %mul3A_115 = arith.muli %add3A_113, %mul3A_114 : i32
      %lt3A_116 = arith.constant 160000 : i32
      %lt3A_117 = arith.cmpi slt, %mul3A_115, %lt3A_116 : i32
      %convert_element_type3A_118 = arith.extui %lt3A_117 : i1 to i32
      %cond3A_119 = arith.constant 0 : i32
      %cond3A_120 = arith.cmpi ne, %convert_element_type3A_118, %cond3A_119 : i32
      scf.if %cond3A_120 {
        "tpu.region"() ({
          %run_scoped3A = tpu.sem_alloc : memref<!tpu.dma_semaphore, #tpu.memory_space<semaphore_mem>>
          %dma_start3A = arith.constant 0 : i32
          %dma_start3A_121 = tpu.memref_slice %arg6[%add3A_112, %dma_start3A] : memref<40x128xi32, #tpu.memory_space<vmem>> -> memref<1x128xi32, #tpu.memory_space<vmem>>
          %dma_start3A_122 = tpu.memref_squeeze %dma_start3A_121 : memref<1x128xi32, #tpu.memory_space<vmem>> -> memref<128xi32, #tpu.memory_space<vmem>>
          %dma_start3A_123 = arith.constant 0 : i32
          %dma_start3A_124 = arith.constant 0 : i32
          %dma_start3A_125 = tpu.memref_slice %arg9[%dma_start3A_123, %dma_start3A_124] : memref<10240x128xf32, #tpu.memory_space<vmem_shared>> -> memref<10240x128xf32, #tpu.memory_space<vmem_shared>>
          tpu.enqueue_indirect_dma source(%arg8 : memref<128x128xf32, #tpu.memory_space<vmem>>) target(%dma_start3A_125 : memref<10240x128xf32, #tpu.memory_space<vmem_shared>>) offsets(%dma_start3A_122 : memref<128xi32, #tpu.memory_space<vmem>>) semaphore(%run_scoped3A : memref<!tpu.dma_semaphore, #tpu.memory_space<semaphore_mem>>) {add = true}
          %dma_wait3A = arith.constant 0 : i32
          %dma_wait3A_126 = tpu.memref_slice %arg6[%add3A_112, %dma_wait3A] : memref<40x128xi32, #tpu.memory_space<vmem>> -> memref<1x128xi32, #tpu.memory_space<vmem>>
          %dma_wait3A_127 = tpu.memref_squeeze %dma_wait3A_126 : memref<1x128xi32, #tpu.memory_space<vmem>> -> memref<128xi32, #tpu.memory_space<vmem>>
          %dma_wait3A_128 = arith.constant 0 : i32
          %dma_wait3A_129 = arith.constant 0 : i32
          %dma_wait3A_130 = tpu.memref_slice %arg9[%dma_wait3A_128, %dma_wait3A_129] : memref<10240x128xf32, #tpu.memory_space<vmem_shared>> -> memref<10240x128xf32, #tpu.memory_space<vmem_shared>>
          tpu.wait_indirect_dma semaphore(%run_scoped3A : memref<!tpu.dma_semaphore, #tpu.memory_space<semaphore_mem>>) src(%arg8 : memref<128x128xf32, #tpu.memory_space<vmem>>) dst(%dma_wait3A_130 : memref<10240x128xf32, #tpu.memory_space<vmem_shared>>)
          tpu.yield
        }) : () -> ()
      } else {
      }
    }
    %scan3A_15 = arith.constant 19 : i32
    %add3A_16 = arith.constant 38 : i32
    %add3A_17 = arith.addi %mul3A_2, %add3A_16 : i32
    %mul3A_18 = arith.constant 128 : i32
    %mul3A_19 = arith.muli %add3A_17, %mul3A_18 : i32
    %lt3A_20 = arith.constant 160000 : i32
    %lt3A_21 = arith.cmpi slt, %mul3A_19, %lt3A_20 : i32
    %convert_element_type3A_22 = arith.extui %lt3A_21 : i1 to i32
    %cond3A_23 = arith.constant 0 : i32
    %cond3A_24 = arith.cmpi ne, %convert_element_type3A_22, %cond3A_23 : i32
    scf.if %cond3A_24 {
      %add3A_62 = arith.constant 38 : i32
      %add3A_63 = arith.addi %mul3A_2, %add3A_62 : i32
      %mul3A_64 = arith.constant 128 : i32
      %mul3A_65 = arith.muli %add3A_63, %mul3A_64 : i32
      %dma_wait3A = arith.constant 0 : i32
      %dma_wait3A_66 = tpu.memref_slice %arg2[%mul3A_65, %dma_wait3A] : memref<160000x128xf32, #tpu.memory_space<hbm>> -> memref<128x128xf32, #tpu.memory_space<hbm>>
      %dma_wait3A_67 = arith.constant 0 : i32
      %dma_wait3A_68 = tpu.memref_slice %arg2[%mul3A_65, %dma_wait3A_67] : memref<160000x128xf32, #tpu.memory_space<hbm>> -> memref<128x128xf32, #tpu.memory_space<hbm>>
      tpu.wait_dma2 semaphore(%arg10 : memref<!tpu.dma_semaphore, #tpu.memory_space<semaphore_mem>>) src(%dma_wait3A_68 : memref<128x128xf32, #tpu.memory_space<hbm>>) dst(%arg7 : memref<128x128xf32, #tpu.memory_space<vmem>>)
    } else {
    }
    %add3A_25 = arith.constant 39 : i32
    %add3A_26 = arith.addi %mul3A_2, %add3A_25 : i32
    %mul3A_27 = arith.constant 128 : i32
    %mul3A_28 = arith.muli %add3A_26, %mul3A_27 : i32
    %lt3A_29 = arith.constant 160000 : i32
    %lt3A_30 = arith.cmpi slt, %mul3A_28, %lt3A_29 : i32
    %convert_element_type3A_31 = arith.extui %lt3A_30 : i1 to i32
    %cond3A_32 = arith.constant 0 : i32
    %cond3A_33 = arith.cmpi ne, %convert_element_type3A_31, %cond3A_32 : i32
    scf.if %cond3A_33 {
      %add3A_62 = arith.constant 39 : i32
      %add3A_63 = arith.addi %mul3A_2, %add3A_62 : i32
      %mul3A_64 = arith.constant 128 : i32
      %mul3A_65 = arith.muli %add3A_63, %mul3A_64 : i32
      %dma_start3A = arith.constant 0 : i32
      %dma_start3A_66 = tpu.memref_slice %arg2[%mul3A_65, %dma_start3A] : memref<160000x128xf32, #tpu.memory_space<hbm>> -> memref<128x128xf32, #tpu.memory_space<hbm>>
      %dma_start3A_67 = arith.constant 0 : i32
      %dma_start3A_68 = tpu.memref_slice %arg2[%mul3A_65, %dma_start3A_67] : memref<160000x128xf32, #tpu.memory_space<hbm>> -> memref<128x128xf32, #tpu.memory_space<hbm>>
      tpu.enqueue_dma source(%dma_start3A_68 : memref<128x128xf32, #tpu.memory_space<hbm>>) target(%arg8 : memref<128x128xf32, #tpu.memory_space<vmem>>) target_semaphore(%arg10 : memref<!tpu.dma_semaphore, #tpu.memory_space<semaphore_mem>>)
    } else {
    }
    %add3A_34 = arith.constant 38 : i32
    %add3A_35 = arith.addi %mul3A_2, %add3A_34 : i32
    %mul3A_36 = arith.constant 128 : i32
    %mul3A_37 = arith.muli %add3A_35, %mul3A_36 : i32
    %lt3A_38 = arith.constant 160000 : i32
    %lt3A_39 = arith.cmpi slt, %mul3A_37, %lt3A_38 : i32
    %convert_element_type3A_40 = arith.extui %lt3A_39 : i1 to i32
    %cond3A_41 = arith.constant 0 : i32
    %cond3A_42 = arith.cmpi ne, %convert_element_type3A_40, %cond3A_41 : i32
    scf.if %cond3A_42 {
      %run_scoped3A = arith.constant 38 : i32
      "tpu.region"() ({
        %run_scoped3A_62 = tpu.sem_alloc : memref<!tpu.dma_semaphore, #tpu.memory_space<semaphore_mem>>
        %dma_start3A = arith.constant 0 : i32
        %dma_start3A_63 = tpu.memref_slice %arg6[%run_scoped3A, %dma_start3A] : memref<40x128xi32, #tpu.memory_space<vmem>> -> memref<1x128xi32, #tpu.memory_space<vmem>>
        %dma_start3A_64 = tpu.memref_squeeze %dma_start3A_63 : memref<1x128xi32, #tpu.memory_space<vmem>> -> memref<128xi32, #tpu.memory_space<vmem>>
        %dma_start3A_65 = arith.constant 0 : i32
        %dma_start3A_66 = arith.constant 0 : i32
        %dma_start3A_67 = tpu.memref_slice %arg9[%dma_start3A_65, %dma_start3A_66] : memref<10240x128xf32, #tpu.memory_space<vmem_shared>> -> memref<10240x128xf32, #tpu.memory_space<vmem_shared>>
        tpu.enqueue_indirect_dma source(%arg7 : memref<128x128xf32, #tpu.memory_space<vmem>>) target(%dma_start3A_67 : memref<10240x128xf32, #tpu.memory_space<vmem_shared>>) offsets(%dma_start3A_64 : memref<128xi32, #tpu.memory_space<vmem>>) semaphore(%run_scoped3A_62 : memref<!tpu.dma_semaphore, #tpu.memory_space<semaphore_mem>>) {add = true}
        %dma_wait3A = arith.constant 0 : i32
        %dma_wait3A_68 = tpu.memref_slice %arg6[%run_scoped3A, %dma_wait3A] : memref<40x128xi32, #tpu.memory_space<vmem>> -> memref<1x128xi32, #tpu.memory_space<vmem>>
        %dma_wait3A_69 = tpu.memref_squeeze %dma_wait3A_68 : memref<1x128xi32, #tpu.memory_space<vmem>> -> memref<128xi32, #tpu.memory_space<vmem>>
        %dma_wait3A_70 = arith.constant 0 : i32
        %dma_wait3A_71 = arith.constant 0 : i32
        %dma_wait3A_72 = tpu.memref_slice %arg9[%dma_wait3A_70, %dma_wait3A_71] : memref<10240x128xf32, #tpu.memory_space<vmem_shared>> -> memref<10240x128xf32, #tpu.memory_space<vmem_shared>>
        tpu.wait_indirect_dma semaphore(%run_scoped3A_62 : memref<!tpu.dma_semaphore, #tpu.memory_space<semaphore_mem>>) src(%arg7 : memref<128x128xf32, #tpu.memory_space<vmem>>) dst(%dma_wait3A_72 : memref<10240x128xf32, #tpu.memory_space<vmem_shared>>)
        tpu.yield
      }) : () -> ()
    } else {
    }
    %add3A_43 = arith.constant 39 : i32
    %add3A_44 = arith.addi %mul3A_2, %add3A_43 : i32
    %mul3A_45 = arith.constant 128 : i32
    %mul3A_46 = arith.muli %add3A_44, %mul3A_45 : i32
    %lt3A_47 = arith.constant 160000 : i32
    %lt3A_48 = arith.cmpi slt, %mul3A_46, %lt3A_47 : i32
    %convert_element_type3A_49 = arith.extui %lt3A_48 : i1 to i32
    %cond3A_50 = arith.constant 0 : i32
    %cond3A_51 = arith.cmpi ne, %convert_element_type3A_49, %cond3A_50 : i32
    scf.if %cond3A_51 {
      %add3A_62 = arith.constant 39 : i32
      %add3A_63 = arith.addi %mul3A_2, %add3A_62 : i32
      %mul3A_64 = arith.constant 128 : i32
      %mul3A_65 = arith.muli %add3A_63, %mul3A_64 : i32
      %dma_wait3A = arith.constant 0 : i32
      %dma_wait3A_66 = tpu.memref_slice %arg2[%mul3A_65, %dma_wait3A] : memref<160000x128xf32, #tpu.memory_space<hbm>> -> memref<128x128xf32, #tpu.memory_space<hbm>>
      %dma_wait3A_67 = arith.constant 0 : i32
      %dma_wait3A_68 = tpu.memref_slice %arg2[%mul3A_65, %dma_wait3A_67] : memref<160000x128xf32, #tpu.memory_space<hbm>> -> memref<128x128xf32, #tpu.memory_space<hbm>>
      tpu.wait_dma2 semaphore(%arg10 : memref<!tpu.dma_semaphore, #tpu.memory_space<semaphore_mem>>) src(%dma_wait3A_68 : memref<128x128xf32, #tpu.memory_space<hbm>>) dst(%arg8 : memref<128x128xf32, #tpu.memory_space<vmem>>)
    } else {
    }
    %add3A_52 = arith.constant 39 : i32
    %add3A_53 = arith.addi %mul3A_2, %add3A_52 : i32
    %mul3A_54 = arith.constant 128 : i32
    %mul3A_55 = arith.muli %add3A_53, %mul3A_54 : i32
    %lt3A_56 = arith.constant 160000 : i32
    %lt3A_57 = arith.cmpi slt, %mul3A_55, %lt3A_56 : i32
    %convert_element_type3A_58 = arith.extui %lt3A_57 : i1 to i32
    %cond3A_59 = arith.constant 0 : i32
    %cond3A_60 = arith.cmpi ne, %convert_element_type3A_58, %cond3A_59 : i32
    scf.if %cond3A_60 {
      %run_scoped3A = arith.constant 39 : i32
      "tpu.region"() ({
        %run_scoped3A_62 = tpu.sem_alloc : memref<!tpu.dma_semaphore, #tpu.memory_space<semaphore_mem>>
        %dma_start3A = arith.constant 0 : i32
        %dma_start3A_63 = tpu.memref_slice %arg6[%run_scoped3A, %dma_start3A] : memref<40x128xi32, #tpu.memory_space<vmem>> -> memref<1x128xi32, #tpu.memory_space<vmem>>
        %dma_start3A_64 = tpu.memref_squeeze %dma_start3A_63 : memref<1x128xi32, #tpu.memory_space<vmem>> -> memref<128xi32, #tpu.memory_space<vmem>>
        %dma_start3A_65 = arith.constant 0 : i32
        %dma_start3A_66 = arith.constant 0 : i32
        %dma_start3A_67 = tpu.memref_slice %arg9[%dma_start3A_65, %dma_start3A_66] : memref<10240x128xf32, #tpu.memory_space<vmem_shared>> -> memref<10240x128xf32, #tpu.memory_space<vmem_shared>>
        tpu.enqueue_indirect_dma source(%arg8 : memref<128x128xf32, #tpu.memory_space<vmem>>) target(%dma_start3A_67 : memref<10240x128xf32, #tpu.memory_space<vmem_shared>>) offsets(%dma_start3A_64 : memref<128xi32, #tpu.memory_space<vmem>>) semaphore(%run_scoped3A_62 : memref<!tpu.dma_semaphore, #tpu.memory_space<semaphore_mem>>) {add = true}
        %dma_wait3A = arith.constant 0 : i32
        %dma_wait3A_68 = tpu.memref_slice %arg6[%run_scoped3A, %dma_wait3A] : memref<40x128xi32, #tpu.memory_space<vmem>> -> memref<1x128xi32, #tpu.memory_space<vmem>>
        %dma_wait3A_69 = tpu.memref_squeeze %dma_wait3A_68 : memref<1x128xi32, #tpu.memory_space<vmem>> -> memref<128xi32, #tpu.memory_space<vmem>>
        %dma_wait3A_70 = arith.constant 0 : i32
        %dma_wait3A_71 = arith.constant 0 : i32
        %dma_wait3A_72 = tpu.memref_slice %arg9[%dma_wait3A_70, %dma_wait3A_71] : memref<10240x128xf32, #tpu.memory_space<vmem_shared>> -> memref<10240x128xf32, #tpu.memory_space<vmem_shared>>
        tpu.wait_indirect_dma semaphore(%run_scoped3A_62 : memref<!tpu.dma_semaphore, #tpu.memory_space<semaphore_mem>>) src(%arg8 : memref<128x128xf32, #tpu.memory_space<vmem>>) dst(%dma_wait3A_72 : memref<10240x128xf32, #tpu.memory_space<vmem_shared>>)
        tpu.yield
      }) : () -> ()
    } else {
    }
    %barrier3A_61 = arith.constant 0 : index
    tpu.barrier barrier_id(%barrier3A_61)
    "tpu.region"() ({
      %run_scoped3A = tpu.sem_alloc : memref<!tpu.dma_semaphore, #tpu.memory_space<semaphore_mem>>
      %dma_start3A = arith.constant 0 : i32
      %dma_start3A_62 = tpu.memref_slice %arg5[%arg0, %mul3A_4, %dma_start3A] : memref<2x10240x128xf32, #tpu.memory_space<hbm>> -> memref<1x640x128xf32, #tpu.memory_space<hbm>>
      %dma_start3A_63 = tpu.memref_squeeze %dma_start3A_62 : memref<1x640x128xf32, #tpu.memory_space<hbm>> -> memref<640x128xf32, #tpu.memory_space<hbm>>
      %dma_start3A_64 = arith.constant 0 : i32
      %dma_start3A_65 = tpu.memref_slice %arg9[%mul3A_4, %dma_start3A_64] : memref<10240x128xf32, #tpu.memory_space<vmem_shared>> -> memref<640x128xf32, #tpu.memory_space<vmem_shared>>
      tpu.enqueue_dma source(%dma_start3A_65 : memref<640x128xf32, #tpu.memory_space<vmem_shared>>) target(%dma_start3A_63 : memref<640x128xf32, #tpu.memory_space<hbm>>) target_semaphore(%run_scoped3A : memref<!tpu.dma_semaphore, #tpu.memory_space<semaphore_mem>>)
      %dma_wait3A = arith.constant 0 : i32
      %dma_wait3A_66 = tpu.memref_slice %arg5[%arg0, %mul3A_4, %dma_wait3A] : memref<2x10240x128xf32, #tpu.memory_space<hbm>> -> memref<1x640x128xf32, #tpu.memory_space<hbm>>
      %dma_wait3A_67 = tpu.memref_squeeze %dma_wait3A_66 : memref<1x640x128xf32, #tpu.memory_space<hbm>> -> memref<640x128xf32, #tpu.memory_space<hbm>>
      %dma_wait3A_68 = arith.constant 0 : i32
      %dma_wait3A_69 = tpu.memref_slice %arg9[%mul3A_4, %dma_wait3A_68] : memref<10240x128xf32, #tpu.memory_space<vmem_shared>> -> memref<640x128xf32, #tpu.memory_space<vmem_shared>>
      tpu.wait_dma2 semaphore(%run_scoped3A : memref<!tpu.dma_semaphore, #tpu.memory_space<semaphore_mem>>) src(%dma_wait3A_69 : memref<640x128xf32, #tpu.memory_space<vmem_shared>>) dst(%dma_wait3A_67 : memref<640x128xf32, #tpu.memory_space<hbm>>)
      tpu.yield
    }) : () -> ()
    return
  }
}

module attributes {stable_mosaic.version = 14 : i64} {
  func.func @_pq_body(%arg0: i32, %arg1: memref<2000x128xf32, #tpu.memory_space<vmem>>, %arg2: memref<128x128xf32, #tpu.memory_space<vmem>>, %arg3: memref<128x128xf32, #tpu.memory_space<vmem>>, %arg4: memref<1x128xf32, #tpu.memory_space<vmem>>, %arg5: memref<2000x128xf32, #tpu.memory_space<vmem>>, %arg6: memref<2000x128xf32, #tpu.memory_space<vmem>>) attributes {dimension_semantics = [#tpu.dimension_semantics<arbitrary>], iteration_bounds = array<i64: 5>, scalar_prefetch = 0 : i64, scratch_operands = 0 : i64, tpu.core_type = #tpu.core_type<tc>, window_params = [{transform_indices = @transform_0, window_bounds = array<i64: 2000, 128>}, {pipeline_mode = #tpu.pipeline_mode<synchronous>, transform_indices = @transform_1, window_bounds = array<i64: 128, 128>}, {pipeline_mode = #tpu.pipeline_mode<synchronous>, transform_indices = @transform_2, window_bounds = array<i64: 128, 128>}, {pipeline_mode = #tpu.pipeline_mode<synchronous>, transform_indices = @transform_3, window_bounds = array<i64: 1, 128>}, {transform_indices = @transform_4, window_bounds = array<i64: 2000, 128>}, {transform_indices = @transform_5, window_bounds = array<i64: 2000, 128>}]} {
    %get3A = arith.constant 0 : index
    %get3A_0 = arith.constant 0 : index
    %get3A_1 = vector.load %arg1[%get3A, %get3A_0] : memref<2000x128xf32, #tpu.memory_space<vmem>>, vector<2000x128xf32>
    %get3A_2 = arith.constant 0 : index
    %get3A_3 = arith.constant 0 : index
    %get3A_4 = vector.load %arg4[%get3A_2, %get3A_3] : memref<1x128xf32, #tpu.memory_space<vmem>>, vector<1x128xf32>
    %mul3A = arith.constant 5.000000e-01 : f32
    %mul3A_5 = vector.broadcast %mul3A : f32 to vector<1x128xf32>
    %mul3A_6 = arith.mulf %mul3A_5, %get3A_4 : vector<1x128xf32>
    %get3A_7 = arith.constant 0 : index
    %get3A_8 = arith.constant 0 : index
    %get3A_9 = vector.load %arg2[%get3A_7, %get3A_8] : memref<128x128xf32, #tpu.memory_space<vmem>>, vector<128x128xf32>
    %dot_general3A = arith.constant dense<0.000000e+00> : vector<2000x128xf32>
    %dot_general3A_10 = tpu.matmul %get3A_1, %get3A_9, %dot_general3A {dimension_numbers = #tpu.dot_dimension_numbers<[1], [0], [0], [1], [0, 0, 1, 1], [], []>, transpose_lhs_hint = false} : vector<2000x128xf32>, vector<128x128xf32>, vector<2000x128xf32> -> vector<2000x128xf32>
    %add3A = vector.broadcast %mul3A_6 : vector<1x128xf32> to vector<2000x128xf32>
    %add3A_11 = arith.addf %dot_general3A_10, %add3A : vector<2000x128xf32>
    %swap3A = arith.constant 0 : index
    %swap3A_12 = arith.constant 0 : index
    %swap3A_13 = vector.load %arg5[%swap3A, %swap3A_12] : memref<2000x128xf32, #tpu.memory_space<vmem>>, vector<2000x128xf32>
    tpu.vector_store %arg5[%swap3A, %swap3A_12], %add3A_11 {strides = array<i32>} : memref<2000x128xf32, #tpu.memory_space<vmem>>, vector<2000x128xf32>,
    %get3A_14 = arith.constant 0 : index
    %get3A_15 = arith.constant 0 : index
    %get3A_16 = vector.load %arg3[%get3A_14, %get3A_15] : memref<128x128xf32, #tpu.memory_space<vmem>>, vector<128x128xf32>
    %dot_general3A_17 = arith.constant dense<0.000000e+00> : vector<2000x128xf32>
    %dot_general3A_18 = tpu.matmul %get3A_1, %get3A_16, %dot_general3A_17 {dimension_numbers = #tpu.dot_dimension_numbers<[1], [0], [0], [1], [0, 0, 1, 1], [], []>, transpose_lhs_hint = false} : vector<2000x128xf32>, vector<128x128xf32>, vector<2000x128xf32> -> vector<2000x128xf32>
    %add3A_19 = vector.broadcast %mul3A_6 : vector<1x128xf32> to vector<2000x128xf32>
    %add3A_20 = arith.addf %dot_general3A_18, %add3A_19 : vector<2000x128xf32>
    %swap3A_21 = arith.constant 0 : index
    %swap3A_22 = arith.constant 0 : index
    %swap3A_23 = vector.load %arg6[%swap3A_21, %swap3A_22] : memref<2000x128xf32, #tpu.memory_space<vmem>>, vector<2000x128xf32>
    tpu.vector_store %arg6[%swap3A_21, %swap3A_22], %add3A_20 {strides = array<i32>} : memref<2000x128xf32, #tpu.memory_space<vmem>>, vector<2000x128xf32>,
    return
  }
  func.func @transform_0(%arg0: i32) -> (i32, i32) {
    %c0_i32 = arith.constant 0 : i32
    %c0_i32_0 = arith.constant 0 : i32
    return %arg0, %c0_i32 : i32, i32
  }
  func.func @transform_1(%arg0: i32) -> (i32, i32) {
    %c0_i32 = arith.constant 0 : i32
    %c0_i32_0 = arith.constant 0 : i32
    %c0_i32_1 = arith.constant 0 : i32
    return %c0_i32, %c0_i32_0 : i32, i32
  }
  func.func @transform_2(%arg0: i32) -> (i32, i32) {
    %c0_i32 = arith.constant 0 : i32
    %c0_i32_0 = arith.constant 0 : i32
    %c0_i32_1 = arith.constant 0 : i32
    return %c0_i32, %c0_i32_0 : i32, i32
  }
  func.func @transform_3(%arg0: i32) -> (i32, i32) {
    %c0_i32 = arith.constant 0 : i32
    %c0_i32_0 = arith.constant 0 : i32
    %c0_i32_1 = arith.constant 0 : i32
    return %c0_i32, %c0_i32_0 : i32, i32
  }
  func.func @transform_4(%arg0: i32) -> (i32, i32) {
    %c0_i32 = arith.constant 0 : i32
    %c0_i32_0 = arith.constant 0 : i32
    return %arg0, %c0_i32 : i32, i32
  }
  func.func @transform_5(%arg0: i32) -> (i32, i32) {
    %c0_i32 = arith.constant 0 : i32
    %c0_i32_0 = arith.constant 0 : i32
    return %arg0, %c0_i32 : i32, i32
  }
}

module attributes {stable_mosaic.version = 14 : i64} {
  func.func @_edge_mlp_body(%arg0: i32, %arg1: memref<2000x128xf32, #tpu.memory_space<vmem>>, %arg2: memref<2000x4xf32, #tpu.memory_space<vmem>>, %arg3: memref<4x128xf32, #tpu.memory_space<vmem>>, %arg4: memref<128x128xf32, #tpu.memory_space<vmem>>, %arg5: memref<1x128xf32, #tpu.memory_space<vmem>>, %arg6: memref<2000x128xf32, #tpu.memory_space<vmem>>) attributes {dimension_semantics = [#tpu.dimension_semantics<arbitrary>], iteration_bounds = array<i64: 80>, scalar_prefetch = 0 : i64, scratch_operands = 0 : i64, tpu.core_type = #tpu.core_type<tc>, window_params = [{transform_indices = @transform_0, window_bounds = array<i64: 2000, 128>}, {transform_indices = @transform_1, window_bounds = array<i64: 2000, 4>}, {pipeline_mode = #tpu.pipeline_mode<synchronous>, transform_indices = @transform_2, window_bounds = array<i64: 4, 128>}, {pipeline_mode = #tpu.pipeline_mode<synchronous>, transform_indices = @transform_3, window_bounds = array<i64: 128, 128>}, {pipeline_mode = #tpu.pipeline_mode<synchronous>, transform_indices = @transform_4, window_bounds = array<i64: 1, 128>}, {transform_indices = @transform_5, window_bounds = array<i64: 2000, 128>}]} {
    %get3A = arith.constant 0 : index
    %get3A_0 = arith.constant 0 : index
    %get3A_1 = vector.load %arg1[%get3A, %get3A_0] : memref<2000x128xf32, #tpu.memory_space<vmem>>, vector<2000x128xf32>
    %get3A_2 = arith.constant 0 : index
    %get3A_3 = arith.constant 0 : index
    %get3A_4 = vector.load %arg2[%get3A_2, %get3A_3] : memref<2000x4xf32, #tpu.memory_space<vmem>>, vector<2000x4xf32>
    %get3A_5 = arith.constant 0 : index
    %get3A_6 = arith.constant 0 : index
    %get3A_7 = vector.load %arg3[%get3A_5, %get3A_6] : memref<4x128xf32, #tpu.memory_space<vmem>>, vector<4x128xf32>
    %dot_general3A = arith.constant dense<0.000000e+00> : vector<2000x128xf32>
    %dot_general3A_8 = tpu.matmul %get3A_4, %get3A_7, %dot_general3A {dimension_numbers = #tpu.dot_dimension_numbers<[1], [0], [0], [1], [0, 0, 1, 1], [], []>, transpose_lhs_hint = false} : vector<2000x4xf32>, vector<4x128xf32>, vector<2000x128xf32> -> vector<2000x128xf32>
    %add3A = arith.addf %get3A_1, %dot_general3A_8 : vector<2000x128xf32>
    %logistic3A = arith.negf %add3A : vector<2000x128xf32>
    %logistic3A_9 = math.exp %logistic3A : vector<2000x128xf32>
    %logistic3A_10 = arith.constant 1.000000e+00 : f32
    %logistic3A_11 = vector.broadcast %logistic3A_10 : f32 to vector<2000x128xf32>
    %logistic3A_12 = arith.addf %logistic3A_11, %logistic3A_9 : vector<2000x128xf32>
    %logistic3A_13 = arith.divf %logistic3A_11, %logistic3A_12 : vector<2000x128xf32>
    %mul3A = arith.mulf %add3A, %logistic3A_13 : vector<2000x128xf32>
    %get3A_14 = arith.constant 0 : index
    %get3A_15 = arith.constant 0 : index
    %get3A_16 = vector.load %arg4[%get3A_14, %get3A_15] : memref<128x128xf32, #tpu.memory_space<vmem>>, vector<128x128xf32>
    %dot_general3A_17 = arith.constant dense<0.000000e+00> : vector<2000x128xf32>
    %dot_general3A_18 = tpu.matmul %mul3A, %get3A_16, %dot_general3A_17 {dimension_numbers = #tpu.dot_dimension_numbers<[1], [0], [0], [1], [0, 0, 1, 1], [], []>, transpose_lhs_hint = false} : vector<2000x128xf32>, vector<128x128xf32>, vector<2000x128xf32> -> vector<2000x128xf32>
    %get3A_19 = arith.constant 0 : index
    %get3A_20 = arith.constant 0 : index
    %get3A_21 = vector.load %arg5[%get3A_19, %get3A_20] : memref<1x128xf32, #tpu.memory_space<vmem>>, vector<1x128xf32>
    %add3A_22 = vector.broadcast %get3A_21 : vector<1x128xf32> to vector<2000x128xf32>
    %add3A_23 = arith.addf %dot_general3A_18, %add3A_22 : vector<2000x128xf32>
    %swap3A = arith.constant 0 : index
    %swap3A_24 = arith.constant 0 : index
    %swap3A_25 = vector.load %arg6[%swap3A, %swap3A_24] : memref<2000x128xf32, #tpu.memory_space<vmem>>, vector<2000x128xf32>
    tpu.vector_store %arg6[%swap3A, %swap3A_24], %add3A_23 {strides = array<i32>} : memref<2000x128xf32, #tpu.memory_space<vmem>>, vector<2000x128xf32>,
    return
  }
  func.func @transform_0(%arg0: i32) -> (i32, i32) {
    %c0_i32 = arith.constant 0 : i32
    %c0_i32_0 = arith.constant 0 : i32
    return %arg0, %c0_i32 : i32, i32
  }
  func.func @transform_1(%arg0: i32) -> (i32, i32) {
    %c0_i32 = arith.constant 0 : i32
    %c0_i32_0 = arith.constant 0 : i32
    return %arg0, %c0_i32 : i32, i32
  }
  func.func @transform_2(%arg0: i32) -> (i32, i32) {
    %c0_i32 = arith.constant 0 : i32
    %c0_i32_0 = arith.constant 0 : i32
    %c0_i32_1 = arith.constant 0 : i32
    return %c0_i32, %c0_i32_0 : i32, i32
  }
  func.func @transform_3(%arg0: i32) -> (i32, i32) {
    %c0_i32 = arith.constant 0 : i32
    %c0_i32_0 = arith.constant 0 : i32
    %c0_i32_1 = arith.constant 0 : i32
    return %c0_i32, %c0_i32_0 : i32, i32
  }
  func.func @transform_4(%arg0: i32) -> (i32, i32) {
    %c0_i32 = arith.constant 0 : i32
    %c0_i32_0 = arith.constant 0 : i32
    %c0_i32_1 = arith.constant 0 : i32
    return %c0_i32, %c0_i32_0 : i32, i32
  }
  func.func @transform_5(%arg0: i32) -> (i32, i32) {
    %c0_i32 = arith.constant 0 : i32
    %c0_i32_0 = arith.constant 0 : i32
    return %arg0, %c0_i32 : i32, i32
  }
}

module attributes {stable_mosaic.version = 14 : i64} {
  func.func @_node_mlp_body(%arg0: i32, %arg1: memref<2000x128xf32, #tpu.memory_space<vmem>>, %arg2: memref<2000x128xf32, #tpu.memory_space<vmem>>, %arg3: memref<2000x128xf32, #tpu.memory_space<vmem>>, %arg4: memref<2000x128xf32, #tpu.memory_space<vmem>>, %arg5: memref<2000x128xf32, #tpu.memory_space<vmem>>, %arg6: memref<128x128xf32, #tpu.memory_space<vmem>>, %arg7: memref<128x128xf32, #tpu.memory_space<vmem>>, %arg8: memref<1x128xf32, #tpu.memory_space<vmem>>, %arg9: memref<128x128xf32, #tpu.memory_space<vmem>>, %arg10: memref<1x128xf32, #tpu.memory_space<vmem>>, %arg11: memref<2000x128xf32, #tpu.memory_space<vmem>>) attributes {dimension_semantics = [#tpu.dimension_semantics<arbitrary>], iteration_bounds = array<i64: 5>, scalar_prefetch = 0 : i64, scratch_operands = 0 : i64, tpu.core_type = #tpu.core_type<tc>, window_params = [{transform_indices = @transform_0, window_bounds = array<i64: 2000, 128>}, {transform_indices = @transform_1, window_bounds = array<i64: 2000, 128>}, {transform_indices = @transform_2, window_bounds = array<i64: 2000, 128>}, {transform_indices = @transform_3, window_bounds = array<i64: 2000, 128>}, {transform_indices = @transform_4, window_bounds = array<i64: 2000, 128>}, {pipeline_mode = #tpu.pipeline_mode<synchronous>, transform_indices = @transform_5, window_bounds = array<i64: 128, 128>}, {pipeline_mode = #tpu.pipeline_mode<synchronous>, transform_indices = @transform_6, window_bounds = array<i64: 128, 128>}, {pipeline_mode = #tpu.pipeline_mode<synchronous>, transform_indices = @transform_7, window_bounds = array<i64: 1, 128>}, {pipeline_mode = #tpu.pipeline_mode<synchronous>, transform_indices = @transform_8, window_bounds = array<i64: 128, 128>}, {pipeline_mode = #tpu.pipeline_mode<synchronous>, transform_indices = @transform_9, window_bounds = array<i64: 1, 128>}, {transform_indices = @transform_10, window_bounds = array<i64: 2000, 128>}]} {
    %get3A = arith.constant 0 : index
    %get3A_0 = arith.constant 0 : index
    %get3A_1 = vector.load %arg1[%get3A, %get3A_0] : memref<2000x128xf32, #tpu.memory_space<vmem>>, vector<2000x128xf32>
    %get3A_2 = arith.constant 0 : index
    %get3A_3 = arith.constant 0 : index
    %get3A_4 = vector.load %arg2[%get3A_2, %get3A_3] : memref<2000x128xf32, #tpu.memory_space<vmem>>, vector<2000x128xf32>
    %get3A_5 = arith.constant 0 : index
    %get3A_6 = arith.constant 0 : index
    %get3A_7 = vector.load %arg3[%get3A_5, %get3A_6] : memref<2000x128xf32, #tpu.memory_space<vmem>>, vector<2000x128xf32>
    %add3A = arith.addf %get3A_4, %get3A_7 : vector<2000x128xf32>
    %get3A_8 = arith.constant 0 : index
    %get3A_9 = arith.constant 0 : index
    %get3A_10 = vector.load %arg4[%get3A_8, %get3A_9] : memref<2000x128xf32, #tpu.memory_space<vmem>>, vector<2000x128xf32>
    %get3A_11 = arith.constant 0 : index
    %get3A_12 = arith.constant 0 : index
    %get3A_13 = vector.load %arg5[%get3A_11, %get3A_12] : memref<2000x128xf32, #tpu.memory_space<vmem>>, vector<2000x128xf32>
    %add3A_14 = arith.addf %get3A_10, %get3A_13 : vector<2000x128xf32>
    %add3A_15 = arith.addf %add3A, %add3A_14 : vector<2000x128xf32>
    %get3A_16 = arith.constant 0 : index
    %get3A_17 = arith.constant 0 : index
    %get3A_18 = vector.load %arg6[%get3A_16, %get3A_17] : memref<128x128xf32, #tpu.memory_space<vmem>>, vector<128x128xf32>
    %dot_general3A = arith.constant dense<0.000000e+00> : vector<2000x128xf32>
    %dot_general3A_19 = tpu.matmul %get3A_1, %get3A_18, %dot_general3A {dimension_numbers = #tpu.dot_dimension_numbers<[1], [0], [0], [1], [0, 0, 1, 1], [], []>, transpose_lhs_hint = false} : vector<2000x128xf32>, vector<128x128xf32>, vector<2000x128xf32> -> vector<2000x128xf32>
    %get3A_20 = arith.constant 0 : index
    %get3A_21 = arith.constant 0 : index
    %get3A_22 = vector.load %arg7[%get3A_20, %get3A_21] : memref<128x128xf32, #tpu.memory_space<vmem>>, vector<128x128xf32>
    %dot_general3A_23 = arith.constant dense<0.000000e+00> : vector<2000x128xf32>
    %dot_general3A_24 = tpu.matmul %add3A_15, %get3A_22, %dot_general3A_23 {dimension_numbers = #tpu.dot_dimension_numbers<[1], [0], [0], [1], [0, 0, 1, 1], [], []>, transpose_lhs_hint = false} : vector<2000x128xf32>, vector<128x128xf32>, vector<2000x128xf32> -> vector<2000x128xf32>
    %add3A_25 = arith.addf %dot_general3A_19, %dot_general3A_24 : vector<2000x128xf32>
    %get3A_26 = arith.constant 0 : index
    %get3A_27 = arith.constant 0 : index
    %get3A_28 = vector.load %arg8[%get3A_26, %get3A_27] : memref<1x128xf32, #tpu.memory_space<vmem>>, vector<1x128xf32>
    %add3A_29 = vector.broadcast %get3A_28 : vector<1x128xf32> to vector<2000x128xf32>
    %add3A_30 = arith.addf %add3A_25, %add3A_29 : vector<2000x128xf32>
    %logistic3A = arith.negf %add3A_30 : vector<2000x128xf32>
    %logistic3A_31 = math.exp %logistic3A : vector<2000x128xf32>
    %logistic3A_32 = arith.constant 1.000000e+00 : f32
    %logistic3A_33 = vector.broadcast %logistic3A_32 : f32 to vector<2000x128xf32>
    %logistic3A_34 = arith.addf %logistic3A_33, %logistic3A_31 : vector<2000x128xf32>
    %logistic3A_35 = arith.divf %logistic3A_33, %logistic3A_34 : vector<2000x128xf32>
    %mul3A = arith.mulf %add3A_30, %logistic3A_35 : vector<2000x128xf32>
    %get3A_36 = arith.constant 0 : index
    %get3A_37 = arith.constant 0 : index
    %get3A_38 = vector.load %arg9[%get3A_36, %get3A_37] : memref<128x128xf32, #tpu.memory_space<vmem>>, vector<128x128xf32>
    %dot_general3A_39 = arith.constant dense<0.000000e+00> : vector<2000x128xf32>
    %dot_general3A_40 = tpu.matmul %mul3A, %get3A_38, %dot_general3A_39 {dimension_numbers = #tpu.dot_dimension_numbers<[1], [0], [0], [1], [0, 0, 1, 1], [], []>, transpose_lhs_hint = false} : vector<2000x128xf32>, vector<128x128xf32>, vector<2000x128xf32> -> vector<2000x128xf32>
    %add3A_41 = arith.addf %get3A_1, %dot_general3A_40 : vector<2000x128xf32>
    %get3A_42 = arith.constant 0 : index
    %get3A_43 = arith.constant 0 : index
    %get3A_44 = vector.load %arg10[%get3A_42, %get3A_43] : memref<1x128xf32, #tpu.memory_space<vmem>>, vector<1x128xf32>
    %add3A_45 = vector.broadcast %get3A_44 : vector<1x128xf32> to vector<2000x128xf32>
    %add3A_46 = arith.addf %add3A_41, %add3A_45 : vector<2000x128xf32>
    %swap3A = arith.constant 0 : index
    %swap3A_47 = arith.constant 0 : index
    %swap3A_48 = vector.load %arg11[%swap3A, %swap3A_47] : memref<2000x128xf32, #tpu.memory_space<vmem>>, vector<2000x128xf32>
    tpu.vector_store %arg11[%swap3A, %swap3A_47], %add3A_46 {strides = array<i32>} : memref<2000x128xf32, #tpu.memory_space<vmem>>, vector<2000x128xf32>,
    return
  }
  func.func @transform_0(%arg0: i32) -> (i32, i32) {
    %c0_i32 = arith.constant 0 : i32
    %c0_i32_0 = arith.constant 0 : i32
    return %arg0, %c0_i32 : i32, i32
  }
  func.func @transform_1(%arg0: i32) -> (i32, i32) {
    %c0_i32 = arith.constant 0 : i32
    %c0_i32_0 = arith.constant 0 : i32
    return %arg0, %c0_i32 : i32, i32
  }
  func.func @transform_2(%arg0: i32) -> (i32, i32) {
    %c0_i32 = arith.constant 0 : i32
    %c0_i32_0 = arith.constant 0 : i32
    return %arg0, %c0_i32 : i32, i32
  }
  func.func @transform_3(%arg0: i32) -> (i32, i32) {
    %c0_i32 = arith.constant 0 : i32
    %c0_i32_0 = arith.constant 0 : i32
    return %arg0, %c0_i32 : i32, i32
  }
  func.func @transform_4(%arg0: i32) -> (i32, i32) {
    %c0_i32 = arith.constant 0 : i32
    %c0_i32_0 = arith.constant 0 : i32
    return %arg0, %c0_i32 : i32, i32
  }
  func.func @transform_5(%arg0: i32) -> (i32, i32) {
    %c0_i32 = arith.constant 0 : i32
    %c0_i32_0 = arith.constant 0 : i32
    %c0_i32_1 = arith.constant 0 : i32
    return %c0_i32, %c0_i32_0 : i32, i32
  }
  func.func @transform_6(%arg0: i32) -> (i32, i32) {
    %c0_i32 = arith.constant 0 : i32
    %c0_i32_0 = arith.constant 0 : i32
    %c0_i32_1 = arith.constant 0 : i32
    return %c0_i32, %c0_i32_0 : i32, i32
  }
  func.func @transform_7(%arg0: i32) -> (i32, i32) {
    %c0_i32 = arith.constant 0 : i32
    %c0_i32_0 = arith.constant 0 : i32
    %c0_i32_1 = arith.constant 0 : i32
    return %c0_i32, %c0_i32_0 : i32, i32
  }
  func.func @transform_8(%arg0: i32) -> (i32, i32) {
    %c0_i32 = arith.constant 0 : i32
    %c0_i32_0 = arith.constant 0 : i32
    %c0_i32_1 = arith.constant 0 : i32
    return %c0_i32, %c0_i32_0 : i32, i32
  }
  func.func @transform_9(%arg0: i32) -> (i32, i32) {
    %c0_i32 = arith.constant 0 : i32
    %c0_i32_0 = arith.constant 0 : i32
    %c0_i32_1 = arith.constant 0 : i32
    return %c0_i32, %c0_i32_0 : i32, i32
  }
  func.func @transform_10(%arg0: i32) -> (i32, i32) {
    %c0_i32 = arith.constant 0 : i32
    %c0_i32_0 = arith.constant 0 : i32
    return %arg0, %c0_i32 : i32, i32
  }
}

</mosaic_0001>

<sc_bundles>
// kernel: kernel.10.cloned.1.call-start
scs
__scs_entry_jumppad:
0x0: {  	(pc) =	sbr.rel $0x88, $3  }
0x1: {  	(tag) =	ssettag $0x0;
	lr =	simm.s32 $0x1  }
0x2: {  	[smem:$0x3F96] =	sst lr;
	_ =	strace $0xD0000000  }
0x3: {  	_ = 	snop  }
0x4: {  	_ = 	snop  }
0x5: {  	_ = 	snop  }
0x6: {  	_ = 	snop  }
0x7: {  	_ = 	snop  }
__scs_overlays_trampoline_lowered:
0x8: {  	[smem:$0x3FA5] =	sst s0  }
0x9: {  	[smem:$0x3FA6] =	sst s1  }
0xa: {  	[smem:$0x3FA7] =	sst s2  }
0xb: {  	[smem:$0x3FA8] =	sst s3  }
0xc: {  	[smem:$0x3FA9] =	sst s4  }
0xd: {  	[smem:$0x3FAA] =	sst s5  }
0xe: {  	[smem:$0x3FAB] =	sst s6  }
0xf: {  	[smem:$0x3FAC] =	sst s7  }
0x10: {  	[smem:$0x3FAD] =	sst s8  }
0x11: {  	[smem:$0x3FAE] =	sst s9;
	s0 =	simm.s32 @!p0 $0x0  }
0x12: {  	s1 =	sld [smem:$0x3F94];
	s0 =	simm.s32 @p0 $0x1  }
0x13: {  	[smem:$0x3FAF] =	sst s0;
	s0 =	simm.s32 @!p1 $0x0  }
0x14: {  	s2 =	sld [smem:$0x3F93];
	s0 =	simm.s32 @p1 $0x1  }
0x15: {  	[smem:$0x3FB0] =	sst s0;
	s0 =	simm.s32 @!p2 $0x0  }
0x16: {  	s3 =	sld [smem:$0x3FDB];
	s0 =	simm.s32 @p2 $0x1  }
0x17: {  	s4 =	simm.s32 $0x1BF5;
	[smem:$0x3FB2] =	sst s0  }
0x18: {  	s0 =	sld [smem:$0x3F95];
	_ =	swait.ge [sflag:s4], $0x0  }
0x19: {  	s7 =	sld [smem:$0x3F96]  }
0x1a: {  	s8 =	sadd.s32 $0xFFFFE003, lr  }
0x1b: {  	s9 =	sadd.s32 $0xFFFFFEF7, lr;
	s5 =	simm.s32 $0xFFFFFFFF;
	p2 =	slt.u32 s8, $0xFFFFF086  }
0x1c: {  	p1 =	slt.u32 s9, $0xF7A;
	s5 =	simm.s32 @!p2 $0x0  }
0x1d: {  	s5 =	simm.s32 @p1 $0x1;
	p0 =	seq.s32 s7, s2  }
0x1e: {  	s7 =	smul.u32 @!p0 $0xF7A, s2;
	p2 =	seq.s32 @!p0 s5, $0x0  }
0x1f: {  	s9 =	smul.u32 $0xF7A, s1;
	s8 =	simm.s32 @!p0 $0x1BF5;
	p2 =	por !p2, p0  }
0x20: {  	[sflag:s8] =	ssyncset.s32 @!p0 $0xFFFFF086;
	s6 =	sadd.s32 @!p0 s3, s7;
	s7 =	simm.s32 @!p0 $0x108  }
0x21: {  	s3 =	sadd.s32 s3, s9;
	s6 =	sadd.s32 @!p0 $0x88, s6;
	s7 =	simm.s32 @p2 $0x1082  }
0x22: {  	[simem:s7], [sflag:s8] =	dma.local @!p0 [hbm:s6], $0xF7A  }
0x23: {  	s9 =	sor.u32 $0xD0000000, s2;
	s6 =	simm.s32 $0x108;
	_ =	swait.ge @!p0 [sflag:s8], $0x0  }
0x24: {  	s3 =	sadd.s32 $0x88, s3;
	s6 =	simm.s32 @!p1 $0x1082;
	[sflag:s4] =	ssyncset.s32 $0xFFFFF086  }
0x25: {  	[simem:s6], [sflag:s4] =	dma.local [hbm:s3], $0xF7A  }
0x26: {  	[smem:$0x3F96] =	sst s1;
	(tag) =	ssettag s2;
	_ =	strace s9  }
0x27: {  	s1 =	sld [smem:$0x3FA6]  }
0x28: {  	s2 =	sld [smem:$0x3FA7]  }
0x29: {  	s4 =	sld [smem:$0x3FA9]  }
0x2a: {  	p0 =	seq.s32 s5, $0x0;
	s5 =	sld [smem:$0x3FAA]  }
0x2b: {  	s6 =	sld [smem:$0x3FAB]  }
0x2c: {  	s7 =	sld [smem:$0x3FAC]  }
0x2d: {  	s3 =	simm.s32 $0x108;
	s8 =	sld [smem:$0x3FAD]  }
0x2e: {  	s3 =	simm.s32 @!p0 $0x1082;
	s9 =	sld [smem:$0x3FAE]  }
0x2f: {  	lr =	sadd.s32 s0, s3;
	s0 =	sld [smem:$0x3FA5]  }
0x30: {  	s3 =	sld [smem:$0x3FA8]  }
0x31: {  	[smem:$0x3FB1] =	sst s10  }
0x32: {  	s10 =	sld [smem:$0x3FAF];
	_ =	sdelay $0x3  }
0x33: {  	p0 =	seq.s32 s10, $0x1;
	s10 =	sld [smem:$0x3FB1];
	_ =	sdelay $0x3  }
0x34: {  	[smem:$0x3FB1] =	sst s10  }
0x35: {  	s10 =	sld [smem:$0x3FB0];
	_ =	sdelay $0x3  }
0x36: {  	p1 =	seq.s32 s10, $0x1;
	s10 =	sld [smem:$0x3FB1];
	_ =	sdelay $0x3  }
0x37: {  	[smem:$0x3FB1] =	sst s10  }
0x38: {  	s10 =	sld [smem:$0x3FB2]  }
0x39: {  	_ = 	snop;
	(pc) =	sbr.ind lr, $3  }
0x3a: {  	_ = 	snop  }
0x3b: {  	_ = 	snop  }
0x3c: {  	p2 =	seq.s32 s10, $0x1;
	s10 =	sld [smem:$0x3FB1]  }
0x3d: {  	_ =	shalt  }
0x3e: {  	_ =	shalt  }
0x3f: {  	_ =	shalt  }
0x40: {  	_ =	shalt  }
0x41: {  	_ =	shalt  }
0x42: {  	_ =	shalt  }
0x43: {  	_ =	shalt  }
0x44: {  	_ =	shalt  }
0x45: {  	_ =	shalt  }
0x46: {  	_ =	shalt  }
0x47: {  	_ =	shalt  }
0x48: {  	_ =	shalt  }
0x49: {  	_ =	shalt  }
0x4a: {  	_ =	shalt  }
0x4b: {  	_ =	shalt  }
0x4c: {  	_ =	shalt  }
0x4d: {  	_ =	shalt  }
0x4e: {  	_ =	shalt  }
0x4f: {  	_ =	shalt  }
0x50: {  	_ =	shalt  }
0x51: {  	_ =	shalt  }
0x52: {  	_ =	shalt  }
0x53: {  	_ =	shalt  }
0x54: {  	_ =	shalt  }
0x55: {  	_ =	shalt  }
0x56: {  	_ =	shalt  }
0x57: {  	_ =	shalt  }
0x58: {  	_ =	shalt  }
0x59: {  	_ =	shalt  }
0x5a: {  	_ =	shalt  }
0x5b: {  	_ =	shalt  }
0x5c: {  	_ =	shalt  }
0x5d: {  	_ =	shalt  }
0x5e: {  	_ =	shalt  }
0x5f: {  	_ =	shalt  }
0x60: {  	_ =	shalt  }
0x61: {  	_ =	shalt  }
0x62: {  	_ =	shalt  }
0x63: {  	_ =	shalt  }
0x64: {  	_ =	shalt  }
0x65: {  	_ =	shalt  }
0x66: {  	_ =	shalt  }
0x67: {  	_ =	shalt  }
0x68: {  	_ =	shalt  }
0x69: {  	_ =	shalt  }
0x6a: {  	_ =	shalt  }
0x6b: {  	_ =	shalt  }
0x6c: {  	_ =	shalt  }
0x6d: {  	_ =	shalt  }
0x6e: {  	_ =	shalt  }
0x6f: {  	_ =	shalt  }
0x70: {  	_ =	shalt  }
0x71: {  	_ =	shalt  }
0x72: {  	_ =	shalt  }
0x73: {  	_ =	shalt  }
0x74: {  	_ =	shalt  }
0x75: {  	_ =	shalt  }
0x76: {  	_ =	shalt  }
0x77: {  	_ =	shalt  }
0x78: {  	_ =	shalt  }
0x79: {  	_ =	shalt  }
0x7a: {  	_ =	shalt  }
0x7b: {  	_ =	shalt  }
0x7c: {  	_ =	shalt  }
0x7d: {  	_ =	shalt  }
0x7e: {  	_ =	shalt  }
0x7f: {  	_ =	shalt  }
0x80: {  	_ =	shalt  }
0x81: {  	_ =	shalt  }
0x82: {  	_ =	shalt  }
0x83: {  	_ =	shalt  }
0x84: {  	_ =	shalt  }
0x85: {  	_ =	shalt  }
0x86: {  	_ =	shalt  }
0x87: {  	_ =	shalt  }
.Lfunc_end0:
.L_simem_size_0:
called_computation_lowered:
.L_overlay_start_0:
0x88: {  	s2 =	sld [smem:$0x3FD9]  }
0x89: {  	s3 =	sld [smem:$0x3FFE];
	_ =	sdelay $0x1  }
0x8a: {  	s1 =	srdreg.scid  }
0x8b: {  	s0 =	sand.u32 $0x1, s1  }
0x8c: {  	s17 =	sshll.u32 s0, $0xA;
	s2 =	sadd.s32 s3, s2  }
0x8d: {  	s2 =	sadd.s32 s2, s17  }
0x8e: {  	[smem:$0x3FBD] =	sst s2  }
0x8f: {  	_ = 	snop  }
0x90: {  	s18 =	sld [smem:$0x3FD0];
	(tm) =	ssettm $0x1  }
0x91: {  	s19 =	sld [smem:$0x3FFB];
	_ =	sdelay $0x3  }
0x92: {  	_ =	strace s19  }
0x93: {  	s2 =	sld [smem:$0x3FFC];
	_ =	sdelay $0x3  }
0x94: {  	_ =	strace s2  }
0x95: {  	s2 =	sld [smem:$0x3FFD];
	_ =	sdelay $0x3  }
0x96: {  	_ =	strace s2  }
0x97: {  	_ =	strace $0x8FFFFFFF  }
0x98: {  	s20 =	sld [smem:$0x3FDB];
	_ =	sdelay $0x1  }
0x99: {  	s4 =	simm.s32 $_scs_section_size  }
0x9a: {  	s5 =	simm.s32 $_size__tile_overlayer_lowered;
	s6 =	simm.s32 $_tile_overlayer_lowered  }
0x9b: {  	s7 =	simm.s32 $0x1BFF;
	s21 =	sshll.u32 s6, $0x1;
	s4 =	sadd.s32 s4, s20  }
0x9c: {  	s22 =	simm.s32 $0x0;
	s5 =	sshll.u32 s5, $0x1;
	s6 =	sadd.s32 s21, s4  }
0x9d: {  	[timem:s22], [sflag:s7] =	dma.local [hbm:s6], s5  }
0x9e: {  	_ =	swait.ge [sflag:s7], s5  }
0x9f: {  	s5 =	ssub.s32 $0x0, s5;
	[sflag:s7] =	ssyncset.done $0x0  }
0xa0: {  	[sflag:s7] =	ssyncadd.s32 s5;
	_ =	sdelay $0x1  }
0xa1: {  	s23 =	simm.s32 $0x1B8B  }
0xa2: {  	_ =	swait.ge [sflag:s23], $0x1  }
0xa3: {  	[sflag:s23] =	ssyncset.done $0x0  }
0xa4: {  	[sflag:s23] =	ssyncadd.s32 $0xFFFFFFFF  }
0xa5: {  	s5 =	sld [smem:$0x0]  }
0xa6: {  	s6 =	sand.u32 $0xFFFFFFFE, s1  }
0xa7: {  	p0 =	sne.s32 s1, s6  }
0xa8: {  	s6 =	sshll.u32 @p0 s6, $0xE  }
0xa9: {  	s6 =	sadd.s32 @p0 $0x11B8D, s6;
	s7 =	sshll.u32 @p0 s5, $0x11  }
0xaa: {  	s6 =	sor.u32 @p0 s7, s6  }
0xab: {  	[sflag:s6] =	ssyncadd.remote.s32 @p0 $0x1;
	_ =	sdelay $0x1  }
0xac: {  	s6 =	simm.s32 @p0 $0x1B8D  }
0xad: {  	_ =	swait.eq @p0 [sflag:s6], $0x1  }
0xae: {  	[sflag:s6] =	ssyncadd.s32 @p0 $0xFFFFFFFF  }
0xaf: {  	s7 =	sshll.u32 @!p0 s1, $0xE  }
0xb0: {  	s7 =	sor.u32 @!p0 $0x4000, s7;
	s6 =	simm.s32 @!p0 $0x1B8D  }
0xb1: {  	s5 =	sshll.u32 @!p0 s5, $0x11;
	s7 =	sadd.s32 @!p0 $0x11B8D, s7;
	_ =	swait.eq @!p0 [sflag:s6], $0x1  }
0xb2: {  	s5 =	sor.u32 @!p0 s5, s7;
	[sflag:s6] =	ssyncadd.s32 @!p0 $0xFFFFFFFF  }
0xb3: {  	s25 =	simm.s32 $0x1B8E;
	s24 =	sld [smem:$0x3FFE];
	[sflag:s5] =	ssyncadd.remote.s32 @!p0 $0x1  }
0xb4: {  	s26 =	simm.s32 $execute0_lowered;
	[smem:$0x3FD2] =	sst s25  }
0xb5: {  	s6 =	sshll.u32 s26, $0x1;
	_ =	strace $0x80000049;
	[dreg:$0x1] =	wrdreg $0xFFFFFFFF  }
0xb6: {  	s28 =	simm.s32 $_size_execute0_lowered;
	s4 =	sadd.s32 s4, s6;
	[dreg:$0x0] =	wrdreg $0x0  }
0xb7: {  	s6 =	sshll.u32 s28, $0x1;
	[dreg:$0x2] =	wrdreg s4  }
0xb8: {  	[dreg:$0x3] =	wrdreg s6  }
0xb9: {  	[dreg:$0x4] =	wrdreg $0xC0  }
0xba: {  	_ =	task [dreg:s22], $0x5FFFF  }
0xbb: {  	[dreg:$0x1] =	wrdreg $0xFFFFFFFF  }
0xbc: {  	[dreg:$0x0] =	wrdreg $0x60  }
0xbd: {  	[dreg:$0x2] =	wrdreg s18  }
0xbe: {  	[dreg:$0x3] =	wrdreg s24  }
0xbf: {  	[dreg:$0x4] =	wrdreg $0x9  }
0xc0: {  	_ =	task.clear_ibuf [dreg:s22], $0x5FFFF;
	_ =	strace $0x90000049  }
0xc1: {  	s29 =	simm.s32 $0x9;
	_ =	strace $0x8000004B  }
0xc2: {  	_ =	swait.ge [sflag:s29], $0x1  }
0xc3: {  	[sflag:s29] =	ssyncadd.s32 $0xFFFFFFFF  }
0xc4: {  	_ =	strace $0x9000004B  }
0xc5: {  	_ =	sfence  }
0xc6: {  	s30 =	sld [smem:$0x0];
	_ =	sdelay $0x2  }
0xc7: {  	s31 =	sshll.u32 s1, $0xD;
	s1 =	sshrl.u32 s1, $0x2  }
0xc8: {  	s4 =	sand.u32 $0x4000, s31;
	s1 =	sadd.s32 s1, s30  }
0xc9: {  	s0 =	sor.u32 s4, s0;
	s1 =	sshll.u32 s1, $0x11  }
0xca: {  	s0 =	sor.u32 s1, s0  }
0xcb: {  	s0 =	sadd.s32 $0x8F2B, s0  }
0xcc: {  	[sflag:s0] =	ssyncadd.remote.s32 $0x1  }
0xcd: {  	_ =	sfence.sel $0xFFFF  }
0xce: {  	[dreg:$0x0] =	wrdreg $0xFFFFFFFF;
	(pc) =	sbr.abs _section_cstart, $3  }
0xcf: {  	[dreg:$0x1] =	wrdreg $0xFFFFFFFF  }
0xd0: {  	_ =	task.clear_ibuf [dreg:s22], $0x2FFFF;
	_ =	strace $0x9FFFFFFF  }
0xd1: {  	(tm) =	ssettm $0x7FFFFFFF  }
tec
execute0_lowered:
.L_overlay_start_1:
0x0: {  	(tag) =	ssettag $0x1  }
0x1: {  	s1 =	srdreg.scid  }
0x2: {  	s0 =	stileid.u32;
	s2 =	rddreg [dreg:$0x0]  }
0x3: {  	s5 =	rddreg [dreg:$0x1];
	s3 =	simm.s32 $0x0;
	s15 =	simm.s32 $0x2800  }
0x4: {  	s16 =	simm.s32 $0x6800;
	s17 =	simm.s32 $0x1;
	s9 =	smul.u32 $0x50, s0  }
0x5: {  	s18 =	simm.s32 $0xA800;
	s19 =	simm.s32 $0xE800;
	s11 =	smul.u32 $0xA000, s0  }
0x6: {  	s20 =	simm.s32 $0x12800;
	s6 =	sand.u32 $0x1, s1;
	s14 =	smul.u32 $0x28000, s0  }
0x7: {  	s21 =	simm.s32 $0x2;
	s22 =	simm.s32 $0x0;
	s10 =	smul.u32 $0x28, s6  }
0x8: {  	s29 =	sshll.u32 s0, $0x1;
	[smem:$0x7FF] =	sst s3;
	s12 =	smul.u32 $0x5000, s6  }
0x9: {  	s1 =	sor.u32 s6, s29;
	s8 =	ssub.s32 $0x2, s6;
	s30 =	smul.u32 $0x14000, s6  }
0xa: {  	s4 =	sadd.s32 $0xDC00, s5;
	s7 =	smul.u32 $0x280, s1;
	s13 =	sshrl.u32 s8, $0x1  }
.Ltmp0:
0xb: {  	_ =	strace $0x8000004A;
	s8 =	ssub.s32 s8, s13;
	(pc) =	sbr.rel .LBB2_1-.Ltmp0, $4  }
0xc: {  	s9 =	sadd.s32 s10, s9;
	s10 =	sadd.s32 s12, s11;
	s31 =	sadd.s32 s30, s14  }
0xd: {  	s12 =	simm.s32 $0x3;
	s13 =	simm.s32 $0x1400;
	s14 =	simm.s32 $0x80  }
0xe: {  	s7 =	sadd.s32 s7, s5;
	s5 =	sadd.s32 $0x2AFE00, s5;
	s11 =	sor.u32 $0x2000, s31  }
0xf: {  	s8 =	smax.u32 s8, $0x1;
	s6 =	sadd.s32 $0x2A5E00, s7;
	s7 =	sadd.s32 $0x2AAE00, s7  }
.LBB2_42:
0x10: {  	s22 =	sadd.s32 $0x1, s22  }
0x11: {  	p0 =	sne.s32 s22, s8  }
.Ltmp1:
0x12: {  	_ = 	snop;
	(pc) =	sbr.rel @!p0 .LBB2_43-.Ltmp1, $1  }
0x13: {  	_ =	sdelay $0x3  }
.LBB2_1:
0x14: {  	[tilespmem:s3], [sflag:$0x3] =	stream.linear.gather [hbm4b:s6+s3], $0x1400, $0x38;
	[tilespmem:$0x16800] =	vst v63  }
0x15: {  	_ =	swait.ge [sflag:s12], $0x1400  }
0x16: {  	[sflag:s12] =	ssyncset.done $0x0  }
.Ltmp2:
0x17: {  	[sflag:s12] =	ssyncadd.s32 $0xFFFFEC00;
	(pc) =	sbr.rel .LBB2_2-.Ltmp2, $4  }
0x18: {  	[tilespmem:s13], [sflag:$0x3] =	stream.linear.gather [hbm4b:s7+s3], $0x1400, $0x38;
	[tilespmem:$0x16800] =	vst v63  }
0x19: {  	_ =	swait.ge [sflag:s12], $0x1400  }
0x1a: {  	s23 =	smov.u32 s11;
	[sflag:s12] =	ssyncset.done $0x0  }
0x1b: {  	s24 =	smov.u32 s9;
	s25 =	simm.s32 $0x0;
	[sflag:s12] =	ssyncadd.s32 $0xFFFFEC00  }
.LBB2_40:
0x1c: {  	_ =	swait.ge [sflag:s21], $0x4000  }
0x1d: {  	[sflag:s21] =	ssyncset.done $0x0  }
0x1e: {  	[sflag:s21] =	ssyncadd.s32 $0xFFFFC000  }
.LBB2_41:
0x1f: {  	s25 =	sadd.s32 $0xA00, s25  }
0x20: {  	p0 =	sne.s32 s25, $0x5000  }
.Ltmp3:
0x21: {  	_ = 	snop;
	(pc) =	sbr.rel @!p0 .LBB2_42-.Ltmp3, $2  }
0x22: {  	_ =	sdelay $0x2  }
0x23: {  	s24 =	sadd.s32 $0x5, s24;
	s23 =	sadd.s32 $0x2800, s23  }
.LBB2_2:
0x24: {  	p0 =	sgt.u32 s24, $0x4E1  }
.Ltmp4:
0x25: {  	_ = 	snop;
	(pc) =	sbr.rel @p0 .LBB2_41-.Ltmp4, $1  }
0x26: {  	_ =	sdelay $0x3  }
0x27: {  	s28 =	sadd.s32 s25, s10  }
0x28: {  	s26 =	sadd.s32 $0xFFF63E00, s28  }
0x29: {  	p0 =	seq.s32 s26, $0x0  }
.Ltmp5:
0x2a: {  	_ = 	snop;
	(pc) =	sbr.rel @p0 .LBB2_44-.Ltmp5, $3  }
0x2b: {  	_ =	sdelay $0x1  }
0x2c: {  	s29 =	sshra.s32 s25, $0x2  }
0x2d: {  	[tilespmem:s15], [sflag:$0x1] =	stream.indirect.gather [hbm4b:s2+s14], $0x80, s29, s14, $0xb8;
	[tilespmem:$0x16800] =	vst v63  }
0x2e: {  	s1 =	simm.s32 @!p0 $0x0;
	s30 =	sadd.s32 $0x80, s29;
	p2 =	sgt.u32 s24, $0x4DF  }
0x2f: {  	[tilespmem:s16], [sflag:$0x1] =	stream.indirect.gather [hbm4b:s2+s14], $0x80, s30, s14, $0xb8;
	[tilespmem:$0x16800] =	vst v63  }
0x30: {  	s28 =	sadd.s32 $0xFFF64200, s28;
	s1 =	simm.s32 @p0 $0x1;
	s30 =	sshra.s32 @!p2 s25, $0x2  }
0x31: {  	s31 =	simm.s32 @!p2 $0x80;
	p1 =	seq.s32 @!p2 s28, $0x0;
	[smem:$0x7FD] =	sst s1  }
0x32: {  	s30 =	sadd.s32 @!p2 $0x100, s30;
	s1 =	simm.s32 @!p2 $0xA800;
	p3 =	por p1, p2  }
0x33: {  	[tilespmem:s1], [sflag:$0x1] =	stream.indirect.gather @!p2 [hbm4b:s2+s31], $0x80, s30, s31, $0xb8;
	[tilespmem:$0x16800] =	vst v63  }
0x34: {  	p6 =	por @!p2 $0x0, $0x0;
	s1 =	sshra.s32 @!p3 s25, $0x2  }
0x35: {  	s28 =	simm.s32 @!p3 $0x80;
	s30 =	simm.s32 @!p3 $0xE800;
	p4 =	sgt.u32 @!p3 s24, $0x4DD  }
0x36: {  	p0 =	por @!p3 $0x1, $0x1;
	s1 =	sadd.s32 @!p3 $0x180, s1;
	p5 =	por @!p2 p4, p1  }
0x37: {  	[tilespmem:s30], [sflag:$0x1] =	stream.indirect.gather @!p3 [hbm4b:s2+s28], $0x80, s1, s28, $0xb8;
	[tilespmem:$0x16800] =	vst v63  }
0x38: {  	p4 =	por @!p2 !p4, p1;
	p1 =	por !p1, p2;
	p5 =	por p5, p2  }
0x39: {  	p4 =	por !p4, p2;
	p3 =	por @!p3 $0x0, $0x0;
	s1 =	sshra.s32 @!p5 s25, $0x2  }
0x3a: {  	s28 =	simm.s32 @!p5 $0x80;
	s30 =	simm.s32 @!p5 $0x12800;
	s1 =	sadd.s32 @!p5 $0x200, s1  }
0x3b: {  	[tilespmem:s30], [sflag:$0x1] =	stream.indirect.gather @!p5 [hbm4b:s2+s28], $0x80, s1, s28, $0xb8;
	[tilespmem:$0x16800] =	vst v63  }
0x3c: {  	p5 =	por @!p5 $0x1, $0x1;
	s28 =	sadd.s32 $0xFFFFF000, s23;
	_ =	swait.ge [sflag:s17], $0x4000  }
.Ltmp6:
0x3d: {  	p0 =	por @!p4 p5, p5;
	[sflag:s17] =	ssyncset.done $0x0;
	(pc) =	sbr.rel @p2 .LBB2_8-.Ltmp6, $4  }
0x3e: {  	p3 =	por @!p4 p5, p5;
	p4 =	por $0x0, $0x0;
	[sflag:s17] =	ssyncadd.s32 $0xFFFFC000  }
0x3f: {  	p0 =	por @!p1 p6, p6;
	p3 =	por @!p1 p6, p6;
	_ =	swait.ge [sflag:s17], $0x4000  }
0x40: {  	p4 =	por @!p2 p0, p0;
	p0 =	por $0x0, $0x0;
	[sflag:s17] =	ssyncset.done $0x0  }
0x41: {  	p1 =	slt.u32 s24, $0x4E0;
	p0 =	por @!p2 p3, p3;
	[sflag:s17] =	ssyncadd.s32 $0xFFFFC000  }
.Ltmp7:
0x42: {  	(pc) =	sbr.rel @p4 .LBB2_9-.Ltmp7, $4  }
0x43: {  	_ = 	snop  }
0x44: {  	_ =	swait.ge [sflag:s17], $0x4000  }
0x45: {  	[sflag:s17] =	ssyncset.done $0x0  }
0x46: {  	[sflag:s17] =	ssyncadd.s32 $0xFFFFC000  }
.Ltmp8:
0x47: {  	(pc) =	sbr.rel @p0 .LBB2_11-.Ltmp8, $2  }
0x48: {  	_ =	sdelay $0x2  }
0x49: {  	p5 =	por $0x0, $0x0  }
0x4a: {  	s1 =	sadd.s32 $0x1400, s29  }
0x4b: {  	[tilespmem:s15], [sflag:$0x1] =	stream.indirect.gather.add.f32 [hbm:s4], $0x80, s1, s14, $0xb8;
	[tilespmem:$0x16800] =	vst v63  }
0x4c: {  	s31 =	sadd.s32 $0x1480, s29  }
0x4d: {  	[tilespmem:s16], [sflag:$0x1] =	stream.indirect.gather.add.f32 [hbm:s4], $0x80, s31, s14, $0xb8;
	[tilespmem:$0x16800] =	vst v63  }
.Ltmp9:
0x4e: {  	_ = 	snop;
	(pc) =	sbr.rel .LBB2_19-.Ltmp9, $4  }
0x4f: {  	s31 =	sld [smem:$0x7FD]  }
0x50: {  	s30 =	sadd.s32 $0x1500, s29  }
0x51: {  	[tilespmem:s18], [sflag:$0x1] =	stream.indirect.gather.add.f32 [hbm:s4], $0x80, s30, s14, $0xb8;
	[tilespmem:$0x16800] =	vst v63  }
0x52: {  	p3 =	por $0x0, $0x0;
	p5 =	por $0x0, $0x0;
	p0 =	seq.s32 s31, $0x1  }
.LBB2_44:
.Ltmp10:
0x53: {  	(pc) =	sbr.rel .LBB2_24-.Ltmp10, $4  }
0x54: {  	_ =	swait.ge [sflag:s17], $0x4000;
	s1 =	sadd.s32 $0x1400, s29  }
0x55: {  	s28 =	simm.s32 $0x271800;
	p1 =	por $0x0, $0x0;
	[sflag:s17] =	ssyncset.done $0x0  }
0x56: {  	s29 =	simm.s32 $0x272800;
	p4 =	por $0x0, $0x0;
	[sflag:s17] =	ssyncadd.s32 $0xFFFFC000  }
0x57: {  	[tilespmem:s15], [sflag:$0x1] =	stream.indirect.gather.add.f32 [hbm:s4], $0x80, s1, s14, $0xb8;
	[tilespmem:$0x16800] =	vst v63  }
.LBB2_8:
.Ltmp11:
0x58: {  	(pc) =	sbr.rel @!p4 .LBB2_10-.Ltmp11, $1  }
0x59: {  	_ =	sdelay $0x3  }
.LBB2_9:
.Ltmp12:
0x5a: {  	(pc) =	sbr.rel @p0 .LBB2_11-.Ltmp12, $4  }
.Ltmp13:
0x5b: {  	(pc) =	sbr.rel @!p0 .LBB2_12-.Ltmp13, $4  }
0x5c: {  	_ =	swait.ge [sflag:s17], $0x4000  }
0x5d: {  	[sflag:s17] =	ssyncset.done $0x0  }
0x5e: {  	p4 =	por $0x0, $0x0;
	p5 =	por $0x1, $0x1;
	[sflag:s17] =	ssyncadd.s32 $0xFFFFC000  }
0x5f: {  	_ = 	snop  }
.LBB2_10:
.Ltmp14:
0x60: {  	(pc) =	sbr.rel @!p0 .LBB2_15-.Ltmp14, $2  }
0x61: {  	_ =	sdelay $0x2  }
0x62: {  	p5 =	por $0x0, $0x0  }
.LBB2_11:
0x63: {  	_ =	swait.ge [sflag:s17], $0x4000  }
0x64: {  	[sflag:s17] =	ssyncset.done $0x0  }
0x65: {  	p4 =	por $0x1, $0x1;
	[sflag:s17] =	ssyncadd.s32 $0xFFFFC000  }
.LBB2_12:
0x66: {  	p0 =	slt.u32 s24, $0x4E0  }
.Ltmp15:
0x67: {  	_ = 	snop;
	(pc) =	sbr.rel @!p0 .LBB2_16-.Ltmp15, $4  }
0x68: {  	s1 =	sadd.s32 $0x1400, s29  }
0x69: {  	[tilespmem:s15], [sflag:$0x1] =	stream.indirect.gather.add.f32 [hbm:s4], $0x80, s1, s14, $0xb8;
	[tilespmem:$0x16800] =	vst v63  }
0x6a: {  	s31 =	sadd.s32 $0x1480, s29  }
0x6b: {  	[tilespmem:s16], [sflag:$0x1] =	stream.indirect.gather.add.f32 [hbm:s4], $0x80, s31, s14, $0xb8;
	[tilespmem:$0x16800] =	vst v63  }
.Ltmp16:
0x6c: {  	(pc) =	sbr.rel @p5 .LBB2_17-.Ltmp16, $4  }
0x6d: {  	s31 =	sld [smem:$0x7FD]  }
0x6e: {  	s1 =	sadd.s32 $0x1500, s29  }
0x6f: {  	[tilespmem:s18], [sflag:$0x1] =	stream.indirect.gather.add.f32 [hbm:s4], $0x80, s1, s14, $0xb8;
	[tilespmem:$0x16800] =	vst v63  }
0x70: {  	p0 =	seq.s32 s31, $0x1  }
.LBB2_14:
.Ltmp17:
0x71: {  	(pc) =	sbr.rel @!p4 .LBB2_19-.Ltmp17, $4  }
.Ltmp18:
0x72: {  	(pc) =	sbr.rel @p4 .LBB2_18-.Ltmp18, $4  }
0x73: {  	_ = 	snop  }
0x74: {  	_ = 	snop  }
0x75: {  	p5 =	por $0x0, $0x0;
	p3 =	por $0x0, $0x0  }
0x76: {  	_ = 	snop  }
.LBB2_16:
.Ltmp19:
0x77: {  	(pc) =	sbr.rel @!p5 .LBB2_14-.Ltmp19, $2  }
0x78: {  	s1 =	sld [smem:$0x7FD];
	_ =	sdelay $0x2  }
0x79: {  	p0 =	seq.s32 s1, $0x1  }
.LBB2_17:
.Ltmp20:
0x7a: {  	(pc) =	sbr.rel @!p4 .LBB2_19-.Ltmp20, $3  }
0x7b: {  	_ =	sdelay $0x1  }
0x7c: {  	s1 =	sadd.s32 $0x1580, s29;
	p3 =	por $0x0, $0x0;
	p5 =	por $0x1, $0x1  }
0x7d: {  	[tilespmem:s19], [sflag:$0x1] =	stream.indirect.gather.add.f32 [hbm:s4], $0x80, s1, s14, $0xb8;
	[tilespmem:$0x16800] =	vst v63  }
.LBB2_18:
.Ltmp21:
0x7e: {  	(pc) =	sbr.rel .LBB2_19-.Ltmp21, $3  }
0x7f: {  	_ =	sdelay $0x1  }
0x80: {  	s1 =	sadd.s32 $0x1600, s29;
	p3 =	por $0x1, $0x1  }
0x81: {  	[tilespmem:s20], [sflag:$0x1] =	stream.indirect.gather.add.f32 [hbm:s4], $0x80, s1, s14, $0xb8;
	[tilespmem:$0x16800] =	vst v63  }
.LBB2_15:
0x82: {  	s1 =	sadd.s32 $0x1400, s29;
	s31 =	sld [smem:$0x7FD]  }
0x83: {  	[tilespmem:s15], [sflag:$0x1] =	stream.indirect.gather.add.f32 [hbm:s4], $0x80, s1, s14, $0xb8;
	[tilespmem:$0x16800] =	vst v63  }
0x84: {  	s30 =	sadd.s32 $0x1480, s29  }
0x85: {  	[tilespmem:s16], [sflag:$0x1] =	stream.indirect.gather.add.f32 [hbm:s4], $0x80, s30, s14, $0xb8;
	[tilespmem:$0x16800] =	vst v63  }
0x86: {  	p3 =	por $0x0, $0x0;
	p5 =	por $0x0, $0x0;
	p0 =	seq.s32 s31, $0x1  }
.LBB2_19:
0x87: {  	_ =	swait.ge [sflag:s17], $0x4000  }
.Ltmp22:
0x88: {  	[sflag:s17] =	ssyncset.done $0x0;
	(pc) =	sbr.rel @p2 .LBB2_22-.Ltmp22, $4  }
0x89: {  	[sflag:s17] =	ssyncadd.s32 $0xFFFFC000  }
0x8a: {  	_ =	swait.ge [sflag:s17], $0x4000  }
0x8b: {  	[sflag:s17] =	ssyncset.done $0x0  }
0x8c: {  	[sflag:s17] =	ssyncadd.s32 $0xFFFFC000  }
.Ltmp23:
0x8d: {  	(pc) =	sbr.rel @p5 .LBB2_23-.Ltmp23, $4  }
0x8e: {  	_ = 	snop  }
0x8f: {  	_ =	swait.ge [sflag:s17], $0x4000  }
0x90: {  	[sflag:s17] =	ssyncset.done $0x0  }
0x91: {  	[sflag:s17] =	ssyncadd.s32 $0xFFFFC000  }
.LBB2_21:
.Ltmp24:
0x92: {  	(pc) =	sbr.rel @!p3 .LBB2_25-.Ltmp24, $2  }
0x93: {  	_ =	sdelay $0x2  }
0x94: {  	p4 =	por $0x0, $0x0;
	s29 =	smov.u32 s23;
	p2 =	por $0x0, $0x0  }
.LBB2_24:
0x95: {  	_ =	swait.ge [sflag:s17], $0x4000  }
0x96: {  	[sflag:s17] =	ssyncset.done $0x0  }
0x97: {  	p2 =	sne.s32 s26, $0x0;
	[sflag:s17] =	ssyncadd.s32 $0xFFFFC000  }
.LBB2_25:
.Ltmp25:
0x98: {  	(pc) =	sbr.rel @p0 .LBB2_29-.Ltmp25, $4  }
0x99: {  	_ = 	snop  }
0x9a: {  	s26 =	sadd.s32 s23, s5  }
0x9b: {  	s1 =	sadd.s32 $0xFFFFE000, s26  }
0x9c: {  	[hbm4b:s1+s3] =	stream.linear.scatter [tilespmem:s15], [sflag:$0x2], $0x4000, $0x38;
	[tilespmem:$0x16800] =	vst v63  }
.Ltmp26:
0x9d: {  	(pc) =	sbr.rel @!p1 .LBB2_27-.Ltmp26, $3  }
0x9e: {  	_ =	sdelay $0x1  }
0x9f: {  	s1 =	sadd.s32 $0xFFFFE800, s26  }
0xa0: {  	[hbm4b:s1+s3] =	stream.linear.scatter [tilespmem:s16], [sflag:$0x2], $0x4000, $0x38;
	[tilespmem:$0x16800] =	vst v63  }
.LBB2_30:
.Ltmp27:
0xa1: {  	(pc) =	sbr.rel @p4 .LBB2_31-.Ltmp27, $3  }
0xa2: {  	_ =	sdelay $0x1  }
0xa3: {  	s1 =	sadd.s32 s5, s28;
	p3 =	por $0x1, $0x1  }
0xa4: {  	[hbm4b:s1+s3] =	stream.linear.scatter [tilespmem:s18], [sflag:$0x2], $0x4000, $0x38;
	[tilespmem:$0x16800] =	vst v63  }
.LBB2_28:
.Ltmp28:
0xa5: {  	(pc) =	sbr.rel @!p2 .LBB2_33-.Ltmp28, $2  }
0xa6: {  	_ =	sdelay $0x2  }
0xa7: {  	p4 =	por $0x0, $0x0;
	p1 =	por $0x0, $0x0  }
.LBB2_32:
0xa8: {  	s1 =	sadd.s32 s5, s29;
	p1 =	por $0x1, $0x1  }
0xa9: {  	[hbm4b:s1+s3] =	stream.linear.scatter [tilespmem:s20], [sflag:$0x2], $0x4000, $0x38;
	[tilespmem:$0x16800] =	vst v63  }
.LBB2_33:
.Ltmp29:
0xaa: {  	(pc) =	sbr.rel @p0 .LBB2_37-.Ltmp29, $4  }
0xab: {  	_ = 	snop  }
0xac: {  	_ =	swait.ge [sflag:s21], $0x4000  }
0xad: {  	[sflag:s21] =	ssyncset.done $0x0  }
0xae: {  	[sflag:s21] =	ssyncadd.s32 $0xFFFFC000  }
.Ltmp30:
0xaf: {  	(pc) =	sbr.rel @!p3 .LBB2_35-.Ltmp30, $4  }
0xb0: {  	_ = 	snop  }
0xb1: {  	_ =	swait.ge [sflag:s21], $0x4000  }
0xb2: {  	[sflag:s21] =	ssyncset.done $0x0  }
0xb3: {  	[sflag:s21] =	ssyncadd.s32 $0xFFFFC000  }
.LBB2_38:
.Ltmp31:
0xb4: {  	(pc) =	sbr.rel @p4 .LBB2_39-.Ltmp31, $4  }
0xb5: {  	_ = 	snop  }
0xb6: {  	_ =	swait.ge [sflag:s21], $0x4000  }
0xb7: {  	[sflag:s21] =	ssyncset.done $0x0  }
0xb8: {  	[sflag:s21] =	ssyncadd.s32 $0xFFFFC000  }
.LBB2_36:
.Ltmp32:
0xb9: {  	(pc) =	sbr.rel @!p1 .LBB2_41-.Ltmp32, $4  }
.Ltmp33:
0xba: {  	(pc) =	sbr.rel @p1 .LBB2_40-.Ltmp33, $4  }
0xbb: {  	_ = 	snop  }
0xbc: {  	_ = 	snop  }
0xbd: {  	_ = 	snop  }
0xbe: {  	_ = 	snop  }
.LBB2_29:
.Ltmp34:
0xbf: {  	(pc) =	sbr.rel @p1 .LBB2_30-.Ltmp34, $1  }
0xc0: {  	_ =	sdelay $0x3  }
.LBB2_27:
.Ltmp35:
0xc1: {  	(pc) =	sbr.rel @!p4 .LBB2_28-.Ltmp35, $2  }
0xc2: {  	_ =	sdelay $0x2  }
0xc3: {  	p3 =	por $0x0, $0x0  }
.LBB2_31:
.Ltmp36:
0xc4: {  	(pc) =	sbr.rel @!p2 .LBB2_33-.Ltmp36, $4  }
.Ltmp37:
0xc5: {  	(pc) =	sbr.rel @p2 .LBB2_32-.Ltmp37, $4  }
0xc6: {  	_ = 	snop  }
0xc7: {  	s1 =	sadd.s32 $0xFFFFF800, s26;
	p1 =	por $0x0, $0x0;
	p4 =	por $0x1, $0x1  }
0xc8: {  	[hbm4b:s1+s3] =	stream.linear.scatter [tilespmem:s19], [sflag:$0x2], $0x4000, $0x38;
	[tilespmem:$0x16800] =	vst v63  }
0xc9: {  	_ = 	snop  }
.LBB2_37:
.Ltmp38:
0xca: {  	(pc) =	sbr.rel @p3 .LBB2_38-.Ltmp38, $1  }
0xcb: {  	_ =	sdelay $0x3  }
.LBB2_35:
.Ltmp39:
0xcc: {  	(pc) =	sbr.rel @!p4 .LBB2_36-.Ltmp39, $1  }
0xcd: {  	_ =	sdelay $0x3  }
.LBB2_39:
.Ltmp40:
0xce: {  	(pc) =	sbr.rel @!p1 .LBB2_41-.Ltmp40, $4  }
.Ltmp41:
0xcf: {  	(pc) =	sbr.rel @p1 .LBB2_40-.Ltmp41, $4  }
0xd0: {  	_ =	swait.ge [sflag:s21], $0x4000  }
0xd1: {  	[sflag:s21] =	ssyncset.done $0x0  }
0xd2: {  	[sflag:s21] =	ssyncadd.s32 $0xFFFFC000  }
0xd3: {  	_ = 	snop  }
.LBB2_22:
.Ltmp42:
0xd4: {  	(pc) =	sbr.rel @!p5 .LBB2_21-.Ltmp42, $1  }
0xd5: {  	_ =	sdelay $0x3  }
.LBB2_23:
.Ltmp43:
0xd6: {  	(pc) =	sbr.rel @!p3 .LBB2_25-.Ltmp43, $4  }
.Ltmp44:
0xd7: {  	(pc) =	sbr.rel @p3 .LBB2_24-.Ltmp44, $4  }
0xd8: {  	_ =	swait.ge [sflag:s17], $0x4000  }
0xd9: {  	p2 =	por $0x0, $0x0;
	[sflag:s17] =	ssyncset.done $0x0  }
0xda: {  	p4 =	por $0x1, $0x1;
	s29 =	smov.u32 s23;
	[sflag:s17] =	ssyncadd.s32 $0xFFFFC000  }
0xdb: {  	_ = 	snop  }
.LBB2_43:
0xdc: {  	_ =	sfence.sel $0x180000  }
0xdd: {  	[bflag:$0x0] =	sbarrier.arrive $0xFFFF  }
0xde: {  	_ =	strace $0x9000004A  }
0xdf: {  	[bflag:$0x2] =	sbarrier.arrive $0xFFFF  }
0xe0: {  	p0 =	sne.s32 s0, $0x0;
	s0 =	rddreg [dreg:$0x2]  }
0xe1: {  	s0 =	sadd.s32 @!p0 $0x100000, s0  }
0xe2: {  	[sflag:s0] =	ssyncadd.tile.s32 @!p0 $0x1;
	_ =	shalt  }
.Lfunc_end2:
_tile_overlayer_lowered:
.L_overlay_start_2:
0xe3: {  	(tag) =	ssettag $0x2  }
0xe4: {  	s0 =	rddreg [dreg:$0x0];
	s2 =	stileid.u32  }
0xe5: {  	s1 =	rddreg [dreg:$0x1];
	p0 =	sne.s32 s2, $0x0  }
0xe6: {  	s3 =	rddreg [dreg:$0x2];
	[bflag:$0x3] =	sbarrier.arrive $0xFFFF;
	s2 =	simm.s32 @!p0 $0x1C03  }
0xe7: {  	[timem:s3], [sflag:s2] =	dma.local @!p0 [hbm:s0], s1  }
0xe8: {  	s0 =	simm.s32 @!p0 $0x3  }
0xe9: {  	_ =	swait.ge @!p0 [sflag:s0], s1  }
0xea: {  	s1 =	ssub.s32 @!p0 $0x0, s1;
	[sflag:s0] =	ssyncset.done @!p0 $0x0  }
0xeb: {  	[sflag:s0] =	ssyncadd.s32 @!p0 s1  }
0xec: {  	[bflag:$0x3] =	sbarrier.arrive $0xFFFF  }
0xed: {  	_ =	shalt  }

// kernel: kernel.13.cloned.1.call-start
scs
__scs_entry_jumppad:
0x0: {  	(pc) =	sbr.rel $0x88, $3  }
0x1: {  	(tag) =	ssettag $0x0;
	lr =	simm.s32 $0x1  }
0x2: {  	[smem:$0x3F96] =	sst lr;
	_ =	strace $0xD0000000  }
0x3: {  	_ = 	snop  }
0x4: {  	_ = 	snop  }
0x5: {  	_ = 	snop  }
0x6: {  	_ = 	snop  }
0x7: {  	_ = 	snop  }
__scs_overlays_trampoline_lowered:
0x8: {  	[smem:$0x3FA5] =	sst s0  }
0x9: {  	[smem:$0x3FA6] =	sst s1  }
0xa: {  	[smem:$0x3FA7] =	sst s2  }
0xb: {  	[smem:$0x3FA8] =	sst s3  }
0xc: {  	[smem:$0x3FA9] =	sst s4  }
0xd: {  	[smem:$0x3FAA] =	sst s5  }
0xe: {  	[smem:$0x3FAB] =	sst s6  }
0xf: {  	[smem:$0x3FAC] =	sst s7  }
0x10: {  	[smem:$0x3FAD] =	sst s8  }
0x11: {  	[smem:$0x3FAE] =	sst s9;
	s0 =	simm.s32 @!p0 $0x0  }
0x12: {  	s1 =	sld [smem:$0x3F94];
	s0 =	simm.s32 @p0 $0x1  }
0x13: {  	[smem:$0x3FAF] =	sst s0;
	s0 =	simm.s32 @!p1 $0x0  }
0x14: {  	s2 =	sld [smem:$0x3F93];
	s0 =	simm.s32 @p1 $0x1  }
0x15: {  	[smem:$0x3FB0] =	sst s0;
	s0 =	simm.s32 @!p2 $0x0  }
0x16: {  	s3 =	sld [smem:$0x3FDB];
	s0 =	simm.s32 @p2 $0x1  }
0x17: {  	s4 =	simm.s32 $0x1BF5;
	[smem:$0x3FB2] =	sst s0  }
0x18: {  	s0 =	sld [smem:$0x3F95];
	_ =	swait.ge [sflag:s4], $0x0  }
0x19: {  	s7 =	sld [smem:$0x3F96]  }
0x1a: {  	s8 =	sadd.s32 $0xFFFFE003, lr  }
0x1b: {  	s9 =	sadd.s32 $0xFFFFFEF7, lr;
	s5 =	simm.s32 $0xFFFFFFFF;
	p2 =	slt.u32 s8, $0xFFFFF086  }
0x1c: {  	p1 =	slt.u32 s9, $0xF7A;
	s5 =	simm.s32 @!p2 $0x0  }
0x1d: {  	s5 =	simm.s32 @p1 $0x1;
	p0 =	seq.s32 s7, s2  }
0x1e: {  	s7 =	smul.u32 @!p0 $0xF7A, s2;
	p2 =	seq.s32 @!p0 s5, $0x0  }
0x1f: {  	s9 =	smul.u32 $0xF7A, s1;
	s8 =	simm.s32 @!p0 $0x1BF5;
	p2 =	por !p2, p0  }
0x20: {  	[sflag:s8] =	ssyncset.s32 @!p0 $0xFFFFF086;
	s6 =	sadd.s32 @!p0 s3, s7;
	s7 =	simm.s32 @!p0 $0x108  }
0x21: {  	s3 =	sadd.s32 s3, s9;
	s6 =	sadd.s32 @!p0 $0x88, s6;
	s7 =	simm.s32 @p2 $0x1082  }
0x22: {  	[simem:s7], [sflag:s8] =	dma.local @!p0 [hbm:s6], $0xF7A  }
0x23: {  	s9 =	sor.u32 $0xD0000000, s2;
	s6 =	simm.s32 $0x108;
	_ =	swait.ge @!p0 [sflag:s8], $0x0  }
0x24: {  	s3 =	sadd.s32 $0x88, s3;
	s6 =	simm.s32 @!p1 $0x1082;
	[sflag:s4] =	ssyncset.s32 $0xFFFFF086  }
0x25: {  	[simem:s6], [sflag:s4] =	dma.local [hbm:s3], $0xF7A  }
0x26: {  	[smem:$0x3F96] =	sst s1;
	(tag) =	ssettag s2;
	_ =	strace s9  }
0x27: {  	s1 =	sld [smem:$0x3FA6]  }
0x28: {  	s2 =	sld [smem:$0x3FA7]  }
0x29: {  	s4 =	sld [smem:$0x3FA9]  }
0x2a: {  	p0 =	seq.s32 s5, $0x0;
	s5 =	sld [smem:$0x3FAA]  }
0x2b: {  	s6 =	sld [smem:$0x3FAB]  }
0x2c: {  	s7 =	sld [smem:$0x3FAC]  }
0x2d: {  	s3 =	simm.s32 $0x108;
	s8 =	sld [smem:$0x3FAD]  }
0x2e: {  	s3 =	simm.s32 @!p0 $0x1082;
	s9 =	sld [smem:$0x3FAE]  }
0x2f: {  	lr =	sadd.s32 s0, s3;
	s0 =	sld [smem:$0x3FA5]  }
0x30: {  	s3 =	sld [smem:$0x3FA8]  }
0x31: {  	[smem:$0x3FB1] =	sst s10  }
0x32: {  	s10 =	sld [smem:$0x3FAF];
	_ =	sdelay $0x3  }
0x33: {  	p0 =	seq.s32 s10, $0x1;
	s10 =	sld [smem:$0x3FB1];
	_ =	sdelay $0x3  }
0x34: {  	[smem:$0x3FB1] =	sst s10  }
0x35: {  	s10 =	sld [smem:$0x3FB0];
	_ =	sdelay $0x3  }
0x36: {  	p1 =	seq.s32 s10, $0x1;
	s10 =	sld [smem:$0x3FB1];
	_ =	sdelay $0x3  }
0x37: {  	[smem:$0x3FB1] =	sst s10  }
0x38: {  	s10 =	sld [smem:$0x3FB2]  }
0x39: {  	_ = 	snop;
	(pc) =	sbr.ind lr, $3  }
0x3a: {  	_ = 	snop  }
0x3b: {  	_ = 	snop  }
0x3c: {  	p2 =	seq.s32 s10, $0x1;
	s10 =	sld [smem:$0x3FB1]  }
0x3d: {  	_ =	shalt  }
0x3e: {  	_ =	shalt  }
0x3f: {  	_ =	shalt  }
0x40: {  	_ =	shalt  }
0x41: {  	_ =	shalt  }
0x42: {  	_ =	shalt  }
0x43: {  	_ =	shalt  }
0x44: {  	_ =	shalt  }
0x45: {  	_ =	shalt  }
0x46: {  	_ =	shalt  }
0x47: {  	_ =	shalt  }
0x48: {  	_ =	shalt  }
0x49: {  	_ =	shalt  }
0x4a: {  	_ =	shalt  }
0x4b: {  	_ =	shalt  }
0x4c: {  	_ =	shalt  }
0x4d: {  	_ =	shalt  }
0x4e: {  	_ =	shalt  }
0x4f: {  	_ =	shalt  }
0x50: {  	_ =	shalt  }
0x51: {  	_ =	shalt  }
0x52: {  	_ =	shalt  }
0x53: {  	_ =	shalt  }
0x54: {  	_ =	shalt  }
0x55: {  	_ =	shalt  }
0x56: {  	_ =	shalt  }
0x57: {  	_ =	shalt  }
0x58: {  	_ =	shalt  }
0x59: {  	_ =	shalt  }
0x5a: {  	_ =	shalt  }
0x5b: {  	_ =	shalt  }
0x5c: {  	_ =	shalt  }
0x5d: {  	_ =	shalt  }
0x5e: {  	_ =	shalt  }
0x5f: {  	_ =	shalt  }
0x60: {  	_ =	shalt  }
0x61: {  	_ =	shalt  }
0x62: {  	_ =	shalt  }
0x63: {  	_ =	shalt  }
0x64: {  	_ =	shalt  }
0x65: {  	_ =	shalt  }
0x66: {  	_ =	shalt  }
0x67: {  	_ =	shalt  }
0x68: {  	_ =	shalt  }
0x69: {  	_ =	shalt  }
0x6a: {  	_ =	shalt  }
0x6b: {  	_ =	shalt  }
0x6c: {  	_ =	shalt  }
0x6d: {  	_ =	shalt  }
0x6e: {  	_ =	shalt  }
0x6f: {  	_ =	shalt  }
0x70: {  	_ =	shalt  }
0x71: {  	_ =	shalt  }
0x72: {  	_ =	shalt  }
0x73: {  	_ =	shalt  }
0x74: {  	_ =	shalt  }
0x75: {  	_ =	shalt  }
0x76: {  	_ =	shalt  }
0x77: {  	_ =	shalt  }
0x78: {  	_ =	shalt  }
0x79: {  	_ =	shalt  }
0x7a: {  	_ =	shalt  }
0x7b: {  	_ =	shalt  }
0x7c: {  	_ =	shalt  }
0x7d: {  	_ =	shalt  }
0x7e: {  	_ =	shalt  }
0x7f: {  	_ =	shalt  }
0x80: {  	_ =	shalt  }
0x81: {  	_ =	shalt  }
0x82: {  	_ =	shalt  }
0x83: {  	_ =	shalt  }
0x84: {  	_ =	shalt  }
0x85: {  	_ =	shalt  }
0x86: {  	_ =	shalt  }
0x87: {  	_ =	shalt  }
.Lfunc_end0:
.L_simem_size_0:
called_computation.1_lowered:
.L_overlay_start_0:
0x88: {  	s2 =	sld [smem:$0x3FD9]  }
0x89: {  	s3 =	sld [smem:$0x3FFE];
	_ =	sdelay $0x1  }
0x8a: {  	s1 =	srdreg.scid  }
0x8b: {  	s0 =	sand.u32 $0x1, s1  }
0x8c: {  	s17 =	sshll.u32 s0, $0xA;
	s2 =	sadd.s32 s3, s2  }
0x8d: {  	s2 =	sadd.s32 s2, s17  }
0x8e: {  	[smem:$0x3FBD] =	sst s2  }
0x8f: {  	_ = 	snop  }
0x90: {  	(tm) =	ssettm $0x1  }
0x91: {  	s18 =	sld [smem:$0x3FFB];
	_ =	sdelay $0x3  }
0x92: {  	_ =	strace s18  }
0x93: {  	s2 =	sld [smem:$0x3FFC];
	_ =	sdelay $0x3  }
0x94: {  	_ =	strace s2  }
0x95: {  	s2 =	sld [smem:$0x3FFD];
	_ =	sdelay $0x3  }
0x96: {  	_ =	strace s2  }
0x97: {  	_ =	strace $0x8FFFFFFF  }
0x98: {  	s19 =	sld [smem:$0x3FDB];
	_ =	sdelay $0x1  }
0x99: {  	s20 =	simm.s32 $_scs_section_size  }
0x9a: {  	s4 =	simm.s32 $_size__tile_overlayer_lowered;
	s5 =	simm.s32 $_tile_overlayer_lowered  }
0x9b: {  	s6 =	simm.s32 $0x1BFF;
	s21 =	sshll.u32 s5, $0x1;
	s3 =	sadd.s32 s20, s19  }
0x9c: {  	s22 =	simm.s32 $0x0;
	s4 =	sshll.u32 s4, $0x1;
	s5 =	sadd.s32 s21, s3  }
0x9d: {  	[timem:s22], [sflag:s6] =	dma.local [hbm:s5], s4  }
0x9e: {  	_ =	swait.ge [sflag:s6], s4  }
0x9f: {  	s4 =	ssub.s32 $0x0, s4;
	[sflag:s6] =	ssyncset.done $0x0  }
0xa0: {  	[sflag:s6] =	ssyncadd.s32 s4;
	_ =	sdelay $0x1  }
0xa1: {  	s23 =	simm.s32 $0x1B8B  }
0xa2: {  	_ =	swait.ge [sflag:s23], $0x1  }
0xa3: {  	[sflag:s23] =	ssyncset.done $0x0  }
0xa4: {  	[sflag:s23] =	ssyncadd.s32 $0xFFFFFFFF  }
0xa5: {  	s4 =	sld [smem:$0x0]  }
0xa6: {  	s5 =	sand.u32 $0xFFFFFFFE, s1  }
0xa7: {  	p0 =	sne.s32 s1, s5  }
0xa8: {  	s5 =	sshll.u32 @p0 s5, $0xE  }
0xa9: {  	s5 =	sadd.s32 @p0 $0x11B8D, s5;
	s6 =	sshll.u32 @p0 s4, $0x11  }
0xaa: {  	s5 =	sor.u32 @p0 s6, s5  }
0xab: {  	[sflag:s5] =	ssyncadd.remote.s32 @p0 $0x1;
	_ =	sdelay $0x1  }
0xac: {  	s5 =	simm.s32 @p0 $0x1B8D  }
0xad: {  	_ =	swait.eq @p0 [sflag:s5], $0x1  }
0xae: {  	[sflag:s5] =	ssyncadd.s32 @p0 $0xFFFFFFFF  }
0xaf: {  	s6 =	sshll.u32 @!p0 s1, $0xE  }
0xb0: {  	s6 =	sor.u32 @!p0 $0x4000, s6;
	s5 =	simm.s32 @!p0 $0x1B8D  }
0xb1: {  	s4 =	sshll.u32 @!p0 s4, $0x11;
	s6 =	sadd.s32 @!p0 $0x11B8D, s6;
	_ =	swait.eq @!p0 [sflag:s5], $0x1  }
0xb2: {  	s4 =	sor.u32 @!p0 s4, s6;
	[sflag:s5] =	ssyncadd.s32 @!p0 $0xFFFFFFFF  }
0xb3: {  	s25 =	simm.s32 $0x1B8E;
	s24 =	sld [smem:$0x3FFE];
	[sflag:s4] =	ssyncadd.remote.s32 @!p0 $0x1  }
0xb4: {  	s26 =	simm.s32 $execute0_lowered;
	[smem:$0x3FD2] =	sst s25  }
0xb5: {  	s5 =	sshll.u32 s26, $0x1;
	_ =	strace $0x8000004F;
	[dreg:$0x1] =	wrdreg $0xFFFFFFFF  }
0xb6: {  	s28 =	simm.s32 $_size_execute0_lowered;
	s3 =	sadd.s32 s3, s5;
	[dreg:$0x0] =	wrdreg $0x0  }
0xb7: {  	s5 =	sshll.u32 s28, $0x1;
	[dreg:$0x2] =	wrdreg s3  }
0xb8: {  	[dreg:$0x3] =	wrdreg s5  }
0xb9: {  	[dreg:$0x4] =	wrdreg $0xC0  }
0xba: {  	_ =	task [dreg:s22], $0x5FFFF  }
0xbb: {  	[dreg:$0x1] =	wrdreg $0xFFFFFFFF  }
0xbc: {  	[dreg:$0x0] =	wrdreg $0x60  }
0xbd: {  	[dreg:$0x2] =	wrdreg s24  }
0xbe: {  	[dreg:$0x3] =	wrdreg $0x94000  }
0xbf: {  	[dreg:$0x4] =	wrdreg $0x9  }
0xc0: {  	_ =	task.clear_ibuf [dreg:s22], $0x5FFFF;
	_ =	strace $0x9000004F  }
0xc1: {  	s29 =	simm.s32 $0x9;
	_ =	strace $0x80000051  }
0xc2: {  	_ =	swait.ge [sflag:s29], $0x1  }
0xc3: {  	[sflag:s29] =	ssyncadd.s32 $0xFFFFFFFF  }
0xc4: {  	_ =	strace $0x90000051  }
0xc5: {  	_ =	sfence  }
0xc6: {  	s30 =	sld [smem:$0x0];
	_ =	sdelay $0x2  }
0xc7: {  	s31 =	sshll.u32 s1, $0xD;
	s1 =	sshrl.u32 s1, $0x2  }
0xc8: {  	s4 =	sand.u32 $0x4000, s31;
	s1 =	sadd.s32 s1, s30  }
0xc9: {  	s0 =	sor.u32 s4, s0;
	s1 =	sshll.u32 s1, $0x11  }
0xca: {  	s0 =	sor.u32 s1, s0  }
0xcb: {  	s0 =	sadd.s32 $0x8F2B, s0  }
0xcc: {  	[sflag:s0] =	ssyncadd.remote.s32 $0x1  }
0xcd: {  	_ =	sfence.sel $0xFFFF  }
0xce: {  	[dreg:$0x0] =	wrdreg $0xFFFFFFFF;
	(pc) =	sbr.abs _section_cstart, $3  }
0xcf: {  	[dreg:$0x1] =	wrdreg $0xFFFFFFFF  }
0xd0: {  	_ =	task.clear_ibuf [dreg:s22], $0x2FFFF;
	_ =	strace $0x9FFFFFFF  }
0xd1: {  	(tm) =	ssettm $0x7FFFFFFF  }
tec
execute0_lowered:
.L_overlay_start_1:
0x0: {  	(tag) =	ssettag $0x1  }
0x1: {  	s0 =	stileid.u32  }
0x2: {  	s1 =	srdreg.scid;
	s6 =	smul.u32 $0x14000, s0  }
0x3: {  	s4 =	rddreg [dreg:$0x0];
	s25 =	smul.u32 $0x50000, s0  }
0x4: {  	s2 =	rddreg [dreg:$0x1];
	s14 =	smul.u32 $0x28000, s0  }
0x5: {  	s3 =	simm.s32 $0x0;
	s9 =	sand.u32 $0x1, s1;
	s15 =	smul.u32 $0x50, s0  }
0x6: {  	s23 =	sshll.u32 s0, $0x1;
	s1 =	rddreg [dreg:$0x2];
	s7 =	smul.u32 $0x140000, s9  }
0x7: {  	[smem:$0x7FF] =	sst s3;
	s8 =	sadd.s32 $0xA16800, s4;
	s31 =	smul.u32 $0x14000, s9  }
0x8: {  	s30 =	sshll.u32 s0, $0x6;
	s16 =	sor.u32 s9, s23;
	s17 =	smul.u32 $0x28, s9  }
0x9: {  	_ =	strace $0x80000050;
	s11 =	ssub.s32 $0x2, s9;
	s5 =	smul.u32 $0x280, s16  }
0xa: {  	s24 =	sshrl.u32 s6, $0x3;
	s26 =	sshrl.u32 s11, $0x1;
	s28 =	sshrl.u32 s25, $0x2  }
0xb: {  	s29 =	smul.u32 $0x14000, s16;
	s14 =	sadd.s32 s14, s8;
	p0 =	seq.s32 s16, $0x1F  }
0xc: {  	s16 =	simm.s32 $0x0;
	s6 =	sadd.s32 s6, s7;
	s11 =	ssub.s32 s11, s26  }
0xd: {  	s13 =	sadd.s32 s28, s2;
	s14 =	sadd.s32 s31, s14;
	s10 =	sadd.s32 s5, s4  }
0xe: {  	s5 =	sadd.s32 s24, s4;
	s6 =	sshrl.u32 s6, $0x3;
	s7 =	sadd.s32 s8, s29  }
0xf: {  	s13 =	sshrl.u32 s13, $0x3;
	s12 =	sadd.s32 s6, s4;
	s4 =	sadd.s32 $0x34E00, s5  }
0x10: {  	s5 =	sor.u32 $0x1C02, s30;
	s6 =	sadd.s32 $0x2AAE00, s10;
	s8 =	sadd.s32 $0x13800, s7  }
0x11: {  	s10 =	smax.u32 s11, $0x1;
	s11 =	sadd.s32 $0x1000, s14;
	s14 =	simm.s32 $0x2  }
0x12: {  	s9 =	sadd.s32 $0xACE00, s12;
	s12 =	sadd.s32 s17, s15;
	s15 =	simm.s32 $0x1400  }
.LBB2_1:
0x13: {  	[spmem:s13], [sflag:s5] =	dma.local [hbm:s4], $0x2800  }
0x14: {  	_ =	swait.ge [sflag:s14], $0x2800  }
0x15: {  	[sflag:s14] =	ssyncset.done $0x0  }
0x16: {  	[sflag:s14] =	ssyncadd.s32 $0xFFFFD800  }
0x17: {  	[tilespmem:s3], [sflag:$0x2] =	stream.linear.gather [hbm4b:s6+s3], $0x1400, $0x38;
	[tilespmem:$0x1D400] =	vst v63  }
0x18: {  	_ =	swait.ge [sflag:s14], $0x1400  }
0x19: {  	s17 =	sadd.s32 $0x0, s12;
	[sflag:s14] =	ssyncset.done $0x0  }
0x1a: {  	p2 =	sgt.u32 s17, $0x4E1;
	[sflag:s14] =	ssyncadd.s32 $0xFFFFEC00  }
0x1b: {  	s19 =	sadd.s32 $0x1, s17;
	s18 =	simm.s32 @!p2 $0x1;
	[bflag:$0x0] =	sbarrier.arrive $0xFFFF  }
0x1c: {  	[tilespmem:s15], [sflag:$0x1] =	stream.linear.gather [hbm4b:s7+s3], $0x4000, $0x38;
	[tilespmem:$0x1D400] =	vst v63  }
0x1d: {  	p1 =	sgt.u32 s19, $0x4E1;
	_ =	swait.ge @!p2 [sflag:s18], $0x4000  }
0x1e: {  	s19 =	simm.s32 @!p1 $0x0;
	[sflag:s18] =	ssyncset.done @!p2 $0x0  }
0x1f: {  	s20 =	simm.s32 @!p1 $0x5400;
	[sflag:s18] =	ssyncadd.s32 @!p2 $0xFFFFC000;
	s18 =	sadd.s32 @!p1 $0xFFFFF800, s11  }
0x20: {  	[tilespmem:s20], [sflag:$0x1] =	stream.linear.gather @!p1 [hbm4b:s18+s19], $0x4000, $0x38;
	[tilespmem:$0x1D400] =	vst v63  }
0x21: {  	s21 =	simm.s32 @!p2 $0x3;
	s18 =	simm.s32 @!p2 $0x80;
	s19 =	simm.s32 @!p2 $0x1400  }
0x22: {  	[spmem:s2] =	stream.indirect.scatter.add.f32 @!p2 [tilespmem:s19], [sflag:$0x3], $0x80, s3, s18, $0xb8;
	[tilespmem:$0x1D400] =	vst v63  }
0x23: {  	_ =	swait.ge @!p2 [sflag:s21], $0x4000  }
0x24: {  	[sflag:s21] =	ssyncset.done @!p2 $0x0  }
0x25: {  	s18 =	simm.s32 @!p1 $0x1;
	[sflag:s21] =	ssyncadd.s32 @!p2 $0xFFFFC000  }
0x26: {  	s17 =	sadd.s32 $0x2, s17;
	_ =	swait.ge @!p1 [sflag:s18], $0x4000  }
0x27: {  	p2 =	sgt.u32 s17, $0x4E1;
	[sflag:s18] =	ssyncset.done @!p1 $0x0  }
0x28: {  	s17 =	simm.s32 @!p2 $0x0;
	s19 =	simm.s32 @!p2 $0x1400;
	[sflag:s18] =	ssyncadd.s32 @!p1 $0xFFFFC000  }
0x29: {  	[tilespmem:s19], [sflag:$0x1] =	stream.linear.gather @!p2 [hbm4b:s11+s17], $0x4000, $0x38;
	[tilespmem:$0x1D400] =	vst v63  }
0x2a: {  	s18 =	simm.s32 @!p1 $0x80;
	s17 =	simm.s32 @!p1 $0x80  }
0x2b: {  	[spmem:s2] =	stream.indirect.scatter.add.f32 @!p1 [tilespmem:s20], [sflag:$0x2], $0x80, s17, s18, $0xb8;
	[tilespmem:$0x1D400] =	vst v63  }
0x2c: {  	s21 =	simm.s32 @!p1 $0x2;
	s19 =	simm.s32 $0x4;
	s17 =	sadd.s32 $0x1000, s11  }
0x2d: {  	s20 =	sadd.s32 $0x2, s12;
	s18 =	simm.s32 $0x100;
	_ =	swait.ge @!p1 [sflag:s21], $0x4000  }
.LBB2_2:
0x2e: {  	p3 =	sgt.u32 s20, $0x4E1  }
0x2f: {  	[sflag:s21] =	ssyncset.done @!p1 $0x0;
	s22 =	smov.u32 s19;
	s19 =	sadd.s32 $0x2, s19  }
0x30: {  	p2 =	sne.s32 s19, $0x26;
	s23 =	simm.s32 @!p3 $0x1;
	[sflag:s21] =	ssyncadd.s32 @!p1 $0xFFFFC000  }
0x31: {  	s21 =	sadd.s32 $0x1, s20;
	_ =	swait.ge @!p3 [sflag:s23], $0x4000  }
0x32: {  	p1 =	sgt.u32 s21, $0x4E1;
	[sflag:s23] =	ssyncset.done @!p3 $0x0  }
0x33: {  	s21 =	sadd.s32 @!p1 $0xFFFFF800, s17;
	[sflag:s23] =	ssyncadd.s32 @!p3 $0xFFFFC000;
	s23 =	simm.s32 @!p1 $0x0  }
0x34: {  	s25 =	simm.s32 @!p3 $0x80;
	s26 =	simm.s32 @!p3 $0x1400;
	s24 =	simm.s32 @!p1 $0x5400  }
0x35: {  	[tilespmem:s24], [sflag:$0x1] =	stream.linear.gather @!p1 [hbm4b:s21+s23], $0x4000, $0x38;
	[tilespmem:$0x1D400] =	vst v63  }
0x36: {  	s21 =	simm.s32 @!p3 $0x3  }
0x37: {  	[spmem:s2] =	stream.indirect.scatter.add.f32 @!p3 [tilespmem:s26], [sflag:$0x3], $0x80, s18, s25, $0xb8;
	[tilespmem:$0x1D400] =	vst v63  }
0x38: {  	_ =	swait.ge @!p3 [sflag:s21], $0x4000  }
0x39: {  	s23 =	simm.s32 @!p1 $0x1;
	[sflag:s21] =	ssyncset.done @!p3 $0x0  }
0x3a: {  	s20 =	sadd.s32 $0x2, s20;
	[sflag:s21] =	ssyncadd.s32 @!p3 $0xFFFFC000  }
0x3b: {  	s25 =	simm.s32 @!p1 $0x80;
	p3 =	sgt.u32 s20, $0x4E1;
	_ =	swait.ge @!p1 [sflag:s23], $0x4000  }
0x3c: {  	s20 =	simm.s32 @!p3 $0x0;
	s21 =	simm.s32 @!p3 $0x1400;
	[sflag:s23] =	ssyncset.done @!p1 $0x0  }
.Ltmp0:
0x3d: {  	[sflag:s23] =	ssyncadd.s32 @!p1 $0xFFFFC000;
	s23 =	sadd.s32 @!p1 $0x80, s18;
	(pc) =	sbr.rel @p2 .LBB2_2-.Ltmp0, $4  }
0x3e: {  	[tilespmem:s21], [sflag:$0x1] =	stream.linear.gather @!p3 [hbm4b:s17+s20], $0x4000, $0x38;
	[tilespmem:$0x1D400] =	vst v63  }
0x3f: {  	s21 =	simm.s32 @!p1 $0x2;
	s17 =	sadd.s32 $0x1000, s17  }
0x40: {  	[spmem:s2] =	stream.indirect.scatter.add.f32 @!p1 [tilespmem:s24], [sflag:$0x2], $0x80, s23, s25, $0xb8;
	[tilespmem:$0x1D400] =	vst v63  }
0x41: {  	s18 =	sadd.s32 $0x100, s18;
	s20 =	sadd.s32 s22, s12;
	_ =	swait.ge @!p1 [sflag:s21], $0x4000  }
0x42: {  	p2 =	sgt.u32 s20, $0x4E1;
	[sflag:s21] =	ssyncset.done @!p1 $0x0  }
0x43: {  	s30 =	sadd.s32 $0x1, s20;
	s19 =	simm.s32 @!p2 $0x1;
	[sflag:s21] =	ssyncadd.s32 @!p1 $0xFFFFC000  }
0x44: {  	p1 =	sgt.u32 s30, $0x4E1;
	_ =	swait.ge @!p2 [sflag:s19], $0x4000  }
0x45: {  	s21 =	simm.s32 @!p1 $0x0;
	[sflag:s19] =	ssyncset.done @!p2 $0x0  }
0x46: {  	s22 =	simm.s32 @!p1 $0x5400;
	[sflag:s19] =	ssyncadd.s32 @!p2 $0xFFFFC000;
	s19 =	sadd.s32 @!p1 $0xFFFFF800, s17  }
0x47: {  	[tilespmem:s22], [sflag:$0x1] =	stream.linear.gather @!p1 [hbm4b:s19+s21], $0x4000, $0x38;
	[tilespmem:$0x1D400] =	vst v63  }
0x48: {  	s23 =	simm.s32 @!p2 $0x3;
	s19 =	simm.s32 @!p2 $0x80;
	s21 =	simm.s32 @!p2 $0x1400  }
0x49: {  	[spmem:s2] =	stream.indirect.scatter.add.f32 @!p2 [tilespmem:s21], [sflag:$0x3], $0x80, s18, s19, $0xb8;
	[tilespmem:$0x1D400] =	vst v63  }
0x4a: {  	_ =	swait.ge @!p2 [sflag:s23], $0x4000  }
0x4b: {  	[sflag:s23] =	ssyncset.done @!p2 $0x0  }
0x4c: {  	s19 =	simm.s32 @!p1 $0x1;
	[sflag:s23] =	ssyncadd.s32 @!p2 $0xFFFFC000  }
0x4d: {  	s31 =	sadd.s32 $0x2, s20;
	_ =	swait.ge @!p1 [sflag:s19], $0x4000  }
0x4e: {  	p2 =	sgt.u32 s31, $0x4E1;
	[sflag:s19] =	ssyncset.done @!p1 $0x0  }
0x4f: {  	s20 =	simm.s32 @!p2 $0x0;
	s21 =	simm.s32 @!p2 $0x1400;
	[sflag:s19] =	ssyncadd.s32 @!p1 $0xFFFFC000  }
0x50: {  	[tilespmem:s21], [sflag:$0x1] =	stream.linear.gather @!p2 [hbm4b:s17+s20], $0x4000, $0x38;
	[tilespmem:$0x1D400] =	vst v63  }
0x51: {  	s19 =	simm.s32 @!p1 $0x2;
	s17 =	sadd.s32 @!p1 $0x80, s18;
	s18 =	simm.s32 @!p1 $0x80  }
0x52: {  	[spmem:s2] =	stream.indirect.scatter.add.f32 @!p1 [tilespmem:s22], [sflag:$0x2], $0x80, s17, s18, $0xb8;
	[tilespmem:$0x1D400] =	vst v63  }
0x53: {  	_ =	swait.ge @!p1 [sflag:s19], $0x4000  }
0x54: {  	[sflag:s19] =	ssyncset.done @!p1 $0x0  }
0x55: {  	s17 =	simm.s32 @!p0 $0x1;
	[sflag:s19] =	ssyncadd.s32 @!p1 $0xFFFFC000  }
0x56: {  	_ =	swait.ge @!p0 [sflag:s17], $0x4000  }
0x57: {  	[sflag:s17] =	ssyncset.done @!p0 $0x0  }
0x58: {  	s18 =	simm.s32 @!p0 $0x0;
	s19 =	simm.s32 @!p0 $0x5400;
	[sflag:s17] =	ssyncadd.s32 @!p0 $0xFFFFC000  }
0x59: {  	[tilespmem:s19], [sflag:$0x1] =	stream.linear.gather @!p0 [hbm4b:s8+s18], $0x4000, $0x38;
	[tilespmem:$0x1D400] =	vst v63  }
0x5a: {  	s20 =	simm.s32 @!p0 $0x1300;
	s21 =	simm.s32 @!p0 $0x1400;
	s18 =	simm.s32 @!p0 $0x80  }
0x5b: {  	[spmem:s2] =	stream.indirect.scatter.add.f32 @!p0 [tilespmem:s21], [sflag:$0x2], $0x80, s20, s18, $0xb8;
	[tilespmem:$0x1D400] =	vst v63  }
0x5c: {  	s20 =	simm.s32 @!p0 $0x2  }
0x5d: {  	_ =	swait.ge @!p0 [sflag:s20], $0x4000  }
0x5e: {  	[sflag:s20] =	ssyncset.done @!p0 $0x0  }
0x5f: {  	[sflag:s20] =	ssyncadd.s32 @!p0 $0xFFFFC000  }
0x60: {  	_ =	swait.ge @!p0 [sflag:s17], $0x4000  }
0x61: {  	[sflag:s17] =	ssyncset.done @!p0 $0x0  }
0x62: {  	[sflag:s17] =	ssyncadd.s32 @!p0 $0xFFFFC000;
	s17 =	simm.s32 @!p0 $0x1380  }
0x63: {  	[spmem:s2] =	stream.indirect.scatter.add.f32 @!p0 [tilespmem:s19], [sflag:$0x2], $0x80, s17, s18, $0xb8;
	[tilespmem:$0x1D400] =	vst v63  }
0x64: {  	_ =	swait.ge @!p0 [sflag:s20], $0x4000  }
0x65: {  	s16 =	sadd.s32 $0x1, s16;
	[sflag:s20] =	ssyncset.done @!p0 $0x0  }
0x66: {  	p1 =	sne.s32 s16, s10;
	[sflag:s20] =	ssyncadd.s32 @!p0 $0xFFFFC000  }
.Ltmp1:
0x67: {  	[bflag:$0x0] =	sbarrier.arrive $0xFFFF;
	(pc) =	sbr.rel @p1 .LBB2_1-.Ltmp1, $4  }
0x68: {  	[hbm:s9], [sflag:s5] =	dma.local [spmem:s13], $0x2800  }
0x69: {  	_ =	swait.ge [sflag:s14], $0x2800  }
0x6a: {  	[sflag:s14] =	ssyncset.done $0x0  }
0x6b: {  	[sflag:s14] =	ssyncadd.s32 $0xFFFFD800  }
0x6c: {  	_ =	sfence.sel $0x180000  }
0x6d: {  	[bflag:$0x0] =	sbarrier.arrive $0xFFFF  }
0x6e: {  	p0 =	sne.s32 s0, $0x0;
	_ =	strace $0x90000050  }
0x6f: {  	s0 =	sadd.s32 @!p0 $0x100000, s1;
	[bflag:$0x2] =	sbarrier.arrive $0xFFFF  }
0x70: {  	[sflag:s0] =	ssyncadd.tile.s32 @!p0 $0x1;
	_ =	shalt  }
.Lfunc_end2:
_tile_overlayer_lowered:
.L_overlay_start_2:
0x71: {  	(tag) =	ssettag $0x2  }
0x72: {  	s0 =	rddreg [dreg:$0x0];
	s2 =	stileid.u32  }
0x73: {  	s1 =	rddreg [dreg:$0x1];
	p0 =	sne.s32 s2, $0x0  }
0x74: {  	s3 =	rddreg [dreg:$0x2];
	[bflag:$0x3] =	sbarrier.arrive $0xFFFF;
	s2 =	simm.s32 @!p0 $0x1C02  }
0x75: {  	[timem:s3], [sflag:s2] =	dma.local @!p0 [hbm:s0], s1  }
0x76: {  	s0 =	simm.s32 @!p0 $0x2  }
0x77: {  	_ =	swait.ge @!p0 [sflag:s0], s1  }
0x78: {  	s1 =	ssub.s32 @!p0 $0x0, s1;
	[sflag:s0] =	ssyncset.done @!p0 $0x0  }
0x79: {  	[sflag:s0] =	ssyncadd.s32 @!p0 s1  }
0x7a: {  	[bflag:$0x3] =	sbarrier.arrive $0xFFFF  }
0x7b: {  	_ =	shalt  }

// kernel: kernel.16.cloned.1.call-start
scs
__scs_entry_jumppad:
0x0: {  	(pc) =	sbr.rel $0x88, $3  }
0x1: {  	(tag) =	ssettag $0x0;
	lr =	simm.s32 $0x1  }
0x2: {  	[smem:$0x3F96] =	sst lr;
	_ =	strace $0xD0000000  }
0x3: {  	_ = 	snop  }
0x4: {  	_ = 	snop  }
0x5: {  	_ = 	snop  }
0x6: {  	_ = 	snop  }
0x7: {  	_ = 	snop  }
__scs_overlays_trampoline_lowered:
0x8: {  	[smem:$0x3FA5] =	sst s0  }
0x9: {  	[smem:$0x3FA6] =	sst s1  }
0xa: {  	[smem:$0x3FA7] =	sst s2  }
0xb: {  	[smem:$0x3FA8] =	sst s3  }
0xc: {  	[smem:$0x3FA9] =	sst s4  }
0xd: {  	[smem:$0x3FAA] =	sst s5  }
0xe: {  	[smem:$0x3FAB] =	sst s6  }
0xf: {  	[smem:$0x3FAC] =	sst s7  }
0x10: {  	[smem:$0x3FAD] =	sst s8  }
0x11: {  	[smem:$0x3FAE] =	sst s9;
	s0 =	simm.s32 @!p0 $0x0  }
0x12: {  	s1 =	sld [smem:$0x3F94];
	s0 =	simm.s32 @p0 $0x1  }
0x13: {  	[smem:$0x3FAF] =	sst s0;
	s0 =	simm.s32 @!p1 $0x0  }
0x14: {  	s2 =	sld [smem:$0x3F93];
	s0 =	simm.s32 @p1 $0x1  }
0x15: {  	[smem:$0x3FB0] =	sst s0;
	s0 =	simm.s32 @!p2 $0x0  }
0x16: {  	s3 =	sld [smem:$0x3FDB];
	s0 =	simm.s32 @p2 $0x1  }
0x17: {  	s4 =	simm.s32 $0x1BF5;
	[smem:$0x3FB2] =	sst s0  }
0x18: {  	s0 =	sld [smem:$0x3F95];
	_ =	swait.ge [sflag:s4], $0x0  }
0x19: {  	s7 =	sld [smem:$0x3F96]  }
0x1a: {  	s8 =	sadd.s32 $0xFFFFE003, lr  }
0x1b: {  	s9 =	sadd.s32 $0xFFFFFEF7, lr;
	s5 =	simm.s32 $0xFFFFFFFF;
	p2 =	slt.u32 s8, $0xFFFFF086  }
0x1c: {  	p1 =	slt.u32 s9, $0xF7A;
	s5 =	simm.s32 @!p2 $0x0  }
0x1d: {  	s5 =	simm.s32 @p1 $0x1;
	p0 =	seq.s32 s7, s2  }
0x1e: {  	s7 =	smul.u32 @!p0 $0xF7A, s2;
	p2 =	seq.s32 @!p0 s5, $0x0  }
0x1f: {  	s9 =	smul.u32 $0xF7A, s1;
	s8 =	simm.s32 @!p0 $0x1BF5;
	p2 =	por !p2, p0  }
0x20: {  	[sflag:s8] =	ssyncset.s32 @!p0 $0xFFFFF086;
	s6 =	sadd.s32 @!p0 s3, s7;
	s7 =	simm.s32 @!p0 $0x108  }
0x21: {  	s3 =	sadd.s32 s3, s9;
	s6 =	sadd.s32 @!p0 $0x88, s6;
	s7 =	simm.s32 @p2 $0x1082  }
0x22: {  	[simem:s7], [sflag:s8] =	dma.local @!p0 [hbm:s6], $0xF7A  }
0x23: {  	s9 =	sor.u32 $0xD0000000, s2;
	s6 =	simm.s32 $0x108;
	_ =	swait.ge @!p0 [sflag:s8], $0x0  }
0x24: {  	s3 =	sadd.s32 $0x88, s3;
	s6 =	simm.s32 @!p1 $0x1082;
	[sflag:s4] =	ssyncset.s32 $0xFFFFF086  }
0x25: {  	[simem:s6], [sflag:s4] =	dma.local [hbm:s3], $0xF7A  }
0x26: {  	[smem:$0x3F96] =	sst s1;
	(tag) =	ssettag s2;
	_ =	strace s9  }
0x27: {  	s1 =	sld [smem:$0x3FA6]  }
0x28: {  	s2 =	sld [smem:$0x3FA7]  }
0x29: {  	s4 =	sld [smem:$0x3FA9]  }
0x2a: {  	p0 =	seq.s32 s5, $0x0;
	s5 =	sld [smem:$0x3FAA]  }
0x2b: {  	s6 =	sld [smem:$0x3FAB]  }
0x2c: {  	s7 =	sld [smem:$0x3FAC]  }
0x2d: {  	s3 =	simm.s32 $0x108;
	s8 =	sld [smem:$0x3FAD]  }
0x2e: {  	s3 =	simm.s32 @!p0 $0x1082;
	s9 =	sld [smem:$0x3FAE]  }
0x2f: {  	lr =	sadd.s32 s0, s3;
	s0 =	sld [smem:$0x3FA5]  }
0x30: {  	s3 =	sld [smem:$0x3FA8]  }
0x31: {  	[smem:$0x3FB1] =	sst s10  }
0x32: {  	s10 =	sld [smem:$0x3FAF];
	_ =	sdelay $0x3  }
0x33: {  	p0 =	seq.s32 s10, $0x1;
	s10 =	sld [smem:$0x3FB1];
	_ =	sdelay $0x3  }
0x34: {  	[smem:$0x3FB1] =	sst s10  }
0x35: {  	s10 =	sld [smem:$0x3FB0];
	_ =	sdelay $0x3  }
0x36: {  	p1 =	seq.s32 s10, $0x1;
	s10 =	sld [smem:$0x3FB1];
	_ =	sdelay $0x3  }
0x37: {  	[smem:$0x3FB1] =	sst s10  }
0x38: {  	s10 =	sld [smem:$0x3FB2]  }
0x39: {  	_ = 	snop;
	(pc) =	sbr.ind lr, $3  }
0x3a: {  	_ = 	snop  }
0x3b: {  	_ = 	snop  }
0x3c: {  	p2 =	seq.s32 s10, $0x1;
	s10 =	sld [smem:$0x3FB1]  }
0x3d: {  	_ =	shalt  }
0x3e: {  	_ =	shalt  }
0x3f: {  	_ =	shalt  }
0x40: {  	_ =	shalt  }
0x41: {  	_ =	shalt  }
0x42: {  	_ =	shalt  }
0x43: {  	_ =	shalt  }
0x44: {  	_ =	shalt  }
0x45: {  	_ =	shalt  }
0x46: {  	_ =	shalt  }
0x47: {  	_ =	shalt  }
0x48: {  	_ =	shalt  }
0x49: {  	_ =	shalt  }
0x4a: {  	_ =	shalt  }
0x4b: {  	_ =	shalt  }
0x4c: {  	_ =	shalt  }
0x4d: {  	_ =	shalt  }
0x4e: {  	_ =	shalt  }
0x4f: {  	_ =	shalt  }
0x50: {  	_ =	shalt  }
0x51: {  	_ =	shalt  }
0x52: {  	_ =	shalt  }
0x53: {  	_ =	shalt  }
0x54: {  	_ =	shalt  }
0x55: {  	_ =	shalt  }
0x56: {  	_ =	shalt  }
0x57: {  	_ =	shalt  }
0x58: {  	_ =	shalt  }
0x59: {  	_ =	shalt  }
0x5a: {  	_ =	shalt  }
0x5b: {  	_ =	shalt  }
0x5c: {  	_ =	shalt  }
0x5d: {  	_ =	shalt  }
0x5e: {  	_ =	shalt  }
0x5f: {  	_ =	shalt  }
0x60: {  	_ =	shalt  }
0x61: {  	_ =	shalt  }
0x62: {  	_ =	shalt  }
0x63: {  	_ =	shalt  }
0x64: {  	_ =	shalt  }
0x65: {  	_ =	shalt  }
0x66: {  	_ =	shalt  }
0x67: {  	_ =	shalt  }
0x68: {  	_ =	shalt  }
0x69: {  	_ =	shalt  }
0x6a: {  	_ =	shalt  }
0x6b: {  	_ =	shalt  }
0x6c: {  	_ =	shalt  }
0x6d: {  	_ =	shalt  }
0x6e: {  	_ =	shalt  }
0x6f: {  	_ =	shalt  }
0x70: {  	_ =	shalt  }
0x71: {  	_ =	shalt  }
0x72: {  	_ =	shalt  }
0x73: {  	_ =	shalt  }
0x74: {  	_ =	shalt  }
0x75: {  	_ =	shalt  }
0x76: {  	_ =	shalt  }
0x77: {  	_ =	shalt  }
0x78: {  	_ =	shalt  }
0x79: {  	_ =	shalt  }
0x7a: {  	_ =	shalt  }
0x7b: {  	_ =	shalt  }
0x7c: {  	_ =	shalt  }
0x7d: {  	_ =	shalt  }
0x7e: {  	_ =	shalt  }
0x7f: {  	_ =	shalt  }
0x80: {  	_ =	shalt  }
0x81: {  	_ =	shalt  }
0x82: {  	_ =	shalt  }
0x83: {  	_ =	shalt  }
0x84: {  	_ =	shalt  }
0x85: {  	_ =	shalt  }
0x86: {  	_ =	shalt  }
0x87: {  	_ =	shalt  }
.Lfunc_end0:
.L_simem_size_0:
called_computation.2_lowered:
.L_overlay_start_0:
0x88: {  	s2 =	sld [smem:$0x3FD9]  }
0x89: {  	s3 =	sld [smem:$0x3FFE];
	_ =	sdelay $0x1  }
0x8a: {  	s1 =	srdreg.scid  }
0x8b: {  	s0 =	sand.u32 $0x1, s1  }
0x8c: {  	s17 =	sshll.u32 s0, $0xA;
	s2 =	sadd.s32 s3, s2  }
0x8d: {  	s2 =	sadd.s32 s2, s17  }
0x8e: {  	[smem:$0x3FBD] =	sst s2  }
0x8f: {  	_ = 	snop  }
0x90: {  	s2 =	sld [smem:$0x3FD0];
	(tm) =	ssettm $0x1  }
0x91: {  	s18 =	sld [smem:$0x3FFB];
	_ =	sdelay $0x3  }
0x92: {  	_ =	strace s18  }
0x93: {  	s3 =	sld [smem:$0x3FFC];
	_ =	sdelay $0x3  }
0x94: {  	_ =	strace s3  }
0x95: {  	s3 =	sld [smem:$0x3FFD];
	_ =	sdelay $0x3  }
0x96: {  	_ =	strace s3  }
0x97: {  	_ =	strace $0x8FFFFFFF  }
0x98: {  	s19 =	sld [smem:$0x3FDB];
	_ =	sdelay $0x1  }
0x99: {  	s4 =	simm.s32 $_scs_section_size  }
0x9a: {  	s5 =	simm.s32 $_size__tile_overlayer_lowered;
	s6 =	simm.s32 $_tile_overlayer_lowered  }
0x9b: {  	s22 =	simm.s32 $0x1BFF;
	s21 =	sshll.u32 s6, $0x1;
	s3 =	sadd.s32 s4, s19  }
0x9c: {  	s7 =	simm.s32 $0x0;
	s20 =	sshll.u32 s5, $0x1;
	s5 =	sadd.s32 s21, s3  }
0x9d: {  	[timem:s7], [sflag:s22] =	dma.local [hbm:s5], s20  }
0x9e: {  	_ =	swait.ge [sflag:s22], s20  }
0x9f: {  	s4 =	ssub.s32 $0x0, s20;
	[sflag:s22] =	ssyncset.done $0x0  }
0xa0: {  	[sflag:s22] =	ssyncadd.s32 s4;
	_ =	sdelay $0x1  }
0xa1: {  	s23 =	simm.s32 $0x1B8B  }
0xa2: {  	_ =	swait.ge [sflag:s23], $0x1  }
0xa3: {  	[sflag:s23] =	ssyncset.done $0x0  }
0xa4: {  	s25 =	simm.s32 $0x1B8E;
	s24 =	sld [smem:$0x3FFE];
	[sflag:s23] =	ssyncadd.s32 $0xFFFFFFFF  }
0xa5: {  	s26 =	simm.s32 $execute0_lowered;
	[smem:$0x3FD2] =	sst s25  }
0xa6: {  	s5 =	sshll.u32 s26, $0x1;
	_ =	strace $0x80000046;
	[dreg:$0x1] =	wrdreg $0xFFFFFFFF  }
0xa7: {  	s28 =	simm.s32 $_size_execute0_lowered;
	s3 =	sadd.s32 s3, s5;
	[dreg:$0x0] =	wrdreg $0x0  }
0xa8: {  	s5 =	sshll.u32 s28, $0x1;
	[dreg:$0x2] =	wrdreg s3  }
0xa9: {  	[dreg:$0x3] =	wrdreg s5  }
0xaa: {  	[dreg:$0x4] =	wrdreg $0xC0  }
0xab: {  	_ =	task [dreg:s7], $0x5FFFF  }
0xac: {  	[dreg:$0x1] =	wrdreg $0xFFFFFFFF  }
0xad: {  	[dreg:$0x0] =	wrdreg $0x60  }
0xae: {  	[dreg:$0x2] =	wrdreg s2  }
0xaf: {  	[dreg:$0x3] =	wrdreg s24  }
0xb0: {  	[dreg:$0x4] =	wrdreg $0xA  }
0xb1: {  	_ =	task.clear_ibuf [dreg:s7], $0x5FFFF;
	_ =	strace $0x90000046  }
0xb2: {  	s29 =	simm.s32 $0xA;
	_ =	strace $0x80000048  }
0xb3: {  	_ =	swait.ge [sflag:s29], $0x1  }
0xb4: {  	[sflag:s29] =	ssyncadd.s32 $0xFFFFFFFF  }
0xb5: {  	_ =	strace $0x90000048  }
0xb6: {  	_ =	sfence  }
0xb7: {  	s30 =	sld [smem:$0x0];
	_ =	sdelay $0x2  }
0xb8: {  	s31 =	sshll.u32 s1, $0xD;
	s1 =	sshrl.u32 s1, $0x2  }
0xb9: {  	s3 =	sand.u32 $0x4000, s31;
	s1 =	sadd.s32 s1, s30  }
0xba: {  	s0 =	sor.u32 s3, s0;
	s1 =	sshll.u32 s1, $0x11  }
0xbb: {  	s0 =	sor.u32 s1, s0  }
0xbc: {  	s0 =	sadd.s32 $0x8F2B, s0  }
0xbd: {  	[sflag:s0] =	ssyncadd.remote.s32 $0x1  }
0xbe: {  	_ =	sfence.sel $0xFFFF  }
0xbf: {  	[dreg:$0x0] =	wrdreg $0xFFFFFFFF;
	(pc) =	sbr.abs _section_cstart, $3  }
0xc0: {  	[dreg:$0x1] =	wrdreg $0xFFFFFFFF  }
0xc1: {  	_ =	task.clear_ibuf [dreg:s7], $0x2FFFF;
	_ =	strace $0x9FFFFFFF  }
0xc2: {  	(tm) =	ssettm $0x7FFFFFFF  }
0xc3: {  	_ =	shalt  }
tec
execute0_lowered:
.L_overlay_start_1:
0x0: {  	(tag) =	ssettag $0x1  }
0x1: {  	s1 =	srdreg.scid  }
0x2: {  	s0 =	stileid.u32;
	s2 =	rddreg [dreg:$0x0]  }
0x3: {  	s5 =	rddreg [dreg:$0x1];
	s3 =	simm.s32 $0x0;
	s15 =	simm.s32 $0x2800  }
0x4: {  	s16 =	simm.s32 $0x6800;
	s17 =	simm.s32 $0x1;
	s9 =	smul.u32 $0x50, s0  }
0x5: {  	s18 =	simm.s32 $0xA800;
	s19 =	simm.s32 $0xE800;
	s11 =	smul.u32 $0xA000, s0  }
0x6: {  	s20 =	simm.s32 $0x12800;
	s6 =	sand.u32 $0x1, s1;
	s14 =	smul.u32 $0x28000, s0  }
0x7: {  	s21 =	simm.s32 $0x2;
	s22 =	simm.s32 $0x0;
	s10 =	smul.u32 $0x28, s6  }
0x8: {  	s29 =	sshll.u32 s0, $0x1;
	[smem:$0x7FF] =	sst s3;
	s12 =	smul.u32 $0x5000, s6  }
0x9: {  	s1 =	sor.u32 s6, s29;
	s8 =	ssub.s32 $0x2, s6;
	s30 =	smul.u32 $0x14000, s6  }
0xa: {  	s4 =	sadd.s32 $0xDC00, s5;
	s7 =	smul.u32 $0x280, s1;
	s13 =	sshrl.u32 s8, $0x1  }
.Ltmp0:
0xb: {  	_ =	strace $0x80000047;
	s8 =	ssub.s32 s8, s13;
	(pc) =	sbr.rel .LBB2_1-.Ltmp0, $4  }
0xc: {  	s9 =	sadd.s32 s10, s9;
	s10 =	sadd.s32 s12, s11;
	s31 =	sadd.s32 s30, s14  }
0xd: {  	s12 =	simm.s32 $0x3;
	s13 =	simm.s32 $0x1400;
	s14 =	simm.s32 $0x80  }
0xe: {  	s7 =	sadd.s32 s7, s5;
	s5 =	sadd.s32 $0x34E00, s5;
	s8 =	smax.u32 s8, $0x1  }
0xf: {  	s11 =	sor.u32 $0x2000, s31;
	s6 =	sadd.s32 $0x3C00, s7;
	s7 =	sadd.s32 $0x8C00, s7  }
.LBB2_42:
0x10: {  	s22 =	sadd.s32 $0x1, s22  }
0x11: {  	p0 =	sne.s32 s22, s8  }
.Ltmp1:
0x12: {  	_ = 	snop;
	(pc) =	sbr.rel @!p0 .LBB2_43-.Ltmp1, $1  }
0x13: {  	_ =	sdelay $0x3  }
.LBB2_1:
0x14: {  	[tilespmem:s3], [sflag:$0x3] =	stream.linear.gather [hbm4b:s6+s3], $0x1400, $0x38;
	[tilespmem:$0x16800] =	vst v63  }
0x15: {  	_ =	swait.ge [sflag:s12], $0x1400  }
0x16: {  	[sflag:s12] =	ssyncset.done $0x0  }
.Ltmp2:
0x17: {  	[sflag:s12] =	ssyncadd.s32 $0xFFFFEC00;
	(pc) =	sbr.rel .LBB2_2-.Ltmp2, $4  }
0x18: {  	[tilespmem:s13], [sflag:$0x3] =	stream.linear.gather [hbm4b:s7+s3], $0x1400, $0x38;
	[tilespmem:$0x16800] =	vst v63  }
0x19: {  	_ =	swait.ge [sflag:s12], $0x1400  }
0x1a: {  	s23 =	smov.u32 s11;
	[sflag:s12] =	ssyncset.done $0x0  }
0x1b: {  	s24 =	smov.u32 s9;
	s25 =	simm.s32 $0x0;
	[sflag:s12] =	ssyncadd.s32 $0xFFFFEC00  }
.LBB2_40:
0x1c: {  	_ =	swait.ge [sflag:s21], $0x4000  }
0x1d: {  	[sflag:s21] =	ssyncset.done $0x0  }
0x1e: {  	[sflag:s21] =	ssyncadd.s32 $0xFFFFC000  }
.LBB2_41:
0x1f: {  	s25 =	sadd.s32 $0xA00, s25  }
0x20: {  	p0 =	sne.s32 s25, $0x5000  }
.Ltmp3:
0x21: {  	_ = 	snop;
	(pc) =	sbr.rel @!p0 .LBB2_42-.Ltmp3, $2  }
0x22: {  	_ =	sdelay $0x2  }
0x23: {  	s24 =	sadd.s32 $0x5, s24;
	s23 =	sadd.s32 $0x2800, s23  }
.LBB2_2:
0x24: {  	p0 =	sgt.u32 s24, $0x4E1  }
.Ltmp4:
0x25: {  	_ = 	snop;
	(pc) =	sbr.rel @p0 .LBB2_41-.Ltmp4, $1  }
0x26: {  	_ =	sdelay $0x3  }
0x27: {  	s28 =	sadd.s32 s25, s10  }
0x28: {  	s26 =	sadd.s32 $0xFFF63E00, s28  }
0x29: {  	p0 =	seq.s32 s26, $0x0  }
.Ltmp5:
0x2a: {  	_ = 	snop;
	(pc) =	sbr.rel @p0 .LBB2_44-.Ltmp5, $3  }
0x2b: {  	_ =	sdelay $0x1  }
0x2c: {  	s29 =	sshra.s32 s25, $0x2  }
0x2d: {  	[tilespmem:s15], [sflag:$0x1] =	stream.indirect.gather [hbm4b:s2+s14], $0x80, s29, s14, $0xb8;
	[tilespmem:$0x16800] =	vst v63  }
0x2e: {  	s1 =	simm.s32 @!p0 $0x0;
	s30 =	sadd.s32 $0x80, s29;
	p2 =	sgt.u32 s24, $0x4DF  }
0x2f: {  	[tilespmem:s16], [sflag:$0x1] =	stream.indirect.gather [hbm4b:s2+s14], $0x80, s30, s14, $0xb8;
	[tilespmem:$0x16800] =	vst v63  }
0x30: {  	s28 =	sadd.s32 $0xFFF64200, s28;
	s1 =	simm.s32 @p0 $0x1;
	s30 =	sshra.s32 @!p2 s25, $0x2  }
0x31: {  	s31 =	simm.s32 @!p2 $0x80;
	p1 =	seq.s32 @!p2 s28, $0x0;
	[smem:$0x7FD] =	sst s1  }
0x32: {  	s30 =	sadd.s32 @!p2 $0x100, s30;
	s1 =	simm.s32 @!p2 $0xA800;
	p3 =	por p1, p2  }
0x33: {  	[tilespmem:s1], [sflag:$0x1] =	stream.indirect.gather @!p2 [hbm4b:s2+s31], $0x80, s30, s31, $0xb8;
	[tilespmem:$0x16800] =	vst v63  }
0x34: {  	p6 =	por @!p2 $0x0, $0x0;
	s1 =	sshra.s32 @!p3 s25, $0x2  }
0x35: {  	s28 =	simm.s32 @!p3 $0x80;
	s30 =	simm.s32 @!p3 $0xE800;
	p4 =	sgt.u32 @!p3 s24, $0x4DD  }
0x36: {  	p0 =	por @!p3 $0x1, $0x1;
	s1 =	sadd.s32 @!p3 $0x180, s1;
	p5 =	por @!p2 p4, p1  }
0x37: {  	[tilespmem:s30], [sflag:$0x1] =	stream.indirect.gather @!p3 [hbm4b:s2+s28], $0x80, s1, s28, $0xb8;
	[tilespmem:$0x16800] =	vst v63  }
0x38: {  	p4 =	por @!p2 !p4, p1;
	p1 =	por !p1, p2;
	p5 =	por p5, p2  }
0x39: {  	p4 =	por !p4, p2;
	p3 =	por @!p3 $0x0, $0x0;
	s1 =	sshra.s32 @!p5 s25, $0x2  }
0x3a: {  	s28 =	simm.s32 @!p5 $0x80;
	s30 =	simm.s32 @!p5 $0x12800;
	s1 =	sadd.s32 @!p5 $0x200, s1  }
0x3b: {  	[tilespmem:s30], [sflag:$0x1] =	stream.indirect.gather @!p5 [hbm4b:s2+s28], $0x80, s1, s28, $0xb8;
	[tilespmem:$0x16800] =	vst v63  }
0x3c: {  	p5 =	por @!p5 $0x1, $0x1;
	s28 =	sadd.s32 $0xFFFFF000, s23;
	_ =	swait.ge [sflag:s17], $0x4000  }
.Ltmp6:
0x3d: {  	p0 =	por @!p4 p5, p5;
	[sflag:s17] =	ssyncset.done $0x0;
	(pc) =	sbr.rel @p2 .LBB2_8-.Ltmp6, $4  }
0x3e: {  	p3 =	por @!p4 p5, p5;
	p4 =	por $0x0, $0x0;
	[sflag:s17] =	ssyncadd.s32 $0xFFFFC000  }
0x3f: {  	p0 =	por @!p1 p6, p6;
	p3 =	por @!p1 p6, p6;
	_ =	swait.ge [sflag:s17], $0x4000  }
0x40: {  	p4 =	por @!p2 p0, p0;
	p0 =	por $0x0, $0x0;
	[sflag:s17] =	ssyncset.done $0x0  }
0x41: {  	p1 =	slt.u32 s24, $0x4E0;
	p0 =	por @!p2 p3, p3;
	[sflag:s17] =	ssyncadd.s32 $0xFFFFC000  }
.Ltmp7:
0x42: {  	(pc) =	sbr.rel @p4 .LBB2_9-.Ltmp7, $4  }
0x43: {  	_ = 	snop  }
0x44: {  	_ =	swait.ge [sflag:s17], $0x4000  }
0x45: {  	[sflag:s17] =	ssyncset.done $0x0  }
0x46: {  	[sflag:s17] =	ssyncadd.s32 $0xFFFFC000  }
.Ltmp8:
0x47: {  	(pc) =	sbr.rel @p0 .LBB2_11-.Ltmp8, $2  }
0x48: {  	_ =	sdelay $0x2  }
0x49: {  	p5 =	por $0x0, $0x0  }
0x4a: {  	s1 =	sadd.s32 $0x1400, s29  }
0x4b: {  	[tilespmem:s15], [sflag:$0x1] =	stream.indirect.gather.add.f32 [hbm:s4], $0x80, s1, s14, $0xb8;
	[tilespmem:$0x16800] =	vst v63  }
0x4c: {  	s31 =	sadd.s32 $0x1480, s29  }
0x4d: {  	[tilespmem:s16], [sflag:$0x1] =	stream.indirect.gather.add.f32 [hbm:s4], $0x80, s31, s14, $0xb8;
	[tilespmem:$0x16800] =	vst v63  }
.Ltmp9:
0x4e: {  	_ = 	snop;
	(pc) =	sbr.rel .LBB2_19-.Ltmp9, $4  }
0x4f: {  	s31 =	sld [smem:$0x7FD]  }
0x50: {  	s30 =	sadd.s32 $0x1500, s29  }
0x51: {  	[tilespmem:s18], [sflag:$0x1] =	stream.indirect.gather.add.f32 [hbm:s4], $0x80, s30, s14, $0xb8;
	[tilespmem:$0x16800] =	vst v63  }
0x52: {  	p3 =	por $0x0, $0x0;
	p5 =	por $0x0, $0x0;
	p0 =	seq.s32 s31, $0x1  }
.LBB2_44:
.Ltmp10:
0x53: {  	(pc) =	sbr.rel .LBB2_24-.Ltmp10, $4  }
0x54: {  	_ =	swait.ge [sflag:s17], $0x4000;
	s1 =	sadd.s32 $0x1400, s29  }
0x55: {  	s28 =	simm.s32 $0x271800;
	p1 =	por $0x0, $0x0;
	[sflag:s17] =	ssyncset.done $0x0  }
0x56: {  	s29 =	simm.s32 $0x272800;
	p4 =	por $0x0, $0x0;
	[sflag:s17] =	ssyncadd.s32 $0xFFFFC000  }
0x57: {  	[tilespmem:s15], [sflag:$0x1] =	stream.indirect.gather.add.f32 [hbm:s4], $0x80, s1, s14, $0xb8;
	[tilespmem:$0x16800] =	vst v63  }
.LBB2_8:
.Ltmp11:
0x58: {  	(pc) =	sbr.rel @!p4 .LBB2_10-.Ltmp11, $1  }
0x59: {  	_ =	sdelay $0x3  }
.LBB2_9:
.Ltmp12:
0x5a: {  	(pc) =	sbr.rel @p0 .LBB2_11-.Ltmp12, $4  }
.Ltmp13:
0x5b: {  	(pc) =	sbr.rel @!p0 .LBB2_12-.Ltmp13, $4  }
0x5c: {  	_ =	swait.ge [sflag:s17], $0x4000  }
0x5d: {  	[sflag:s17] =	ssyncset.done $0x0  }
0x5e: {  	p4 =	por $0x0, $0x0;
	p5 =	por $0x1, $0x1;
	[sflag:s17] =	ssyncadd.s32 $0xFFFFC000  }
0x5f: {  	_ = 	snop  }
.LBB2_10:
.Ltmp14:
0x60: {  	(pc) =	sbr.rel @!p0 .LBB2_15-.Ltmp14, $2  }
0x61: {  	_ =	sdelay $0x2  }
0x62: {  	p5 =	por $0x0, $0x0  }
.LBB2_11:
0x63: {  	_ =	swait.ge [sflag:s17], $0x4000  }
0x64: {  	[sflag:s17] =	ssyncset.done $0x0  }
0x65: {  	p4 =	por $0x1, $0x1;
	[sflag:s17] =	ssyncadd.s32 $0xFFFFC000  }
.LBB2_12:
0x66: {  	p0 =	slt.u32 s24, $0x4E0  }
.Ltmp15:
0x67: {  	_ = 	snop;
	(pc) =	sbr.rel @!p0 .LBB2_16-.Ltmp15, $4  }
0x68: {  	s1 =	sadd.s32 $0x1400, s29  }
0x69: {  	[tilespmem:s15], [sflag:$0x1] =	stream.indirect.gather.add.f32 [hbm:s4], $0x80, s1, s14, $0xb8;
	[tilespmem:$0x16800] =	vst v63  }
0x6a: {  	s31 =	sadd.s32 $0x1480, s29  }
0x6b: {  	[tilespmem:s16], [sflag:$0x1] =	stream.indirect.gather.add.f32 [hbm:s4], $0x80, s31, s14, $0xb8;
	[tilespmem:$0x16800] =	vst v63  }
.Ltmp16:
0x6c: {  	(pc) =	sbr.rel @p5 .LBB2_17-.Ltmp16, $4  }
0x6d: {  	s31 =	sld [smem:$0x7FD]  }
0x6e: {  	s1 =	sadd.s32 $0x1500, s29  }
0x6f: {  	[tilespmem:s18], [sflag:$0x1] =	stream.indirect.gather.add.f32 [hbm:s4], $0x80, s1, s14, $0xb8;
	[tilespmem:$0x16800] =	vst v63  }
0x70: {  	p0 =	seq.s32 s31, $0x1  }
.LBB2_14:
.Ltmp17:
0x71: {  	(pc) =	sbr.rel @!p4 .LBB2_19-.Ltmp17, $4  }
.Ltmp18:
0x72: {  	(pc) =	sbr.rel @p4 .LBB2_18-.Ltmp18, $4  }
0x73: {  	_ = 	snop  }
0x74: {  	_ = 	snop  }
0x75: {  	p5 =	por $0x0, $0x0;
	p3 =	por $0x0, $0x0  }
0x76: {  	_ = 	snop  }
.LBB2_16:
.Ltmp19:
0x77: {  	(pc) =	sbr.rel @!p5 .LBB2_14-.Ltmp19, $2  }
0x78: {  	s1 =	sld [smem:$0x7FD];
	_ =	sdelay $0x2  }
0x79: {  	p0 =	seq.s32 s1, $0x1  }
.LBB2_17:
.Ltmp20:
0x7a: {  	(pc) =	sbr.rel @!p4 .LBB2_19-.Ltmp20, $3  }
0x7b: {  	_ =	sdelay $0x1  }
0x7c: {  	s1 =	sadd.s32 $0x1580, s29;
	p3 =	por $0x0, $0x0;
	p5 =	por $0x1, $0x1  }
0x7d: {  	[tilespmem:s19], [sflag:$0x1] =	stream.indirect.gather.add.f32 [hbm:s4], $0x80, s1, s14, $0xb8;
	[tilespmem:$0x16800] =	vst v63  }
.LBB2_18:
.Ltmp21:
0x7e: {  	(pc) =	sbr.rel .LBB2_19-.Ltmp21, $3  }
0x7f: {  	_ =	sdelay $0x1  }
0x80: {  	s1 =	sadd.s32 $0x1600, s29;
	p3 =	por $0x1, $0x1  }
0x81: {  	[tilespmem:s20], [sflag:$0x1] =	stream.indirect.gather.add.f32 [hbm:s4], $0x80, s1, s14, $0xb8;
	[tilespmem:$0x16800] =	vst v63  }
.LBB2_15:
0x82: {  	s1 =	sadd.s32 $0x1400, s29;
	s31 =	sld [smem:$0x7FD]  }
0x83: {  	[tilespmem:s15], [sflag:$0x1] =	stream.indirect.gather.add.f32 [hbm:s4], $0x80, s1, s14, $0xb8;
	[tilespmem:$0x16800] =	vst v63  }
0x84: {  	s30 =	sadd.s32 $0x1480, s29  }
0x85: {  	[tilespmem:s16], [sflag:$0x1] =	stream.indirect.gather.add.f32 [hbm:s4], $0x80, s30, s14, $0xb8;
	[tilespmem:$0x16800] =	vst v63  }
0x86: {  	p3 =	por $0x0, $0x0;
	p5 =	por $0x0, $0x0;
	p0 =	seq.s32 s31, $0x1  }
.LBB2_19:
0x87: {  	_ =	swait.ge [sflag:s17], $0x4000  }
.Ltmp22:
0x88: {  	[sflag:s17] =	ssyncset.done $0x0;
	(pc) =	sbr.rel @p2 .LBB2_22-.Ltmp22, $4  }
0x89: {  	[sflag:s17] =	ssyncadd.s32 $0xFFFFC000  }
0x8a: {  	_ =	swait.ge [sflag:s17], $0x4000  }
0x8b: {  	[sflag:s17] =	ssyncset.done $0x0  }
0x8c: {  	[sflag:s17] =	ssyncadd.s32 $0xFFFFC000  }
.Ltmp23:
0x8d: {  	(pc) =	sbr.rel @p5 .LBB2_23-.Ltmp23, $4  }
0x8e: {  	_ = 	snop  }
0x8f: {  	_ =	swait.ge [sflag:s17], $0x4000  }
0x90: {  	[sflag:s17] =	ssyncset.done $0x0  }
0x91: {  	[sflag:s17] =	ssyncadd.s32 $0xFFFFC000  }
.LBB2_21:
.Ltmp24:
0x92: {  	(pc) =	sbr.rel @!p3 .LBB2_25-.Ltmp24, $2  }
0x93: {  	_ =	sdelay $0x2  }
0x94: {  	p4 =	por $0x0, $0x0;
	s29 =	smov.u32 s23;
	p2 =	por $0x0, $0x0  }
.LBB2_24:
0x95: {  	_ =	swait.ge [sflag:s17], $0x4000  }
0x96: {  	[sflag:s17] =	ssyncset.done $0x0  }
0x97: {  	p2 =	sne.s32 s26, $0x0;
	[sflag:s17] =	ssyncadd.s32 $0xFFFFC000  }
.LBB2_25:
.Ltmp25:
0x98: {  	(pc) =	sbr.rel @p0 .LBB2_29-.Ltmp25, $4  }
0x99: {  	_ = 	snop  }
0x9a: {  	s26 =	sadd.s32 s23, s5  }
0x9b: {  	s1 =	sadd.s32 $0xFFFFE000, s26  }
0x9c: {  	[hbm4b:s1+s3] =	stream.linear.scatter [tilespmem:s15], [sflag:$0x2], $0x4000, $0x38;
	[tilespmem:$0x16800] =	vst v63  }
.Ltmp26:
0x9d: {  	(pc) =	sbr.rel @!p1 .LBB2_27-.Ltmp26, $3  }
0x9e: {  	_ =	sdelay $0x1  }
0x9f: {  	s1 =	sadd.s32 $0xFFFFE800, s26  }
0xa0: {  	[hbm4b:s1+s3] =	stream.linear.scatter [tilespmem:s16], [sflag:$0x2], $0x4000, $0x38;
	[tilespmem:$0x16800] =	vst v63  }
.LBB2_30:
.Ltmp27:
0xa1: {  	(pc) =	sbr.rel @p4 .LBB2_31-.Ltmp27, $3  }
0xa2: {  	_ =	sdelay $0x1  }
0xa3: {  	s1 =	sadd.s32 s5, s28;
	p3 =	por $0x1, $0x1  }
0xa4: {  	[hbm4b:s1+s3] =	stream.linear.scatter [tilespmem:s18], [sflag:$0x2], $0x4000, $0x38;
	[tilespmem:$0x16800] =	vst v63  }
.LBB2_28:
.Ltmp28:
0xa5: {  	(pc) =	sbr.rel @!p2 .LBB2_33-.Ltmp28, $2  }
0xa6: {  	_ =	sdelay $0x2  }
0xa7: {  	p4 =	por $0x0, $0x0;
	p1 =	por $0x0, $0x0  }
.LBB2_32:
0xa8: {  	s1 =	sadd.s32 s5, s29;
	p1 =	por $0x1, $0x1  }
0xa9: {  	[hbm4b:s1+s3] =	stream.linear.scatter [tilespmem:s20], [sflag:$0x2], $0x4000, $0x38;
	[tilespmem:$0x16800] =	vst v63  }
.LBB2_33:
.Ltmp29:
0xaa: {  	(pc) =	sbr.rel @p0 .LBB2_37-.Ltmp29, $4  }
0xab: {  	_ = 	snop  }
0xac: {  	_ =	swait.ge [sflag:s21], $0x4000  }
0xad: {  	[sflag:s21] =	ssyncset.done $0x0  }
0xae: {  	[sflag:s21] =	ssyncadd.s32 $0xFFFFC000  }
.Ltmp30:
0xaf: {  	(pc) =	sbr.rel @!p3 .LBB2_35-.Ltmp30, $4  }
0xb0: {  	_ = 	snop  }
0xb1: {  	_ =	swait.ge [sflag:s21], $0x4000  }
0xb2: {  	[sflag:s21] =	ssyncset.done $0x0  }
0xb3: {  	[sflag:s21] =	ssyncadd.s32 $0xFFFFC000  }
.LBB2_38:
.Ltmp31:
0xb4: {  	(pc) =	sbr.rel @p4 .LBB2_39-.Ltmp31, $4  }
0xb5: {  	_ = 	snop  }
0xb6: {  	_ =	swait.ge [sflag:s21], $0x4000  }
0xb7: {  	[sflag:s21] =	ssyncset.done $0x0  }
0xb8: {  	[sflag:s21] =	ssyncadd.s32 $0xFFFFC000  }
.LBB2_36:
.Ltmp32:
0xb9: {  	(pc) =	sbr.rel @!p1 .LBB2_41-.Ltmp32, $4  }
.Ltmp33:
0xba: {  	(pc) =	sbr.rel @p1 .LBB2_40-.Ltmp33, $4  }
0xbb: {  	_ = 	snop  }
0xbc: {  	_ = 	snop  }
0xbd: {  	_ = 	snop  }
0xbe: {  	_ = 	snop  }
.LBB2_29:
.Ltmp34:
0xbf: {  	(pc) =	sbr.rel @p1 .LBB2_30-.Ltmp34, $1  }
0xc0: {  	_ =	sdelay $0x3  }
.LBB2_27:
.Ltmp35:
0xc1: {  	(pc) =	sbr.rel @!p4 .LBB2_28-.Ltmp35, $2  }
0xc2: {  	_ =	sdelay $0x2  }
0xc3: {  	p3 =	por $0x0, $0x0  }
.LBB2_31:
.Ltmp36:
0xc4: {  	(pc) =	sbr.rel @!p2 .LBB2_33-.Ltmp36, $4  }
.Ltmp37:
0xc5: {  	(pc) =	sbr.rel @p2 .LBB2_32-.Ltmp37, $4  }
0xc6: {  	_ = 	snop  }
0xc7: {  	s1 =	sadd.s32 $0xFFFFF800, s26;
	p1 =	por $0x0, $0x0;
	p4 =	por $0x1, $0x1  }
0xc8: {  	[hbm4b:s1+s3] =	stream.linear.scatter [tilespmem:s19], [sflag:$0x2], $0x4000, $0x38;
	[tilespmem:$0x16800] =	vst v63  }
0xc9: {  	_ = 	snop  }
.LBB2_37:
.Ltmp38:
0xca: {  	(pc) =	sbr.rel @p3 .LBB2_38-.Ltmp38, $1  }
0xcb: {  	_ =	sdelay $0x3  }
.LBB2_35:
.Ltmp39:
0xcc: {  	(pc) =	sbr.rel @!p4 .LBB2_36-.Ltmp39, $1  }
0xcd: {  	_ =	sdelay $0x3  }
.LBB2_39:
.Ltmp40:
0xce: {  	(pc) =	sbr.rel @!p1 .LBB2_41-.Ltmp40, $4  }
.Ltmp41:
0xcf: {  	(pc) =	sbr.rel @p1 .LBB2_40-.Ltmp41, $4  }
0xd0: {  	_ =	swait.ge [sflag:s21], $0x4000  }
0xd1: {  	[sflag:s21] =	ssyncset.done $0x0  }
0xd2: {  	[sflag:s21] =	ssyncadd.s32 $0xFFFFC000  }
0xd3: {  	_ = 	snop  }
.LBB2_22:
.Ltmp42:
0xd4: {  	(pc) =	sbr.rel @!p5 .LBB2_21-.Ltmp42, $1  }
0xd5: {  	_ =	sdelay $0x3  }
.LBB2_23:
.Ltmp43:
0xd6: {  	(pc) =	sbr.rel @!p3 .LBB2_25-.Ltmp43, $4  }
.Ltmp44:
0xd7: {  	(pc) =	sbr.rel @p3 .LBB2_24-.Ltmp44, $4  }
0xd8: {  	_ =	swait.ge [sflag:s17], $0x4000  }
0xd9: {  	p2 =	por $0x0, $0x0;
	[sflag:s17] =	ssyncset.done $0x0  }
0xda: {  	p4 =	por $0x1, $0x1;
	s29 =	smov.u32 s23;
	[sflag:s17] =	ssyncadd.s32 $0xFFFFC000  }
0xdb: {  	_ = 	snop  }
.LBB2_43:
0xdc: {  	_ =	sfence.sel $0x180000  }
0xdd: {  	[bflag:$0x0] =	sbarrier.arrive $0xFFFF  }
0xde: {  	_ =	strace $0x90000047  }
0xdf: {  	[bflag:$0x2] =	sbarrier.arrive $0xFFFF  }
0xe0: {  	p0 =	sne.s32 s0, $0x0;
	s0 =	rddreg [dreg:$0x2]  }
0xe1: {  	s0 =	sadd.s32 @!p0 $0x100000, s0  }
0xe2: {  	[sflag:s0] =	ssyncadd.tile.s32 @!p0 $0x1;
	_ =	shalt  }
.Lfunc_end2:
_tile_overlayer_lowered:
.L_overlay_start_2:
0xe3: {  	(tag) =	ssettag $0x2  }
0xe4: {  	s0 =	rddreg [dreg:$0x0];
	s2 =	stileid.u32  }
0xe5: {  	s1 =	rddreg [dreg:$0x1];
	p0 =	sne.s32 s2, $0x0  }
0xe6: {  	s3 =	rddreg [dreg:$0x2];
	[bflag:$0x3] =	sbarrier.arrive $0xFFFF;
	s2 =	simm.s32 @!p0 $0x1C03  }
0xe7: {  	[timem:s3], [sflag:s2] =	dma.local @!p0 [hbm:s0], s1  }
0xe8: {  	s0 =	simm.s32 @!p0 $0x3  }
0xe9: {  	_ =	swait.ge @!p0 [sflag:s0], s1  }
0xea: {  	s1 =	ssub.s32 @!p0 $0x0, s1;
	[sflag:s0] =	ssyncset.done @!p0 $0x0  }
0xeb: {  	[sflag:s0] =	ssyncadd.s32 @!p0 s1  }
0xec: {  	[bflag:$0x3] =	sbarrier.arrive $0xFFFF  }
0xed: {  	_ =	shalt  }

// kernel: kernel.19.cloned.1.call-start
scs
__scs_entry_jumppad:
0x0: {  	(pc) =	sbr.rel $0x88, $3  }
0x1: {  	(tag) =	ssettag $0x0;
	lr =	simm.s32 $0x1  }
0x2: {  	[smem:$0x3F96] =	sst lr;
	_ =	strace $0xD0000000  }
0x3: {  	_ = 	snop  }
0x4: {  	_ = 	snop  }
0x5: {  	_ = 	snop  }
0x6: {  	_ = 	snop  }
0x7: {  	_ = 	snop  }
__scs_overlays_trampoline_lowered:
0x8: {  	[smem:$0x3FA5] =	sst s0  }
0x9: {  	[smem:$0x3FA6] =	sst s1  }
0xa: {  	[smem:$0x3FA7] =	sst s2  }
0xb: {  	[smem:$0x3FA8] =	sst s3  }
0xc: {  	[smem:$0x3FA9] =	sst s4  }
0xd: {  	[smem:$0x3FAA] =	sst s5  }
0xe: {  	[smem:$0x3FAB] =	sst s6  }
0xf: {  	[smem:$0x3FAC] =	sst s7  }
0x10: {  	[smem:$0x3FAD] =	sst s8  }
0x11: {  	[smem:$0x3FAE] =	sst s9;
	s0 =	simm.s32 @!p0 $0x0  }
0x12: {  	s1 =	sld [smem:$0x3F94];
	s0 =	simm.s32 @p0 $0x1  }
0x13: {  	[smem:$0x3FAF] =	sst s0;
	s0 =	simm.s32 @!p1 $0x0  }
0x14: {  	s2 =	sld [smem:$0x3F93];
	s0 =	simm.s32 @p1 $0x1  }
0x15: {  	[smem:$0x3FB0] =	sst s0;
	s0 =	simm.s32 @!p2 $0x0  }
0x16: {  	s3 =	sld [smem:$0x3FDB];
	s0 =	simm.s32 @p2 $0x1  }
0x17: {  	s4 =	simm.s32 $0x1BF5;
	[smem:$0x3FB2] =	sst s0  }
0x18: {  	s0 =	sld [smem:$0x3F95];
	_ =	swait.ge [sflag:s4], $0x0  }
0x19: {  	s7 =	sld [smem:$0x3F96]  }
0x1a: {  	s8 =	sadd.s32 $0xFFFFE003, lr  }
0x1b: {  	s9 =	sadd.s32 $0xFFFFFEF7, lr;
	s5 =	simm.s32 $0xFFFFFFFF;
	p2 =	slt.u32 s8, $0xFFFFF086  }
0x1c: {  	p1 =	slt.u32 s9, $0xF7A;
	s5 =	simm.s32 @!p2 $0x0  }
0x1d: {  	s5 =	simm.s32 @p1 $0x1;
	p0 =	seq.s32 s7, s2  }
0x1e: {  	s7 =	smul.u32 @!p0 $0xF7A, s2;
	p2 =	seq.s32 @!p0 s5, $0x0  }
0x1f: {  	s9 =	smul.u32 $0xF7A, s1;
	s8 =	simm.s32 @!p0 $0x1BF5;
	p2 =	por !p2, p0  }
0x20: {  	[sflag:s8] =	ssyncset.s32 @!p0 $0xFFFFF086;
	s6 =	sadd.s32 @!p0 s3, s7;
	s7 =	simm.s32 @!p0 $0x108  }
0x21: {  	s3 =	sadd.s32 s3, s9;
	s6 =	sadd.s32 @!p0 $0x88, s6;
	s7 =	simm.s32 @p2 $0x1082  }
0x22: {  	[simem:s7], [sflag:s8] =	dma.local @!p0 [hbm:s6], $0xF7A  }
0x23: {  	s9 =	sor.u32 $0xD0000000, s2;
	s6 =	simm.s32 $0x108;
	_ =	swait.ge @!p0 [sflag:s8], $0x0  }
0x24: {  	s3 =	sadd.s32 $0x88, s3;
	s6 =	simm.s32 @!p1 $0x1082;
	[sflag:s4] =	ssyncset.s32 $0xFFFFF086  }
0x25: {  	[simem:s6], [sflag:s4] =	dma.local [hbm:s3], $0xF7A  }
0x26: {  	[smem:$0x3F96] =	sst s1;
	(tag) =	ssettag s2;
	_ =	strace s9  }
0x27: {  	s1 =	sld [smem:$0x3FA6]  }
0x28: {  	s2 =	sld [smem:$0x3FA7]  }
0x29: {  	s4 =	sld [smem:$0x3FA9]  }
0x2a: {  	p0 =	seq.s32 s5, $0x0;
	s5 =	sld [smem:$0x3FAA]  }
0x2b: {  	s6 =	sld [smem:$0x3FAB]  }
0x2c: {  	s7 =	sld [smem:$0x3FAC]  }
0x2d: {  	s3 =	simm.s32 $0x108;
	s8 =	sld [smem:$0x3FAD]  }
0x2e: {  	s3 =	simm.s32 @!p0 $0x1082;
	s9 =	sld [smem:$0x3FAE]  }
0x2f: {  	lr =	sadd.s32 s0, s3;
	s0 =	sld [smem:$0x3FA5]  }
0x30: {  	s3 =	sld [smem:$0x3FA8]  }
0x31: {  	[smem:$0x3FB1] =	sst s10  }
0x32: {  	s10 =	sld [smem:$0x3FAF];
	_ =	sdelay $0x3  }
0x33: {  	p0 =	seq.s32 s10, $0x1;
	s10 =	sld [smem:$0x3FB1];
	_ =	sdelay $0x3  }
0x34: {  	[smem:$0x3FB1] =	sst s10  }
0x35: {  	s10 =	sld [smem:$0x3FB0];
	_ =	sdelay $0x3  }
0x36: {  	p1 =	seq.s32 s10, $0x1;
	s10 =	sld [smem:$0x3FB1];
	_ =	sdelay $0x3  }
0x37: {  	[smem:$0x3FB1] =	sst s10  }
0x38: {  	s10 =	sld [smem:$0x3FB2]  }
0x39: {  	_ = 	snop;
	(pc) =	sbr.ind lr, $3  }
0x3a: {  	_ = 	snop  }
0x3b: {  	_ = 	snop  }
0x3c: {  	p2 =	seq.s32 s10, $0x1;
	s10 =	sld [smem:$0x3FB1]  }
0x3d: {  	_ =	shalt  }
0x3e: {  	_ =	shalt  }
0x3f: {  	_ =	shalt  }
0x40: {  	_ =	shalt  }
0x41: {  	_ =	shalt  }
0x42: {  	_ =	shalt  }
0x43: {  	_ =	shalt  }
0x44: {  	_ =	shalt  }
0x45: {  	_ =	shalt  }
0x46: {  	_ =	shalt  }
0x47: {  	_ =	shalt  }
0x48: {  	_ =	shalt  }
0x49: {  	_ =	shalt  }
0x4a: {  	_ =	shalt  }
0x4b: {  	_ =	shalt  }
0x4c: {  	_ =	shalt  }
0x4d: {  	_ =	shalt  }
0x4e: {  	_ =	shalt  }
0x4f: {  	_ =	shalt  }
0x50: {  	_ =	shalt  }
0x51: {  	_ =	shalt  }
0x52: {  	_ =	shalt  }
0x53: {  	_ =	shalt  }
0x54: {  	_ =	shalt  }
0x55: {  	_ =	shalt  }
0x56: {  	_ =	shalt  }
0x57: {  	_ =	shalt  }
0x58: {  	_ =	shalt  }
0x59: {  	_ =	shalt  }
0x5a: {  	_ =	shalt  }
0x5b: {  	_ =	shalt  }
0x5c: {  	_ =	shalt  }
0x5d: {  	_ =	shalt  }
0x5e: {  	_ =	shalt  }
0x5f: {  	_ =	shalt  }
0x60: {  	_ =	shalt  }
0x61: {  	_ =	shalt  }
0x62: {  	_ =	shalt  }
0x63: {  	_ =	shalt  }
0x64: {  	_ =	shalt  }
0x65: {  	_ =	shalt  }
0x66: {  	_ =	shalt  }
0x67: {  	_ =	shalt  }
0x68: {  	_ =	shalt  }
0x69: {  	_ =	shalt  }
0x6a: {  	_ =	shalt  }
0x6b: {  	_ =	shalt  }
0x6c: {  	_ =	shalt  }
0x6d: {  	_ =	shalt  }
0x6e: {  	_ =	shalt  }
0x6f: {  	_ =	shalt  }
0x70: {  	_ =	shalt  }
0x71: {  	_ =	shalt  }
0x72: {  	_ =	shalt  }
0x73: {  	_ =	shalt  }
0x74: {  	_ =	shalt  }
0x75: {  	_ =	shalt  }
0x76: {  	_ =	shalt  }
0x77: {  	_ =	shalt  }
0x78: {  	_ =	shalt  }
0x79: {  	_ =	shalt  }
0x7a: {  	_ =	shalt  }
0x7b: {  	_ =	shalt  }
0x7c: {  	_ =	shalt  }
0x7d: {  	_ =	shalt  }
0x7e: {  	_ =	shalt  }
0x7f: {  	_ =	shalt  }
0x80: {  	_ =	shalt  }
0x81: {  	_ =	shalt  }
0x82: {  	_ =	shalt  }
0x83: {  	_ =	shalt  }
0x84: {  	_ =	shalt  }
0x85: {  	_ =	shalt  }
0x86: {  	_ =	shalt  }
0x87: {  	_ =	shalt  }
.Lfunc_end0:
.L_simem_size_0:
called_computation.3_lowered:
.L_overlay_start_0:
0x88: {  	s2 =	sld [smem:$0x3FD9]  }
0x89: {  	s3 =	sld [smem:$0x3FFE];
	_ =	sdelay $0x1  }
0x8a: {  	s1 =	srdreg.scid  }
0x8b: {  	s0 =	sand.u32 $0x1, s1  }
0x8c: {  	s17 =	sshll.u32 s0, $0xA;
	s2 =	sadd.s32 s3, s2  }
0x8d: {  	s2 =	sadd.s32 s2, s17  }
0x8e: {  	[smem:$0x3FBD] =	sst s2  }
0x8f: {  	_ = 	snop  }
0x90: {  	(tm) =	ssettm $0x1  }
0x91: {  	s18 =	sld [smem:$0x3FFB];
	_ =	sdelay $0x3  }
0x92: {  	_ =	strace s18  }
0x93: {  	s2 =	sld [smem:$0x3FFC];
	_ =	sdelay $0x3  }
0x94: {  	_ =	strace s2  }
0x95: {  	s2 =	sld [smem:$0x3FFD];
	_ =	sdelay $0x3  }
0x96: {  	_ =	strace s2  }
0x97: {  	_ =	strace $0x8FFFFFFF  }
0x98: {  	s19 =	sld [smem:$0x3FDB];
	_ =	sdelay $0x1  }
0x99: {  	s20 =	simm.s32 $_scs_section_size  }
0x9a: {  	s4 =	simm.s32 $_size__tile_overlayer_lowered;
	s5 =	simm.s32 $_tile_overlayer_lowered  }
0x9b: {  	s6 =	simm.s32 $0x1BFF;
	s21 =	sshll.u32 s5, $0x1;
	s3 =	sadd.s32 s20, s19  }
0x9c: {  	s22 =	simm.s32 $0x0;
	s4 =	sshll.u32 s4, $0x1;
	s5 =	sadd.s32 s21, s3  }
0x9d: {  	[timem:s22], [sflag:s6] =	dma.local [hbm:s5], s4  }
0x9e: {  	_ =	swait.ge [sflag:s6], s4  }
0x9f: {  	s4 =	ssub.s32 $0x0, s4;
	[sflag:s6] =	ssyncset.done $0x0  }
0xa0: {  	[sflag:s6] =	ssyncadd.s32 s4;
	_ =	sdelay $0x1  }
0xa1: {  	s23 =	simm.s32 $0x1B8B  }
0xa2: {  	_ =	swait.ge [sflag:s23], $0x1  }
0xa3: {  	[sflag:s23] =	ssyncset.done $0x0  }
0xa4: {  	[sflag:s23] =	ssyncadd.s32 $0xFFFFFFFF  }
0xa5: {  	s4 =	sld [smem:$0x0]  }
0xa6: {  	s5 =	sand.u32 $0xFFFFFFFE, s1  }
0xa7: {  	p0 =	sne.s32 s1, s5  }
0xa8: {  	s5 =	sshll.u32 @p0 s5, $0xE  }
0xa9: {  	s5 =	sadd.s32 @p0 $0x11B8D, s5;
	s6 =	sshll.u32 @p0 s4, $0x11  }
0xaa: {  	s5 =	sor.u32 @p0 s6, s5  }
0xab: {  	[sflag:s5] =	ssyncadd.remote.s32 @p0 $0x1;
	_ =	sdelay $0x1  }
0xac: {  	s5 =	simm.s32 @p0 $0x1B8D  }
0xad: {  	_ =	swait.eq @p0 [sflag:s5], $0x1  }
0xae: {  	[sflag:s5] =	ssyncadd.s32 @p0 $0xFFFFFFFF  }
0xaf: {  	s6 =	sshll.u32 @!p0 s1, $0xE  }
0xb0: {  	s6 =	sor.u32 @!p0 $0x4000, s6;
	s5 =	simm.s32 @!p0 $0x1B8D  }
0xb1: {  	s4 =	sshll.u32 @!p0 s4, $0x11;
	s6 =	sadd.s32 @!p0 $0x11B8D, s6;
	_ =	swait.eq @!p0 [sflag:s5], $0x1  }
0xb2: {  	s4 =	sor.u32 @!p0 s4, s6;
	[sflag:s5] =	ssyncadd.s32 @!p0 $0xFFFFFFFF  }
0xb3: {  	s25 =	simm.s32 $0x1B8E;
	s24 =	sld [smem:$0x3FFE];
	[sflag:s4] =	ssyncadd.remote.s32 @!p0 $0x1  }
0xb4: {  	s26 =	simm.s32 $execute0_lowered;
	[smem:$0x3FD2] =	sst s25  }
0xb5: {  	s5 =	sshll.u32 s26, $0x1;
	_ =	strace $0x8000004C;
	[dreg:$0x1] =	wrdreg $0xFFFFFFFF  }
0xb6: {  	s28 =	simm.s32 $_size_execute0_lowered;
	s3 =	sadd.s32 s3, s5;
	[dreg:$0x0] =	wrdreg $0x0  }
0xb7: {  	s5 =	sshll.u32 s28, $0x1;
	[dreg:$0x2] =	wrdreg s3  }
0xb8: {  	[dreg:$0x3] =	wrdreg s5  }
0xb9: {  	[dreg:$0x4] =	wrdreg $0xC0  }
0xba: {  	_ =	task [dreg:s22], $0x5FFFF  }
0xbb: {  	[dreg:$0x1] =	wrdreg $0xFFFFFFFF  }
0xbc: {  	[dreg:$0x0] =	wrdreg $0x60  }
0xbd: {  	[dreg:$0x2] =	wrdreg s24  }
0xbe: {  	[dreg:$0x3] =	wrdreg $0x94000  }
0xbf: {  	[dreg:$0x4] =	wrdreg $0xA  }
0xc0: {  	_ =	task.clear_ibuf [dreg:s22], $0x5FFFF;
	_ =	strace $0x9000004C  }
0xc1: {  	s29 =	simm.s32 $0xA;
	_ =	strace $0x8000004E  }
0xc2: {  	_ =	swait.ge [sflag:s29], $0x1  }
0xc3: {  	[sflag:s29] =	ssyncadd.s32 $0xFFFFFFFF  }
0xc4: {  	_ =	strace $0x9000004E  }
0xc5: {  	_ =	sfence  }
0xc6: {  	s30 =	sld [smem:$0x0];
	_ =	sdelay $0x2  }
0xc7: {  	s31 =	sshll.u32 s1, $0xD;
	s1 =	sshrl.u32 s1, $0x2  }
0xc8: {  	s4 =	sand.u32 $0x4000, s31;
	s1 =	sadd.s32 s1, s30  }
0xc9: {  	s0 =	sor.u32 s4, s0;
	s1 =	sshll.u32 s1, $0x11  }
0xca: {  	s0 =	sor.u32 s1, s0  }
0xcb: {  	s0 =	sadd.s32 $0x8F2B, s0  }
0xcc: {  	[sflag:s0] =	ssyncadd.remote.s32 $0x1  }
0xcd: {  	_ =	sfence.sel $0xFFFF  }
0xce: {  	[dreg:$0x0] =	wrdreg $0xFFFFFFFF;
	(pc) =	sbr.abs _section_cstart, $3  }
0xcf: {  	[dreg:$0x1] =	wrdreg $0xFFFFFFFF  }
0xd0: {  	_ =	task.clear_ibuf [dreg:s22], $0x2FFFF;
	_ =	strace $0x9FFFFFFF  }
0xd1: {  	(tm) =	ssettm $0x7FFFFFFF  }
tec
execute0_lowered:
.L_overlay_start_1:
0x0: {  	(tag) =	ssettag $0x1  }
0x1: {  	s0 =	stileid.u32  }
0x2: {  	s1 =	srdreg.scid;
	s6 =	smul.u32 $0x14000, s0  }
0x3: {  	s4 =	rddreg [dreg:$0x0];
	s25 =	smul.u32 $0x50000, s0  }
0x4: {  	s2 =	rddreg [dreg:$0x1];
	s14 =	smul.u32 $0x28000, s0  }
0x5: {  	s3 =	simm.s32 $0x0;
	s9 =	sand.u32 $0x1, s1;
	s15 =	smul.u32 $0x50, s0  }
0x6: {  	s23 =	sshll.u32 s0, $0x1;
	s1 =	rddreg [dreg:$0x2];
	s7 =	smul.u32 $0x140000, s9  }
0x7: {  	[smem:$0x7FF] =	sst s3;
	s8 =	sadd.s32 $0x7A5800, s4;
	s31 =	smul.u32 $0x14000, s9  }
0x8: {  	s30 =	sshll.u32 s0, $0x6;
	s16 =	sor.u32 s9, s23;
	s17 =	smul.u32 $0x28, s9  }
0x9: {  	_ =	strace $0x8000004D;
	s11 =	ssub.s32 $0x2, s9;
	s5 =	smul.u32 $0x280, s16  }
0xa: {  	s24 =	sshrl.u32 s6, $0x3;
	s26 =	sshrl.u32 s11, $0x1;
	s28 =	sshrl.u32 s25, $0x2  }
0xb: {  	s29 =	smul.u32 $0x14000, s16;
	s14 =	sadd.s32 s14, s8;
	p0 =	seq.s32 s16, $0x1F  }
0xc: {  	s16 =	simm.s32 $0x0;
	s6 =	sadd.s32 s6, s7;
	s11 =	ssub.s32 s11, s26  }
0xd: {  	s13 =	sadd.s32 s28, s2;
	s14 =	sadd.s32 s31, s14;
	s10 =	sadd.s32 s5, s4  }
0xe: {  	s5 =	sadd.s32 s24, s4;
	s6 =	sshrl.u32 s6, $0x3;
	s7 =	sadd.s32 s8, s29  }
0xf: {  	s13 =	sshrl.u32 s13, $0x3;
	s12 =	sadd.s32 s6, s4;
	s4 =	sadd.s32 $0x34E00, s5  }
0x10: {  	s5 =	sor.u32 $0x1C02, s30;
	s6 =	sadd.s32 $0x8C00, s10;
	s8 =	sadd.s32 $0x13800, s7  }
0x11: {  	s10 =	smax.u32 s11, $0x1;
	s11 =	sadd.s32 $0x1000, s14;
	s14 =	simm.s32 $0x2  }
0x12: {  	s9 =	sadd.s32 $0x5CE00, s12;
	s12 =	sadd.s32 s17, s15;
	s15 =	simm.s32 $0x1400  }
.LBB2_1:
0x13: {  	[spmem:s13], [sflag:s5] =	dma.local [hbm:s4], $0x2800  }
0x14: {  	_ =	swait.ge [sflag:s14], $0x2800  }
0x15: {  	[sflag:s14] =	ssyncset.done $0x0  }
0x16: {  	[sflag:s14] =	ssyncadd.s32 $0xFFFFD800  }
0x17: {  	[tilespmem:s3], [sflag:$0x2] =	stream.linear.gather [hbm4b:s6+s3], $0x1400, $0x38;
	[tilespmem:$0x1D400] =	vst v63  }
0x18: {  	_ =	swait.ge [sflag:s14], $0x1400  }
0x19: {  	s17 =	sadd.s32 $0x0, s12;
	[sflag:s14] =	ssyncset.done $0x0  }
0x1a: {  	p2 =	sgt.u32 s17, $0x4E1;
	[sflag:s14] =	ssyncadd.s32 $0xFFFFEC00  }
0x1b: {  	s19 =	sadd.s32 $0x1, s17;
	s18 =	simm.s32 @!p2 $0x1;
	[bflag:$0x0] =	sbarrier.arrive $0xFFFF  }
0x1c: {  	[tilespmem:s15], [sflag:$0x1] =	stream.linear.gather [hbm4b:s7+s3], $0x4000, $0x38;
	[tilespmem:$0x1D400] =	vst v63  }
0x1d: {  	p1 =	sgt.u32 s19, $0x4E1;
	_ =	swait.ge @!p2 [sflag:s18], $0x4000  }
0x1e: {  	s19 =	simm.s32 @!p1 $0x0;
	[sflag:s18] =	ssyncset.done @!p2 $0x0  }
0x1f: {  	s20 =	simm.s32 @!p1 $0x5400;
	[sflag:s18] =	ssyncadd.s32 @!p2 $0xFFFFC000;
	s18 =	sadd.s32 @!p1 $0xFFFFF800, s11  }
0x20: {  	[tilespmem:s20], [sflag:$0x1] =	stream.linear.gather @!p1 [hbm4b:s18+s19], $0x4000, $0x38;
	[tilespmem:$0x1D400] =	vst v63  }
0x21: {  	s21 =	simm.s32 @!p2 $0x3;
	s18 =	simm.s32 @!p2 $0x80;
	s19 =	simm.s32 @!p2 $0x1400  }
0x22: {  	[spmem:s2] =	stream.indirect.scatter.add.f32 @!p2 [tilespmem:s19], [sflag:$0x3], $0x80, s3, s18, $0xb8;
	[tilespmem:$0x1D400] =	vst v63  }
0x23: {  	_ =	swait.ge @!p2 [sflag:s21], $0x4000  }
0x24: {  	[sflag:s21] =	ssyncset.done @!p2 $0x0  }
0x25: {  	s18 =	simm.s32 @!p1 $0x1;
	[sflag:s21] =	ssyncadd.s32 @!p2 $0xFFFFC000  }
0x26: {  	s17 =	sadd.s32 $0x2, s17;
	_ =	swait.ge @!p1 [sflag:s18], $0x4000  }
0x27: {  	p2 =	sgt.u32 s17, $0x4E1;
	[sflag:s18] =	ssyncset.done @!p1 $0x0  }
0x28: {  	s17 =	simm.s32 @!p2 $0x0;
	s19 =	simm.s32 @!p2 $0x1400;
	[sflag:s18] =	ssyncadd.s32 @!p1 $0xFFFFC000  }
0x29: {  	[tilespmem:s19], [sflag:$0x1] =	stream.linear.gather @!p2 [hbm4b:s11+s17], $0x4000, $0x38;
	[tilespmem:$0x1D400] =	vst v63  }
0x2a: {  	s18 =	simm.s32 @!p1 $0x80;
	s17 =	simm.s32 @!p1 $0x80  }
0x2b: {  	[spmem:s2] =	stream.indirect.scatter.add.f32 @!p1 [tilespmem:s20], [sflag:$0x2], $0x80, s17, s18, $0xb8;
	[tilespmem:$0x1D400] =	vst v63  }
0x2c: {  	s21 =	simm.s32 @!p1 $0x2;
	s19 =	simm.s32 $0x4;
	s17 =	sadd.s32 $0x1000, s11  }
0x2d: {  	s20 =	sadd.s32 $0x2, s12;
	s18 =	simm.s32 $0x100;
	_ =	swait.ge @!p1 [sflag:s21], $0x4000  }
.LBB2_2:
0x2e: {  	p3 =	sgt.u32 s20, $0x4E1  }
0x2f: {  	[sflag:s21] =	ssyncset.done @!p1 $0x0;
	s22 =	smov.u32 s19;
	s19 =	sadd.s32 $0x2, s19  }
0x30: {  	p2 =	sne.s32 s19, $0x26;
	s23 =	simm.s32 @!p3 $0x1;
	[sflag:s21] =	ssyncadd.s32 @!p1 $0xFFFFC000  }
0x31: {  	s21 =	sadd.s32 $0x1, s20;
	_ =	swait.ge @!p3 [sflag:s23], $0x4000  }
0x32: {  	p1 =	sgt.u32 s21, $0x4E1;
	[sflag:s23] =	ssyncset.done @!p3 $0x0  }
0x33: {  	s21 =	sadd.s32 @!p1 $0xFFFFF800, s17;
	[sflag:s23] =	ssyncadd.s32 @!p3 $0xFFFFC000;
	s23 =	simm.s32 @!p1 $0x0  }
0x34: {  	s25 =	simm.s32 @!p3 $0x80;
	s26 =	simm.s32 @!p3 $0x1400;
	s24 =	simm.s32 @!p1 $0x5400  }
0x35: {  	[tilespmem:s24], [sflag:$0x1] =	stream.linear.gather @!p1 [hbm4b:s21+s23], $0x4000, $0x38;
	[tilespmem:$0x1D400] =	vst v63  }
0x36: {  	s21 =	simm.s32 @!p3 $0x3  }
0x37: {  	[spmem:s2] =	stream.indirect.scatter.add.f32 @!p3 [tilespmem:s26], [sflag:$0x3], $0x80, s18, s25, $0xb8;
	[tilespmem:$0x1D400] =	vst v63  }
0x38: {  	_ =	swait.ge @!p3 [sflag:s21], $0x4000  }
0x39: {  	s23 =	simm.s32 @!p1 $0x1;
	[sflag:s21] =	ssyncset.done @!p3 $0x0  }
0x3a: {  	s20 =	sadd.s32 $0x2, s20;
	[sflag:s21] =	ssyncadd.s32 @!p3 $0xFFFFC000  }
0x3b: {  	s25 =	simm.s32 @!p1 $0x80;
	p3 =	sgt.u32 s20, $0x4E1;
	_ =	swait.ge @!p1 [sflag:s23], $0x4000  }
0x3c: {  	s20 =	simm.s32 @!p3 $0x0;
	s21 =	simm.s32 @!p3 $0x1400;
	[sflag:s23] =	ssyncset.done @!p1 $0x0  }
.Ltmp0:
0x3d: {  	[sflag:s23] =	ssyncadd.s32 @!p1 $0xFFFFC000;
	s23 =	sadd.s32 @!p1 $0x80, s18;
	(pc) =	sbr.rel @p2 .LBB2_2-.Ltmp0, $4  }
0x3e: {  	[tilespmem:s21], [sflag:$0x1] =	stream.linear.gather @!p3 [hbm4b:s17+s20], $0x4000, $0x38;
	[tilespmem:$0x1D400] =	vst v63  }
0x3f: {  	s21 =	simm.s32 @!p1 $0x2;
	s17 =	sadd.s32 $0x1000, s17  }
0x40: {  	[spmem:s2] =	stream.indirect.scatter.add.f32 @!p1 [tilespmem:s24], [sflag:$0x2], $0x80, s23, s25, $0xb8;
	[tilespmem:$0x1D400] =	vst v63  }
0x41: {  	s18 =	sadd.s32 $0x100, s18;
	s20 =	sadd.s32 s22, s12;
	_ =	swait.ge @!p1 [sflag:s21], $0x4000  }
0x42: {  	p2 =	sgt.u32 s20, $0x4E1;
	[sflag:s21] =	ssyncset.done @!p1 $0x0  }
0x43: {  	s30 =	sadd.s32 $0x1, s20;
	s19 =	simm.s32 @!p2 $0x1;
	[sflag:s21] =	ssyncadd.s32 @!p1 $0xFFFFC000  }
0x44: {  	p1 =	sgt.u32 s30, $0x4E1;
	_ =	swait.ge @!p2 [sflag:s19], $0x4000  }
0x45: {  	s21 =	simm.s32 @!p1 $0x0;
	[sflag:s19] =	ssyncset.done @!p2 $0x0  }
0x46: {  	s22 =	simm.s32 @!p1 $0x5400;
	[sflag:s19] =	ssyncadd.s32 @!p2 $0xFFFFC000;
	s19 =	sadd.s32 @!p1 $0xFFFFF800, s17  }
0x47: {  	[tilespmem:s22], [sflag:$0x1] =	stream.linear.gather @!p1 [hbm4b:s19+s21], $0x4000, $0x38;
	[tilespmem:$0x1D400] =	vst v63  }
0x48: {  	s23 =	simm.s32 @!p2 $0x3;
	s19 =	simm.s32 @!p2 $0x80;
	s21 =	simm.s32 @!p2 $0x1400  }
0x49: {  	[spmem:s2] =	stream.indirect.scatter.add.f32 @!p2 [tilespmem:s21], [sflag:$0x3], $0x80, s18, s19, $0xb8;
	[tilespmem:$0x1D400] =	vst v63  }
0x4a: {  	_ =	swait.ge @!p2 [sflag:s23], $0x4000  }
0x4b: {  	[sflag:s23] =	ssyncset.done @!p2 $0x0  }
0x4c: {  	s19 =	simm.s32 @!p1 $0x1;
	[sflag:s23] =	ssyncadd.s32 @!p2 $0xFFFFC000  }
0x4d: {  	s31 =	sadd.s32 $0x2, s20;
	_ =	swait.ge @!p1 [sflag:s19], $0x4000  }
0x4e: {  	p2 =	sgt.u32 s31, $0x4E1;
	[sflag:s19] =	ssyncset.done @!p1 $0x0  }
0x4f: {  	s20 =	simm.s32 @!p2 $0x0;
	s21 =	simm.s32 @!p2 $0x1400;
	[sflag:s19] =	ssyncadd.s32 @!p1 $0xFFFFC000  }
0x50: {  	[tilespmem:s21], [sflag:$0x1] =	stream.linear.gather @!p2 [hbm4b:s17+s20], $0x4000, $0x38;
	[tilespmem:$0x1D400] =	vst v63  }
0x51: {  	s19 =	simm.s32 @!p1 $0x2;
	s17 =	sadd.s32 @!p1 $0x80, s18;
	s18 =	simm.s32 @!p1 $0x80  }
0x52: {  	[spmem:s2] =	stream.indirect.scatter.add.f32 @!p1 [tilespmem:s22], [sflag:$0x2], $0x80, s17, s18, $0xb8;
	[tilespmem:$0x1D400] =	vst v63  }
0x53: {  	_ =	swait.ge @!p1 [sflag:s19], $0x4000  }
0x54: {  	[sflag:s19] =	ssyncset.done @!p1 $0x0  }
0x55: {  	s17 =	simm.s32 @!p0 $0x1;
	[sflag:s19] =	ssyncadd.s32 @!p1 $0xFFFFC000  }
0x56: {  	_ =	swait.ge @!p0 [sflag:s17], $0x4000  }
0x57: {  	[sflag:s17] =	ssyncset.done @!p0 $0x0  }
0x58: {  	s18 =	simm.s32 @!p0 $0x0;
	s19 =	simm.s32 @!p0 $0x5400;
	[sflag:s17] =	ssyncadd.s32 @!p0 $0xFFFFC000  }
0x59: {  	[tilespmem:s19], [sflag:$0x1] =	stream.linear.gather @!p0 [hbm4b:s8+s18], $0x4000, $0x38;
	[tilespmem:$0x1D400] =	vst v63  }
0x5a: {  	s20 =	simm.s32 @!p0 $0x1300;
	s21 =	simm.s32 @!p0 $0x1400;
	s18 =	simm.s32 @!p0 $0x80  }
0x5b: {  	[spmem:s2] =	stream.indirect.scatter.add.f32 @!p0 [tilespmem:s21], [sflag:$0x2], $0x80, s20, s18, $0xb8;
	[tilespmem:$0x1D400] =	vst v63  }
0x5c: {  	s20 =	simm.s32 @!p0 $0x2  }
0x5d: {  	_ =	swait.ge @!p0 [sflag:s20], $0x4000  }
0x5e: {  	[sflag:s20] =	ssyncset.done @!p0 $0x0  }
0x5f: {  	[sflag:s20] =	ssyncadd.s32 @!p0 $0xFFFFC000  }
0x60: {  	_ =	swait.ge @!p0 [sflag:s17], $0x4000  }
0x61: {  	[sflag:s17] =	ssyncset.done @!p0 $0x0  }
0x62: {  	[sflag:s17] =	ssyncadd.s32 @!p0 $0xFFFFC000;
	s17 =	simm.s32 @!p0 $0x1380  }
0x63: {  	[spmem:s2] =	stream.indirect.scatter.add.f32 @!p0 [tilespmem:s19], [sflag:$0x2], $0x80, s17, s18, $0xb8;
	[tilespmem:$0x1D400] =	vst v63  }
0x64: {  	_ =	swait.ge @!p0 [sflag:s20], $0x4000  }
0x65: {  	s16 =	sadd.s32 $0x1, s16;
	[sflag:s20] =	ssyncset.done @!p0 $0x0  }
0x66: {  	p1 =	sne.s32 s16, s10;
	[sflag:s20] =	ssyncadd.s32 @!p0 $0xFFFFC000  }
.Ltmp1:
0x67: {  	[bflag:$0x0] =	sbarrier.arrive $0xFFFF;
	(pc) =	sbr.rel @p1 .LBB2_1-.Ltmp1, $4  }
0x68: {  	[hbm:s9], [sflag:s5] =	dma.local [spmem:s13], $0x2800  }
0x69: {  	_ =	swait.ge [sflag:s14], $0x2800  }
0x6a: {  	[sflag:s14] =	ssyncset.done $0x0  }
0x6b: {  	[sflag:s14] =	ssyncadd.s32 $0xFFFFD800  }
0x6c: {  	_ =	sfence.sel $0x180000  }
0x6d: {  	[bflag:$0x0] =	sbarrier.arrive $0xFFFF  }
0x6e: {  	p0 =	sne.s32 s0, $0x0;
	_ =	strace $0x9000004D  }
0x6f: {  	s0 =	sadd.s32 @!p0 $0x100000, s1;
	[bflag:$0x2] =	sbarrier.arrive $0xFFFF  }
0x70: {  	[sflag:s0] =	ssyncadd.tile.s32 @!p0 $0x1;
	_ =	shalt  }
.Lfunc_end2:
_tile_overlayer_lowered:
.L_overlay_start_2:
0x71: {  	(tag) =	ssettag $0x2  }
0x72: {  	s0 =	rddreg [dreg:$0x0];
	s2 =	stileid.u32  }
0x73: {  	s1 =	rddreg [dreg:$0x1];
	p0 =	sne.s32 s2, $0x0  }
0x74: {  	s3 =	rddreg [dreg:$0x2];
	[bflag:$0x3] =	sbarrier.arrive $0xFFFF;
	s2 =	simm.s32 @!p0 $0x1C02  }
0x75: {  	[timem:s3], [sflag:s2] =	dma.local @!p0 [hbm:s0], s1  }
0x76: {  	s0 =	simm.s32 @!p0 $0x2  }
0x77: {  	_ =	swait.ge @!p0 [sflag:s0], s1  }
0x78: {  	s1 =	ssub.s32 @!p0 $0x0, s1;
	[sflag:s0] =	ssyncset.done @!p0 $0x0  }
0x79: {  	[sflag:s0] =	ssyncadd.s32 @!p0 s1  }
0x7a: {  	[bflag:$0x3] =	sbarrier.arrive $0xFFFF  }
0x7b: {  	_ =	shalt  }

</sc_bundles>
